<compile_context>
chip_gen: v7x
topology: tpu7x:2x2x1
jax: 0.10.2.dev20260603
libtpu: 0.0.44.dev20260713+nightly
codegen_flags: <defaults>
</compile_context>

<pallas_src>
import functools

import jax
import jax.numpy as jnp
from jax import lax
from jax.experimental import pallas as pl
from jax.experimental.pallas import tpu as pltpu
from jax.experimental.pallas import tpu_sc as plsc

_N = 10000
_E = 320000
_D = 128
_H = 32
_G = 64

_NC = 2
_NS = 16
_NW = _NC * _NS
_EW = _E // _NW
_K = 80
_NCHUNK = _EW // _K
_NBUF = 5
_NP = 10240
_RS = _NP // _NS
_RLAST = _N - 15 * _RS

_BN = 1000
_NB = _N // _BN
_BE = _E // _NB



def _proj_body(x_ref, w_ref, ei_ref, zf_ref, zr_ref, src_ref, dst_ref):
    i = pl.program_id(0)
    z = jnp.dot(x_ref[...], w_ref[...], preferred_element_type=jnp.float32)
    zf_ref[...] = z[:, :_H]
    zr_ref[...] = z[:, _H:]
    src_ref[pl.ds(i * _BE, _BE)] = ei_ref[0]
    dst_ref[pl.ds(i * _BE, _BE)] = ei_ref[1]


def _project(x, w1cat, edge_index):
    return pl.pallas_call(
        _proj_body,
        grid=(_NB,),
        in_specs=[
            pl.BlockSpec((_BN, _D), lambda i: (i, 0)),
            pl.BlockSpec((_D, 2 * _H), lambda i: (0, 0)),
            pl.BlockSpec((2, _BE), lambda i: (0, i)),
        ],
        out_specs=[
            pl.BlockSpec((_BN, _H), lambda i: (i, 0)),
            pl.BlockSpec((_BN, _H), lambda i: (i, 0)),
            pl.BlockSpec((_E,), lambda i: (0,)),
            pl.BlockSpec((_E,), lambda i: (0,)),
        ],
        out_shape=[
            jax.ShapeDtypeStruct((_N, _H), jnp.float32),
            jax.ShapeDtypeStruct((_N, _H), jnp.float32),
            jax.ShapeDtypeStruct((_E,), jnp.int32),
            jax.ShapeDtypeStruct((_E,), jnp.int32),
        ],
    )(x, w1cat, edge_index)



def _agg_body(zf_h, zr_h, src_h, dst_h, outf_h, outr_h, *refs):
    (src_v, dst_v, zbuf, accf, accr) = refs[:5]
    rows_f = refs[5:5 + _NBUF]
    rows_r = refs[5 + _NBUF:5 + 2 * _NBUF]
    sgf = refs[5 + 2 * _NBUF:5 + 3 * _NBUF]
    sgr = refs[5 + 3 * _NBUF:5 + 4 * _NBUF]
    ssf = refs[5 + 4 * _NBUF:5 + 5 * _NBUF]
    ssr = refs[5 + 5 * _NBUF:5 + 6 * _NBUF]

    c = lax.axis_index("c")
    s = lax.axis_index("s")
    wid = c * _NS + s

    pltpu.sync_copy(src_h.at[wid], src_v)
    pltpu.sync_copy(dst_h.at[wid], dst_v)

    def _zrow(i, carry):
        zbuf[i, pl.ds(0, 16)] = jnp.zeros((16,), jnp.float32)
        zbuf[i, pl.ds(16, 16)] = jnp.zeros((16,), jnp.float32)
        return carry
    lax.fori_loop(0, _RS, _zrow, 0)
    row0 = s * _RS
    pltpu.sync_copy(zbuf, accf.at[pl.ds(row0, _RS)])
    pltpu.sync_copy(zbuf, accr.at[pl.ds(row0, _RS)])
    plsc.subcore_barrier()

    def _gather(k, b):
        pltpu.async_copy(zf_h.at[src_v.at[k]], rows_f[b], sgf[b])
        pltpu.async_copy(zr_h.at[dst_v.at[k]], rows_r[b], sgr[b])

    def _wait_gather(k, b):
        pltpu.make_async_copy(zf_h.at[src_v.at[k]], rows_f[b], sgf[b]).wait()
        pltpu.make_async_copy(zr_h.at[dst_v.at[k]], rows_r[b], sgr[b]).wait()

    def _scatter(k, b):
        pltpu.async_copy(rows_f[b], accf.at[dst_v.at[k]], ssf[b], add=True)
        pltpu.async_copy(rows_r[b], accr.at[src_v.at[k]], ssr[b], add=True)

    def _wait_scatter(k, b):
        pltpu.make_async_copy(rows_f[b], accf.at[dst_v.at[k]], ssf[b]).wait()
        pltpu.make_async_copy(rows_r[b], accr.at[src_v.at[k]], ssr[b]).wait()

    for b in range(_NBUF):
        _gather(b, b)

    def _steady(i, carry):
        for b in range(_NBUF):
            k = i * _NBUF + b
            _wait_gather(k, b)
            _scatter(k, b)
            _wait_scatter(k, b)
            _gather(k + _NBUF, b)
        return carry
    lax.fori_loop(0, _NCHUNK // _NBUF - 1, _steady, 0)

    for b in range(_NBUF):
        k = _NCHUNK - _NBUF + b
        _wait_gather(k, b)
        _scatter(k, b)
        _wait_scatter(k, b)

    plsc.subcore_barrier()
    pltpu.sync_copy(accf.at[pl.ds(row0, _RS)], outf_h.at[c, pl.ds(row0, _RS)])
    pltpu.sync_copy(accr.at[pl.ds(row0, _RS)], outr_h.at[c, pl.ds(row0, _RS)])


def _aggregate(z_f, z_r, src3, dst3):
    mesh = plsc.VectorSubcoreMesh(core_axis_name="c", subcore_axis_name="s")
    kern = functools.partial(
        pl.kernel,
        out_type=(
            jax.ShapeDtypeStruct((_NC, _NP, _H), jnp.float32),
            jax.ShapeDtypeStruct((_NC, _NP, _H), jnp.float32),
        ),
        mesh=mesh,
        compiler_params=pltpu.CompilerParams(use_tc_tiling_on_sc=False),
        scratch_types=(
            [pltpu.VMEM((_NCHUNK, _K), jnp.int32),
             pltpu.VMEM((_NCHUNK, _K), jnp.int32),
             pltpu.VMEM((_RS, _H), jnp.float32),
             pltpu.VMEM_SHARED((_NP, _H), jnp.float32),
             pltpu.VMEM_SHARED((_NP, _H), jnp.float32)]
            + [pltpu.VMEM((_K, _H), jnp.float32)] * (2 * _NBUF)
            + [pltpu.SemaphoreType.DMA] * (4 * _NBUF)
        ),
    )(_agg_body)
    return kern(z_f, z_r, src3, dst3)



_SK = 80


def _seg_body(aggf_h, aggr_h, zf_h, zr_h, batch_h, b1_h,
              seg_out,
              af0, af1, ar0, ar1, zfv, zrv, bidx, onesv, b1v, zseg,
              segf, segr, segcnt, sem_l, sem_s):
    c = lax.axis_index("c")
    s = lax.axis_index("s")
    row0 = s * _RS

    @pl.when(s == 0)
    def _zero_seg():
        def _zrow(i, carry):
            zseg[i, pl.ds(0, 16)] = jnp.zeros((16,), jnp.float32)
            zseg[i, pl.ds(16, 16)] = jnp.zeros((16,), jnp.float32)
            return carry
        lax.fori_loop(0, _G, _zrow, 0)
        pltpu.sync_copy(zseg, segf)
        pltpu.sync_copy(zseg, segr)
        pltpu.sync_copy(zseg, segcnt)

    def _ones_row(i, carry):
        onesv[i, pl.ds(0, 16)] = jnp.ones((16,), jnp.float32)
        onesv[i, pl.ds(16, 16)] = jnp.ones((16,), jnp.float32)
        return carry
    lax.fori_loop(0, _SK, _ones_row, 0)
    pltpu.sync_copy(b1_h, b1v)
    plsc.subcore_barrier()

    def _run(nrows):
        rs = pl.ds(row0, nrows)
        vs = pl.ds(0, nrows)
        loads = [
            (aggf_h.at[0, rs], af0.at[vs]), (aggf_h.at[1, rs], af1.at[vs]),
            (aggr_h.at[0, rs], ar0.at[vs]), (aggr_h.at[1, rs], ar1.at[vs]),
            (zf_h.at[rs], zfv.at[vs]), (zr_h.at[rs], zrv.at[vs]),
        ]
        for src, dst in loads:
            pltpu.async_copy(src, dst, sem_l)
        nchunks = nrows // _SK
        for kc in range(nchunks):
            pltpu.sync_copy(batch_h.at[pl.ds(row0 + kc * _SK, _SK)],
                            bidx.at[kc])
        for src, dst in loads:
            pltpu.make_async_copy(src, dst, sem_l).wait()

        bf0 = b1v[pl.ds(0, 16)]
        bf1 = b1v[pl.ds(16, 16)]
        br0 = b1v[pl.ds(32, 16)]
        br1 = b1v[pl.ds(48, 16)]

        def _row(i, carry):
            uf0 = zfv[i, pl.ds(0, 16)] + af0[i, pl.ds(0, 16)] \
                + af1[i, pl.ds(0, 16)] + bf0
            uf1 = zfv[i, pl.ds(16, 16)] + af0[i, pl.ds(16, 16)] \
                + af1[i, pl.ds(16, 16)] + bf1
            zfv[i, pl.ds(0, 16)] = jnp.maximum(uf0, 0.0)
            zfv[i, pl.ds(16, 16)] = jnp.maximum(uf1, 0.0)
            ur0 = zrv[i, pl.ds(0, 16)] + ar0[i, pl.ds(0, 16)] \
                + ar1[i, pl.ds(0, 16)] + br0
            ur1 = zrv[i, pl.ds(16, 16)] + ar0[i, pl.ds(16, 16)] \
                + ar1[i, pl.ds(16, 16)] + br1
            zrv[i, pl.ds(0, 16)] = jnp.maximum(ur0, 0.0)
            zrv[i, pl.ds(16, 16)] = jnp.maximum(ur1, 0.0)
            return carry
        lax.fori_loop(0, nrows, _row, 0)

        for kc in range(nchunks):
            ids = bidx.at[kc]
            rows = pl.ds(kc * _SK, _SK)
            pltpu.async_copy(zfv.at[rows], segf.at[ids], sem_s, add=True)
            pltpu.async_copy(zrv.at[rows], segr.at[ids], sem_s, add=True)
            pltpu.async_copy(onesv, segcnt.at[ids], sem_s, add=True)
        for kc in range(nchunks):
            ids = bidx.at[kc]
            rows = pl.ds(kc * _SK, _SK)
            pltpu.make_async_copy(zfv.at[rows], segf.at[ids], sem_s).wait()
            pltpu.make_async_copy(zrv.at[rows], segr.at[ids], sem_s).wait()
            pltpu.make_async_copy(onesv, segcnt.at[ids], sem_s).wait()

    @pl.when(s < _NS - 1)
    def _full():
        _run(_RS)

    @pl.when(s == _NS - 1)
    def _partial():
        _run(_RLAST)

    plsc.subcore_barrier()

    @pl.when(s == 0)
    def _writeout():
        rows = pl.ds(c * _G, _G)
        pltpu.sync_copy(segf, seg_out.at[rows, pl.ds(0, _H)])
        pltpu.sync_copy(segr, seg_out.at[rows, pl.ds(_H, _H)])
        pltpu.sync_copy(segcnt, seg_out.at[rows, pl.ds(2 * _H, _H)])
        pltpu.sync_copy(zseg, seg_out.at[rows, pl.ds(3 * _H, _H)])


def _segment(aggf, aggr, z_f, z_r, batch, b1cat):
    mesh = plsc.VectorSubcoreMesh(core_axis_name="c", subcore_axis_name="s")
    kern = functools.partial(
        pl.kernel,
        out_type=jax.ShapeDtypeStruct((_NC * _G, 4 * _H), jnp.float32),
        mesh=mesh,
        compiler_params=pltpu.CompilerParams(use_tc_tiling_on_sc=False),
        scratch_types=[
            pltpu.VMEM((_RS, _H), jnp.float32),
            pltpu.VMEM((_RS, _H), jnp.float32),
            pltpu.VMEM((_RS, _H), jnp.float32),
            pltpu.VMEM((_RS, _H), jnp.float32),
            pltpu.VMEM((_RS, _H), jnp.float32),
            pltpu.VMEM((_RS, _H), jnp.float32),
            pltpu.VMEM((_RS // _SK, _SK), jnp.int32),
            pltpu.VMEM((_SK, _H), jnp.float32),
            pltpu.VMEM((2 * _H,), jnp.float32),
            pltpu.VMEM((_G, _H), jnp.float32),
            pltpu.VMEM_SHARED((_G, _H), jnp.float32),
            pltpu.VMEM_SHARED((_G, _H), jnp.float32),
            pltpu.VMEM_SHARED((_G, _H), jnp.float32),
            pltpu.SemaphoreType.DMA,
            pltpu.SemaphoreType.DMA,
        ],
    )(_seg_body)
    return kern(aggf, aggr, z_f, z_r, batch, b1cat)



def _head_body(seg_ref,
               w2f_ref, b2f_ref, w2r_ref, b2r_ref,
               wb_ref, bb_ref, wm_ref, bm_ref, wmean_ref, bmean_ref,
               out_ref):
    seg = seg_ref[:_G] + seg_ref[_G:]
    sf = seg[:, :_H]
    sr = seg[:, _H:2 * _H]
    cnt = seg[:, 2 * _H:3 * _H]
    inv = 1.0 / jnp.maximum(cnt[:, :1], 1.0)
    pf = jnp.dot(sf * inv, w2f_ref[...],
                 preferred_element_type=jnp.float32) + b2f_ref[...]
    pr = jnp.dot(sr * inv, w2r_ref[...],
                 preferred_element_type=jnp.float32) + b2r_ref[...]
    emb = jnp.concatenate([pf, pr], axis=1)
    h = jnp.maximum(jnp.dot(emb, wb_ref[...],
                            preferred_element_type=jnp.float32)
                    + bb_ref[...], 0.0)
    h = jnp.maximum(jnp.dot(h, wm_ref[...],
                            preferred_element_type=jnp.float32)
                    + bm_ref[...], 0.0)
    m = jnp.dot(h, wmean_ref[...],
                preferred_element_type=jnp.float32) + bmean_ref[...]
    out_ref[...] = jax.nn.sigmoid(m)


def _pool_head(seg, W2_f, b2_f, W2_r, b2_r,
               Wb, bb, Wm, bm, Wmean, bmean):
    full = lambda shape: pl.BlockSpec(shape, lambda: tuple(0 for _ in shape))
    return pl.pallas_call(
        _head_body,
        in_specs=[
            full((_NC * _G, 4 * _H)),
            full((_H, _H)), full((1, _H)),
            full((_H, _H)), full((1, _H)),
            full((2 * _H, _H)), full((1, _H)),
            full((_H, 16)), full((1, 16)),
            full((16, 1)), full((1, 1)),
        ],
        out_specs=pl.BlockSpec((_G, 1), lambda: (0, 0)),
        out_shape=jax.ShapeDtypeStruct((_G, 1), jnp.float32),
    )(seg, W2_f, b2_f, W2_r, b2_r,
      Wb, bb, Wm, bm, Wmean, bmean)


def kernel(x, edge_index, batch, W1_f, b1_f, W2_f, b2_f, W1_r, b1_r,
           W2_r, b2_r, Wb, bb, Wm, bm, Wmean, bmean):
    w1cat = jnp.concatenate([W1_f, W1_r], axis=1)
    z_f, z_r, src1, dst1 = _project(x, w1cat, edge_index)
    src3 = src1.reshape(_NW, _NCHUNK, _K)
    dst3 = dst1.reshape(_NW, _NCHUNK, _K)
    aggf, aggr = _aggregate(z_f, z_r, src3, dst3)

    b1cat = jnp.concatenate([b1_f, b1_r])
    seg = _segment(aggf, aggr, z_f, z_r, batch, b1cat)

    return _pool_head(
        seg, W2_f, b2_f.reshape(1, _H), W2_r,
        b2_r.reshape(1, _H), Wb, bb.reshape(1, _H), Wm, bm.reshape(1, 16),
        Wmean, bmean.reshape(1, 1))

# --- scband reference (transcript-rebuilt; emitter-appended) ---
"""Pipeline reference for scband-frgin-predictor-agent-after-34256659153345 (READ-ONLY COPY).

The authoritative reference and input builder live on the scoring server;
editing this copy changes nothing except your own understanding.
"""

import jax, jax.numpy as jnp
import numpy as np

N = 10000
E = 320000
D = 128
H = 32   # encoder_dim
DEC = 16  # decoder_dim
G = 64   # num graphs in batch


def setup_inputs(seed: int = 0) -> dict:
    key = jax.random.key(seed)
    ks = jax.random.split(key, 20)
    x = jax.random.normal(ks[0], (N, D), dtype=jnp.float32)
    edge_index = jax.random.randint(ks[1], (2, E), 0, N, dtype=jnp.int32)
    batch = jnp.sort(jax.random.randint(ks[2], (N,), 0, G, dtype=jnp.int32))
    s = 0.05
    # frozen GIN encoder (forward direction): MLP(Linear(D->H), ReLU, Linear(H->H)), eps=0
    W1_f = jax.random.normal(ks[3], (D, H), dtype=jnp.float32) * s
    b1_f = jnp.zeros((H,), dtype=jnp.float32)
    W2_f = jax.random.normal(ks[4], (H, H), dtype=jnp.float32) * s
    b2_f = jnp.zeros((H,), dtype=jnp.float32)
    # frozen GIN encoder (reverse direction)
    W1_r = jax.random.normal(ks[5], (D, H), dtype=jnp.float32) * s
    b1_r = jnp.zeros((H,), dtype=jnp.float32)
    W2_r = jax.random.normal(ks[6], (H, H), dtype=jnp.float32) * s
    b2_r = jnp.zeros((H,), dtype=jnp.float32)
    # decoder head
    Wb = jax.random.normal(ks[7], (2 * H, 2 * DEC), dtype=jnp.float32) * s
    bb = jnp.zeros((2 * DEC,), dtype=jnp.float32)
    Wm = jax.random.normal(ks[8], (2 * DEC, DEC), dtype=jnp.float32) * s
    bm = jnp.zeros((DEC,), dtype=jnp.float32)
    Wmean = jax.random.normal(ks[9], (DEC, 1), dtype=jnp.float32) * s
    bmean = jnp.zeros((1,), dtype=jnp.float32)
    return {"x": x, "edge_index": edge_index, "batch": batch,
            "W1_f": W1_f, "b1_f": b1_f, "W2_f": W2_f, "b2_f": b2_f,
            "W1_r": W1_r, "b1_r": b1_r, "W2_r": W2_r, "b2_r": b2_r,
            "Wb": Wb, "bb": bb, "Wm": Wm, "bm": bm,
            "Wmean": Wmean, "bmean": bmean}


def _gin_conv(x, edge_index, W1, b1, W2, b2, eps=0.0):
    src = edge_index[0]
    dst = edge_index[1]
    # scatter-add neighbor aggregation (sum aggregator of GIN)
    agg = jnp.zeros_like(x).at[dst].add(x[src])
    h = (1.0 + eps) * x + agg
    h = jax.nn.relu(h @ W1 + b1)
    h = h @ W2 + b2
    return h


def _global_mean_pool(h, batch):
    sums = jax.ops.segment_sum(h, batch, num_segments=G)
    counts = jax.ops.segment_sum(jnp.ones((h.shape[0], 1), h.dtype), batch, num_segments=G)
    return sums / jnp.maximum(counts, 1.0)


def reference(x, edge_index, batch, W1_f, b1_f, W2_f, b2_f, W1_r, b1_r, W2_r, b2_r, Wb, bb, Wm, bm, Wmean, bmean):
    reverse_edge_idx = jnp.stack([edge_index[1], edge_index[0]], axis=0)
    x_forward = _gin_conv(x, edge_index, W1_f, b1_f, W2_f, b2_f)
    x_emb_forward = _global_mean_pool(x_forward, batch)
    x_reverse = _gin_conv(x, reverse_edge_idx, W1_r, b1_r, W2_r, b2_r)
    x_emb_reverse = _global_mean_pool(x_reverse, batch)
    x_embedding = jnp.concatenate([x_emb_forward, x_emb_reverse], axis=1)
    h = jax.nn.relu(x_embedding @ Wb + bb)
    h = jax.nn.relu(h @ Wm + bm)
    # dropout p=0.1 skipped (eval mode)
    mean = h @ Wmean + bmean
    return jax.nn.sigmoid(mean)

if __name__ == "__main__":
    import jax
    _d = setup_inputs()
    print(jax.jit(kernel)(*tuple(_d.values())))

</pallas_src>

<mosaic_0001>
#map = affine_map<(d0, d1) -> (0, 0, 0)>
#map1 = affine_map<(d0, d1) -> (0, 0)>
#map2 = affine_map<(d0, d1) -> (0)>
module attributes {stable_mosaic.version = 14 : i64} {
  func.func @_seg_body(%arg0: i32, %arg1: i32, %arg2: memref<2x10240x32xf32, #tpu.memory_space<hbm>>, %arg3: memref<2x10240x32xf32, #tpu.memory_space<hbm>>, %arg4: memref<10000x32xf32, #tpu.memory_space<hbm>>, %arg5: memref<10000x32xf32, #tpu.memory_space<hbm>>, %arg6: memref<10000xi32, #tpu.memory_space<hbm>>, %arg7: memref<64xf32, #tpu.memory_space<hbm>>, %arg8: memref<128x128xf32, #tpu.memory_space<hbm>>, %arg9: memref<640x32xf32, #tpu.memory_space<vmem>>, %arg10: memref<640x32xf32, #tpu.memory_space<vmem>>, %arg11: memref<640x32xf32, #tpu.memory_space<vmem>>, %arg12: memref<640x32xf32, #tpu.memory_space<vmem>>, %arg13: memref<640x32xf32, #tpu.memory_space<vmem>>, %arg14: memref<640x32xf32, #tpu.memory_space<vmem>>, %arg15: memref<8x80xi32, #tpu.memory_space<vmem>>, %arg16: memref<80x32xf32, #tpu.memory_space<vmem>>, %arg17: memref<64xf32, #tpu.memory_space<vmem>>, %arg18: memref<64x32xf32, #tpu.memory_space<vmem>>, %arg19: memref<64x32xf32, #tpu.memory_space<vmem_shared>>, %arg20: memref<64x32xf32, #tpu.memory_space<vmem_shared>>, %arg21: memref<64x32xf32, #tpu.memory_space<vmem_shared>>, %arg22: memref<!tpu.dma_semaphore, #tpu.memory_space<semaphore_mem>>, %arg23: memref<!tpu.dma_semaphore, #tpu.memory_space<semaphore_mem>>) attributes {dimension_semantics = [#tpu.dimension_semantics<core_parallel>, #tpu.dimension_semantics<subcore_parallel>], iteration_bounds = array<i64: 2, 16>, scalar_prefetch = 0 : i64, scratch_operands = 15 : i64, tpu.core_type = #tpu.core_type<sc_vector_subcore>, window_params = [{transform_indices = #map}, {transform_indices = #map}, {transform_indices = #map1}, {transform_indices = #map1}, {transform_indices = #map2}, {transform_indices = #map2}, {transform_indices = #map1}]} {
    %mul3A = arith.constant 640 : i32
    %mul3A_0 = arith.muli %arg1, %mul3A : i32
    %eq3A = arith.constant 0 : i32
    %eq3A_1 = arith.cmpi eq, %arg1, %eq3A : i32
    %convert_element_type3A = arith.extui %eq3A_1 : i1 to i32
    %cond3A = arith.constant 0 : i32
    %cond3A_2 = arith.cmpi ne, %convert_element_type3A, %cond3A : i32
    scf.if %cond3A_2 {
      %scan3A_23 = arith.constant 0 : i32
      %scan3A_24 = arith.constant 0 : i32
      %scan3A_25 = arith.constant 64 : i32
      %scan3A_26 = arith.addi %scan3A_24, %scan3A_25 : i32
      %scan3A_27 = arith.constant 1 : i32
      scf.for %scan3A_29 = %scan3A_24 to %scan3A_26 step %scan3A_27  : i32 {
        %broadcast_in_dim3A = arith.constant 0.000000e+00 : f32
        %broadcast_in_dim3A_30 = vector.broadcast %broadcast_in_dim3A : f32 to vector<16xf32>
        %swap3A = arith.index_cast %scan3A_29 : i32 to index
        %swap3A_31 = arith.constant 0 : index
        %swap3A_32 = tpu.vector_load %arg18[%swap3A, %swap3A_31] {strides = array<i32>} : memref<64x32xf32, #tpu.memory_space<vmem>>, vector<1x16xf32>,
        %swap3A_33 = vector.shape_cast %swap3A_32 : vector<1x16xf32> to vector<16xf32>
        %swap3A_34 = vector.shape_cast %broadcast_in_dim3A_30 : vector<16xf32> to vector<1x16xf32>
        tpu.vector_store %arg18[%swap3A, %swap3A_31], %swap3A_34 {strides = array<i32>} : memref<64x32xf32, #tpu.memory_space<vmem>>, vector<1x16xf32>,
        %broadcast_in_dim3A_35 = arith.constant 0.000000e+00 : f32
        %broadcast_in_dim3A_36 = vector.broadcast %broadcast_in_dim3A_35 : f32 to vector<16xf32>
        %swap3A_37 = arith.index_cast %scan3A_29 : i32 to index
        %swap3A_38 = arith.constant 16 : index
        %swap3A_39 = tpu.vector_load %arg18[%swap3A_37, %swap3A_38] {strides = array<i32>} : memref<64x32xf32, #tpu.memory_space<vmem>>, vector<1x16xf32>,
        %swap3A_40 = vector.shape_cast %swap3A_39 : vector<1x16xf32> to vector<16xf32>
        %swap3A_41 = vector.shape_cast %broadcast_in_dim3A_36 : vector<16xf32> to vector<1x16xf32>
        tpu.vector_store %arg18[%swap3A_37, %swap3A_38], %swap3A_41 {strides = array<i32>} : memref<64x32xf32, #tpu.memory_space<vmem>>, vector<1x16xf32>,
      }
      %scan3A_28 = arith.constant 64 : i32
      "tpu.region"() ({
        %run_scoped3A = tpu.sem_alloc : memref<!tpu.dma_semaphore, #tpu.memory_space<semaphore_mem>>
        tpu.enqueue_dma source(%arg18 : memref<64x32xf32, #tpu.memory_space<vmem>>) target(%arg19 : memref<64x32xf32, #tpu.memory_space<vmem_shared>>) target_semaphore(%run_scoped3A : memref<!tpu.dma_semaphore, #tpu.memory_space<semaphore_mem>>)
        tpu.wait_dma2 semaphore(%run_scoped3A : memref<!tpu.dma_semaphore, #tpu.memory_space<semaphore_mem>>) src(%arg18 : memref<64x32xf32, #tpu.memory_space<vmem>>) dst(%arg19 : memref<64x32xf32, #tpu.memory_space<vmem_shared>>)
        tpu.yield
      }) : () -> ()
      "tpu.region"() ({
        %run_scoped3A = tpu.sem_alloc : memref<!tpu.dma_semaphore, #tpu.memory_space<semaphore_mem>>
        tpu.enqueue_dma source(%arg18 : memref<64x32xf32, #tpu.memory_space<vmem>>) target(%arg20 : memref<64x32xf32, #tpu.memory_space<vmem_shared>>) target_semaphore(%run_scoped3A : memref<!tpu.dma_semaphore, #tpu.memory_space<semaphore_mem>>)
        tpu.wait_dma2 semaphore(%run_scoped3A : memref<!tpu.dma_semaphore, #tpu.memory_space<semaphore_mem>>) src(%arg18 : memref<64x32xf32, #tpu.memory_space<vmem>>) dst(%arg20 : memref<64x32xf32, #tpu.memory_space<vmem_shared>>)
        tpu.yield
      }) : () -> ()
      "tpu.region"() ({
        %run_scoped3A = tpu.sem_alloc : memref<!tpu.dma_semaphore, #tpu.memory_space<semaphore_mem>>
        tpu.enqueue_dma source(%arg18 : memref<64x32xf32, #tpu.memory_space<vmem>>) target(%arg21 : memref<64x32xf32, #tpu.memory_space<vmem_shared>>) target_semaphore(%run_scoped3A : memref<!tpu.dma_semaphore, #tpu.memory_space<semaphore_mem>>)
        tpu.wait_dma2 semaphore(%run_scoped3A : memref<!tpu.dma_semaphore, #tpu.memory_space<semaphore_mem>>) src(%arg18 : memref<64x32xf32, #tpu.memory_space<vmem>>) dst(%arg21 : memref<64x32xf32, #tpu.memory_space<vmem_shared>>)
        tpu.yield
      }) : () -> ()
    } else {
    }
    %scan3A = arith.constant 0 : i32
    %scan3A_3 = arith.constant 0 : i32
    %scan3A_4 = arith.constant 80 : i32
    %scan3A_5 = arith.addi %scan3A_3, %scan3A_4 : i32
    %scan3A_6 = arith.constant 1 : i32
    scf.for %scan3A_23 = %scan3A_3 to %scan3A_5 step %scan3A_6  : i32 {
      %broadcast_in_dim3A = arith.constant 1.000000e+00 : f32
      %broadcast_in_dim3A_24 = vector.broadcast %broadcast_in_dim3A : f32 to vector<16xf32>
      %swap3A = arith.index_cast %scan3A_23 : i32 to index
      %swap3A_25 = arith.constant 0 : index
      %swap3A_26 = tpu.vector_load %arg16[%swap3A, %swap3A_25] {strides = array<i32>} : memref<80x32xf32, #tpu.memory_space<vmem>>, vector<1x16xf32>,
      %swap3A_27 = vector.shape_cast %swap3A_26 : vector<1x16xf32> to vector<16xf32>
      %swap3A_28 = vector.shape_cast %broadcast_in_dim3A_24 : vector<16xf32> to vector<1x16xf32>
      tpu.vector_store %arg16[%swap3A, %swap3A_25], %swap3A_28 {strides = array<i32>} : memref<80x32xf32, #tpu.memory_space<vmem>>, vector<1x16xf32>,
      %broadcast_in_dim3A_29 = arith.constant 1.000000e+00 : f32
      %broadcast_in_dim3A_30 = vector.broadcast %broadcast_in_dim3A_29 : f32 to vector<16xf32>
      %swap3A_31 = arith.index_cast %scan3A_23 : i32 to index
      %swap3A_32 = arith.constant 16 : index
      %swap3A_33 = tpu.vector_load %arg16[%swap3A_31, %swap3A_32] {strides = array<i32>} : memref<80x32xf32, #tpu.memory_space<vmem>>, vector<1x16xf32>,
      %swap3A_34 = vector.shape_cast %swap3A_33 : vector<1x16xf32> to vector<16xf32>
      %swap3A_35 = vector.shape_cast %broadcast_in_dim3A_30 : vector<16xf32> to vector<1x16xf32>
      tpu.vector_store %arg16[%swap3A_31, %swap3A_32], %swap3A_35 {strides = array<i32>} : memref<80x32xf32, #tpu.memory_space<vmem>>, vector<1x16xf32>,
    }
    %scan3A_7 = arith.constant 80 : i32
    "tpu.region"() ({
      %run_scoped3A = tpu.sem_alloc : memref<!tpu.dma_semaphore, #tpu.memory_space<semaphore_mem>>
      tpu.enqueue_dma source(%arg7 : memref<64xf32, #tpu.memory_space<hbm>>) target(%arg17 : memref<64xf32, #tpu.memory_space<vmem>>) target_semaphore(%run_scoped3A : memref<!tpu.dma_semaphore, #tpu.memory_space<semaphore_mem>>)
      tpu.wait_dma2 semaphore(%run_scoped3A : memref<!tpu.dma_semaphore, #tpu.memory_space<semaphore_mem>>) src(%arg7 : memref<64xf32, #tpu.memory_space<hbm>>) dst(%arg17 : memref<64xf32, #tpu.memory_space<vmem>>)
      tpu.yield
    }) : () -> ()
    %barrier3A = arith.constant 0 : index
    tpu.barrier barrier_id(%barrier3A)
    %lt3A = arith.constant 15 : i32
    %lt3A_8 = arith.cmpi slt, %arg1, %lt3A : i32
    %convert_element_type3A_9 = arith.extui %lt3A_8 : i1 to i32
    %cond3A_10 = arith.constant 0 : i32
    %cond3A_11 = arith.cmpi ne, %convert_element_type3A_9, %cond3A_10 : i32
    scf.if %cond3A_11 {
      %dma_start3A = arith.constant 0 : i32
      %dma_start3A_23 = arith.constant 0 : i32
      %dma_start3A_24 = arith.constant 0 : i32
      %dma_start3A_25 = tpu.memref_slice %arg9[%dma_start3A_23, %dma_start3A_24] : memref<640x32xf32, #tpu.memory_space<vmem>> -> memref<640x32xf32, #tpu.memory_space<vmem>>
      %dma_start3A_26 = arith.constant 0 : i32
      %dma_start3A_27 = tpu.memref_slice %arg2[%dma_start3A, %mul3A_0, %dma_start3A_26] : memref<2x10240x32xf32, #tpu.memory_space<hbm>> -> memref<1x640x32xf32, #tpu.memory_space<hbm>>
      %dma_start3A_28 = tpu.memref_squeeze %dma_start3A_27 : memref<1x640x32xf32, #tpu.memory_space<hbm>> -> memref<640x32xf32, #tpu.memory_space<hbm>>
      %dma_start3A_29 = arith.constant 0 : i32
      %dma_start3A_30 = arith.constant 0 : i32
      %dma_start3A_31 = tpu.memref_slice %arg9[%dma_start3A_29, %dma_start3A_30] : memref<640x32xf32, #tpu.memory_space<vmem>> -> memref<640x32xf32, #tpu.memory_space<vmem>>
      %dma_start3A_32 = arith.constant 0 : i32
      %dma_start3A_33 = tpu.memref_slice %arg2[%dma_start3A, %mul3A_0, %dma_start3A_32] : memref<2x10240x32xf32, #tpu.memory_space<hbm>> -> memref<1x640x32xf32, #tpu.memory_space<hbm>>
      %dma_start3A_34 = tpu.memref_squeeze %dma_start3A_33 : memref<1x640x32xf32, #tpu.memory_space<hbm>> -> memref<640x32xf32, #tpu.memory_space<hbm>>
      tpu.enqueue_dma source(%dma_start3A_34 : memref<640x32xf32, #tpu.memory_space<hbm>>) target(%dma_start3A_31 : memref<640x32xf32, #tpu.memory_space<vmem>>) target_semaphore(%arg22 : memref<!tpu.dma_semaphore, #tpu.memory_space<semaphore_mem>>)
      %dma_start3A_35 = arith.constant 1 : i32
      %dma_start3A_36 = arith.constant 0 : i32
      %dma_start3A_37 = arith.constant 0 : i32
      %dma_start3A_38 = tpu.memref_slice %arg10[%dma_start3A_36, %dma_start3A_37] : memref<640x32xf32, #tpu.memory_space<vmem>> -> memref<640x32xf32, #tpu.memory_space<vmem>>
      %dma_start3A_39 = arith.constant 0 : i32
      %dma_start3A_40 = tpu.memref_slice %arg2[%dma_start3A_35, %mul3A_0, %dma_start3A_39] : memref<2x10240x32xf32, #tpu.memory_space<hbm>> -> memref<1x640x32xf32, #tpu.memory_space<hbm>>
      %dma_start3A_41 = tpu.memref_squeeze %dma_start3A_40 : memref<1x640x32xf32, #tpu.memory_space<hbm>> -> memref<640x32xf32, #tpu.memory_space<hbm>>
      %dma_start3A_42 = arith.constant 0 : i32
      %dma_start3A_43 = arith.constant 0 : i32
      %dma_start3A_44 = tpu.memref_slice %arg10[%dma_start3A_42, %dma_start3A_43] : memref<640x32xf32, #tpu.memory_space<vmem>> -> memref<640x32xf32, #tpu.memory_space<vmem>>
      %dma_start3A_45 = arith.constant 0 : i32
      %dma_start3A_46 = tpu.memref_slice %arg2[%dma_start3A_35, %mul3A_0, %dma_start3A_45] : memref<2x10240x32xf32, #tpu.memory_space<hbm>> -> memref<1x640x32xf32, #tpu.memory_space<hbm>>
      %dma_start3A_47 = tpu.memref_squeeze %dma_start3A_46 : memref<1x640x32xf32, #tpu.memory_space<hbm>> -> memref<640x32xf32, #tpu.memory_space<hbm>>
      tpu.enqueue_dma source(%dma_start3A_47 : memref<640x32xf32, #tpu.memory_space<hbm>>) target(%dma_start3A_44 : memref<640x32xf32, #tpu.memory_space<vmem>>) target_semaphore(%arg22 : memref<!tpu.dma_semaphore, #tpu.memory_space<semaphore_mem>>)
      %dma_start3A_48 = arith.constant 0 : i32
      %dma_start3A_49 = arith.constant 0 : i32
      %dma_start3A_50 = arith.constant 0 : i32
      %dma_start3A_51 = tpu.memref_slice %arg11[%dma_start3A_49, %dma_start3A_50] : memref<640x32xf32, #tpu.memory_space<vmem>> -> memref<640x32xf32, #tpu.memory_space<vmem>>
      %dma_start3A_52 = arith.constant 0 : i32
      %dma_start3A_53 = tpu.memref_slice %arg3[%dma_start3A_48, %mul3A_0, %dma_start3A_52] : memref<2x10240x32xf32, #tpu.memory_space<hbm>> -> memref<1x640x32xf32, #tpu.memory_space<hbm>>
      %dma_start3A_54 = tpu.memref_squeeze %dma_start3A_53 : memref<1x640x32xf32, #tpu.memory_space<hbm>> -> memref<640x32xf32, #tpu.memory_space<hbm>>
      %dma_start3A_55 = arith.constant 0 : i32
      %dma_start3A_56 = arith.constant 0 : i32
      %dma_start3A_57 = tpu.memref_slice %arg11[%dma_start3A_55, %dma_start3A_56] : memref<640x32xf32, #tpu.memory_space<vmem>> -> memref<640x32xf32, #tpu.memory_space<vmem>>
      %dma_start3A_58 = arith.constant 0 : i32
      %dma_start3A_59 = tpu.memref_slice %arg3[%dma_start3A_48, %mul3A_0, %dma_start3A_58] : memref<2x10240x32xf32, #tpu.memory_space<hbm>> -> memref<1x640x32xf32, #tpu.memory_space<hbm>>
      %dma_start3A_60 = tpu.memref_squeeze %dma_start3A_59 : memref<1x640x32xf32, #tpu.memory_space<hbm>> -> memref<640x32xf32, #tpu.memory_space<hbm>>
      tpu.enqueue_dma source(%dma_start3A_60 : memref<640x32xf32, #tpu.memory_space<hbm>>) target(%dma_start3A_57 : memref<640x32xf32, #tpu.memory_space<vmem>>) target_semaphore(%arg22 : memref<!tpu.dma_semaphore, #tpu.memory_space<semaphore_mem>>)
      %dma_start3A_61 = arith.constant 1 : i32
      %dma_start3A_62 = arith.constant 0 : i32
      %dma_start3A_63 = arith.constant 0 : i32
      %dma_start3A_64 = tpu.memref_slice %arg12[%dma_start3A_62, %dma_start3A_63] : memref<640x32xf32, #tpu.memory_space<vmem>> -> memref<640x32xf32, #tpu.memory_space<vmem>>
      %dma_start3A_65 = arith.constant 0 : i32
      %dma_start3A_66 = tpu.memref_slice %arg3[%dma_start3A_61, %mul3A_0, %dma_start3A_65] : memref<2x10240x32xf32, #tpu.memory_space<hbm>> -> memref<1x640x32xf32, #tpu.memory_space<hbm>>
      %dma_start3A_67 = tpu.memref_squeeze %dma_start3A_66 : memref<1x640x32xf32, #tpu.memory_space<hbm>> -> memref<640x32xf32, #tpu.memory_space<hbm>>
      %dma_start3A_68 = arith.constant 0 : i32
      %dma_start3A_69 = arith.constant 0 : i32
      %dma_start3A_70 = tpu.memref_slice %arg12[%dma_start3A_68, %dma_start3A_69] : memref<640x32xf32, #tpu.memory_space<vmem>> -> memref<640x32xf32, #tpu.memory_space<vmem>>
      %dma_start3A_71 = arith.constant 0 : i32
      %dma_start3A_72 = tpu.memref_slice %arg3[%dma_start3A_61, %mul3A_0, %dma_start3A_71] : memref<2x10240x32xf32, #tpu.memory_space<hbm>> -> memref<1x640x32xf32, #tpu.memory_space<hbm>>
      %dma_start3A_73 = tpu.memref_squeeze %dma_start3A_72 : memref<1x640x32xf32, #tpu.memory_space<hbm>> -> memref<640x32xf32, #tpu.memory_space<hbm>>
      tpu.enqueue_dma source(%dma_start3A_73 : memref<640x32xf32, #tpu.memory_space<hbm>>) target(%dma_start3A_70 : memref<640x32xf32, #tpu.memory_space<vmem>>) target_semaphore(%arg22 : memref<!tpu.dma_semaphore, #tpu.memory_space<semaphore_mem>>)
      %dma_start3A_74 = arith.constant 0 : i32
      %dma_start3A_75 = arith.constant 0 : i32
      %dma_start3A_76 = tpu.memref_slice %arg13[%dma_start3A_74, %dma_start3A_75] : memref<640x32xf32, #tpu.memory_space<vmem>> -> memref<640x32xf32, #tpu.memory_space<vmem>>
      %dma_start3A_77 = arith.constant 0 : i32
      %dma_start3A_78 = tpu.memref_slice %arg4[%mul3A_0, %dma_start3A_77] : memref<10000x32xf32, #tpu.memory_space<hbm>> -> memref<640x32xf32, #tpu.memory_space<hbm>>
      %dma_start3A_79 = arith.constant 0 : i32
      %dma_start3A_80 = arith.constant 0 : i32
      %dma_start3A_81 = tpu.memref_slice %arg13[%dma_start3A_79, %dma_start3A_80] : memref<640x32xf32, #tpu.memory_space<vmem>> -> memref<640x32xf32, #tpu.memory_space<vmem>>
      %dma_start3A_82 = arith.constant 0 : i32
      %dma_start3A_83 = tpu.memref_slice %arg4[%mul3A_0, %dma_start3A_82] : memref<10000x32xf32, #tpu.memory_space<hbm>> -> memref<640x32xf32, #tpu.memory_space<hbm>>
      tpu.enqueue_dma source(%dma_start3A_83 : memref<640x32xf32, #tpu.memory_space<hbm>>) target(%dma_start3A_81 : memref<640x32xf32, #tpu.memory_space<vmem>>) target_semaphore(%arg22 : memref<!tpu.dma_semaphore, #tpu.memory_space<semaphore_mem>>)
      %dma_start3A_84 = arith.constant 0 : i32
      %dma_start3A_85 = arith.constant 0 : i32
      %dma_start3A_86 = tpu.memref_slice %arg14[%dma_start3A_84, %dma_start3A_85] : memref<640x32xf32, #tpu.memory_space<vmem>> -> memref<640x32xf32, #tpu.memory_space<vmem>>
      %dma_start3A_87 = arith.constant 0 : i32
      %dma_start3A_88 = tpu.memref_slice %arg5[%mul3A_0, %dma_start3A_87] : memref<10000x32xf32, #tpu.memory_space<hbm>> -> memref<640x32xf32, #tpu.memory_space<hbm>>
      %dma_start3A_89 = arith.constant 0 : i32
      %dma_start3A_90 = arith.constant 0 : i32
      %dma_start3A_91 = tpu.memref_slice %arg14[%dma_start3A_89, %dma_start3A_90] : memref<640x32xf32, #tpu.memory_space<vmem>> -> memref<640x32xf32, #tpu.memory_space<vmem>>
      %dma_start3A_92 = arith.constant 0 : i32
      %dma_start3A_93 = tpu.memref_slice %arg5[%mul3A_0, %dma_start3A_92] : memref<10000x32xf32, #tpu.memory_space<hbm>> -> memref<640x32xf32, #tpu.memory_space<hbm>>
      tpu.enqueue_dma source(%dma_start3A_93 : memref<640x32xf32, #tpu.memory_space<hbm>>) target(%dma_start3A_91 : memref<640x32xf32, #tpu.memory_space<vmem>>) target_semaphore(%arg22 : memref<!tpu.dma_semaphore, #tpu.memory_space<semaphore_mem>>)
      %add3A = arith.constant 0 : i32
      %add3A_94 = arith.addi %mul3A_0, %add3A : i32
      %run_scoped3A = arith.constant 0 : i32
      "tpu.region"() ({
        %run_scoped3A_636 = tpu.sem_alloc : memref<!tpu.dma_semaphore, #tpu.memory_space<semaphore_mem>>
        %dma_start3A_637 = arith.constant 0 : i32
        %dma_start3A_638 = tpu.memref_slice %arg15[%run_scoped3A, %dma_start3A_637] : memref<8x80xi32, #tpu.memory_space<vmem>> -> memref<1x80xi32, #tpu.memory_space<vmem>>
        %dma_start3A_639 = tpu.memref_squeeze %dma_start3A_638 : memref<1x80xi32, #tpu.memory_space<vmem>> -> memref<80xi32, #tpu.memory_space<vmem>>
        %dma_start3A_640 = tpu.memref_slice %arg6[%add3A_94] : memref<10000xi32, #tpu.memory_space<hbm>> -> memref<80xi32, #tpu.memory_space<hbm>>
        %dma_start3A_641 = arith.constant 0 : i32
        %dma_start3A_642 = tpu.memref_slice %arg15[%run_scoped3A, %dma_start3A_641] : memref<8x80xi32, #tpu.memory_space<vmem>> -> memref<1x80xi32, #tpu.memory_space<vmem>>
        %dma_start3A_643 = tpu.memref_squeeze %dma_start3A_642 : memref<1x80xi32, #tpu.memory_space<vmem>> -> memref<80xi32, #tpu.memory_space<vmem>>
        %dma_start3A_644 = tpu.memref_slice %arg6[%add3A_94] : memref<10000xi32, #tpu.memory_space<hbm>> -> memref<80xi32, #tpu.memory_space<hbm>>
        tpu.enqueue_dma source(%dma_start3A_644 : memref<80xi32, #tpu.memory_space<hbm>>) target(%dma_start3A_643 : memref<80xi32, #tpu.memory_space<vmem>>) target_semaphore(%run_scoped3A_636 : memref<!tpu.dma_semaphore, #tpu.memory_space<semaphore_mem>>)
        %dma_wait3A_645 = arith.constant 0 : i32
        %dma_wait3A_646 = tpu.memref_slice %arg15[%run_scoped3A, %dma_wait3A_645] : memref<8x80xi32, #tpu.memory_space<vmem>> -> memref<1x80xi32, #tpu.memory_space<vmem>>
        %dma_wait3A_647 = tpu.memref_squeeze %dma_wait3A_646 : memref<1x80xi32, #tpu.memory_space<vmem>> -> memref<80xi32, #tpu.memory_space<vmem>>
        %dma_wait3A_648 = tpu.memref_slice %arg6[%add3A_94] : memref<10000xi32, #tpu.memory_space<hbm>> -> memref<80xi32, #tpu.memory_space<hbm>>
        %dma_wait3A_649 = arith.constant 0 : i32
        %dma_wait3A_650 = tpu.memref_slice %arg15[%run_scoped3A, %dma_wait3A_649] : memref<8x80xi32, #tpu.memory_space<vmem>> -> memref<1x80xi32, #tpu.memory_space<vmem>>
        %dma_wait3A_651 = tpu.memref_squeeze %dma_wait3A_650 : memref<1x80xi32, #tpu.memory_space<vmem>> -> memref<80xi32, #tpu.memory_space<vmem>>
        %dma_wait3A_652 = tpu.memref_slice %arg6[%add3A_94] : memref<10000xi32, #tpu.memory_space<hbm>> -> memref<80xi32, #tpu.memory_space<hbm>>
        tpu.wait_dma2 semaphore(%run_scoped3A_636 : memref<!tpu.dma_semaphore, #tpu.memory_space<semaphore_mem>>) src(%dma_wait3A_652 : memref<80xi32, #tpu.memory_space<hbm>>) dst(%dma_wait3A_651 : memref<80xi32, #tpu.memory_space<vmem>>)
        tpu.yield
      }) : () -> ()
      %add3A_95 = arith.constant 80 : i32
      %add3A_96 = arith.addi %mul3A_0, %add3A_95 : i32
      %run_scoped3A_97 = arith.constant 1 : i32
      "tpu.region"() ({
        %run_scoped3A_636 = tpu.sem_alloc : memref<!tpu.dma_semaphore, #tpu.memory_space<semaphore_mem>>
        %dma_start3A_637 = arith.constant 0 : i32
        %dma_start3A_638 = tpu.memref_slice %arg15[%run_scoped3A_97, %dma_start3A_637] : memref<8x80xi32, #tpu.memory_space<vmem>> -> memref<1x80xi32, #tpu.memory_space<vmem>>
        %dma_start3A_639 = tpu.memref_squeeze %dma_start3A_638 : memref<1x80xi32, #tpu.memory_space<vmem>> -> memref<80xi32, #tpu.memory_space<vmem>>
        %dma_start3A_640 = tpu.memref_slice %arg6[%add3A_96] : memref<10000xi32, #tpu.memory_space<hbm>> -> memref<80xi32, #tpu.memory_space<hbm>>
        %dma_start3A_641 = arith.constant 0 : i32
        %dma_start3A_642 = tpu.memref_slice %arg15[%run_scoped3A_97, %dma_start3A_641] : memref<8x80xi32, #tpu.memory_space<vmem>> -> memref<1x80xi32, #tpu.memory_space<vmem>>
        %dma_start3A_643 = tpu.memref_squeeze %dma_start3A_642 : memref<1x80xi32, #tpu.memory_space<vmem>> -> memref<80xi32, #tpu.memory_space<vmem>>
        %dma_start3A_644 = tpu.memref_slice %arg6[%add3A_96] : memref<10000xi32, #tpu.memory_space<hbm>> -> memref<80xi32, #tpu.memory_space<hbm>>
        tpu.enqueue_dma source(%dma_start3A_644 : memref<80xi32, #tpu.memory_space<hbm>>) target(%dma_start3A_643 : memref<80xi32, #tpu.memory_space<vmem>>) target_semaphore(%run_scoped3A_636 : memref<!tpu.dma_semaphore, #tpu.memory_space<semaphore_mem>>)
        %dma_wait3A_645 = arith.constant 0 : i32
        %dma_wait3A_646 = tpu.memref_slice %arg15[%run_scoped3A_97, %dma_wait3A_645] : memref<8x80xi32, #tpu.memory_space<vmem>> -> memref<1x80xi32, #tpu.memory_space<vmem>>
        %dma_wait3A_647 = tpu.memref_squeeze %dma_wait3A_646 : memref<1x80xi32, #tpu.memory_space<vmem>> -> memref<80xi32, #tpu.memory_space<vmem>>
        %dma_wait3A_648 = tpu.memref_slice %arg6[%add3A_96] : memref<10000xi32, #tpu.memory_space<hbm>> -> memref<80xi32, #tpu.memory_space<hbm>>
        %dma_wait3A_649 = arith.constant 0 : i32
        %dma_wait3A_650 = tpu.memref_slice %arg15[%run_scoped3A_97, %dma_wait3A_649] : memref<8x80xi32, #tpu.memory_space<vmem>> -> memref<1x80xi32, #tpu.memory_space<vmem>>
        %dma_wait3A_651 = tpu.memref_squeeze %dma_wait3A_650 : memref<1x80xi32, #tpu.memory_space<vmem>> -> memref<80xi32, #tpu.memory_space<vmem>>
        %dma_wait3A_652 = tpu.memref_slice %arg6[%add3A_96] : memref<10000xi32, #tpu.memory_space<hbm>> -> memref<80xi32, #tpu.memory_space<hbm>>
        tpu.wait_dma2 semaphore(%run_scoped3A_636 : memref<!tpu.dma_semaphore, #tpu.memory_space<semaphore_mem>>) src(%dma_wait3A_652 : memref<80xi32, #tpu.memory_space<hbm>>) dst(%dma_wait3A_651 : memref<80xi32, #tpu.memory_space<vmem>>)
        tpu.yield
      }) : () -> ()
      %add3A_98 = arith.constant 160 : i32
      %add3A_99 = arith.addi %mul3A_0, %add3A_98 : i32
      %run_scoped3A_100 = arith.constant 2 : i32
      "tpu.region"() ({
        %run_scoped3A_636 = tpu.sem_alloc : memref<!tpu.dma_semaphore, #tpu.memory_space<semaphore_mem>>
        %dma_start3A_637 = arith.constant 0 : i32
        %dma_start3A_638 = tpu.memref_slice %arg15[%run_scoped3A_100, %dma_start3A_637] : memref<8x80xi32, #tpu.memory_space<vmem>> -> memref<1x80xi32, #tpu.memory_space<vmem>>
        %dma_start3A_639 = tpu.memref_squeeze %dma_start3A_638 : memref<1x80xi32, #tpu.memory_space<vmem>> -> memref<80xi32, #tpu.memory_space<vmem>>
        %dma_start3A_640 = tpu.memref_slice %arg6[%add3A_99] : memref<10000xi32, #tpu.memory_space<hbm>> -> memref<80xi32, #tpu.memory_space<hbm>>
        %dma_start3A_641 = arith.constant 0 : i32
        %dma_start3A_642 = tpu.memref_slice %arg15[%run_scoped3A_100, %dma_start3A_641] : memref<8x80xi32, #tpu.memory_space<vmem>> -> memref<1x80xi32, #tpu.memory_space<vmem>>
        %dma_start3A_643 = tpu.memref_squeeze %dma_start3A_642 : memref<1x80xi32, #tpu.memory_space<vmem>> -> memref<80xi32, #tpu.memory_space<vmem>>
        %dma_start3A_644 = tpu.memref_slice %arg6[%add3A_99] : memref<10000xi32, #tpu.memory_space<hbm>> -> memref<80xi32, #tpu.memory_space<hbm>>
        tpu.enqueue_dma source(%dma_start3A_644 : memref<80xi32, #tpu.memory_space<hbm>>) target(%dma_start3A_643 : memref<80xi32, #tpu.memory_space<vmem>>) target_semaphore(%run_scoped3A_636 : memref<!tpu.dma_semaphore, #tpu.memory_space<semaphore_mem>>)
        %dma_wait3A_645 = arith.constant 0 : i32
        %dma_wait3A_646 = tpu.memref_slice %arg15[%run_scoped3A_100, %dma_wait3A_645] : memref<8x80xi32, #tpu.memory_space<vmem>> -> memref<1x80xi32, #tpu.memory_space<vmem>>
        %dma_wait3A_647 = tpu.memref_squeeze %dma_wait3A_646 : memref<1x80xi32, #tpu.memory_space<vmem>> -> memref<80xi32, #tpu.memory_space<vmem>>
        %dma_wait3A_648 = tpu.memref_slice %arg6[%add3A_99] : memref<10000xi32, #tpu.memory_space<hbm>> -> memref<80xi32, #tpu.memory_space<hbm>>
        %dma_wait3A_649 = arith.constant 0 : i32
        %dma_wait3A_650 = tpu.memref_slice %arg15[%run_scoped3A_100, %dma_wait3A_649] : memref<8x80xi32, #tpu.memory_space<vmem>> -> memref<1x80xi32, #tpu.memory_space<vmem>>
        %dma_wait3A_651 = tpu.memref_squeeze %dma_wait3A_650 : memref<1x80xi32, #tpu.memory_space<vmem>> -> memref<80xi32, #tpu.memory_space<vmem>>
        %dma_wait3A_652 = tpu.memref_slice %arg6[%add3A_99] : memref<10000xi32, #tpu.memory_space<hbm>> -> memref<80xi32, #tpu.memory_space<hbm>>
        tpu.wait_dma2 semaphore(%run_scoped3A_636 : memref<!tpu.dma_semaphore, #tpu.memory_space<semaphore_mem>>) src(%dma_wait3A_652 : memref<80xi32, #tpu.memory_space<hbm>>) dst(%dma_wait3A_651 : memref<80xi32, #tpu.memory_space<vmem>>)
        tpu.yield
      }) : () -> ()
      %add3A_101 = arith.constant 240 : i32
      %add3A_102 = arith.addi %mul3A_0, %add3A_101 : i32
      %run_scoped3A_103 = arith.constant 3 : i32
      "tpu.region"() ({
        %run_scoped3A_636 = tpu.sem_alloc : memref<!tpu.dma_semaphore, #tpu.memory_space<semaphore_mem>>
        %dma_start3A_637 = arith.constant 0 : i32
        %dma_start3A_638 = tpu.memref_slice %arg15[%run_scoped3A_103, %dma_start3A_637] : memref<8x80xi32, #tpu.memory_space<vmem>> -> memref<1x80xi32, #tpu.memory_space<vmem>>
        %dma_start3A_639 = tpu.memref_squeeze %dma_start3A_638 : memref<1x80xi32, #tpu.memory_space<vmem>> -> memref<80xi32, #tpu.memory_space<vmem>>
        %dma_start3A_640 = tpu.memref_slice %arg6[%add3A_102] : memref<10000xi32, #tpu.memory_space<hbm>> -> memref<80xi32, #tpu.memory_space<hbm>>
        %dma_start3A_641 = arith.constant 0 : i32
        %dma_start3A_642 = tpu.memref_slice %arg15[%run_scoped3A_103, %dma_start3A_641] : memref<8x80xi32, #tpu.memory_space<vmem>> -> memref<1x80xi32, #tpu.memory_space<vmem>>
        %dma_start3A_643 = tpu.memref_squeeze %dma_start3A_642 : memref<1x80xi32, #tpu.memory_space<vmem>> -> memref<80xi32, #tpu.memory_space<vmem>>
        %dma_start3A_644 = tpu.memref_slice %arg6[%add3A_102] : memref<10000xi32, #tpu.memory_space<hbm>> -> memref<80xi32, #tpu.memory_space<hbm>>
        tpu.enqueue_dma source(%dma_start3A_644 : memref<80xi32, #tpu.memory_space<hbm>>) target(%dma_start3A_643 : memref<80xi32, #tpu.memory_space<vmem>>) target_semaphore(%run_scoped3A_636 : memref<!tpu.dma_semaphore, #tpu.memory_space<semaphore_mem>>)
        %dma_wait3A_645 = arith.constant 0 : i32
        %dma_wait3A_646 = tpu.memref_slice %arg15[%run_scoped3A_103, %dma_wait3A_645] : memref<8x80xi32, #tpu.memory_space<vmem>> -> memref<1x80xi32, #tpu.memory_space<vmem>>
        %dma_wait3A_647 = tpu.memref_squeeze %dma_wait3A_646 : memref<1x80xi32, #tpu.memory_space<vmem>> -> memref<80xi32, #tpu.memory_space<vmem>>
        %dma_wait3A_648 = tpu.memref_slice %arg6[%add3A_102] : memref<10000xi32, #tpu.memory_space<hbm>> -> memref<80xi32, #tpu.memory_space<hbm>>
        %dma_wait3A_649 = arith.constant 0 : i32
        %dma_wait3A_650 = tpu.memref_slice %arg15[%run_scoped3A_103, %dma_wait3A_649] : memref<8x80xi32, #tpu.memory_space<vmem>> -> memref<1x80xi32, #tpu.memory_space<vmem>>
        %dma_wait3A_651 = tpu.memref_squeeze %dma_wait3A_650 : memref<1x80xi32, #tpu.memory_space<vmem>> -> memref<80xi32, #tpu.memory_space<vmem>>
        %dma_wait3A_652 = tpu.memref_slice %arg6[%add3A_102] : memref<10000xi32, #tpu.memory_space<hbm>> -> memref<80xi32, #tpu.memory_space<hbm>>
        tpu.wait_dma2 semaphore(%run_scoped3A_636 : memref<!tpu.dma_semaphore, #tpu.memory_space<semaphore_mem>>) src(%dma_wait3A_652 : memref<80xi32, #tpu.memory_space<hbm>>) dst(%dma_wait3A_651 : memref<80xi32, #tpu.memory_space<vmem>>)
        tpu.yield
      }) : () -> ()
      %add3A_104 = arith.constant 320 : i32
      %add3A_105 = arith.addi %mul3A_0, %add3A_104 : i32
      %run_scoped3A_106 = arith.constant 4 : i32
      "tpu.region"() ({
        %run_scoped3A_636 = tpu.sem_alloc : memref<!tpu.dma_semaphore, #tpu.memory_space<semaphore_mem>>
        %dma_start3A_637 = arith.constant 0 : i32
        %dma_start3A_638 = tpu.memref_slice %arg15[%run_scoped3A_106, %dma_start3A_637] : memref<8x80xi32, #tpu.memory_space<vmem>> -> memref<1x80xi32, #tpu.memory_space<vmem>>
        %dma_start3A_639 = tpu.memref_squeeze %dma_start3A_638 : memref<1x80xi32, #tpu.memory_space<vmem>> -> memref<80xi32, #tpu.memory_space<vmem>>
        %dma_start3A_640 = tpu.memref_slice %arg6[%add3A_105] : memref<10000xi32, #tpu.memory_space<hbm>> -> memref<80xi32, #tpu.memory_space<hbm>>
        %dma_start3A_641 = arith.constant 0 : i32
        %dma_start3A_642 = tpu.memref_slice %arg15[%run_scoped3A_106, %dma_start3A_641] : memref<8x80xi32, #tpu.memory_space<vmem>> -> memref<1x80xi32, #tpu.memory_space<vmem>>
        %dma_start3A_643 = tpu.memref_squeeze %dma_start3A_642 : memref<1x80xi32, #tpu.memory_space<vmem>> -> memref<80xi32, #tpu.memory_space<vmem>>
        %dma_start3A_644 = tpu.memref_slice %arg6[%add3A_105] : memref<10000xi32, #tpu.memory_space<hbm>> -> memref<80xi32, #tpu.memory_space<hbm>>
        tpu.enqueue_dma source(%dma_start3A_644 : memref<80xi32, #tpu.memory_space<hbm>>) target(%dma_start3A_643 : memref<80xi32, #tpu.memory_space<vmem>>) target_semaphore(%run_scoped3A_636 : memref<!tpu.dma_semaphore, #tpu.memory_space<semaphore_mem>>)
        %dma_wait3A_645 = arith.constant 0 : i32
        %dma_wait3A_646 = tpu.memref_slice %arg15[%run_scoped3A_106, %dma_wait3A_645] : memref<8x80xi32, #tpu.memory_space<vmem>> -> memref<1x80xi32, #tpu.memory_space<vmem>>
        %dma_wait3A_647 = tpu.memref_squeeze %dma_wait3A_646 : memref<1x80xi32, #tpu.memory_space<vmem>> -> memref<80xi32, #tpu.memory_space<vmem>>
        %dma_wait3A_648 = tpu.memref_slice %arg6[%add3A_105] : memref<10000xi32, #tpu.memory_space<hbm>> -> memref<80xi32, #tpu.memory_space<hbm>>
        %dma_wait3A_649 = arith.constant 0 : i32
        %dma_wait3A_650 = tpu.memref_slice %arg15[%run_scoped3A_106, %dma_wait3A_649] : memref<8x80xi32, #tpu.memory_space<vmem>> -> memref<1x80xi32, #tpu.memory_space<vmem>>
        %dma_wait3A_651 = tpu.memref_squeeze %dma_wait3A_650 : memref<1x80xi32, #tpu.memory_space<vmem>> -> memref<80xi32, #tpu.memory_space<vmem>>
        %dma_wait3A_652 = tpu.memref_slice %arg6[%add3A_105] : memref<10000xi32, #tpu.memory_space<hbm>> -> memref<80xi32, #tpu.memory_space<hbm>>
        tpu.wait_dma2 semaphore(%run_scoped3A_636 : memref<!tpu.dma_semaphore, #tpu.memory_space<semaphore_mem>>) src(%dma_wait3A_652 : memref<80xi32, #tpu.memory_space<hbm>>) dst(%dma_wait3A_651 : memref<80xi32, #tpu.memory_space<vmem>>)
        tpu.yield
      }) : () -> ()
      %add3A_107 = arith.constant 400 : i32
      %add3A_108 = arith.addi %mul3A_0, %add3A_107 : i32
      %run_scoped3A_109 = arith.constant 5 : i32
      "tpu.region"() ({
        %run_scoped3A_636 = tpu.sem_alloc : memref<!tpu.dma_semaphore, #tpu.memory_space<semaphore_mem>>
        %dma_start3A_637 = arith.constant 0 : i32
        %dma_start3A_638 = tpu.memref_slice %arg15[%run_scoped3A_109, %dma_start3A_637] : memref<8x80xi32, #tpu.memory_space<vmem>> -> memref<1x80xi32, #tpu.memory_space<vmem>>
        %dma_start3A_639 = tpu.memref_squeeze %dma_start3A_638 : memref<1x80xi32, #tpu.memory_space<vmem>> -> memref<80xi32, #tpu.memory_space<vmem>>
        %dma_start3A_640 = tpu.memref_slice %arg6[%add3A_108] : memref<10000xi32, #tpu.memory_space<hbm>> -> memref<80xi32, #tpu.memory_space<hbm>>
        %dma_start3A_641 = arith.constant 0 : i32
        %dma_start3A_642 = tpu.memref_slice %arg15[%run_scoped3A_109, %dma_start3A_641] : memref<8x80xi32, #tpu.memory_space<vmem>> -> memref<1x80xi32, #tpu.memory_space<vmem>>
        %dma_start3A_643 = tpu.memref_squeeze %dma_start3A_642 : memref<1x80xi32, #tpu.memory_space<vmem>> -> memref<80xi32, #tpu.memory_space<vmem>>
        %dma_start3A_644 = tpu.memref_slice %arg6[%add3A_108] : memref<10000xi32, #tpu.memory_space<hbm>> -> memref<80xi32, #tpu.memory_space<hbm>>
        tpu.enqueue_dma source(%dma_start3A_644 : memref<80xi32, #tpu.memory_space<hbm>>) target(%dma_start3A_643 : memref<80xi32, #tpu.memory_space<vmem>>) target_semaphore(%run_scoped3A_636 : memref<!tpu.dma_semaphore, #tpu.memory_space<semaphore_mem>>)
        %dma_wait3A_645 = arith.constant 0 : i32
        %dma_wait3A_646 = tpu.memref_slice %arg15[%run_scoped3A_109, %dma_wait3A_645] : memref<8x80xi32, #tpu.memory_space<vmem>> -> memref<1x80xi32, #tpu.memory_space<vmem>>
        %dma_wait3A_647 = tpu.memref_squeeze %dma_wait3A_646 : memref<1x80xi32, #tpu.memory_space<vmem>> -> memref<80xi32, #tpu.memory_space<vmem>>
        %dma_wait3A_648 = tpu.memref_slice %arg6[%add3A_108] : memref<10000xi32, #tpu.memory_space<hbm>> -> memref<80xi32, #tpu.memory_space<hbm>>
        %dma_wait3A_649 = arith.constant 0 : i32
        %dma_wait3A_650 = tpu.memref_slice %arg15[%run_scoped3A_109, %dma_wait3A_649] : memref<8x80xi32, #tpu.memory_space<vmem>> -> memref<1x80xi32, #tpu.memory_space<vmem>>
        %dma_wait3A_651 = tpu.memref_squeeze %dma_wait3A_650 : memref<1x80xi32, #tpu.memory_space<vmem>> -> memref<80xi32, #tpu.memory_space<vmem>>
        %dma_wait3A_652 = tpu.memref_slice %arg6[%add3A_108] : memref<10000xi32, #tpu.memory_space<hbm>> -> memref<80xi32, #tpu.memory_space<hbm>>
        tpu.wait_dma2 semaphore(%run_scoped3A_636 : memref<!tpu.dma_semaphore, #tpu.memory_space<semaphore_mem>>) src(%dma_wait3A_652 : memref<80xi32, #tpu.memory_space<hbm>>) dst(%dma_wait3A_651 : memref<80xi32, #tpu.memory_space<vmem>>)
        tpu.yield
      }) : () -> ()
      %add3A_110 = arith.constant 480 : i32
      %add3A_111 = arith.addi %mul3A_0, %add3A_110 : i32
      %run_scoped3A_112 = arith.constant 6 : i32
      "tpu.region"() ({
        %run_scoped3A_636 = tpu.sem_alloc : memref<!tpu.dma_semaphore, #tpu.memory_space<semaphore_mem>>
        %dma_start3A_637 = arith.constant 0 : i32
        %dma_start3A_638 = tpu.memref_slice %arg15[%run_scoped3A_112, %dma_start3A_637] : memref<8x80xi32, #tpu.memory_space<vmem>> -> memref<1x80xi32, #tpu.memory_space<vmem>>
        %dma_start3A_639 = tpu.memref_squeeze %dma_start3A_638 : memref<1x80xi32, #tpu.memory_space<vmem>> -> memref<80xi32, #tpu.memory_space<vmem>>
        %dma_start3A_640 = tpu.memref_slice %arg6[%add3A_111] : memref<10000xi32, #tpu.memory_space<hbm>> -> memref<80xi32, #tpu.memory_space<hbm>>
        %dma_start3A_641 = arith.constant 0 : i32
        %dma_start3A_642 = tpu.memref_slice %arg15[%run_scoped3A_112, %dma_start3A_641] : memref<8x80xi32, #tpu.memory_space<vmem>> -> memref<1x80xi32, #tpu.memory_space<vmem>>
        %dma_start3A_643 = tpu.memref_squeeze %dma_start3A_642 : memref<1x80xi32, #tpu.memory_space<vmem>> -> memref<80xi32, #tpu.memory_space<vmem>>
        %dma_start3A_644 = tpu.memref_slice %arg6[%add3A_111] : memref<10000xi32, #tpu.memory_space<hbm>> -> memref<80xi32, #tpu.memory_space<hbm>>
        tpu.enqueue_dma source(%dma_start3A_644 : memref<80xi32, #tpu.memory_space<hbm>>) target(%dma_start3A_643 : memref<80xi32, #tpu.memory_space<vmem>>) target_semaphore(%run_scoped3A_636 : memref<!tpu.dma_semaphore, #tpu.memory_space<semaphore_mem>>)
        %dma_wait3A_645 = arith.constant 0 : i32
        %dma_wait3A_646 = tpu.memref_slice %arg15[%run_scoped3A_112, %dma_wait3A_645] : memref<8x80xi32, #tpu.memory_space<vmem>> -> memref<1x80xi32, #tpu.memory_space<vmem>>
        %dma_wait3A_647 = tpu.memref_squeeze %dma_wait3A_646 : memref<1x80xi32, #tpu.memory_space<vmem>> -> memref<80xi32, #tpu.memory_space<vmem>>
        %dma_wait3A_648 = tpu.memref_slice %arg6[%add3A_111] : memref<10000xi32, #tpu.memory_space<hbm>> -> memref<80xi32, #tpu.memory_space<hbm>>
        %dma_wait3A_649 = arith.constant 0 : i32
        %dma_wait3A_650 = tpu.memref_slice %arg15[%run_scoped3A_112, %dma_wait3A_649] : memref<8x80xi32, #tpu.memory_space<vmem>> -> memref<1x80xi32, #tpu.memory_space<vmem>>
        %dma_wait3A_651 = tpu.memref_squeeze %dma_wait3A_650 : memref<1x80xi32, #tpu.memory_space<vmem>> -> memref<80xi32, #tpu.memory_space<vmem>>
        %dma_wait3A_652 = tpu.memref_slice %arg6[%add3A_111] : memref<10000xi32, #tpu.memory_space<hbm>> -> memref<80xi32, #tpu.memory_space<hbm>>
        tpu.wait_dma2 semaphore(%run_scoped3A_636 : memref<!tpu.dma_semaphore, #tpu.memory_space<semaphore_mem>>) src(%dma_wait3A_652 : memref<80xi32, #tpu.memory_space<hbm>>) dst(%dma_wait3A_651 : memref<80xi32, #tpu.memory_space<vmem>>)
        tpu.yield
      }) : () -> ()
      %add3A_113 = arith.constant 560 : i32
      %add3A_114 = arith.addi %mul3A_0, %add3A_113 : i32
      %run_scoped3A_115 = arith.constant 7 : i32
      "tpu.region"() ({
        %run_scoped3A_636 = tpu.sem_alloc : memref<!tpu.dma_semaphore, #tpu.memory_space<semaphore_mem>>
        %dma_start3A_637 = arith.constant 0 : i32
        %dma_start3A_638 = tpu.memref_slice %arg15[%run_scoped3A_115, %dma_start3A_637] : memref<8x80xi32, #tpu.memory_space<vmem>> -> memref<1x80xi32, #tpu.memory_space<vmem>>
        %dma_start3A_639 = tpu.memref_squeeze %dma_start3A_638 : memref<1x80xi32, #tpu.memory_space<vmem>> -> memref<80xi32, #tpu.memory_space<vmem>>
        %dma_start3A_640 = tpu.memref_slice %arg6[%add3A_114] : memref<10000xi32, #tpu.memory_space<hbm>> -> memref<80xi32, #tpu.memory_space<hbm>>
        %dma_start3A_641 = arith.constant 0 : i32
        %dma_start3A_642 = tpu.memref_slice %arg15[%run_scoped3A_115, %dma_start3A_641] : memref<8x80xi32, #tpu.memory_space<vmem>> -> memref<1x80xi32, #tpu.memory_space<vmem>>
        %dma_start3A_643 = tpu.memref_squeeze %dma_start3A_642 : memref<1x80xi32, #tpu.memory_space<vmem>> -> memref<80xi32, #tpu.memory_space<vmem>>
        %dma_start3A_644 = tpu.memref_slice %arg6[%add3A_114] : memref<10000xi32, #tpu.memory_space<hbm>> -> memref<80xi32, #tpu.memory_space<hbm>>
        tpu.enqueue_dma source(%dma_start3A_644 : memref<80xi32, #tpu.memory_space<hbm>>) target(%dma_start3A_643 : memref<80xi32, #tpu.memory_space<vmem>>) target_semaphore(%run_scoped3A_636 : memref<!tpu.dma_semaphore, #tpu.memory_space<semaphore_mem>>)
        %dma_wait3A_645 = arith.constant 0 : i32
        %dma_wait3A_646 = tpu.memref_slice %arg15[%run_scoped3A_115, %dma_wait3A_645] : memref<8x80xi32, #tpu.memory_space<vmem>> -> memref<1x80xi32, #tpu.memory_space<vmem>>
        %dma_wait3A_647 = tpu.memref_squeeze %dma_wait3A_646 : memref<1x80xi32, #tpu.memory_space<vmem>> -> memref<80xi32, #tpu.memory_space<vmem>>
        %dma_wait3A_648 = tpu.memref_slice %arg6[%add3A_114] : memref<10000xi32, #tpu.memory_space<hbm>> -> memref<80xi32, #tpu.memory_space<hbm>>
        %dma_wait3A_649 = arith.constant 0 : i32
        %dma_wait3A_650 = tpu.memref_slice %arg15[%run_scoped3A_115, %dma_wait3A_649] : memref<8x80xi32, #tpu.memory_space<vmem>> -> memref<1x80xi32, #tpu.memory_space<vmem>>
        %dma_wait3A_651 = tpu.memref_squeeze %dma_wait3A_650 : memref<1x80xi32, #tpu.memory_space<vmem>> -> memref<80xi32, #tpu.memory_space<vmem>>
        %dma_wait3A_652 = tpu.memref_slice %arg6[%add3A_114] : memref<10000xi32, #tpu.memory_space<hbm>> -> memref<80xi32, #tpu.memory_space<hbm>>
        tpu.wait_dma2 semaphore(%run_scoped3A_636 : memref<!tpu.dma_semaphore, #tpu.memory_space<semaphore_mem>>) src(%dma_wait3A_652 : memref<80xi32, #tpu.memory_space<hbm>>) dst(%dma_wait3A_651 : memref<80xi32, #tpu.memory_space<vmem>>)
        tpu.yield
      }) : () -> ()
      %dma_wait3A = arith.constant 0 : i32
      %dma_wait3A_116 = arith.constant 0 : i32
      %dma_wait3A_117 = arith.constant 0 : i32
      %dma_wait3A_118 = tpu.memref_slice %arg9[%dma_wait3A_116, %dma_wait3A_117] : memref<640x32xf32, #tpu.memory_space<vmem>> -> memref<640x32xf32, #tpu.memory_space<vmem>>
      %dma_wait3A_119 = arith.constant 0 : i32
      %dma_wait3A_120 = tpu.memref_slice %arg2[%dma_wait3A, %mul3A_0, %dma_wait3A_119] : memref<2x10240x32xf32, #tpu.memory_space<hbm>> -> memref<1x640x32xf32, #tpu.memory_space<hbm>>
      %dma_wait3A_121 = tpu.memref_squeeze %dma_wait3A_120 : memref<1x640x32xf32, #tpu.memory_space<hbm>> -> memref<640x32xf32, #tpu.memory_space<hbm>>
      %dma_wait3A_122 = arith.constant 0 : i32
      %dma_wait3A_123 = arith.constant 0 : i32
      %dma_wait3A_124 = tpu.memref_slice %arg9[%dma_wait3A_122, %dma_wait3A_123] : memref<640x32xf32, #tpu.memory_space<vmem>> -> memref<640x32xf32, #tpu.memory_space<vmem>>
      %dma_wait3A_125 = arith.constant 0 : i32
      %dma_wait3A_126 = tpu.memref_slice %arg2[%dma_wait3A, %mul3A_0, %dma_wait3A_125] : memref<2x10240x32xf32, #tpu.memory_space<hbm>> -> memref<1x640x32xf32, #tpu.memory_space<hbm>>
      %dma_wait3A_127 = tpu.memref_squeeze %dma_wait3A_126 : memref<1x640x32xf32, #tpu.memory_space<hbm>> -> memref<640x32xf32, #tpu.memory_space<hbm>>
      tpu.wait_dma2 semaphore(%arg22 : memref<!tpu.dma_semaphore, #tpu.memory_space<semaphore_mem>>) src(%dma_wait3A_127 : memref<640x32xf32, #tpu.memory_space<hbm>>) dst(%dma_wait3A_124 : memref<640x32xf32, #tpu.memory_space<vmem>>)
      %dma_wait3A_128 = arith.constant 1 : i32
      %dma_wait3A_129 = arith.constant 0 : i32
      %dma_wait3A_130 = arith.constant 0 : i32
      %dma_wait3A_131 = tpu.memref_slice %arg10[%dma_wait3A_129, %dma_wait3A_130] : memref<640x32xf32, #tpu.memory_space<vmem>> -> memref<640x32xf32, #tpu.memory_space<vmem>>
      %dma_wait3A_132 = arith.constant 0 : i32
      %dma_wait3A_133 = tpu.memref_slice %arg2[%dma_wait3A_128, %mul3A_0, %dma_wait3A_132] : memref<2x10240x32xf32, #tpu.memory_space<hbm>> -> memref<1x640x32xf32, #tpu.memory_space<hbm>>
      %dma_wait3A_134 = tpu.memref_squeeze %dma_wait3A_133 : memref<1x640x32xf32, #tpu.memory_space<hbm>> -> memref<640x32xf32, #tpu.memory_space<hbm>>
      %dma_wait3A_135 = arith.constant 0 : i32
      %dma_wait3A_136 = arith.constant 0 : i32
      %dma_wait3A_137 = tpu.memref_slice %arg10[%dma_wait3A_135, %dma_wait3A_136] : memref<640x32xf32, #tpu.memory_space<vmem>> -> memref<640x32xf32, #tpu.memory_space<vmem>>
      %dma_wait3A_138 = arith.constant 0 : i32
      %dma_wait3A_139 = tpu.memref_slice %arg2[%dma_wait3A_128, %mul3A_0, %dma_wait3A_138] : memref<2x10240x32xf32, #tpu.memory_space<hbm>> -> memref<1x640x32xf32, #tpu.memory_space<hbm>>
      %dma_wait3A_140 = tpu.memref_squeeze %dma_wait3A_139 : memref<1x640x32xf32, #tpu.memory_space<hbm>> -> memref<640x32xf32, #tpu.memory_space<hbm>>
      tpu.wait_dma2 semaphore(%arg22 : memref<!tpu.dma_semaphore, #tpu.memory_space<semaphore_mem>>) src(%dma_wait3A_140 : memref<640x32xf32, #tpu.memory_space<hbm>>) dst(%dma_wait3A_137 : memref<640x32xf32, #tpu.memory_space<vmem>>)
      %dma_wait3A_141 = arith.constant 0 : i32
      %dma_wait3A_142 = arith.constant 0 : i32
      %dma_wait3A_143 = arith.constant 0 : i32
      %dma_wait3A_144 = tpu.memref_slice %arg11[%dma_wait3A_142, %dma_wait3A_143] : memref<640x32xf32, #tpu.memory_space<vmem>> -> memref<640x32xf32, #tpu.memory_space<vmem>>
      %dma_wait3A_145 = arith.constant 0 : i32
      %dma_wait3A_146 = tpu.memref_slice %arg3[%dma_wait3A_141, %mul3A_0, %dma_wait3A_145] : memref<2x10240x32xf32, #tpu.memory_space<hbm>> -> memref<1x640x32xf32, #tpu.memory_space<hbm>>
      %dma_wait3A_147 = tpu.memref_squeeze %dma_wait3A_146 : memref<1x640x32xf32, #tpu.memory_space<hbm>> -> memref<640x32xf32, #tpu.memory_space<hbm>>
      %dma_wait3A_148 = arith.constant 0 : i32
      %dma_wait3A_149 = arith.constant 0 : i32
      %dma_wait3A_150 = tpu.memref_slice %arg11[%dma_wait3A_148, %dma_wait3A_149] : memref<640x32xf32, #tpu.memory_space<vmem>> -> memref<640x32xf32, #tpu.memory_space<vmem>>
      %dma_wait3A_151 = arith.constant 0 : i32
      %dma_wait3A_152 = tpu.memref_slice %arg3[%dma_wait3A_141, %mul3A_0, %dma_wait3A_151] : memref<2x10240x32xf32, #tpu.memory_space<hbm>> -> memref<1x640x32xf32, #tpu.memory_space<hbm>>
      %dma_wait3A_153 = tpu.memref_squeeze %dma_wait3A_152 : memref<1x640x32xf32, #tpu.memory_space<hbm>> -> memref<640x32xf32, #tpu.memory_space<hbm>>
      tpu.wait_dma2 semaphore(%arg22 : memref<!tpu.dma_semaphore, #tpu.memory_space<semaphore_mem>>) src(%dma_wait3A_153 : memref<640x32xf32, #tpu.memory_space<hbm>>) dst(%dma_wait3A_150 : memref<640x32xf32, #tpu.memory_space<vmem>>)
      %dma_wait3A_154 = arith.constant 1 : i32
      %dma_wait3A_155 = arith.constant 0 : i32
      %dma_wait3A_156 = arith.constant 0 : i32
      %dma_wait3A_157 = tpu.memref_slice %arg12[%dma_wait3A_155, %dma_wait3A_156] : memref<640x32xf32, #tpu.memory_space<vmem>> -> memref<640x32xf32, #tpu.memory_space<vmem>>
      %dma_wait3A_158 = arith.constant 0 : i32
      %dma_wait3A_159 = tpu.memref_slice %arg3[%dma_wait3A_154, %mul3A_0, %dma_wait3A_158] : memref<2x10240x32xf32, #tpu.memory_space<hbm>> -> memref<1x640x32xf32, #tpu.memory_space<hbm>>
      %dma_wait3A_160 = tpu.memref_squeeze %dma_wait3A_159 : memref<1x640x32xf32, #tpu.memory_space<hbm>> -> memref<640x32xf32, #tpu.memory_space<hbm>>
      %dma_wait3A_161 = arith.constant 0 : i32
      %dma_wait3A_162 = arith.constant 0 : i32
      %dma_wait3A_163 = tpu.memref_slice %arg12[%dma_wait3A_161, %dma_wait3A_162] : memref<640x32xf32, #tpu.memory_space<vmem>> -> memref<640x32xf32, #tpu.memory_space<vmem>>
      %dma_wait3A_164 = arith.constant 0 : i32
      %dma_wait3A_165 = tpu.memref_slice %arg3[%dma_wait3A_154, %mul3A_0, %dma_wait3A_164] : memref<2x10240x32xf32, #tpu.memory_space<hbm>> -> memref<1x640x32xf32, #tpu.memory_space<hbm>>
      %dma_wait3A_166 = tpu.memref_squeeze %dma_wait3A_165 : memref<1x640x32xf32, #tpu.memory_space<hbm>> -> memref<640x32xf32, #tpu.memory_space<hbm>>
      tpu.wait_dma2 semaphore(%arg22 : memref<!tpu.dma_semaphore, #tpu.memory_space<semaphore_mem>>) src(%dma_wait3A_166 : memref<640x32xf32, #tpu.memory_space<hbm>>) dst(%dma_wait3A_163 : memref<640x32xf32, #tpu.memory_space<vmem>>)
      %dma_wait3A_167 = arith.constant 0 : i32
      %dma_wait3A_168 = arith.constant 0 : i32
      %dma_wait3A_169 = tpu.memref_slice %arg13[%dma_wait3A_167, %dma_wait3A_168] : memref<640x32xf32, #tpu.memory_space<vmem>> -> memref<640x32xf32, #tpu.memory_space<vmem>>
      %dma_wait3A_170 = arith.constant 0 : i32
      %dma_wait3A_171 = tpu.memref_slice %arg4[%mul3A_0, %dma_wait3A_170] : memref<10000x32xf32, #tpu.memory_space<hbm>> -> memref<640x32xf32, #tpu.memory_space<hbm>>
      %dma_wait3A_172 = arith.constant 0 : i32
      %dma_wait3A_173 = arith.constant 0 : i32
      %dma_wait3A_174 = tpu.memref_slice %arg13[%dma_wait3A_172, %dma_wait3A_173] : memref<640x32xf32, #tpu.memory_space<vmem>> -> memref<640x32xf32, #tpu.memory_space<vmem>>
      %dma_wait3A_175 = arith.constant 0 : i32
      %dma_wait3A_176 = tpu.memref_slice %arg4[%mul3A_0, %dma_wait3A_175] : memref<10000x32xf32, #tpu.memory_space<hbm>> -> memref<640x32xf32, #tpu.memory_space<hbm>>
      tpu.wait_dma2 semaphore(%arg22 : memref<!tpu.dma_semaphore, #tpu.memory_space<semaphore_mem>>) src(%dma_wait3A_176 : memref<640x32xf32, #tpu.memory_space<hbm>>) dst(%dma_wait3A_174 : memref<640x32xf32, #tpu.memory_space<vmem>>)
      %dma_wait3A_177 = arith.constant 0 : i32
      %dma_wait3A_178 = arith.constant 0 : i32
      %dma_wait3A_179 = tpu.memref_slice %arg14[%dma_wait3A_177, %dma_wait3A_178] : memref<640x32xf32, #tpu.memory_space<vmem>> -> memref<640x32xf32, #tpu.memory_space<vmem>>
      %dma_wait3A_180 = arith.constant 0 : i32
      %dma_wait3A_181 = tpu.memref_slice %arg5[%mul3A_0, %dma_wait3A_180] : memref<10000x32xf32, #tpu.memory_space<hbm>> -> memref<640x32xf32, #tpu.memory_space<hbm>>
      %dma_wait3A_182 = arith.constant 0 : i32
      %dma_wait3A_183 = arith.constant 0 : i32
      %dma_wait3A_184 = tpu.memref_slice %arg14[%dma_wait3A_182, %dma_wait3A_183] : memref<640x32xf32, #tpu.memory_space<vmem>> -> memref<640x32xf32, #tpu.memory_space<vmem>>
      %dma_wait3A_185 = arith.constant 0 : i32
      %dma_wait3A_186 = tpu.memref_slice %arg5[%mul3A_0, %dma_wait3A_185] : memref<10000x32xf32, #tpu.memory_space<hbm>> -> memref<640x32xf32, #tpu.memory_space<hbm>>
      tpu.wait_dma2 semaphore(%arg22 : memref<!tpu.dma_semaphore, #tpu.memory_space<semaphore_mem>>) src(%dma_wait3A_186 : memref<640x32xf32, #tpu.memory_space<hbm>>) dst(%dma_wait3A_184 : memref<640x32xf32, #tpu.memory_space<vmem>>)
      %get3A = arith.constant 0 : index
      %get3A_187 = tpu.vector_load %arg17[%get3A] {strides = array<i32>} : memref<64xf32, #tpu.memory_space<vmem>>, vector<16xf32>,
      %get3A_188 = vector.shape_cast %get3A_187 : vector<16xf32> to vector<16xf32>
      %get3A_189 = arith.constant 16 : index
      %get3A_190 = tpu.vector_load %arg17[%get3A_189] {strides = array<i32>} : memref<64xf32, #tpu.memory_space<vmem>>, vector<16xf32>,
      %get3A_191 = vector.shape_cast %get3A_190 : vector<16xf32> to vector<16xf32>
      %get3A_192 = arith.constant 32 : index
      %get3A_193 = tpu.vector_load %arg17[%get3A_192] {strides = array<i32>} : memref<64xf32, #tpu.memory_space<vmem>>, vector<16xf32>,
      %get3A_194 = vector.shape_cast %get3A_193 : vector<16xf32> to vector<16xf32>
      %get3A_195 = arith.constant 48 : index
      %get3A_196 = tpu.vector_load %arg17[%get3A_195] {strides = array<i32>} : memref<64xf32, #tpu.memory_space<vmem>>, vector<16xf32>,
      %get3A_197 = vector.shape_cast %get3A_196 : vector<16xf32> to vector<16xf32>
      %scan3A_198 = arith.constant 0 : i32
      %scan3A_199 = arith.constant 0 : i32
      %scan3A_200 = arith.constant 640 : i32
      %scan3A_201 = arith.addi %scan3A_199, %scan3A_200 : i32
      %scan3A_202 = arith.constant 1 : i32
      scf.for %scan3A_636 = %scan3A_199 to %scan3A_201 step %scan3A_202  : i32 {
        %get3A_637 = arith.index_cast %scan3A_636 : i32 to index
        %get3A_638 = arith.constant 0 : index
        %get3A_639 = tpu.vector_load %arg13[%get3A_637, %get3A_638] {strides = array<i32>} : memref<640x32xf32, #tpu.memory_space<vmem>>, vector<1x16xf32>,
        %get3A_640 = vector.shape_cast %get3A_639 : vector<1x16xf32> to vector<16xf32>
        %get3A_641 = arith.index_cast %scan3A_636 : i32 to index
        %get3A_642 = arith.constant 0 : index
        %get3A_643 = tpu.vector_load %arg9[%get3A_641, %get3A_642] {strides = array<i32>} : memref<640x32xf32, #tpu.memory_space<vmem>>, vector<1x16xf32>,
        %get3A_644 = vector.shape_cast %get3A_643 : vector<1x16xf32> to vector<16xf32>
        %add3A_645 = arith.addf %get3A_640, %get3A_644 : vector<16xf32>
        %get3A_646 = arith.index_cast %scan3A_636 : i32 to index
        %get3A_647 = arith.constant 0 : index
        %get3A_648 = tpu.vector_load %arg10[%get3A_646, %get3A_647] {strides = array<i32>} : memref<640x32xf32, #tpu.memory_space<vmem>>, vector<1x16xf32>,
        %get3A_649 = vector.shape_cast %get3A_648 : vector<1x16xf32> to vector<16xf32>
        %add3A_650 = arith.addf %add3A_645, %get3A_649 : vector<16xf32>
        %add3A_651 = arith.addf %add3A_650, %get3A_188 : vector<16xf32>
        %get3A_652 = arith.index_cast %scan3A_636 : i32 to index
        %get3A_653 = arith.constant 16 : index
        %get3A_654 = tpu.vector_load %arg13[%get3A_652, %get3A_653] {strides = array<i32>} : memref<640x32xf32, #tpu.memory_space<vmem>>, vector<1x16xf32>,
        %get3A_655 = vector.shape_cast %get3A_654 : vector<1x16xf32> to vector<16xf32>
        %get3A_656 = arith.index_cast %scan3A_636 : i32 to index
        %get3A_657 = arith.constant 16 : index
        %get3A_658 = tpu.vector_load %arg9[%get3A_656, %get3A_657] {strides = array<i32>} : memref<640x32xf32, #tpu.memory_space<vmem>>, vector<1x16xf32>,
        %get3A_659 = vector.shape_cast %get3A_658 : vector<1x16xf32> to vector<16xf32>
        %add3A_660 = arith.addf %get3A_655, %get3A_659 : vector<16xf32>
        %get3A_661 = arith.index_cast %scan3A_636 : i32 to index
        %get3A_662 = arith.constant 16 : index
        %get3A_663 = tpu.vector_load %arg10[%get3A_661, %get3A_662] {strides = array<i32>} : memref<640x32xf32, #tpu.memory_space<vmem>>, vector<1x16xf32>,
        %get3A_664 = vector.shape_cast %get3A_663 : vector<1x16xf32> to vector<16xf32>
        %add3A_665 = arith.addf %add3A_660, %get3A_664 : vector<16xf32>
        %add3A_666 = arith.addf %add3A_665, %get3A_191 : vector<16xf32>
        %max3A = arith.constant 0.000000e+00 : f32
        %max3A_667 = vector.broadcast %max3A : f32 to vector<16xf32>
        %max3A_668 = arith.maximumf %add3A_651, %max3A_667 : vector<16xf32>
        %swap3A = arith.index_cast %scan3A_636 : i32 to index
        %swap3A_669 = arith.constant 0 : index
        %swap3A_670 = tpu.vector_load %arg13[%swap3A, %swap3A_669] {strides = array<i32>} : memref<640x32xf32, #tpu.memory_space<vmem>>, vector<1x16xf32>,
        %swap3A_671 = vector.shape_cast %swap3A_670 : vector<1x16xf32> to vector<16xf32>
        %swap3A_672 = vector.shape_cast %max3A_668 : vector<16xf32> to vector<1x16xf32>
        tpu.vector_store %arg13[%swap3A, %swap3A_669], %swap3A_672 {strides = array<i32>} : memref<640x32xf32, #tpu.memory_space<vmem>>, vector<1x16xf32>,
        %max3A_673 = arith.constant 0.000000e+00 : f32
        %max3A_674 = vector.broadcast %max3A_673 : f32 to vector<16xf32>
        %max3A_675 = arith.maximumf %add3A_666, %max3A_674 : vector<16xf32>
        %swap3A_676 = arith.index_cast %scan3A_636 : i32 to index
        %swap3A_677 = arith.constant 16 : index
        %swap3A_678 = tpu.vector_load %arg13[%swap3A_676, %swap3A_677] {strides = array<i32>} : memref<640x32xf32, #tpu.memory_space<vmem>>, vector<1x16xf32>,
        %swap3A_679 = vector.shape_cast %swap3A_678 : vector<1x16xf32> to vector<16xf32>
        %swap3A_680 = vector.shape_cast %max3A_675 : vector<16xf32> to vector<1x16xf32>
        tpu.vector_store %arg13[%swap3A_676, %swap3A_677], %swap3A_680 {strides = array<i32>} : memref<640x32xf32, #tpu.memory_space<vmem>>, vector<1x16xf32>,
        %get3A_681 = arith.index_cast %scan3A_636 : i32 to index
        %get3A_682 = arith.constant 0 : index
        %get3A_683 = tpu.vector_load %arg14[%get3A_681, %get3A_682] {strides = array<i32>} : memref<640x32xf32, #tpu.memory_space<vmem>>, vector<1x16xf32>,
        %get3A_684 = vector.shape_cast %get3A_683 : vector<1x16xf32> to vector<16xf32>
        %get3A_685 = arith.index_cast %scan3A_636 : i32 to index
        %get3A_686 = arith.constant 0 : index
        %get3A_687 = tpu.vector_load %arg11[%get3A_685, %get3A_686] {strides = array<i32>} : memref<640x32xf32, #tpu.memory_space<vmem>>, vector<1x16xf32>,
        %get3A_688 = vector.shape_cast %get3A_687 : vector<1x16xf32> to vector<16xf32>
        %add3A_689 = arith.addf %get3A_684, %get3A_688 : vector<16xf32>
        %get3A_690 = arith.index_cast %scan3A_636 : i32 to index
        %get3A_691 = arith.constant 0 : index
        %get3A_692 = tpu.vector_load %arg12[%get3A_690, %get3A_691] {strides = array<i32>} : memref<640x32xf32, #tpu.memory_space<vmem>>, vector<1x16xf32>,
        %get3A_693 = vector.shape_cast %get3A_692 : vector<1x16xf32> to vector<16xf32>
        %add3A_694 = arith.addf %add3A_689, %get3A_693 : vector<16xf32>
        %add3A_695 = arith.addf %add3A_694, %get3A_194 : vector<16xf32>
        %get3A_696 = arith.index_cast %scan3A_636 : i32 to index
        %get3A_697 = arith.constant 16 : index
        %get3A_698 = tpu.vector_load %arg14[%get3A_696, %get3A_697] {strides = array<i32>} : memref<640x32xf32, #tpu.memory_space<vmem>>, vector<1x16xf32>,
        %get3A_699 = vector.shape_cast %get3A_698 : vector<1x16xf32> to vector<16xf32>
        %get3A_700 = arith.index_cast %scan3A_636 : i32 to index
        %get3A_701 = arith.constant 16 : index
        %get3A_702 = tpu.vector_load %arg11[%get3A_700, %get3A_701] {strides = array<i32>} : memref<640x32xf32, #tpu.memory_space<vmem>>, vector<1x16xf32>,
        %get3A_703 = vector.shape_cast %get3A_702 : vector<1x16xf32> to vector<16xf32>
        %add3A_704 = arith.addf %get3A_699, %get3A_703 : vector<16xf32>
        %get3A_705 = arith.index_cast %scan3A_636 : i32 to index
        %get3A_706 = arith.constant 16 : index
        %get3A_707 = tpu.vector_load %arg12[%get3A_705, %get3A_706] {strides = array<i32>} : memref<640x32xf32, #tpu.memory_space<vmem>>, vector<1x16xf32>,
        %get3A_708 = vector.shape_cast %get3A_707 : vector<1x16xf32> to vector<16xf32>
        %add3A_709 = arith.addf %add3A_704, %get3A_708 : vector<16xf32>
        %add3A_710 = arith.addf %add3A_709, %get3A_197 : vector<16xf32>
        %max3A_711 = arith.constant 0.000000e+00 : f32
        %max3A_712 = vector.broadcast %max3A_711 : f32 to vector<16xf32>
        %max3A_713 = arith.maximumf %add3A_695, %max3A_712 : vector<16xf32>
        %swap3A_714 = arith.index_cast %scan3A_636 : i32 to index
        %swap3A_715 = arith.constant 0 : index
        %swap3A_716 = tpu.vector_load %arg14[%swap3A_714, %swap3A_715] {strides = array<i32>} : memref<640x32xf32, #tpu.memory_space<vmem>>, vector<1x16xf32>,
        %swap3A_717 = vector.shape_cast %swap3A_716 : vector<1x16xf32> to vector<16xf32>
        %swap3A_718 = vector.shape_cast %max3A_713 : vector<16xf32> to vector<1x16xf32>
        tpu.vector_store %arg14[%swap3A_714, %swap3A_715], %swap3A_718 {strides = array<i32>} : memref<640x32xf32, #tpu.memory_space<vmem>>, vector<1x16xf32>,
        %max3A_719 = arith.constant 0.000000e+00 : f32
        %max3A_720 = vector.broadcast %max3A_719 : f32 to vector<16xf32>
        %max3A_721 = arith.maximumf %add3A_710, %max3A_720 : vector<16xf32>
        %swap3A_722 = arith.index_cast %scan3A_636 : i32 to index
        %swap3A_723 = arith.constant 16 : index
        %swap3A_724 = tpu.vector_load %arg14[%swap3A_722, %swap3A_723] {strides = array<i32>} : memref<640x32xf32, #tpu.memory_space<vmem>>, vector<1x16xf32>,
        %swap3A_725 = vector.shape_cast %swap3A_724 : vector<1x16xf32> to vector<16xf32>
        %swap3A_726 = vector.shape_cast %max3A_721 : vector<16xf32> to vector<1x16xf32>
        tpu.vector_store %arg14[%swap3A_722, %swap3A_723], %swap3A_726 {strides = array<i32>} : memref<640x32xf32, #tpu.memory_space<vmem>>, vector<1x16xf32>,
      }
      %scan3A_203 = arith.constant 640 : i32
      %dma_start3A_204 = arith.constant 0 : i32
      %dma_start3A_205 = arith.constant 0 : i32
      %dma_start3A_206 = arith.constant 0 : i32
      %dma_start3A_207 = tpu.memref_slice %arg13[%dma_start3A_205, %dma_start3A_206] : memref<640x32xf32, #tpu.memory_space<vmem>> -> memref<80x32xf32, #tpu.memory_space<vmem>>
      %dma_start3A_208 = arith.constant 0 : i32
      %dma_start3A_209 = tpu.memref_slice %arg15[%dma_start3A_204, %dma_start3A_208] : memref<8x80xi32, #tpu.memory_space<vmem>> -> memref<1x80xi32, #tpu.memory_space<vmem>>
      %dma_start3A_210 = tpu.memref_squeeze %dma_start3A_209 : memref<1x80xi32, #tpu.memory_space<vmem>> -> memref<80xi32, #tpu.memory_space<vmem>>
      %dma_start3A_211 = arith.constant 0 : i32
      %dma_start3A_212 = arith.constant 0 : i32
      %dma_start3A_213 = tpu.memref_slice %arg19[%dma_start3A_211, %dma_start3A_212] : memref<64x32xf32, #tpu.memory_space<vmem_shared>> -> memref<64x32xf32, #tpu.memory_space<vmem_shared>>
      tpu.enqueue_indirect_dma source(%dma_start3A_207 : memref<80x32xf32, #tpu.memory_space<vmem>>) target(%dma_start3A_213 : memref<64x32xf32, #tpu.memory_space<vmem_shared>>) offsets(%dma_start3A_210 : memref<80xi32, #tpu.memory_space<vmem>>) semaphore(%arg23 : memref<!tpu.dma_semaphore, #tpu.memory_space<semaphore_mem>>) {add = true}
      %dma_start3A_214 = arith.constant 0 : i32
      %dma_start3A_215 = arith.constant 0 : i32
      %dma_start3A_216 = arith.constant 0 : i32
      %dma_start3A_217 = tpu.memref_slice %arg14[%dma_start3A_215, %dma_start3A_216] : memref<640x32xf32, #tpu.memory_space<vmem>> -> memref<80x32xf32, #tpu.memory_space<vmem>>
      %dma_start3A_218 = arith.constant 0 : i32
      %dma_start3A_219 = tpu.memref_slice %arg15[%dma_start3A_214, %dma_start3A_218] : memref<8x80xi32, #tpu.memory_space<vmem>> -> memref<1x80xi32, #tpu.memory_space<vmem>>
      %dma_start3A_220 = tpu.memref_squeeze %dma_start3A_219 : memref<1x80xi32, #tpu.memory_space<vmem>> -> memref<80xi32, #tpu.memory_space<vmem>>
      %dma_start3A_221 = arith.constant 0 : i32
      %dma_start3A_222 = arith.constant 0 : i32
      %dma_start3A_223 = tpu.memref_slice %arg20[%dma_start3A_221, %dma_start3A_222] : memref<64x32xf32, #tpu.memory_space<vmem_shared>> -> memref<64x32xf32, #tpu.memory_space<vmem_shared>>
      tpu.enqueue_indirect_dma source(%dma_start3A_217 : memref<80x32xf32, #tpu.memory_space<vmem>>) target(%dma_start3A_223 : memref<64x32xf32, #tpu.memory_space<vmem_shared>>) offsets(%dma_start3A_220 : memref<80xi32, #tpu.memory_space<vmem>>) semaphore(%arg23 : memref<!tpu.dma_semaphore, #tpu.memory_space<semaphore_mem>>) {add = true}
      %dma_start3A_224 = arith.constant 0 : i32
      %dma_start3A_225 = arith.constant 0 : i32
      %dma_start3A_226 = tpu.memref_slice %arg15[%dma_start3A_224, %dma_start3A_225] : memref<8x80xi32, #tpu.memory_space<vmem>> -> memref<1x80xi32, #tpu.memory_space<vmem>>
      %dma_start3A_227 = tpu.memref_squeeze %dma_start3A_226 : memref<1x80xi32, #tpu.memory_space<vmem>> -> memref<80xi32, #tpu.memory_space<vmem>>
      %dma_start3A_228 = arith.constant 0 : i32
      %dma_start3A_229 = arith.constant 0 : i32
      %dma_start3A_230 = tpu.memref_slice %arg21[%dma_start3A_228, %dma_start3A_229] : memref<64x32xf32, #tpu.memory_space<vmem_shared>> -> memref<64x32xf32, #tpu.memory_space<vmem_shared>>
      tpu.enqueue_indirect_dma source(%arg16 : memref<80x32xf32, #tpu.memory_space<vmem>>) target(%dma_start3A_230 : memref<64x32xf32, #tpu.memory_space<vmem_shared>>) offsets(%dma_start3A_227 : memref<80xi32, #tpu.memory_space<vmem>>) semaphore(%arg23 : memref<!tpu.dma_semaphore, #tpu.memory_space<semaphore_mem>>) {add = true}
      %dma_start3A_231 = arith.constant 1 : i32
      %dma_start3A_232 = arith.constant 80 : i32
      %dma_start3A_233 = arith.constant 0 : i32
      %dma_start3A_234 = tpu.memref_slice %arg13[%dma_start3A_232, %dma_start3A_233] : memref<640x32xf32, #tpu.memory_space<vmem>> -> memref<80x32xf32, #tpu.memory_space<vmem>>
      %dma_start3A_235 = arith.constant 0 : i32
      %dma_start3A_236 = tpu.memref_slice %arg15[%dma_start3A_231, %dma_start3A_235] : memref<8x80xi32, #tpu.memory_space<vmem>> -> memref<1x80xi32, #tpu.memory_space<vmem>>
      %dma_start3A_237 = tpu.memref_squeeze %dma_start3A_236 : memref<1x80xi32, #tpu.memory_space<vmem>> -> memref<80xi32, #tpu.memory_space<vmem>>
      %dma_start3A_238 = arith.constant 0 : i32
      %dma_start3A_239 = arith.constant 0 : i32
      %dma_start3A_240 = tpu.memref_slice %arg19[%dma_start3A_238, %dma_start3A_239] : memref<64x32xf32, #tpu.memory_space<vmem_shared>> -> memref<64x32xf32, #tpu.memory_space<vmem_shared>>
      tpu.enqueue_indirect_dma source(%dma_start3A_234 : memref<80x32xf32, #tpu.memory_space<vmem>>) target(%dma_start3A_240 : memref<64x32xf32, #tpu.memory_space<vmem_shared>>) offsets(%dma_start3A_237 : memref<80xi32, #tpu.memory_space<vmem>>) semaphore(%arg23 : memref<!tpu.dma_semaphore, #tpu.memory_space<semaphore_mem>>) {add = true}
      %dma_start3A_241 = arith.constant 1 : i32
      %dma_start3A_242 = arith.constant 80 : i32
      %dma_start3A_243 = arith.constant 0 : i32
      %dma_start3A_244 = tpu.memref_slice %arg14[%dma_start3A_242, %dma_start3A_243] : memref<640x32xf32, #tpu.memory_space<vmem>> -> memref<80x32xf32, #tpu.memory_space<vmem>>
      %dma_start3A_245 = arith.constant 0 : i32
      %dma_start3A_246 = tpu.memref_slice %arg15[%dma_start3A_241, %dma_start3A_245] : memref<8x80xi32, #tpu.memory_space<vmem>> -> memref<1x80xi32, #tpu.memory_space<vmem>>
      %dma_start3A_247 = tpu.memref_squeeze %dma_start3A_246 : memref<1x80xi32, #tpu.memory_space<vmem>> -> memref<80xi32, #tpu.memory_space<vmem>>
      %dma_start3A_248 = arith.constant 0 : i32
      %dma_start3A_249 = arith.constant 0 : i32
      %dma_start3A_250 = tpu.memref_slice %arg20[%dma_start3A_248, %dma_start3A_249] : memref<64x32xf32, #tpu.memory_space<vmem_shared>> -> memref<64x32xf32, #tpu.memory_space<vmem_shared>>
      tpu.enqueue_indirect_dma source(%dma_start3A_244 : memref<80x32xf32, #tpu.memory_space<vmem>>) target(%dma_start3A_250 : memref<64x32xf32, #tpu.memory_space<vmem_shared>>) offsets(%dma_start3A_247 : memref<80xi32, #tpu.memory_space<vmem>>) semaphore(%arg23 : memref<!tpu.dma_semaphore, #tpu.memory_space<semaphore_mem>>) {add = true}
      %dma_start3A_251 = arith.constant 1 : i32
      %dma_start3A_252 = arith.constant 0 : i32
      %dma_start3A_253 = tpu.memref_slice %arg15[%dma_start3A_251, %dma_start3A_252] : memref<8x80xi32, #tpu.memory_space<vmem>> -> memref<1x80xi32, #tpu.memory_space<vmem>>
      %dma_start3A_254 = tpu.memref_squeeze %dma_start3A_253 : memref<1x80xi32, #tpu.memory_space<vmem>> -> memref<80xi32, #tpu.memory_space<vmem>>
      %dma_start3A_255 = arith.constant 0 : i32
      %dma_start3A_256 = arith.constant 0 : i32
      %dma_start3A_257 = tpu.memref_slice %arg21[%dma_start3A_255, %dma_start3A_256] : memref<64x32xf32, #tpu.memory_space<vmem_shared>> -> memref<64x32xf32, #tpu.memory_space<vmem_shared>>
      tpu.enqueue_indirect_dma source(%arg16 : memref<80x32xf32, #tpu.memory_space<vmem>>) target(%dma_start3A_257 : memref<64x32xf32, #tpu.memory_space<vmem_shared>>) offsets(%dma_start3A_254 : memref<80xi32, #tpu.memory_space<vmem>>) semaphore(%arg23 : memref<!tpu.dma_semaphore, #tpu.memory_space<semaphore_mem>>) {add = true}
      %dma_start3A_258 = arith.constant 2 : i32
      %dma_start3A_259 = arith.constant 160 : i32
      %dma_start3A_260 = arith.constant 0 : i32
      %dma_start3A_261 = tpu.memref_slice %arg13[%dma_start3A_259, %dma_start3A_260] : memref<640x32xf32, #tpu.memory_space<vmem>> -> memref<80x32xf32, #tpu.memory_space<vmem>>
      %dma_start3A_262 = arith.constant 0 : i32
      %dma_start3A_263 = tpu.memref_slice %arg15[%dma_start3A_258, %dma_start3A_262] : memref<8x80xi32, #tpu.memory_space<vmem>> -> memref<1x80xi32, #tpu.memory_space<vmem>>
      %dma_start3A_264 = tpu.memref_squeeze %dma_start3A_263 : memref<1x80xi32, #tpu.memory_space<vmem>> -> memref<80xi32, #tpu.memory_space<vmem>>
      %dma_start3A_265 = arith.constant 0 : i32
      %dma_start3A_266 = arith.constant 0 : i32
      %dma_start3A_267 = tpu.memref_slice %arg19[%dma_start3A_265, %dma_start3A_266] : memref<64x32xf32, #tpu.memory_space<vmem_shared>> -> memref<64x32xf32, #tpu.memory_space<vmem_shared>>
      tpu.enqueue_indirect_dma source(%dma_start3A_261 : memref<80x32xf32, #tpu.memory_space<vmem>>) target(%dma_start3A_267 : memref<64x32xf32, #tpu.memory_space<vmem_shared>>) offsets(%dma_start3A_264 : memref<80xi32, #tpu.memory_space<vmem>>) semaphore(%arg23 : memref<!tpu.dma_semaphore, #tpu.memory_space<semaphore_mem>>) {add = true}
      %dma_start3A_268 = arith.constant 2 : i32
      %dma_start3A_269 = arith.constant 160 : i32
      %dma_start3A_270 = arith.constant 0 : i32
      %dma_start3A_271 = tpu.memref_slice %arg14[%dma_start3A_269, %dma_start3A_270] : memref<640x32xf32, #tpu.memory_space<vmem>> -> memref<80x32xf32, #tpu.memory_space<vmem>>
      %dma_start3A_272 = arith.constant 0 : i32
      %dma_start3A_273 = tpu.memref_slice %arg15[%dma_start3A_268, %dma_start3A_272] : memref<8x80xi32, #tpu.memory_space<vmem>> -> memref<1x80xi32, #tpu.memory_space<vmem>>
      %dma_start3A_274 = tpu.memref_squeeze %dma_start3A_273 : memref<1x80xi32, #tpu.memory_space<vmem>> -> memref<80xi32, #tpu.memory_space<vmem>>
      %dma_start3A_275 = arith.constant 0 : i32
      %dma_start3A_276 = arith.constant 0 : i32
      %dma_start3A_277 = tpu.memref_slice %arg20[%dma_start3A_275, %dma_start3A_276] : memref<64x32xf32, #tpu.memory_space<vmem_shared>> -> memref<64x32xf32, #tpu.memory_space<vmem_shared>>
      tpu.enqueue_indirect_dma source(%dma_start3A_271 : memref<80x32xf32, #tpu.memory_space<vmem>>) target(%dma_start3A_277 : memref<64x32xf32, #tpu.memory_space<vmem_shared>>) offsets(%dma_start3A_274 : memref<80xi32, #tpu.memory_space<vmem>>) semaphore(%arg23 : memref<!tpu.dma_semaphore, #tpu.memory_space<semaphore_mem>>) {add = true}
      %dma_start3A_278 = arith.constant 2 : i32
      %dma_start3A_279 = arith.constant 0 : i32
      %dma_start3A_280 = tpu.memref_slice %arg15[%dma_start3A_278, %dma_start3A_279] : memref<8x80xi32, #tpu.memory_space<vmem>> -> memref<1x80xi32, #tpu.memory_space<vmem>>
      %dma_start3A_281 = tpu.memref_squeeze %dma_start3A_280 : memref<1x80xi32, #tpu.memory_space<vmem>> -> memref<80xi32, #tpu.memory_space<vmem>>
      %dma_start3A_282 = arith.constant 0 : i32
      %dma_start3A_283 = arith.constant 0 : i32
      %dma_start3A_284 = tpu.memref_slice %arg21[%dma_start3A_282, %dma_start3A_283] : memref<64x32xf32, #tpu.memory_space<vmem_shared>> -> memref<64x32xf32, #tpu.memory_space<vmem_shared>>
      tpu.enqueue_indirect_dma source(%arg16 : memref<80x32xf32, #tpu.memory_space<vmem>>) target(%dma_start3A_284 : memref<64x32xf32, #tpu.memory_space<vmem_shared>>) offsets(%dma_start3A_281 : memref<80xi32, #tpu.memory_space<vmem>>) semaphore(%arg23 : memref<!tpu.dma_semaphore, #tpu.memory_space<semaphore_mem>>) {add = true}
      %dma_start3A_285 = arith.constant 3 : i32
      %dma_start3A_286 = arith.constant 240 : i32
      %dma_start3A_287 = arith.constant 0 : i32
      %dma_start3A_288 = tpu.memref_slice %arg13[%dma_start3A_286, %dma_start3A_287] : memref<640x32xf32, #tpu.memory_space<vmem>> -> memref<80x32xf32, #tpu.memory_space<vmem>>
      %dma_start3A_289 = arith.constant 0 : i32
      %dma_start3A_290 = tpu.memref_slice %arg15[%dma_start3A_285, %dma_start3A_289] : memref<8x80xi32, #tpu.memory_space<vmem>> -> memref<1x80xi32, #tpu.memory_space<vmem>>
      %dma_start3A_291 = tpu.memref_squeeze %dma_start3A_290 : memref<1x80xi32, #tpu.memory_space<vmem>> -> memref<80xi32, #tpu.memory_space<vmem>>
      %dma_start3A_292 = arith.constant 0 : i32
      %dma_start3A_293 = arith.constant 0 : i32
      %dma_start3A_294 = tpu.memref_slice %arg19[%dma_start3A_292, %dma_start3A_293] : memref<64x32xf32, #tpu.memory_space<vmem_shared>> -> memref<64x32xf32, #tpu.memory_space<vmem_shared>>
      tpu.enqueue_indirect_dma source(%dma_start3A_288 : memref<80x32xf32, #tpu.memory_space<vmem>>) target(%dma_start3A_294 : memref<64x32xf32, #tpu.memory_space<vmem_shared>>) offsets(%dma_start3A_291 : memref<80xi32, #tpu.memory_space<vmem>>) semaphore(%arg23 : memref<!tpu.dma_semaphore, #tpu.memory_space<semaphore_mem>>) {add = true}
      %dma_start3A_295 = arith.constant 3 : i32
      %dma_start3A_296 = arith.constant 240 : i32
      %dma_start3A_297 = arith.constant 0 : i32
      %dma_start3A_298 = tpu.memref_slice %arg14[%dma_start3A_296, %dma_start3A_297] : memref<640x32xf32, #tpu.memory_space<vmem>> -> memref<80x32xf32, #tpu.memory_space<vmem>>
      %dma_start3A_299 = arith.constant 0 : i32
      %dma_start3A_300 = tpu.memref_slice %arg15[%dma_start3A_295, %dma_start3A_299] : memref<8x80xi32, #tpu.memory_space<vmem>> -> memref<1x80xi32, #tpu.memory_space<vmem>>
      %dma_start3A_301 = tpu.memref_squeeze %dma_start3A_300 : memref<1x80xi32, #tpu.memory_space<vmem>> -> memref<80xi32, #tpu.memory_space<vmem>>
      %dma_start3A_302 = arith.constant 0 : i32
      %dma_start3A_303 = arith.constant 0 : i32
      %dma_start3A_304 = tpu.memref_slice %arg20[%dma_start3A_302, %dma_start3A_303] : memref<64x32xf32, #tpu.memory_space<vmem_shared>> -> memref<64x32xf32, #tpu.memory_space<vmem_shared>>
      tpu.enqueue_indirect_dma source(%dma_start3A_298 : memref<80x32xf32, #tpu.memory_space<vmem>>) target(%dma_start3A_304 : memref<64x32xf32, #tpu.memory_space<vmem_shared>>) offsets(%dma_start3A_301 : memref<80xi32, #tpu.memory_space<vmem>>) semaphore(%arg23 : memref<!tpu.dma_semaphore, #tpu.memory_space<semaphore_mem>>) {add = true}
      %dma_start3A_305 = arith.constant 3 : i32
      %dma_start3A_306 = arith.constant 0 : i32
      %dma_start3A_307 = tpu.memref_slice %arg15[%dma_start3A_305, %dma_start3A_306] : memref<8x80xi32, #tpu.memory_space<vmem>> -> memref<1x80xi32, #tpu.memory_space<vmem>>
      %dma_start3A_308 = tpu.memref_squeeze %dma_start3A_307 : memref<1x80xi32, #tpu.memory_space<vmem>> -> memref<80xi32, #tpu.memory_space<vmem>>
      %dma_start3A_309 = arith.constant 0 : i32
      %dma_start3A_310 = arith.constant 0 : i32
      %dma_start3A_311 = tpu.memref_slice %arg21[%dma_start3A_309, %dma_start3A_310] : memref<64x32xf32, #tpu.memory_space<vmem_shared>> -> memref<64x32xf32, #tpu.memory_space<vmem_shared>>
      tpu.enqueue_indirect_dma source(%arg16 : memref<80x32xf32, #tpu.memory_space<vmem>>) target(%dma_start3A_311 : memref<64x32xf32, #tpu.memory_space<vmem_shared>>) offsets(%dma_start3A_308 : memref<80xi32, #tpu.memory_space<vmem>>) semaphore(%arg23 : memref<!tpu.dma_semaphore, #tpu.memory_space<semaphore_mem>>) {add = true}
      %dma_start3A_312 = arith.constant 4 : i32
      %dma_start3A_313 = arith.constant 320 : i32
      %dma_start3A_314 = arith.constant 0 : i32
      %dma_start3A_315 = tpu.memref_slice %arg13[%dma_start3A_313, %dma_start3A_314] : memref<640x32xf32, #tpu.memory_space<vmem>> -> memref<80x32xf32, #tpu.memory_space<vmem>>
      %dma_start3A_316 = arith.constant 0 : i32
      %dma_start3A_317 = tpu.memref_slice %arg15[%dma_start3A_312, %dma_start3A_316] : memref<8x80xi32, #tpu.memory_space<vmem>> -> memref<1x80xi32, #tpu.memory_space<vmem>>
      %dma_start3A_318 = tpu.memref_squeeze %dma_start3A_317 : memref<1x80xi32, #tpu.memory_space<vmem>> -> memref<80xi32, #tpu.memory_space<vmem>>
      %dma_start3A_319 = arith.constant 0 : i32
      %dma_start3A_320 = arith.constant 0 : i32
      %dma_start3A_321 = tpu.memref_slice %arg19[%dma_start3A_319, %dma_start3A_320] : memref<64x32xf32, #tpu.memory_space<vmem_shared>> -> memref<64x32xf32, #tpu.memory_space<vmem_shared>>
      tpu.enqueue_indirect_dma source(%dma_start3A_315 : memref<80x32xf32, #tpu.memory_space<vmem>>) target(%dma_start3A_321 : memref<64x32xf32, #tpu.memory_space<vmem_shared>>) offsets(%dma_start3A_318 : memref<80xi32, #tpu.memory_space<vmem>>) semaphore(%arg23 : memref<!tpu.dma_semaphore, #tpu.memory_space<semaphore_mem>>) {add = true}
      %dma_start3A_322 = arith.constant 4 : i32
      %dma_start3A_323 = arith.constant 320 : i32
      %dma_start3A_324 = arith.constant 0 : i32
      %dma_start3A_325 = tpu.memref_slice %arg14[%dma_start3A_323, %dma_start3A_324] : memref<640x32xf32, #tpu.memory_space<vmem>> -> memref<80x32xf32, #tpu.memory_space<vmem>>
      %dma_start3A_326 = arith.constant 0 : i32
      %dma_start3A_327 = tpu.memref_slice %arg15[%dma_start3A_322, %dma_start3A_326] : memref<8x80xi32, #tpu.memory_space<vmem>> -> memref<1x80xi32, #tpu.memory_space<vmem>>
      %dma_start3A_328 = tpu.memref_squeeze %dma_start3A_327 : memref<1x80xi32, #tpu.memory_space<vmem>> -> memref<80xi32, #tpu.memory_space<vmem>>
      %dma_start3A_329 = arith.constant 0 : i32
      %dma_start3A_330 = arith.constant 0 : i32
      %dma_start3A_331 = tpu.memref_slice %arg20[%dma_start3A_329, %dma_start3A_330] : memref<64x32xf32, #tpu.memory_space<vmem_shared>> -> memref<64x32xf32, #tpu.memory_space<vmem_shared>>
      tpu.enqueue_indirect_dma source(%dma_start3A_325 : memref<80x32xf32, #tpu.memory_space<vmem>>) target(%dma_start3A_331 : memref<64x32xf32, #tpu.memory_space<vmem_shared>>) offsets(%dma_start3A_328 : memref<80xi32, #tpu.memory_space<vmem>>) semaphore(%arg23 : memref<!tpu.dma_semaphore, #tpu.memory_space<semaphore_mem>>) {add = true}
      %dma_start3A_332 = arith.constant 4 : i32
      %dma_start3A_333 = arith.constant 0 : i32
      %dma_start3A_334 = tpu.memref_slice %arg15[%dma_start3A_332, %dma_start3A_333] : memref<8x80xi32, #tpu.memory_space<vmem>> -> memref<1x80xi32, #tpu.memory_space<vmem>>
      %dma_start3A_335 = tpu.memref_squeeze %dma_start3A_334 : memref<1x80xi32, #tpu.memory_space<vmem>> -> memref<80xi32, #tpu.memory_space<vmem>>
      %dma_start3A_336 = arith.constant 0 : i32
      %dma_start3A_337 = arith.constant 0 : i32
      %dma_start3A_338 = tpu.memref_slice %arg21[%dma_start3A_336, %dma_start3A_337] : memref<64x32xf32, #tpu.memory_space<vmem_shared>> -> memref<64x32xf32, #tpu.memory_space<vmem_shared>>
      tpu.enqueue_indirect_dma source(%arg16 : memref<80x32xf32, #tpu.memory_space<vmem>>) target(%dma_start3A_338 : memref<64x32xf32, #tpu.memory_space<vmem_shared>>) offsets(%dma_start3A_335 : memref<80xi32, #tpu.memory_space<vmem>>) semaphore(%arg23 : memref<!tpu.dma_semaphore, #tpu.memory_space<semaphore_mem>>) {add = true}
      %dma_start3A_339 = arith.constant 5 : i32
      %dma_start3A_340 = arith.constant 400 : i32
      %dma_start3A_341 = arith.constant 0 : i32
      %dma_start3A_342 = tpu.memref_slice %arg13[%dma_start3A_340, %dma_start3A_341] : memref<640x32xf32, #tpu.memory_space<vmem>> -> memref<80x32xf32, #tpu.memory_space<vmem>>
      %dma_start3A_343 = arith.constant 0 : i32
      %dma_start3A_344 = tpu.memref_slice %arg15[%dma_start3A_339, %dma_start3A_343] : memref<8x80xi32, #tpu.memory_space<vmem>> -> memref<1x80xi32, #tpu.memory_space<vmem>>
      %dma_start3A_345 = tpu.memref_squeeze %dma_start3A_344 : memref<1x80xi32, #tpu.memory_space<vmem>> -> memref<80xi32, #tpu.memory_space<vmem>>
      %dma_start3A_346 = arith.constant 0 : i32
      %dma_start3A_347 = arith.constant 0 : i32
      %dma_start3A_348 = tpu.memref_slice %arg19[%dma_start3A_346, %dma_start3A_347] : memref<64x32xf32, #tpu.memory_space<vmem_shared>> -> memref<64x32xf32, #tpu.memory_space<vmem_shared>>
      tpu.enqueue_indirect_dma source(%dma_start3A_342 : memref<80x32xf32, #tpu.memory_space<vmem>>) target(%dma_start3A_348 : memref<64x32xf32, #tpu.memory_space<vmem_shared>>) offsets(%dma_start3A_345 : memref<80xi32, #tpu.memory_space<vmem>>) semaphore(%arg23 : memref<!tpu.dma_semaphore, #tpu.memory_space<semaphore_mem>>) {add = true}
      %dma_start3A_349 = arith.constant 5 : i32
      %dma_start3A_350 = arith.constant 400 : i32
      %dma_start3A_351 = arith.constant 0 : i32
      %dma_start3A_352 = tpu.memref_slice %arg14[%dma_start3A_350, %dma_start3A_351] : memref<640x32xf32, #tpu.memory_space<vmem>> -> memref<80x32xf32, #tpu.memory_space<vmem>>
      %dma_start3A_353 = arith.constant 0 : i32
      %dma_start3A_354 = tpu.memref_slice %arg15[%dma_start3A_349, %dma_start3A_353] : memref<8x80xi32, #tpu.memory_space<vmem>> -> memref<1x80xi32, #tpu.memory_space<vmem>>
      %dma_start3A_355 = tpu.memref_squeeze %dma_start3A_354 : memref<1x80xi32, #tpu.memory_space<vmem>> -> memref<80xi32, #tpu.memory_space<vmem>>
      %dma_start3A_356 = arith.constant 0 : i32
      %dma_start3A_357 = arith.constant 0 : i32
      %dma_start3A_358 = tpu.memref_slice %arg20[%dma_start3A_356, %dma_start3A_357] : memref<64x32xf32, #tpu.memory_space<vmem_shared>> -> memref<64x32xf32, #tpu.memory_space<vmem_shared>>
      tpu.enqueue_indirect_dma source(%dma_start3A_352 : memref<80x32xf32, #tpu.memory_space<vmem>>) target(%dma_start3A_358 : memref<64x32xf32, #tpu.memory_space<vmem_shared>>) offsets(%dma_start3A_355 : memref<80xi32, #tpu.memory_space<vmem>>) semaphore(%arg23 : memref<!tpu.dma_semaphore, #tpu.memory_space<semaphore_mem>>) {add = true}
      %dma_start3A_359 = arith.constant 5 : i32
      %dma_start3A_360 = arith.constant 0 : i32
      %dma_start3A_361 = tpu.memref_slice %arg15[%dma_start3A_359, %dma_start3A_360] : memref<8x80xi32, #tpu.memory_space<vmem>> -> memref<1x80xi32, #tpu.memory_space<vmem>>
      %dma_start3A_362 = tpu.memref_squeeze %dma_start3A_361 : memref<1x80xi32, #tpu.memory_space<vmem>> -> memref<80xi32, #tpu.memory_space<vmem>>
      %dma_start3A_363 = arith.constant 0 : i32
      %dma_start3A_364 = arith.constant 0 : i32
      %dma_start3A_365 = tpu.memref_slice %arg21[%dma_start3A_363, %dma_start3A_364] : memref<64x32xf32, #tpu.memory_space<vmem_shared>> -> memref<64x32xf32, #tpu.memory_space<vmem_shared>>
      tpu.enqueue_indirect_dma source(%arg16 : memref<80x32xf32, #tpu.memory_space<vmem>>) target(%dma_start3A_365 : memref<64x32xf32, #tpu.memory_space<vmem_shared>>) offsets(%dma_start3A_362 : memref<80xi32, #tpu.memory_space<vmem>>) semaphore(%arg23 : memref<!tpu.dma_semaphore, #tpu.memory_space<semaphore_mem>>) {add = true}
      %dma_start3A_366 = arith.constant 6 : i32
      %dma_start3A_367 = arith.constant 480 : i32
      %dma_start3A_368 = arith.constant 0 : i32
      %dma_start3A_369 = tpu.memref_slice %arg13[%dma_start3A_367, %dma_start3A_368] : memref<640x32xf32, #tpu.memory_space<vmem>> -> memref<80x32xf32, #tpu.memory_space<vmem>>
      %dma_start3A_370 = arith.constant 0 : i32
      %dma_start3A_371 = tpu.memref_slice %arg15[%dma_start3A_366, %dma_start3A_370] : memref<8x80xi32, #tpu.memory_space<vmem>> -> memref<1x80xi32, #tpu.memory_space<vmem>>
      %dma_start3A_372 = tpu.memref_squeeze %dma_start3A_371 : memref<1x80xi32, #tpu.memory_space<vmem>> -> memref<80xi32, #tpu.memory_space<vmem>>
      %dma_start3A_373 = arith.constant 0 : i32
      %dma_start3A_374 = arith.constant 0 : i32
      %dma_start3A_375 = tpu.memref_slice %arg19[%dma_start3A_373, %dma_start3A_374] : memref<64x32xf32, #tpu.memory_space<vmem_shared>> -> memref<64x32xf32, #tpu.memory_space<vmem_shared>>
      tpu.enqueue_indirect_dma source(%dma_start3A_369 : memref<80x32xf32, #tpu.memory_space<vmem>>) target(%dma_start3A_375 : memref<64x32xf32, #tpu.memory_space<vmem_shared>>) offsets(%dma_start3A_372 : memref<80xi32, #tpu.memory_space<vmem>>) semaphore(%arg23 : memref<!tpu.dma_semaphore, #tpu.memory_space<semaphore_mem>>) {add = true}
      %dma_start3A_376 = arith.constant 6 : i32
      %dma_start3A_377 = arith.constant 480 : i32
      %dma_start3A_378 = arith.constant 0 : i32
      %dma_start3A_379 = tpu.memref_slice %arg14[%dma_start3A_377, %dma_start3A_378] : memref<640x32xf32, #tpu.memory_space<vmem>> -> memref<80x32xf32, #tpu.memory_space<vmem>>
      %dma_start3A_380 = arith.constant 0 : i32
      %dma_start3A_381 = tpu.memref_slice %arg15[%dma_start3A_376, %dma_start3A_380] : memref<8x80xi32, #tpu.memory_space<vmem>> -> memref<1x80xi32, #tpu.memory_space<vmem>>
      %dma_start3A_382 = tpu.memref_squeeze %dma_start3A_381 : memref<1x80xi32, #tpu.memory_space<vmem>> -> memref<80xi32, #tpu.memory_space<vmem>>
      %dma_start3A_383 = arith.constant 0 : i32
      %dma_start3A_384 = arith.constant 0 : i32
      %dma_start3A_385 = tpu.memref_slice %arg20[%dma_start3A_383, %dma_start3A_384] : memref<64x32xf32, #tpu.memory_space<vmem_shared>> -> memref<64x32xf32, #tpu.memory_space<vmem_shared>>
      tpu.enqueue_indirect_dma source(%dma_start3A_379 : memref<80x32xf32, #tpu.memory_space<vmem>>) target(%dma_start3A_385 : memref<64x32xf32, #tpu.memory_space<vmem_shared>>) offsets(%dma_start3A_382 : memref<80xi32, #tpu.memory_space<vmem>>) semaphore(%arg23 : memref<!tpu.dma_semaphore, #tpu.memory_space<semaphore_mem>>) {add = true}
      %dma_start3A_386 = arith.constant 6 : i32
      %dma_start3A_387 = arith.constant 0 : i32
      %dma_start3A_388 = tpu.memref_slice %arg15[%dma_start3A_386, %dma_start3A_387] : memref<8x80xi32, #tpu.memory_space<vmem>> -> memref<1x80xi32, #tpu.memory_space<vmem>>
      %dma_start3A_389 = tpu.memref_squeeze %dma_start3A_388 : memref<1x80xi32, #tpu.memory_space<vmem>> -> memref<80xi32, #tpu.memory_space<vmem>>
      %dma_start3A_390 = arith.constant 0 : i32
      %dma_start3A_391 = arith.constant 0 : i32
      %dma_start3A_392 = tpu.memref_slice %arg21[%dma_start3A_390, %dma_start3A_391] : memref<64x32xf32, #tpu.memory_space<vmem_shared>> -> memref<64x32xf32, #tpu.memory_space<vmem_shared>>
      tpu.enqueue_indirect_dma source(%arg16 : memref<80x32xf32, #tpu.memory_space<vmem>>) target(%dma_start3A_392 : memref<64x32xf32, #tpu.memory_space<vmem_shared>>) offsets(%dma_start3A_389 : memref<80xi32, #tpu.memory_space<vmem>>) semaphore(%arg23 : memref<!tpu.dma_semaphore, #tpu.memory_space<semaphore_mem>>) {add = true}
      %dma_start3A_393 = arith.constant 7 : i32
      %dma_start3A_394 = arith.constant 560 : i32
      %dma_start3A_395 = arith.constant 0 : i32
      %dma_start3A_396 = tpu.memref_slice %arg13[%dma_start3A_394, %dma_start3A_395] : memref<640x32xf32, #tpu.memory_space<vmem>> -> memref<80x32xf32, #tpu.memory_space<vmem>>
      %dma_start3A_397 = arith.constant 0 : i32
      %dma_start3A_398 = tpu.memref_slice %arg15[%dma_start3A_393, %dma_start3A_397] : memref<8x80xi32, #tpu.memory_space<vmem>> -> memref<1x80xi32, #tpu.memory_space<vmem>>
      %dma_start3A_399 = tpu.memref_squeeze %dma_start3A_398 : memref<1x80xi32, #tpu.memory_space<vmem>> -> memref<80xi32, #tpu.memory_space<vmem>>
      %dma_start3A_400 = arith.constant 0 : i32
      %dma_start3A_401 = arith.constant 0 : i32
      %dma_start3A_402 = tpu.memref_slice %arg19[%dma_start3A_400, %dma_start3A_401] : memref<64x32xf32, #tpu.memory_space<vmem_shared>> -> memref<64x32xf32, #tpu.memory_space<vmem_shared>>
      tpu.enqueue_indirect_dma source(%dma_start3A_396 : memref<80x32xf32, #tpu.memory_space<vmem>>) target(%dma_start3A_402 : memref<64x32xf32, #tpu.memory_space<vmem_shared>>) offsets(%dma_start3A_399 : memref<80xi32, #tpu.memory_space<vmem>>) semaphore(%arg23 : memref<!tpu.dma_semaphore, #tpu.memory_space<semaphore_mem>>) {add = true}
      %dma_start3A_403 = arith.constant 7 : i32
      %dma_start3A_404 = arith.constant 560 : i32
      %dma_start3A_405 = arith.constant 0 : i32
      %dma_start3A_406 = tpu.memref_slice %arg14[%dma_start3A_404, %dma_start3A_405] : memref<640x32xf32, #tpu.memory_space<vmem>> -> memref<80x32xf32, #tpu.memory_space<vmem>>
      %dma_start3A_407 = arith.constant 0 : i32
      %dma_start3A_408 = tpu.memref_slice %arg15[%dma_start3A_403, %dma_start3A_407] : memref<8x80xi32, #tpu.memory_space<vmem>> -> memref<1x80xi32, #tpu.memory_space<vmem>>
      %dma_start3A_409 = tpu.memref_squeeze %dma_start3A_408 : memref<1x80xi32, #tpu.memory_space<vmem>> -> memref<80xi32, #tpu.memory_space<vmem>>
      %dma_start3A_410 = arith.constant 0 : i32
      %dma_start3A_411 = arith.constant 0 : i32
      %dma_start3A_412 = tpu.memref_slice %arg20[%dma_start3A_410, %dma_start3A_411] : memref<64x32xf32, #tpu.memory_space<vmem_shared>> -> memref<64x32xf32, #tpu.memory_space<vmem_shared>>
      tpu.enqueue_indirect_dma source(%dma_start3A_406 : memref<80x32xf32, #tpu.memory_space<vmem>>) target(%dma_start3A_412 : memref<64x32xf32, #tpu.memory_space<vmem_shared>>) offsets(%dma_start3A_409 : memref<80xi32, #tpu.memory_space<vmem>>) semaphore(%arg23 : memref<!tpu.dma_semaphore, #tpu.memory_space<semaphore_mem>>) {add = true}
      %dma_start3A_413 = arith.constant 7 : i32
      %dma_start3A_414 = arith.constant 0 : i32
      %dma_start3A_415 = tpu.memref_slice %arg15[%dma_start3A_413, %dma_start3A_414] : memref<8x80xi32, #tpu.memory_space<vmem>> -> memref<1x80xi32, #tpu.memory_space<vmem>>
      %dma_start3A_416 = tpu.memref_squeeze %dma_start3A_415 : memref<1x80xi32, #tpu.memory_space<vmem>> -> memref<80xi32, #tpu.memory_space<vmem>>
      %dma_start3A_417 = arith.constant 0 : i32
      %dma_start3A_418 = arith.constant 0 : i32
      %dma_start3A_419 = tpu.memref_slice %arg21[%dma_start3A_417, %dma_start3A_418] : memref<64x32xf32, #tpu.memory_space<vmem_shared>> -> memref<64x32xf32, #tpu.memory_space<vmem_shared>>
      tpu.enqueue_indirect_dma source(%arg16 : memref<80x32xf32, #tpu.memory_space<vmem>>) target(%dma_start3A_419 : memref<64x32xf32, #tpu.memory_space<vmem_shared>>) offsets(%dma_start3A_416 : memref<80xi32, #tpu.memory_space<vmem>>) semaphore(%arg23 : memref<!tpu.dma_semaphore, #tpu.memory_space<semaphore_mem>>) {add = true}
      %dma_wait3A_420 = arith.constant 0 : i32
      %dma_wait3A_421 = arith.constant 0 : i32
      %dma_wait3A_422 = arith.constant 0 : i32
      %dma_wait3A_423 = tpu.memref_slice %arg13[%dma_wait3A_421, %dma_wait3A_422] : memref<640x32xf32, #tpu.memory_space<vmem>> -> memref<80x32xf32, #tpu.memory_space<vmem>>
      %dma_wait3A_424 = arith.constant 0 : i32
      %dma_wait3A_425 = tpu.memref_slice %arg15[%dma_wait3A_420, %dma_wait3A_424] : memref<8x80xi32, #tpu.memory_space<vmem>> -> memref<1x80xi32, #tpu.memory_space<vmem>>
      %dma_wait3A_426 = tpu.memref_squeeze %dma_wait3A_425 : memref<1x80xi32, #tpu.memory_space<vmem>> -> memref<80xi32, #tpu.memory_space<vmem>>
      %dma_wait3A_427 = arith.constant 0 : i32
      %dma_wait3A_428 = arith.constant 0 : i32
      %dma_wait3A_429 = tpu.memref_slice %arg19[%dma_wait3A_427, %dma_wait3A_428] : memref<64x32xf32, #tpu.memory_space<vmem_shared>> -> memref<64x32xf32, #tpu.memory_space<vmem_shared>>
      tpu.wait_indirect_dma semaphore(%arg23 : memref<!tpu.dma_semaphore, #tpu.memory_space<semaphore_mem>>) src(%dma_wait3A_423 : memref<80x32xf32, #tpu.memory_space<vmem>>) dst(%dma_wait3A_429 : memref<64x32xf32, #tpu.memory_space<vmem_shared>>)
      %dma_wait3A_430 = arith.constant 0 : i32
      %dma_wait3A_431 = arith.constant 0 : i32
      %dma_wait3A_432 = arith.constant 0 : i32
      %dma_wait3A_433 = tpu.memref_slice %arg14[%dma_wait3A_431, %dma_wait3A_432] : memref<640x32xf32, #tpu.memory_space<vmem>> -> memref<80x32xf32, #tpu.memory_space<vmem>>
      %dma_wait3A_434 = arith.constant 0 : i32
      %dma_wait3A_435 = tpu.memref_slice %arg15[%dma_wait3A_430, %dma_wait3A_434] : memref<8x80xi32, #tpu.memory_space<vmem>> -> memref<1x80xi32, #tpu.memory_space<vmem>>
      %dma_wait3A_436 = tpu.memref_squeeze %dma_wait3A_435 : memref<1x80xi32, #tpu.memory_space<vmem>> -> memref<80xi32, #tpu.memory_space<vmem>>
      %dma_wait3A_437 = arith.constant 0 : i32
      %dma_wait3A_438 = arith.constant 0 : i32
      %dma_wait3A_439 = tpu.memref_slice %arg20[%dma_wait3A_437, %dma_wait3A_438] : memref<64x32xf32, #tpu.memory_space<vmem_shared>> -> memref<64x32xf32, #tpu.memory_space<vmem_shared>>
      tpu.wait_indirect_dma semaphore(%arg23 : memref<!tpu.dma_semaphore, #tpu.memory_space<semaphore_mem>>) src(%dma_wait3A_433 : memref<80x32xf32, #tpu.memory_space<vmem>>) dst(%dma_wait3A_439 : memref<64x32xf32, #tpu.memory_space<vmem_shared>>)
      %dma_wait3A_440 = arith.constant 0 : i32
      %dma_wait3A_441 = arith.constant 0 : i32
      %dma_wait3A_442 = tpu.memref_slice %arg15[%dma_wait3A_440, %dma_wait3A_441] : memref<8x80xi32, #tpu.memory_space<vmem>> -> memref<1x80xi32, #tpu.memory_space<vmem>>
      %dma_wait3A_443 = tpu.memref_squeeze %dma_wait3A_442 : memref<1x80xi32, #tpu.memory_space<vmem>> -> memref<80xi32, #tpu.memory_space<vmem>>
      %dma_wait3A_444 = arith.constant 0 : i32
      %dma_wait3A_445 = arith.constant 0 : i32
      %dma_wait3A_446 = tpu.memref_slice %arg21[%dma_wait3A_444, %dma_wait3A_445] : memref<64x32xf32, #tpu.memory_space<vmem_shared>> -> memref<64x32xf32, #tpu.memory_space<vmem_shared>>
      tpu.wait_indirect_dma semaphore(%arg23 : memref<!tpu.dma_semaphore, #tpu.memory_space<semaphore_mem>>) src(%arg16 : memref<80x32xf32, #tpu.memory_space<vmem>>) dst(%dma_wait3A_446 : memref<64x32xf32, #tpu.memory_space<vmem_shared>>)
      %dma_wait3A_447 = arith.constant 1 : i32
      %dma_wait3A_448 = arith.constant 80 : i32
      %dma_wait3A_449 = arith.constant 0 : i32
      %dma_wait3A_450 = tpu.memref_slice %arg13[%dma_wait3A_448, %dma_wait3A_449] : memref<640x32xf32, #tpu.memory_space<vmem>> -> memref<80x32xf32, #tpu.memory_space<vmem>>
      %dma_wait3A_451 = arith.constant 0 : i32
      %dma_wait3A_452 = tpu.memref_slice %arg15[%dma_wait3A_447, %dma_wait3A_451] : memref<8x80xi32, #tpu.memory_space<vmem>> -> memref<1x80xi32, #tpu.memory_space<vmem>>
      %dma_wait3A_453 = tpu.memref_squeeze %dma_wait3A_452 : memref<1x80xi32, #tpu.memory_space<vmem>> -> memref<80xi32, #tpu.memory_space<vmem>>
      %dma_wait3A_454 = arith.constant 0 : i32
      %dma_wait3A_455 = arith.constant 0 : i32
      %dma_wait3A_456 = tpu.memref_slice %arg19[%dma_wait3A_454, %dma_wait3A_455] : memref<64x32xf32, #tpu.memory_space<vmem_shared>> -> memref<64x32xf32, #tpu.memory_space<vmem_shared>>
      tpu.wait_indirect_dma semaphore(%arg23 : memref<!tpu.dma_semaphore, #tpu.memory_space<semaphore_mem>>) src(%dma_wait3A_450 : memref<80x32xf32, #tpu.memory_space<vmem>>) dst(%dma_wait3A_456 : memref<64x32xf32, #tpu.memory_space<vmem_shared>>)
      %dma_wait3A_457 = arith.constant 1 : i32
      %dma_wait3A_458 = arith.constant 80 : i32
      %dma_wait3A_459 = arith.constant 0 : i32
      %dma_wait3A_460 = tpu.memref_slice %arg14[%dma_wait3A_458, %dma_wait3A_459] : memref<640x32xf32, #tpu.memory_space<vmem>> -> memref<80x32xf32, #tpu.memory_space<vmem>>
      %dma_wait3A_461 = arith.constant 0 : i32
      %dma_wait3A_462 = tpu.memref_slice %arg15[%dma_wait3A_457, %dma_wait3A_461] : memref<8x80xi32, #tpu.memory_space<vmem>> -> memref<1x80xi32, #tpu.memory_space<vmem>>
      %dma_wait3A_463 = tpu.memref_squeeze %dma_wait3A_462 : memref<1x80xi32, #tpu.memory_space<vmem>> -> memref<80xi32, #tpu.memory_space<vmem>>
      %dma_wait3A_464 = arith.constant 0 : i32
      %dma_wait3A_465 = arith.constant 0 : i32
      %dma_wait3A_466 = tpu.memref_slice %arg20[%dma_wait3A_464, %dma_wait3A_465] : memref<64x32xf32, #tpu.memory_space<vmem_shared>> -> memref<64x32xf32, #tpu.memory_space<vmem_shared>>
      tpu.wait_indirect_dma semaphore(%arg23 : memref<!tpu.dma_semaphore, #tpu.memory_space<semaphore_mem>>) src(%dma_wait3A_460 : memref<80x32xf32, #tpu.memory_space<vmem>>) dst(%dma_wait3A_466 : memref<64x32xf32, #tpu.memory_space<vmem_shared>>)
      %dma_wait3A_467 = arith.constant 1 : i32
      %dma_wait3A_468 = arith.constant 0 : i32
      %dma_wait3A_469 = tpu.memref_slice %arg15[%dma_wait3A_467, %dma_wait3A_468] : memref<8x80xi32, #tpu.memory_space<vmem>> -> memref<1x80xi32, #tpu.memory_space<vmem>>
      %dma_wait3A_470 = tpu.memref_squeeze %dma_wait3A_469 : memref<1x80xi32, #tpu.memory_space<vmem>> -> memref<80xi32, #tpu.memory_space<vmem>>
      %dma_wait3A_471 = arith.constant 0 : i32
      %dma_wait3A_472 = arith.constant 0 : i32
      %dma_wait3A_473 = tpu.memref_slice %arg21[%dma_wait3A_471, %dma_wait3A_472] : memref<64x32xf32, #tpu.memory_space<vmem_shared>> -> memref<64x32xf32, #tpu.memory_space<vmem_shared>>
      tpu.wait_indirect_dma semaphore(%arg23 : memref<!tpu.dma_semaphore, #tpu.memory_space<semaphore_mem>>) src(%arg16 : memref<80x32xf32, #tpu.memory_space<vmem>>) dst(%dma_wait3A_473 : memref<64x32xf32, #tpu.memory_space<vmem_shared>>)
      %dma_wait3A_474 = arith.constant 2 : i32
      %dma_wait3A_475 = arith.constant 160 : i32
      %dma_wait3A_476 = arith.constant 0 : i32
      %dma_wait3A_477 = tpu.memref_slice %arg13[%dma_wait3A_475, %dma_wait3A_476] : memref<640x32xf32, #tpu.memory_space<vmem>> -> memref<80x32xf32, #tpu.memory_space<vmem>>
      %dma_wait3A_478 = arith.constant 0 : i32
      %dma_wait3A_479 = tpu.memref_slice %arg15[%dma_wait3A_474, %dma_wait3A_478] : memref<8x80xi32, #tpu.memory_space<vmem>> -> memref<1x80xi32, #tpu.memory_space<vmem>>
      %dma_wait3A_480 = tpu.memref_squeeze %dma_wait3A_479 : memref<1x80xi32, #tpu.memory_space<vmem>> -> memref<80xi32, #tpu.memory_space<vmem>>
      %dma_wait3A_481 = arith.constant 0 : i32
      %dma_wait3A_482 = arith.constant 0 : i32
      %dma_wait3A_483 = tpu.memref_slice %arg19[%dma_wait3A_481, %dma_wait3A_482] : memref<64x32xf32, #tpu.memory_space<vmem_shared>> -> memref<64x32xf32, #tpu.memory_space<vmem_shared>>
      tpu.wait_indirect_dma semaphore(%arg23 : memref<!tpu.dma_semaphore, #tpu.memory_space<semaphore_mem>>) src(%dma_wait3A_477 : memref<80x32xf32, #tpu.memory_space<vmem>>) dst(%dma_wait3A_483 : memref<64x32xf32, #tpu.memory_space<vmem_shared>>)
      %dma_wait3A_484 = arith.constant 2 : i32
      %dma_wait3A_485 = arith.constant 160 : i32
      %dma_wait3A_486 = arith.constant 0 : i32
      %dma_wait3A_487 = tpu.memref_slice %arg14[%dma_wait3A_485, %dma_wait3A_486] : memref<640x32xf32, #tpu.memory_space<vmem>> -> memref<80x32xf32, #tpu.memory_space<vmem>>
      %dma_wait3A_488 = arith.constant 0 : i32
      %dma_wait3A_489 = tpu.memref_slice %arg15[%dma_wait3A_484, %dma_wait3A_488] : memref<8x80xi32, #tpu.memory_space<vmem>> -> memref<1x80xi32, #tpu.memory_space<vmem>>
      %dma_wait3A_490 = tpu.memref_squeeze %dma_wait3A_489 : memref<1x80xi32, #tpu.memory_space<vmem>> -> memref<80xi32, #tpu.memory_space<vmem>>
      %dma_wait3A_491 = arith.constant 0 : i32
      %dma_wait3A_492 = arith.constant 0 : i32
      %dma_wait3A_493 = tpu.memref_slice %arg20[%dma_wait3A_491, %dma_wait3A_492] : memref<64x32xf32, #tpu.memory_space<vmem_shared>> -> memref<64x32xf32, #tpu.memory_space<vmem_shared>>
      tpu.wait_indirect_dma semaphore(%arg23 : memref<!tpu.dma_semaphore, #tpu.memory_space<semaphore_mem>>) src(%dma_wait3A_487 : memref<80x32xf32, #tpu.memory_space<vmem>>) dst(%dma_wait3A_493 : memref<64x32xf32, #tpu.memory_space<vmem_shared>>)
      %dma_wait3A_494 = arith.constant 2 : i32
      %dma_wait3A_495 = arith.constant 0 : i32
      %dma_wait3A_496 = tpu.memref_slice %arg15[%dma_wait3A_494, %dma_wait3A_495] : memref<8x80xi32, #tpu.memory_space<vmem>> -> memref<1x80xi32, #tpu.memory_space<vmem>>
      %dma_wait3A_497 = tpu.memref_squeeze %dma_wait3A_496 : memref<1x80xi32, #tpu.memory_space<vmem>> -> memref<80xi32, #tpu.memory_space<vmem>>
      %dma_wait3A_498 = arith.constant 0 : i32
      %dma_wait3A_499 = arith.constant 0 : i32
      %dma_wait3A_500 = tpu.memref_slice %arg21[%dma_wait3A_498, %dma_wait3A_499] : memref<64x32xf32, #tpu.memory_space<vmem_shared>> -> memref<64x32xf32, #tpu.memory_space<vmem_shared>>
      tpu.wait_indirect_dma semaphore(%arg23 : memref<!tpu.dma_semaphore, #tpu.memory_space<semaphore_mem>>) src(%arg16 : memref<80x32xf32, #tpu.memory_space<vmem>>) dst(%dma_wait3A_500 : memref<64x32xf32, #tpu.memory_space<vmem_shared>>)
      %dma_wait3A_501 = arith.constant 3 : i32
      %dma_wait3A_502 = arith.constant 240 : i32
      %dma_wait3A_503 = arith.constant 0 : i32
      %dma_wait3A_504 = tpu.memref_slice %arg13[%dma_wait3A_502, %dma_wait3A_503] : memref<640x32xf32, #tpu.memory_space<vmem>> -> memref<80x32xf32, #tpu.memory_space<vmem>>
      %dma_wait3A_505 = arith.constant 0 : i32
      %dma_wait3A_506 = tpu.memref_slice %arg15[%dma_wait3A_501, %dma_wait3A_505] : memref<8x80xi32, #tpu.memory_space<vmem>> -> memref<1x80xi32, #tpu.memory_space<vmem>>
      %dma_wait3A_507 = tpu.memref_squeeze %dma_wait3A_506 : memref<1x80xi32, #tpu.memory_space<vmem>> -> memref<80xi32, #tpu.memory_space<vmem>>
      %dma_wait3A_508 = arith.constant 0 : i32
      %dma_wait3A_509 = arith.constant 0 : i32
      %dma_wait3A_510 = tpu.memref_slice %arg19[%dma_wait3A_508, %dma_wait3A_509] : memref<64x32xf32, #tpu.memory_space<vmem_shared>> -> memref<64x32xf32, #tpu.memory_space<vmem_shared>>
      tpu.wait_indirect_dma semaphore(%arg23 : memref<!tpu.dma_semaphore, #tpu.memory_space<semaphore_mem>>) src(%dma_wait3A_504 : memref<80x32xf32, #tpu.memory_space<vmem>>) dst(%dma_wait3A_510 : memref<64x32xf32, #tpu.memory_space<vmem_shared>>)
      %dma_wait3A_511 = arith.constant 3 : i32
      %dma_wait3A_512 = arith.constant 240 : i32
      %dma_wait3A_513 = arith.constant 0 : i32
      %dma_wait3A_514 = tpu.memref_slice %arg14[%dma_wait3A_512, %dma_wait3A_513] : memref<640x32xf32, #tpu.memory_space<vmem>> -> memref<80x32xf32, #tpu.memory_space<vmem>>
      %dma_wait3A_515 = arith.constant 0 : i32
      %dma_wait3A_516 = tpu.memref_slice %arg15[%dma_wait3A_511, %dma_wait3A_515] : memref<8x80xi32, #tpu.memory_space<vmem>> -> memref<1x80xi32, #tpu.memory_space<vmem>>
      %dma_wait3A_517 = tpu.memref_squeeze %dma_wait3A_516 : memref<1x80xi32, #tpu.memory_space<vmem>> -> memref<80xi32, #tpu.memory_space<vmem>>
      %dma_wait3A_518 = arith.constant 0 : i32
      %dma_wait3A_519 = arith.constant 0 : i32
      %dma_wait3A_520 = tpu.memref_slice %arg20[%dma_wait3A_518, %dma_wait3A_519] : memref<64x32xf32, #tpu.memory_space<vmem_shared>> -> memref<64x32xf32, #tpu.memory_space<vmem_shared>>
      tpu.wait_indirect_dma semaphore(%arg23 : memref<!tpu.dma_semaphore, #tpu.memory_space<semaphore_mem>>) src(%dma_wait3A_514 : memref<80x32xf32, #tpu.memory_space<vmem>>) dst(%dma_wait3A_520 : memref<64x32xf32, #tpu.memory_space<vmem_shared>>)
      %dma_wait3A_521 = arith.constant 3 : i32
      %dma_wait3A_522 = arith.constant 0 : i32
      %dma_wait3A_523 = tpu.memref_slice %arg15[%dma_wait3A_521, %dma_wait3A_522] : memref<8x80xi32, #tpu.memory_space<vmem>> -> memref<1x80xi32, #tpu.memory_space<vmem>>
      %dma_wait3A_524 = tpu.memref_squeeze %dma_wait3A_523 : memref<1x80xi32, #tpu.memory_space<vmem>> -> memref<80xi32, #tpu.memory_space<vmem>>
      %dma_wait3A_525 = arith.constant 0 : i32
      %dma_wait3A_526 = arith.constant 0 : i32
      %dma_wait3A_527 = tpu.memref_slice %arg21[%dma_wait3A_525, %dma_wait3A_526] : memref<64x32xf32, #tpu.memory_space<vmem_shared>> -> memref<64x32xf32, #tpu.memory_space<vmem_shared>>
      tpu.wait_indirect_dma semaphore(%arg23 : memref<!tpu.dma_semaphore, #tpu.memory_space<semaphore_mem>>) src(%arg16 : memref<80x32xf32, #tpu.memory_space<vmem>>) dst(%dma_wait3A_527 : memref<64x32xf32, #tpu.memory_space<vmem_shared>>)
      %dma_wait3A_528 = arith.constant 4 : i32
      %dma_wait3A_529 = arith.constant 320 : i32
      %dma_wait3A_530 = arith.constant 0 : i32
      %dma_wait3A_531 = tpu.memref_slice %arg13[%dma_wait3A_529, %dma_wait3A_530] : memref<640x32xf32, #tpu.memory_space<vmem>> -> memref<80x32xf32, #tpu.memory_space<vmem>>
      %dma_wait3A_532 = arith.constant 0 : i32
      %dma_wait3A_533 = tpu.memref_slice %arg15[%dma_wait3A_528, %dma_wait3A_532] : memref<8x80xi32, #tpu.memory_space<vmem>> -> memref<1x80xi32, #tpu.memory_space<vmem>>
      %dma_wait3A_534 = tpu.memref_squeeze %dma_wait3A_533 : memref<1x80xi32, #tpu.memory_space<vmem>> -> memref<80xi32, #tpu.memory_space<vmem>>
      %dma_wait3A_535 = arith.constant 0 : i32
      %dma_wait3A_536 = arith.constant 0 : i32
      %dma_wait3A_537 = tpu.memref_slice %arg19[%dma_wait3A_535, %dma_wait3A_536] : memref<64x32xf32, #tpu.memory_space<vmem_shared>> -> memref<64x32xf32, #tpu.memory_space<vmem_shared>>
      tpu.wait_indirect_dma semaphore(%arg23 : memref<!tpu.dma_semaphore, #tpu.memory_space<semaphore_mem>>) src(%dma_wait3A_531 : memref<80x32xf32, #tpu.memory_space<vmem>>) dst(%dma_wait3A_537 : memref<64x32xf32, #tpu.memory_space<vmem_shared>>)
      %dma_wait3A_538 = arith.constant 4 : i32
      %dma_wait3A_539 = arith.constant 320 : i32
      %dma_wait3A_540 = arith.constant 0 : i32
      %dma_wait3A_541 = tpu.memref_slice %arg14[%dma_wait3A_539, %dma_wait3A_540] : memref<640x32xf32, #tpu.memory_space<vmem>> -> memref<80x32xf32, #tpu.memory_space<vmem>>
      %dma_wait3A_542 = arith.constant 0 : i32
      %dma_wait3A_543 = tpu.memref_slice %arg15[%dma_wait3A_538, %dma_wait3A_542] : memref<8x80xi32, #tpu.memory_space<vmem>> -> memref<1x80xi32, #tpu.memory_space<vmem>>
      %dma_wait3A_544 = tpu.memref_squeeze %dma_wait3A_543 : memref<1x80xi32, #tpu.memory_space<vmem>> -> memref<80xi32, #tpu.memory_space<vmem>>
      %dma_wait3A_545 = arith.constant 0 : i32
      %dma_wait3A_546 = arith.constant 0 : i32
      %dma_wait3A_547 = tpu.memref_slice %arg20[%dma_wait3A_545, %dma_wait3A_546] : memref<64x32xf32, #tpu.memory_space<vmem_shared>> -> memref<64x32xf32, #tpu.memory_space<vmem_shared>>
      tpu.wait_indirect_dma semaphore(%arg23 : memref<!tpu.dma_semaphore, #tpu.memory_space<semaphore_mem>>) src(%dma_wait3A_541 : memref<80x32xf32, #tpu.memory_space<vmem>>) dst(%dma_wait3A_547 : memref<64x32xf32, #tpu.memory_space<vmem_shared>>)
      %dma_wait3A_548 = arith.constant 4 : i32
      %dma_wait3A_549 = arith.constant 0 : i32
      %dma_wait3A_550 = tpu.memref_slice %arg15[%dma_wait3A_548, %dma_wait3A_549] : memref<8x80xi32, #tpu.memory_space<vmem>> -> memref<1x80xi32, #tpu.memory_space<vmem>>
      %dma_wait3A_551 = tpu.memref_squeeze %dma_wait3A_550 : memref<1x80xi32, #tpu.memory_space<vmem>> -> memref<80xi32, #tpu.memory_space<vmem>>
      %dma_wait3A_552 = arith.constant 0 : i32
      %dma_wait3A_553 = arith.constant 0 : i32
      %dma_wait3A_554 = tpu.memref_slice %arg21[%dma_wait3A_552, %dma_wait3A_553] : memref<64x32xf32, #tpu.memory_space<vmem_shared>> -> memref<64x32xf32, #tpu.memory_space<vmem_shared>>
      tpu.wait_indirect_dma semaphore(%arg23 : memref<!tpu.dma_semaphore, #tpu.memory_space<semaphore_mem>>) src(%arg16 : memref<80x32xf32, #tpu.memory_space<vmem>>) dst(%dma_wait3A_554 : memref<64x32xf32, #tpu.memory_space<vmem_shared>>)
      %dma_wait3A_555 = arith.constant 5 : i32
      %dma_wait3A_556 = arith.constant 400 : i32
      %dma_wait3A_557 = arith.constant 0 : i32
      %dma_wait3A_558 = tpu.memref_slice %arg13[%dma_wait3A_556, %dma_wait3A_557] : memref<640x32xf32, #tpu.memory_space<vmem>> -> memref<80x32xf32, #tpu.memory_space<vmem>>
      %dma_wait3A_559 = arith.constant 0 : i32
      %dma_wait3A_560 = tpu.memref_slice %arg15[%dma_wait3A_555, %dma_wait3A_559] : memref<8x80xi32, #tpu.memory_space<vmem>> -> memref<1x80xi32, #tpu.memory_space<vmem>>
      %dma_wait3A_561 = tpu.memref_squeeze %dma_wait3A_560 : memref<1x80xi32, #tpu.memory_space<vmem>> -> memref<80xi32, #tpu.memory_space<vmem>>
      %dma_wait3A_562 = arith.constant 0 : i32
      %dma_wait3A_563 = arith.constant 0 : i32
      %dma_wait3A_564 = tpu.memref_slice %arg19[%dma_wait3A_562, %dma_wait3A_563] : memref<64x32xf32, #tpu.memory_space<vmem_shared>> -> memref<64x32xf32, #tpu.memory_space<vmem_shared>>
      tpu.wait_indirect_dma semaphore(%arg23 : memref<!tpu.dma_semaphore, #tpu.memory_space<semaphore_mem>>) src(%dma_wait3A_558 : memref<80x32xf32, #tpu.memory_space<vmem>>) dst(%dma_wait3A_564 : memref<64x32xf32, #tpu.memory_space<vmem_shared>>)
      %dma_wait3A_565 = arith.constant 5 : i32
      %dma_wait3A_566 = arith.constant 400 : i32
      %dma_wait3A_567 = arith.constant 0 : i32
      %dma_wait3A_568 = tpu.memref_slice %arg14[%dma_wait3A_566, %dma_wait3A_567] : memref<640x32xf32, #tpu.memory_space<vmem>> -> memref<80x32xf32, #tpu.memory_space<vmem>>
      %dma_wait3A_569 = arith.constant 0 : i32
      %dma_wait3A_570 = tpu.memref_slice %arg15[%dma_wait3A_565, %dma_wait3A_569] : memref<8x80xi32, #tpu.memory_space<vmem>> -> memref<1x80xi32, #tpu.memory_space<vmem>>
      %dma_wait3A_571 = tpu.memref_squeeze %dma_wait3A_570 : memref<1x80xi32, #tpu.memory_space<vmem>> -> memref<80xi32, #tpu.memory_space<vmem>>
      %dma_wait3A_572 = arith.constant 0 : i32
      %dma_wait3A_573 = arith.constant 0 : i32
      %dma_wait3A_574 = tpu.memref_slice %arg20[%dma_wait3A_572, %dma_wait3A_573] : memref<64x32xf32, #tpu.memory_space<vmem_shared>> -> memref<64x32xf32, #tpu.memory_space<vmem_shared>>
      tpu.wait_indirect_dma semaphore(%arg23 : memref<!tpu.dma_semaphore, #tpu.memory_space<semaphore_mem>>) src(%dma_wait3A_568 : memref<80x32xf32, #tpu.memory_space<vmem>>) dst(%dma_wait3A_574 : memref<64x32xf32, #tpu.memory_space<vmem_shared>>)
      %dma_wait3A_575 = arith.constant 5 : i32
      %dma_wait3A_576 = arith.constant 0 : i32
      %dma_wait3A_577 = tpu.memref_slice %arg15[%dma_wait3A_575, %dma_wait3A_576] : memref<8x80xi32, #tpu.memory_space<vmem>> -> memref<1x80xi32, #tpu.memory_space<vmem>>
      %dma_wait3A_578 = tpu.memref_squeeze %dma_wait3A_577 : memref<1x80xi32, #tpu.memory_space<vmem>> -> memref<80xi32, #tpu.memory_space<vmem>>
      %dma_wait3A_579 = arith.constant 0 : i32
      %dma_wait3A_580 = arith.constant 0 : i32
      %dma_wait3A_581 = tpu.memref_slice %arg21[%dma_wait3A_579, %dma_wait3A_580] : memref<64x32xf32, #tpu.memory_space<vmem_shared>> -> memref<64x32xf32, #tpu.memory_space<vmem_shared>>
      tpu.wait_indirect_dma semaphore(%arg23 : memref<!tpu.dma_semaphore, #tpu.memory_space<semaphore_mem>>) src(%arg16 : memref<80x32xf32, #tpu.memory_space<vmem>>) dst(%dma_wait3A_581 : memref<64x32xf32, #tpu.memory_space<vmem_shared>>)
      %dma_wait3A_582 = arith.constant 6 : i32
      %dma_wait3A_583 = arith.constant 480 : i32
      %dma_wait3A_584 = arith.constant 0 : i32
      %dma_wait3A_585 = tpu.memref_slice %arg13[%dma_wait3A_583, %dma_wait3A_584] : memref<640x32xf32, #tpu.memory_space<vmem>> -> memref<80x32xf32, #tpu.memory_space<vmem>>
      %dma_wait3A_586 = arith.constant 0 : i32
      %dma_wait3A_587 = tpu.memref_slice %arg15[%dma_wait3A_582, %dma_wait3A_586] : memref<8x80xi32, #tpu.memory_space<vmem>> -> memref<1x80xi32, #tpu.memory_space<vmem>>
      %dma_wait3A_588 = tpu.memref_squeeze %dma_wait3A_587 : memref<1x80xi32, #tpu.memory_space<vmem>> -> memref<80xi32, #tpu.memory_space<vmem>>
      %dma_wait3A_589 = arith.constant 0 : i32
      %dma_wait3A_590 = arith.constant 0 : i32
      %dma_wait3A_591 = tpu.memref_slice %arg19[%dma_wait3A_589, %dma_wait3A_590] : memref<64x32xf32, #tpu.memory_space<vmem_shared>> -> memref<64x32xf32, #tpu.memory_space<vmem_shared>>
      tpu.wait_indirect_dma semaphore(%arg23 : memref<!tpu.dma_semaphore, #tpu.memory_space<semaphore_mem>>) src(%dma_wait3A_585 : memref<80x32xf32, #tpu.memory_space<vmem>>) dst(%dma_wait3A_591 : memref<64x32xf32, #tpu.memory_space<vmem_shared>>)
      %dma_wait3A_592 = arith.constant 6 : i32
      %dma_wait3A_593 = arith.constant 480 : i32
      %dma_wait3A_594 = arith.constant 0 : i32
      %dma_wait3A_595 = tpu.memref_slice %arg14[%dma_wait3A_593, %dma_wait3A_594] : memref<640x32xf32, #tpu.memory_space<vmem>> -> memref<80x32xf32, #tpu.memory_space<vmem>>
      %dma_wait3A_596 = arith.constant 0 : i32
      %dma_wait3A_597 = tpu.memref_slice %arg15[%dma_wait3A_592, %dma_wait3A_596] : memref<8x80xi32, #tpu.memory_space<vmem>> -> memref<1x80xi32, #tpu.memory_space<vmem>>
      %dma_wait3A_598 = tpu.memref_squeeze %dma_wait3A_597 : memref<1x80xi32, #tpu.memory_space<vmem>> -> memref<80xi32, #tpu.memory_space<vmem>>
      %dma_wait3A_599 = arith.constant 0 : i32
      %dma_wait3A_600 = arith.constant 0 : i32
      %dma_wait3A_601 = tpu.memref_slice %arg20[%dma_wait3A_599, %dma_wait3A_600] : memref<64x32xf32, #tpu.memory_space<vmem_shared>> -> memref<64x32xf32, #tpu.memory_space<vmem_shared>>
      tpu.wait_indirect_dma semaphore(%arg23 : memref<!tpu.dma_semaphore, #tpu.memory_space<semaphore_mem>>) src(%dma_wait3A_595 : memref<80x32xf32, #tpu.memory_space<vmem>>) dst(%dma_wait3A_601 : memref<64x32xf32, #tpu.memory_space<vmem_shared>>)
      %dma_wait3A_602 = arith.constant 6 : i32
      %dma_wait3A_603 = arith.constant 0 : i32
      %dma_wait3A_604 = tpu.memref_slice %arg15[%dma_wait3A_602, %dma_wait3A_603] : memref<8x80xi32, #tpu.memory_space<vmem>> -> memref<1x80xi32, #tpu.memory_space<vmem>>
      %dma_wait3A_605 = tpu.memref_squeeze %dma_wait3A_604 : memref<1x80xi32, #tpu.memory_space<vmem>> -> memref<80xi32, #tpu.memory_space<vmem>>
      %dma_wait3A_606 = arith.constant 0 : i32
      %dma_wait3A_607 = arith.constant 0 : i32
      %dma_wait3A_608 = tpu.memref_slice %arg21[%dma_wait3A_606, %dma_wait3A_607] : memref<64x32xf32, #tpu.memory_space<vmem_shared>> -> memref<64x32xf32, #tpu.memory_space<vmem_shared>>
      tpu.wait_indirect_dma semaphore(%arg23 : memref<!tpu.dma_semaphore, #tpu.memory_space<semaphore_mem>>) src(%arg16 : memref<80x32xf32, #tpu.memory_space<vmem>>) dst(%dma_wait3A_608 : memref<64x32xf32, #tpu.memory_space<vmem_shared>>)
      %dma_wait3A_609 = arith.constant 7 : i32
      %dma_wait3A_610 = arith.constant 560 : i32
      %dma_wait3A_611 = arith.constant 0 : i32
      %dma_wait3A_612 = tpu.memref_slice %arg13[%dma_wait3A_610, %dma_wait3A_611] : memref<640x32xf32, #tpu.memory_space<vmem>> -> memref<80x32xf32, #tpu.memory_space<vmem>>
      %dma_wait3A_613 = arith.constant 0 : i32
      %dma_wait3A_614 = tpu.memref_slice %arg15[%dma_wait3A_609, %dma_wait3A_613] : memref<8x80xi32, #tpu.memory_space<vmem>> -> memref<1x80xi32, #tpu.memory_space<vmem>>
      %dma_wait3A_615 = tpu.memref_squeeze %dma_wait3A_614 : memref<1x80xi32, #tpu.memory_space<vmem>> -> memref<80xi32, #tpu.memory_space<vmem>>
      %dma_wait3A_616 = arith.constant 0 : i32
      %dma_wait3A_617 = arith.constant 0 : i32
      %dma_wait3A_618 = tpu.memref_slice %arg19[%dma_wait3A_616, %dma_wait3A_617] : memref<64x32xf32, #tpu.memory_space<vmem_shared>> -> memref<64x32xf32, #tpu.memory_space<vmem_shared>>
      tpu.wait_indirect_dma semaphore(%arg23 : memref<!tpu.dma_semaphore, #tpu.memory_space<semaphore_mem>>) src(%dma_wait3A_612 : memref<80x32xf32, #tpu.memory_space<vmem>>) dst(%dma_wait3A_618 : memref<64x32xf32, #tpu.memory_space<vmem_shared>>)
      %dma_wait3A_619 = arith.constant 7 : i32
      %dma_wait3A_620 = arith.constant 560 : i32
      %dma_wait3A_621 = arith.constant 0 : i32
      %dma_wait3A_622 = tpu.memref_slice %arg14[%dma_wait3A_620, %dma_wait3A_621] : memref<640x32xf32, #tpu.memory_space<vmem>> -> memref<80x32xf32, #tpu.memory_space<vmem>>
      %dma_wait3A_623 = arith.constant 0 : i32
      %dma_wait3A_624 = tpu.memref_slice %arg15[%dma_wait3A_619, %dma_wait3A_623] : memref<8x80xi32, #tpu.memory_space<vmem>> -> memref<1x80xi32, #tpu.memory_space<vmem>>
      %dma_wait3A_625 = tpu.memref_squeeze %dma_wait3A_624 : memref<1x80xi32, #tpu.memory_space<vmem>> -> memref<80xi32, #tpu.memory_space<vmem>>
      %dma_wait3A_626 = arith.constant 0 : i32
      %dma_wait3A_627 = arith.constant 0 : i32
      %dma_wait3A_628 = tpu.memref_slice %arg20[%dma_wait3A_626, %dma_wait3A_627] : memref<64x32xf32, #tpu.memory_space<vmem_shared>> -> memref<64x32xf32, #tpu.memory_space<vmem_shared>>
      tpu.wait_indirect_dma semaphore(%arg23 : memref<!tpu.dma_semaphore, #tpu.memory_space<semaphore_mem>>) src(%dma_wait3A_622 : memref<80x32xf32, #tpu.memory_space<vmem>>) dst(%dma_wait3A_628 : memref<64x32xf32, #tpu.memory_space<vmem_shared>>)
      %dma_wait3A_629 = arith.constant 7 : i32
      %dma_wait3A_630 = arith.constant 0 : i32
      %dma_wait3A_631 = tpu.memref_slice %arg15[%dma_wait3A_629, %dma_wait3A_630] : memref<8x80xi32, #tpu.memory_space<vmem>> -> memref<1x80xi32, #tpu.memory_space<vmem>>
      %dma_wait3A_632 = tpu.memref_squeeze %dma_wait3A_631 : memref<1x80xi32, #tpu.memory_space<vmem>> -> memref<80xi32, #tpu.memory_space<vmem>>
      %dma_wait3A_633 = arith.constant 0 : i32
      %dma_wait3A_634 = arith.constant 0 : i32
      %dma_wait3A_635 = tpu.memref_slice %arg21[%dma_wait3A_633, %dma_wait3A_634] : memref<64x32xf32, #tpu.memory_space<vmem_shared>> -> memref<64x32xf32, #tpu.memory_space<vmem_shared>>
      tpu.wait_indirect_dma semaphore(%arg23 : memref<!tpu.dma_semaphore, #tpu.memory_space<semaphore_mem>>) src(%arg16 : memref<80x32xf32, #tpu.memory_space<vmem>>) dst(%dma_wait3A_635 : memref<64x32xf32, #tpu.memory_space<vmem_shared>>)
    } else {
    }
    %eq3A_12 = arith.constant 15 : i32
    %eq3A_13 = arith.cmpi eq, %arg1, %eq3A_12 : i32
    %convert_element_type3A_14 = arith.extui %eq3A_13 : i1 to i32
    %cond3A_15 = arith.constant 0 : i32
    %cond3A_16 = arith.cmpi ne, %convert_element_type3A_14, %cond3A_15 : i32
    scf.if %cond3A_16 {
      %dma_start3A = arith.constant 0 : i32
      %dma_start3A_23 = arith.constant 0 : i32
      %dma_start3A_24 = arith.constant 0 : i32
      %dma_start3A_25 = tpu.memref_slice %arg9[%dma_start3A_23, %dma_start3A_24] : memref<640x32xf32, #tpu.memory_space<vmem>> -> memref<400x32xf32, #tpu.memory_space<vmem>>
      %dma_start3A_26 = arith.constant 0 : i32
      %dma_start3A_27 = tpu.memref_slice %arg2[%dma_start3A, %mul3A_0, %dma_start3A_26] : memref<2x10240x32xf32, #tpu.memory_space<hbm>> -> memref<1x400x32xf32, #tpu.memory_space<hbm>>
      %dma_start3A_28 = tpu.memref_squeeze %dma_start3A_27 : memref<1x400x32xf32, #tpu.memory_space<hbm>> -> memref<400x32xf32, #tpu.memory_space<hbm>>
      %dma_start3A_29 = arith.constant 0 : i32
      %dma_start3A_30 = arith.constant 0 : i32
      %dma_start3A_31 = tpu.memref_slice %arg9[%dma_start3A_29, %dma_start3A_30] : memref<640x32xf32, #tpu.memory_space<vmem>> -> memref<400x32xf32, #tpu.memory_space<vmem>>
      %dma_start3A_32 = arith.constant 0 : i32
      %dma_start3A_33 = tpu.memref_slice %arg2[%dma_start3A, %mul3A_0, %dma_start3A_32] : memref<2x10240x32xf32, #tpu.memory_space<hbm>> -> memref<1x400x32xf32, #tpu.memory_space<hbm>>
      %dma_start3A_34 = tpu.memref_squeeze %dma_start3A_33 : memref<1x400x32xf32, #tpu.memory_space<hbm>> -> memref<400x32xf32, #tpu.memory_space<hbm>>
      tpu.enqueue_dma source(%dma_start3A_34 : memref<400x32xf32, #tpu.memory_space<hbm>>) target(%dma_start3A_31 : memref<400x32xf32, #tpu.memory_space<vmem>>) target_semaphore(%arg22 : memref<!tpu.dma_semaphore, #tpu.memory_space<semaphore_mem>>)
      %dma_start3A_35 = arith.constant 1 : i32
      %dma_start3A_36 = arith.constant 0 : i32
      %dma_start3A_37 = arith.constant 0 : i32
      %dma_start3A_38 = tpu.memref_slice %arg10[%dma_start3A_36, %dma_start3A_37] : memref<640x32xf32, #tpu.memory_space<vmem>> -> memref<400x32xf32, #tpu.memory_space<vmem>>
      %dma_start3A_39 = arith.constant 0 : i32
      %dma_start3A_40 = tpu.memref_slice %arg2[%dma_start3A_35, %mul3A_0, %dma_start3A_39] : memref<2x10240x32xf32, #tpu.memory_space<hbm>> -> memref<1x400x32xf32, #tpu.memory_space<hbm>>
      %dma_start3A_41 = tpu.memref_squeeze %dma_start3A_40 : memref<1x400x32xf32, #tpu.memory_space<hbm>> -> memref<400x32xf32, #tpu.memory_space<hbm>>
      %dma_start3A_42 = arith.constant 0 : i32
      %dma_start3A_43 = arith.constant 0 : i32
      %dma_start3A_44 = tpu.memref_slice %arg10[%dma_start3A_42, %dma_start3A_43] : memref<640x32xf32, #tpu.memory_space<vmem>> -> memref<400x32xf32, #tpu.memory_space<vmem>>
      %dma_start3A_45 = arith.constant 0 : i32
      %dma_start3A_46 = tpu.memref_slice %arg2[%dma_start3A_35, %mul3A_0, %dma_start3A_45] : memref<2x10240x32xf32, #tpu.memory_space<hbm>> -> memref<1x400x32xf32, #tpu.memory_space<hbm>>
      %dma_start3A_47 = tpu.memref_squeeze %dma_start3A_46 : memref<1x400x32xf32, #tpu.memory_space<hbm>> -> memref<400x32xf32, #tpu.memory_space<hbm>>
      tpu.enqueue_dma source(%dma_start3A_47 : memref<400x32xf32, #tpu.memory_space<hbm>>) target(%dma_start3A_44 : memref<400x32xf32, #tpu.memory_space<vmem>>) target_semaphore(%arg22 : memref<!tpu.dma_semaphore, #tpu.memory_space<semaphore_mem>>)
      %dma_start3A_48 = arith.constant 0 : i32
      %dma_start3A_49 = arith.constant 0 : i32
      %dma_start3A_50 = arith.constant 0 : i32
      %dma_start3A_51 = tpu.memref_slice %arg11[%dma_start3A_49, %dma_start3A_50] : memref<640x32xf32, #tpu.memory_space<vmem>> -> memref<400x32xf32, #tpu.memory_space<vmem>>
      %dma_start3A_52 = arith.constant 0 : i32
      %dma_start3A_53 = tpu.memref_slice %arg3[%dma_start3A_48, %mul3A_0, %dma_start3A_52] : memref<2x10240x32xf32, #tpu.memory_space<hbm>> -> memref<1x400x32xf32, #tpu.memory_space<hbm>>
      %dma_start3A_54 = tpu.memref_squeeze %dma_start3A_53 : memref<1x400x32xf32, #tpu.memory_space<hbm>> -> memref<400x32xf32, #tpu.memory_space<hbm>>
      %dma_start3A_55 = arith.constant 0 : i32
      %dma_start3A_56 = arith.constant 0 : i32
      %dma_start3A_57 = tpu.memref_slice %arg11[%dma_start3A_55, %dma_start3A_56] : memref<640x32xf32, #tpu.memory_space<vmem>> -> memref<400x32xf32, #tpu.memory_space<vmem>>
      %dma_start3A_58 = arith.constant 0 : i32
      %dma_start3A_59 = tpu.memref_slice %arg3[%dma_start3A_48, %mul3A_0, %dma_start3A_58] : memref<2x10240x32xf32, #tpu.memory_space<hbm>> -> memref<1x400x32xf32, #tpu.memory_space<hbm>>
      %dma_start3A_60 = tpu.memref_squeeze %dma_start3A_59 : memref<1x400x32xf32, #tpu.memory_space<hbm>> -> memref<400x32xf32, #tpu.memory_space<hbm>>
      tpu.enqueue_dma source(%dma_start3A_60 : memref<400x32xf32, #tpu.memory_space<hbm>>) target(%dma_start3A_57 : memref<400x32xf32, #tpu.memory_space<vmem>>) target_semaphore(%arg22 : memref<!tpu.dma_semaphore, #tpu.memory_space<semaphore_mem>>)
      %dma_start3A_61 = arith.constant 1 : i32
      %dma_start3A_62 = arith.constant 0 : i32
      %dma_start3A_63 = arith.constant 0 : i32
      %dma_start3A_64 = tpu.memref_slice %arg12[%dma_start3A_62, %dma_start3A_63] : memref<640x32xf32, #tpu.memory_space<vmem>> -> memref<400x32xf32, #tpu.memory_space<vmem>>
      %dma_start3A_65 = arith.constant 0 : i32
      %dma_start3A_66 = tpu.memref_slice %arg3[%dma_start3A_61, %mul3A_0, %dma_start3A_65] : memref<2x10240x32xf32, #tpu.memory_space<hbm>> -> memref<1x400x32xf32, #tpu.memory_space<hbm>>
      %dma_start3A_67 = tpu.memref_squeeze %dma_start3A_66 : memref<1x400x32xf32, #tpu.memory_space<hbm>> -> memref<400x32xf32, #tpu.memory_space<hbm>>
      %dma_start3A_68 = arith.constant 0 : i32
      %dma_start3A_69 = arith.constant 0 : i32
      %dma_start3A_70 = tpu.memref_slice %arg12[%dma_start3A_68, %dma_start3A_69] : memref<640x32xf32, #tpu.memory_space<vmem>> -> memref<400x32xf32, #tpu.memory_space<vmem>>
      %dma_start3A_71 = arith.constant 0 : i32
      %dma_start3A_72 = tpu.memref_slice %arg3[%dma_start3A_61, %mul3A_0, %dma_start3A_71] : memref<2x10240x32xf32, #tpu.memory_space<hbm>> -> memref<1x400x32xf32, #tpu.memory_space<hbm>>
      %dma_start3A_73 = tpu.memref_squeeze %dma_start3A_72 : memref<1x400x32xf32, #tpu.memory_space<hbm>> -> memref<400x32xf32, #tpu.memory_space<hbm>>
      tpu.enqueue_dma source(%dma_start3A_73 : memref<400x32xf32, #tpu.memory_space<hbm>>) target(%dma_start3A_70 : memref<400x32xf32, #tpu.memory_space<vmem>>) target_semaphore(%arg22 : memref<!tpu.dma_semaphore, #tpu.memory_space<semaphore_mem>>)
      %dma_start3A_74 = arith.constant 0 : i32
      %dma_start3A_75 = arith.constant 0 : i32
      %dma_start3A_76 = tpu.memref_slice %arg13[%dma_start3A_74, %dma_start3A_75] : memref<640x32xf32, #tpu.memory_space<vmem>> -> memref<400x32xf32, #tpu.memory_space<vmem>>
      %dma_start3A_77 = arith.constant 0 : i32
      %dma_start3A_78 = tpu.memref_slice %arg4[%mul3A_0, %dma_start3A_77] : memref<10000x32xf32, #tpu.memory_space<hbm>> -> memref<400x32xf32, #tpu.memory_space<hbm>>
      %dma_start3A_79 = arith.constant 0 : i32
      %dma_start3A_80 = arith.constant 0 : i32
      %dma_start3A_81 = tpu.memref_slice %arg13[%dma_start3A_79, %dma_start3A_80] : memref<640x32xf32, #tpu.memory_space<vmem>> -> memref<400x32xf32, #tpu.memory_space<vmem>>
      %dma_start3A_82 = arith.constant 0 : i32
      %dma_start3A_83 = tpu.memref_slice %arg4[%mul3A_0, %dma_start3A_82] : memref<10000x32xf32, #tpu.memory_space<hbm>> -> memref<400x32xf32, #tpu.memory_space<hbm>>
      tpu.enqueue_dma source(%dma_start3A_83 : memref<400x32xf32, #tpu.memory_space<hbm>>) target(%dma_start3A_81 : memref<400x32xf32, #tpu.memory_space<vmem>>) target_semaphore(%arg22 : memref<!tpu.dma_semaphore, #tpu.memory_space<semaphore_mem>>)
      %dma_start3A_84 = arith.constant 0 : i32
      %dma_start3A_85 = arith.constant 0 : i32
      %dma_start3A_86 = tpu.memref_slice %arg14[%dma_start3A_84, %dma_start3A_85] : memref<640x32xf32, #tpu.memory_space<vmem>> -> memref<400x32xf32, #tpu.memory_space<vmem>>
      %dma_start3A_87 = arith.constant 0 : i32
      %dma_start3A_88 = tpu.memref_slice %arg5[%mul3A_0, %dma_start3A_87] : memref<10000x32xf32, #tpu.memory_space<hbm>> -> memref<400x32xf32, #tpu.memory_space<hbm>>
      %dma_start3A_89 = arith.constant 0 : i32
      %dma_start3A_90 = arith.constant 0 : i32
      %dma_start3A_91 = tpu.memref_slice %arg14[%dma_start3A_89, %dma_start3A_90] : memref<640x32xf32, #tpu.memory_space<vmem>> -> memref<400x32xf32, #tpu.memory_space<vmem>>
      %dma_start3A_92 = arith.constant 0 : i32
      %dma_start3A_93 = tpu.memref_slice %arg5[%mul3A_0, %dma_start3A_92] : memref<10000x32xf32, #tpu.memory_space<hbm>> -> memref<400x32xf32, #tpu.memory_space<hbm>>
      tpu.enqueue_dma source(%dma_start3A_93 : memref<400x32xf32, #tpu.memory_space<hbm>>) target(%dma_start3A_91 : memref<400x32xf32, #tpu.memory_space<vmem>>) target_semaphore(%arg22 : memref<!tpu.dma_semaphore, #tpu.memory_space<semaphore_mem>>)
      %add3A = arith.constant 0 : i32
      %add3A_94 = arith.addi %mul3A_0, %add3A : i32
      %run_scoped3A = arith.constant 0 : i32
      "tpu.region"() ({
        %run_scoped3A_465 = tpu.sem_alloc : memref<!tpu.dma_semaphore, #tpu.memory_space<semaphore_mem>>
        %dma_start3A_466 = arith.constant 0 : i32
        %dma_start3A_467 = tpu.memref_slice %arg15[%run_scoped3A, %dma_start3A_466] : memref<8x80xi32, #tpu.memory_space<vmem>> -> memref<1x80xi32, #tpu.memory_space<vmem>>
        %dma_start3A_468 = tpu.memref_squeeze %dma_start3A_467 : memref<1x80xi32, #tpu.memory_space<vmem>> -> memref<80xi32, #tpu.memory_space<vmem>>
        %dma_start3A_469 = tpu.memref_slice %arg6[%add3A_94] : memref<10000xi32, #tpu.memory_space<hbm>> -> memref<80xi32, #tpu.memory_space<hbm>>
        %dma_start3A_470 = arith.constant 0 : i32
        %dma_start3A_471 = tpu.memref_slice %arg15[%run_scoped3A, %dma_start3A_470] : memref<8x80xi32, #tpu.memory_space<vmem>> -> memref<1x80xi32, #tpu.memory_space<vmem>>
        %dma_start3A_472 = tpu.memref_squeeze %dma_start3A_471 : memref<1x80xi32, #tpu.memory_space<vmem>> -> memref<80xi32, #tpu.memory_space<vmem>>
        %dma_start3A_473 = tpu.memref_slice %arg6[%add3A_94] : memref<10000xi32, #tpu.memory_space<hbm>> -> memref<80xi32, #tpu.memory_space<hbm>>
        tpu.enqueue_dma source(%dma_start3A_473 : memref<80xi32, #tpu.memory_space<hbm>>) target(%dma_start3A_472 : memref<80xi32, #tpu.memory_space<vmem>>) target_semaphore(%run_scoped3A_465 : memref<!tpu.dma_semaphore, #tpu.memory_space<semaphore_mem>>)
        %dma_wait3A_474 = arith.constant 0 : i32
        %dma_wait3A_475 = tpu.memref_slice %arg15[%run_scoped3A, %dma_wait3A_474] : memref<8x80xi32, #tpu.memory_space<vmem>> -> memref<1x80xi32, #tpu.memory_space<vmem>>
        %dma_wait3A_476 = tpu.memref_squeeze %dma_wait3A_475 : memref<1x80xi32, #tpu.memory_space<vmem>> -> memref<80xi32, #tpu.memory_space<vmem>>
        %dma_wait3A_477 = tpu.memref_slice %arg6[%add3A_94] : memref<10000xi32, #tpu.memory_space<hbm>> -> memref<80xi32, #tpu.memory_space<hbm>>
        %dma_wait3A_478 = arith.constant 0 : i32
        %dma_wait3A_479 = tpu.memref_slice %arg15[%run_scoped3A, %dma_wait3A_478] : memref<8x80xi32, #tpu.memory_space<vmem>> -> memref<1x80xi32, #tpu.memory_space<vmem>>
        %dma_wait3A_480 = tpu.memref_squeeze %dma_wait3A_479 : memref<1x80xi32, #tpu.memory_space<vmem>> -> memref<80xi32, #tpu.memory_space<vmem>>
        %dma_wait3A_481 = tpu.memref_slice %arg6[%add3A_94] : memref<10000xi32, #tpu.memory_space<hbm>> -> memref<80xi32, #tpu.memory_space<hbm>>
        tpu.wait_dma2 semaphore(%run_scoped3A_465 : memref<!tpu.dma_semaphore, #tpu.memory_space<semaphore_mem>>) src(%dma_wait3A_481 : memref<80xi32, #tpu.memory_space<hbm>>) dst(%dma_wait3A_480 : memref<80xi32, #tpu.memory_space<vmem>>)
        tpu.yield
      }) : () -> ()
      %add3A_95 = arith.constant 80 : i32
      %add3A_96 = arith.addi %mul3A_0, %add3A_95 : i32
      %run_scoped3A_97 = arith.constant 1 : i32
      "tpu.region"() ({
        %run_scoped3A_465 = tpu.sem_alloc : memref<!tpu.dma_semaphore, #tpu.memory_space<semaphore_mem>>
        %dma_start3A_466 = arith.constant 0 : i32
        %dma_start3A_467 = tpu.memref_slice %arg15[%run_scoped3A_97, %dma_start3A_466] : memref<8x80xi32, #tpu.memory_space<vmem>> -> memref<1x80xi32, #tpu.memory_space<vmem>>
        %dma_start3A_468 = tpu.memref_squeeze %dma_start3A_467 : memref<1x80xi32, #tpu.memory_space<vmem>> -> memref<80xi32, #tpu.memory_space<vmem>>
        %dma_start3A_469 = tpu.memref_slice %arg6[%add3A_96] : memref<10000xi32, #tpu.memory_space<hbm>> -> memref<80xi32, #tpu.memory_space<hbm>>
        %dma_start3A_470 = arith.constant 0 : i32
        %dma_start3A_471 = tpu.memref_slice %arg15[%run_scoped3A_97, %dma_start3A_470] : memref<8x80xi32, #tpu.memory_space<vmem>> -> memref<1x80xi32, #tpu.memory_space<vmem>>
        %dma_start3A_472 = tpu.memref_squeeze %dma_start3A_471 : memref<1x80xi32, #tpu.memory_space<vmem>> -> memref<80xi32, #tpu.memory_space<vmem>>
        %dma_start3A_473 = tpu.memref_slice %arg6[%add3A_96] : memref<10000xi32, #tpu.memory_space<hbm>> -> memref<80xi32, #tpu.memory_space<hbm>>
        tpu.enqueue_dma source(%dma_start3A_473 : memref<80xi32, #tpu.memory_space<hbm>>) target(%dma_start3A_472 : memref<80xi32, #tpu.memory_space<vmem>>) target_semaphore(%run_scoped3A_465 : memref<!tpu.dma_semaphore, #tpu.memory_space<semaphore_mem>>)
        %dma_wait3A_474 = arith.constant 0 : i32
        %dma_wait3A_475 = tpu.memref_slice %arg15[%run_scoped3A_97, %dma_wait3A_474] : memref<8x80xi32, #tpu.memory_space<vmem>> -> memref<1x80xi32, #tpu.memory_space<vmem>>
        %dma_wait3A_476 = tpu.memref_squeeze %dma_wait3A_475 : memref<1x80xi32, #tpu.memory_space<vmem>> -> memref<80xi32, #tpu.memory_space<vmem>>
        %dma_wait3A_477 = tpu.memref_slice %arg6[%add3A_96] : memref<10000xi32, #tpu.memory_space<hbm>> -> memref<80xi32, #tpu.memory_space<hbm>>
        %dma_wait3A_478 = arith.constant 0 : i32
        %dma_wait3A_479 = tpu.memref_slice %arg15[%run_scoped3A_97, %dma_wait3A_478] : memref<8x80xi32, #tpu.memory_space<vmem>> -> memref<1x80xi32, #tpu.memory_space<vmem>>
        %dma_wait3A_480 = tpu.memref_squeeze %dma_wait3A_479 : memref<1x80xi32, #tpu.memory_space<vmem>> -> memref<80xi32, #tpu.memory_space<vmem>>
        %dma_wait3A_481 = tpu.memref_slice %arg6[%add3A_96] : memref<10000xi32, #tpu.memory_space<hbm>> -> memref<80xi32, #tpu.memory_space<hbm>>
        tpu.wait_dma2 semaphore(%run_scoped3A_465 : memref<!tpu.dma_semaphore, #tpu.memory_space<semaphore_mem>>) src(%dma_wait3A_481 : memref<80xi32, #tpu.memory_space<hbm>>) dst(%dma_wait3A_480 : memref<80xi32, #tpu.memory_space<vmem>>)
        tpu.yield
      }) : () -> ()
      %add3A_98 = arith.constant 160 : i32
      %add3A_99 = arith.addi %mul3A_0, %add3A_98 : i32
      %run_scoped3A_100 = arith.constant 2 : i32
      "tpu.region"() ({
        %run_scoped3A_465 = tpu.sem_alloc : memref<!tpu.dma_semaphore, #tpu.memory_space<semaphore_mem>>
        %dma_start3A_466 = arith.constant 0 : i32
        %dma_start3A_467 = tpu.memref_slice %arg15[%run_scoped3A_100, %dma_start3A_466] : memref<8x80xi32, #tpu.memory_space<vmem>> -> memref<1x80xi32, #tpu.memory_space<vmem>>
        %dma_start3A_468 = tpu.memref_squeeze %dma_start3A_467 : memref<1x80xi32, #tpu.memory_space<vmem>> -> memref<80xi32, #tpu.memory_space<vmem>>
        %dma_start3A_469 = tpu.memref_slice %arg6[%add3A_99] : memref<10000xi32, #tpu.memory_space<hbm>> -> memref<80xi32, #tpu.memory_space<hbm>>
        %dma_start3A_470 = arith.constant 0 : i32
        %dma_start3A_471 = tpu.memref_slice %arg15[%run_scoped3A_100, %dma_start3A_470] : memref<8x80xi32, #tpu.memory_space<vmem>> -> memref<1x80xi32, #tpu.memory_space<vmem>>
        %dma_start3A_472 = tpu.memref_squeeze %dma_start3A_471 : memref<1x80xi32, #tpu.memory_space<vmem>> -> memref<80xi32, #tpu.memory_space<vmem>>
        %dma_start3A_473 = tpu.memref_slice %arg6[%add3A_99] : memref<10000xi32, #tpu.memory_space<hbm>> -> memref<80xi32, #tpu.memory_space<hbm>>
        tpu.enqueue_dma source(%dma_start3A_473 : memref<80xi32, #tpu.memory_space<hbm>>) target(%dma_start3A_472 : memref<80xi32, #tpu.memory_space<vmem>>) target_semaphore(%run_scoped3A_465 : memref<!tpu.dma_semaphore, #tpu.memory_space<semaphore_mem>>)
        %dma_wait3A_474 = arith.constant 0 : i32
        %dma_wait3A_475 = tpu.memref_slice %arg15[%run_scoped3A_100, %dma_wait3A_474] : memref<8x80xi32, #tpu.memory_space<vmem>> -> memref<1x80xi32, #tpu.memory_space<vmem>>
        %dma_wait3A_476 = tpu.memref_squeeze %dma_wait3A_475 : memref<1x80xi32, #tpu.memory_space<vmem>> -> memref<80xi32, #tpu.memory_space<vmem>>
        %dma_wait3A_477 = tpu.memref_slice %arg6[%add3A_99] : memref<10000xi32, #tpu.memory_space<hbm>> -> memref<80xi32, #tpu.memory_space<hbm>>
        %dma_wait3A_478 = arith.constant 0 : i32
        %dma_wait3A_479 = tpu.memref_slice %arg15[%run_scoped3A_100, %dma_wait3A_478] : memref<8x80xi32, #tpu.memory_space<vmem>> -> memref<1x80xi32, #tpu.memory_space<vmem>>
        %dma_wait3A_480 = tpu.memref_squeeze %dma_wait3A_479 : memref<1x80xi32, #tpu.memory_space<vmem>> -> memref<80xi32, #tpu.memory_space<vmem>>
        %dma_wait3A_481 = tpu.memref_slice %arg6[%add3A_99] : memref<10000xi32, #tpu.memory_space<hbm>> -> memref<80xi32, #tpu.memory_space<hbm>>
        tpu.wait_dma2 semaphore(%run_scoped3A_465 : memref<!tpu.dma_semaphore, #tpu.memory_space<semaphore_mem>>) src(%dma_wait3A_481 : memref<80xi32, #tpu.memory_space<hbm>>) dst(%dma_wait3A_480 : memref<80xi32, #tpu.memory_space<vmem>>)
        tpu.yield
      }) : () -> ()
      %add3A_101 = arith.constant 240 : i32
      %add3A_102 = arith.addi %mul3A_0, %add3A_101 : i32
      %run_scoped3A_103 = arith.constant 3 : i32
      "tpu.region"() ({
        %run_scoped3A_465 = tpu.sem_alloc : memref<!tpu.dma_semaphore, #tpu.memory_space<semaphore_mem>>
        %dma_start3A_466 = arith.constant 0 : i32
        %dma_start3A_467 = tpu.memref_slice %arg15[%run_scoped3A_103, %dma_start3A_466] : memref<8x80xi32, #tpu.memory_space<vmem>> -> memref<1x80xi32, #tpu.memory_space<vmem>>
        %dma_start3A_468 = tpu.memref_squeeze %dma_start3A_467 : memref<1x80xi32, #tpu.memory_space<vmem>> -> memref<80xi32, #tpu.memory_space<vmem>>
        %dma_start3A_469 = tpu.memref_slice %arg6[%add3A_102] : memref<10000xi32, #tpu.memory_space<hbm>> -> memref<80xi32, #tpu.memory_space<hbm>>
        %dma_start3A_470 = arith.constant 0 : i32
        %dma_start3A_471 = tpu.memref_slice %arg15[%run_scoped3A_103, %dma_start3A_470] : memref<8x80xi32, #tpu.memory_space<vmem>> -> memref<1x80xi32, #tpu.memory_space<vmem>>
        %dma_start3A_472 = tpu.memref_squeeze %dma_start3A_471 : memref<1x80xi32, #tpu.memory_space<vmem>> -> memref<80xi32, #tpu.memory_space<vmem>>
        %dma_start3A_473 = tpu.memref_slice %arg6[%add3A_102] : memref<10000xi32, #tpu.memory_space<hbm>> -> memref<80xi32, #tpu.memory_space<hbm>>
        tpu.enqueue_dma source(%dma_start3A_473 : memref<80xi32, #tpu.memory_space<hbm>>) target(%dma_start3A_472 : memref<80xi32, #tpu.memory_space<vmem>>) target_semaphore(%run_scoped3A_465 : memref<!tpu.dma_semaphore, #tpu.memory_space<semaphore_mem>>)
        %dma_wait3A_474 = arith.constant 0 : i32
        %dma_wait3A_475 = tpu.memref_slice %arg15[%run_scoped3A_103, %dma_wait3A_474] : memref<8x80xi32, #tpu.memory_space<vmem>> -> memref<1x80xi32, #tpu.memory_space<vmem>>
        %dma_wait3A_476 = tpu.memref_squeeze %dma_wait3A_475 : memref<1x80xi32, #tpu.memory_space<vmem>> -> memref<80xi32, #tpu.memory_space<vmem>>
        %dma_wait3A_477 = tpu.memref_slice %arg6[%add3A_102] : memref<10000xi32, #tpu.memory_space<hbm>> -> memref<80xi32, #tpu.memory_space<hbm>>
        %dma_wait3A_478 = arith.constant 0 : i32
        %dma_wait3A_479 = tpu.memref_slice %arg15[%run_scoped3A_103, %dma_wait3A_478] : memref<8x80xi32, #tpu.memory_space<vmem>> -> memref<1x80xi32, #tpu.memory_space<vmem>>
        %dma_wait3A_480 = tpu.memref_squeeze %dma_wait3A_479 : memref<1x80xi32, #tpu.memory_space<vmem>> -> memref<80xi32, #tpu.memory_space<vmem>>
        %dma_wait3A_481 = tpu.memref_slice %arg6[%add3A_102] : memref<10000xi32, #tpu.memory_space<hbm>> -> memref<80xi32, #tpu.memory_space<hbm>>
        tpu.wait_dma2 semaphore(%run_scoped3A_465 : memref<!tpu.dma_semaphore, #tpu.memory_space<semaphore_mem>>) src(%dma_wait3A_481 : memref<80xi32, #tpu.memory_space<hbm>>) dst(%dma_wait3A_480 : memref<80xi32, #tpu.memory_space<vmem>>)
        tpu.yield
      }) : () -> ()
      %add3A_104 = arith.constant 320 : i32
      %add3A_105 = arith.addi %mul3A_0, %add3A_104 : i32
      %run_scoped3A_106 = arith.constant 4 : i32
      "tpu.region"() ({
        %run_scoped3A_465 = tpu.sem_alloc : memref<!tpu.dma_semaphore, #tpu.memory_space<semaphore_mem>>
        %dma_start3A_466 = arith.constant 0 : i32
        %dma_start3A_467 = tpu.memref_slice %arg15[%run_scoped3A_106, %dma_start3A_466] : memref<8x80xi32, #tpu.memory_space<vmem>> -> memref<1x80xi32, #tpu.memory_space<vmem>>
        %dma_start3A_468 = tpu.memref_squeeze %dma_start3A_467 : memref<1x80xi32, #tpu.memory_space<vmem>> -> memref<80xi32, #tpu.memory_space<vmem>>
        %dma_start3A_469 = tpu.memref_slice %arg6[%add3A_105] : memref<10000xi32, #tpu.memory_space<hbm>> -> memref<80xi32, #tpu.memory_space<hbm>>
        %dma_start3A_470 = arith.constant 0 : i32
        %dma_start3A_471 = tpu.memref_slice %arg15[%run_scoped3A_106, %dma_start3A_470] : memref<8x80xi32, #tpu.memory_space<vmem>> -> memref<1x80xi32, #tpu.memory_space<vmem>>
        %dma_start3A_472 = tpu.memref_squeeze %dma_start3A_471 : memref<1x80xi32, #tpu.memory_space<vmem>> -> memref<80xi32, #tpu.memory_space<vmem>>
        %dma_start3A_473 = tpu.memref_slice %arg6[%add3A_105] : memref<10000xi32, #tpu.memory_space<hbm>> -> memref<80xi32, #tpu.memory_space<hbm>>
        tpu.enqueue_dma source(%dma_start3A_473 : memref<80xi32, #tpu.memory_space<hbm>>) target(%dma_start3A_472 : memref<80xi32, #tpu.memory_space<vmem>>) target_semaphore(%run_scoped3A_465 : memref<!tpu.dma_semaphore, #tpu.memory_space<semaphore_mem>>)
        %dma_wait3A_474 = arith.constant 0 : i32
        %dma_wait3A_475 = tpu.memref_slice %arg15[%run_scoped3A_106, %dma_wait3A_474] : memref<8x80xi32, #tpu.memory_space<vmem>> -> memref<1x80xi32, #tpu.memory_space<vmem>>
        %dma_wait3A_476 = tpu.memref_squeeze %dma_wait3A_475 : memref<1x80xi32, #tpu.memory_space<vmem>> -> memref<80xi32, #tpu.memory_space<vmem>>
        %dma_wait3A_477 = tpu.memref_slice %arg6[%add3A_105] : memref<10000xi32, #tpu.memory_space<hbm>> -> memref<80xi32, #tpu.memory_space<hbm>>
        %dma_wait3A_478 = arith.constant 0 : i32
        %dma_wait3A_479 = tpu.memref_slice %arg15[%run_scoped3A_106, %dma_wait3A_478] : memref<8x80xi32, #tpu.memory_space<vmem>> -> memref<1x80xi32, #tpu.memory_space<vmem>>
        %dma_wait3A_480 = tpu.memref_squeeze %dma_wait3A_479 : memref<1x80xi32, #tpu.memory_space<vmem>> -> memref<80xi32, #tpu.memory_space<vmem>>
        %dma_wait3A_481 = tpu.memref_slice %arg6[%add3A_105] : memref<10000xi32, #tpu.memory_space<hbm>> -> memref<80xi32, #tpu.memory_space<hbm>>
        tpu.wait_dma2 semaphore(%run_scoped3A_465 : memref<!tpu.dma_semaphore, #tpu.memory_space<semaphore_mem>>) src(%dma_wait3A_481 : memref<80xi32, #tpu.memory_space<hbm>>) dst(%dma_wait3A_480 : memref<80xi32, #tpu.memory_space<vmem>>)
        tpu.yield
      }) : () -> ()
      %dma_wait3A = arith.constant 0 : i32
      %dma_wait3A_107 = arith.constant 0 : i32
      %dma_wait3A_108 = arith.constant 0 : i32
      %dma_wait3A_109 = tpu.memref_slice %arg9[%dma_wait3A_107, %dma_wait3A_108] : memref<640x32xf32, #tpu.memory_space<vmem>> -> memref<400x32xf32, #tpu.memory_space<vmem>>
      %dma_wait3A_110 = arith.constant 0 : i32
      %dma_wait3A_111 = tpu.memref_slice %arg2[%dma_wait3A, %mul3A_0, %dma_wait3A_110] : memref<2x10240x32xf32, #tpu.memory_space<hbm>> -> memref<1x400x32xf32, #tpu.memory_space<hbm>>
      %dma_wait3A_112 = tpu.memref_squeeze %dma_wait3A_111 : memref<1x400x32xf32, #tpu.memory_space<hbm>> -> memref<400x32xf32, #tpu.memory_space<hbm>>
      %dma_wait3A_113 = arith.constant 0 : i32
      %dma_wait3A_114 = arith.constant 0 : i32
      %dma_wait3A_115 = tpu.memref_slice %arg9[%dma_wait3A_113, %dma_wait3A_114] : memref<640x32xf32, #tpu.memory_space<vmem>> -> memref<400x32xf32, #tpu.memory_space<vmem>>
      %dma_wait3A_116 = arith.constant 0 : i32
      %dma_wait3A_117 = tpu.memref_slice %arg2[%dma_wait3A, %mul3A_0, %dma_wait3A_116] : memref<2x10240x32xf32, #tpu.memory_space<hbm>> -> memref<1x400x32xf32, #tpu.memory_space<hbm>>
      %dma_wait3A_118 = tpu.memref_squeeze %dma_wait3A_117 : memref<1x400x32xf32, #tpu.memory_space<hbm>> -> memref<400x32xf32, #tpu.memory_space<hbm>>
      tpu.wait_dma2 semaphore(%arg22 : memref<!tpu.dma_semaphore, #tpu.memory_space<semaphore_mem>>) src(%dma_wait3A_118 : memref<400x32xf32, #tpu.memory_space<hbm>>) dst(%dma_wait3A_115 : memref<400x32xf32, #tpu.memory_space<vmem>>)
      %dma_wait3A_119 = arith.constant 1 : i32
      %dma_wait3A_120 = arith.constant 0 : i32
      %dma_wait3A_121 = arith.constant 0 : i32
      %dma_wait3A_122 = tpu.memref_slice %arg10[%dma_wait3A_120, %dma_wait3A_121] : memref<640x32xf32, #tpu.memory_space<vmem>> -> memref<400x32xf32, #tpu.memory_space<vmem>>
      %dma_wait3A_123 = arith.constant 0 : i32
      %dma_wait3A_124 = tpu.memref_slice %arg2[%dma_wait3A_119, %mul3A_0, %dma_wait3A_123] : memref<2x10240x32xf32, #tpu.memory_space<hbm>> -> memref<1x400x32xf32, #tpu.memory_space<hbm>>
      %dma_wait3A_125 = tpu.memref_squeeze %dma_wait3A_124 : memref<1x400x32xf32, #tpu.memory_space<hbm>> -> memref<400x32xf32, #tpu.memory_space<hbm>>
      %dma_wait3A_126 = arith.constant 0 : i32
      %dma_wait3A_127 = arith.constant 0 : i32
      %dma_wait3A_128 = tpu.memref_slice %arg10[%dma_wait3A_126, %dma_wait3A_127] : memref<640x32xf32, #tpu.memory_space<vmem>> -> memref<400x32xf32, #tpu.memory_space<vmem>>
      %dma_wait3A_129 = arith.constant 0 : i32
      %dma_wait3A_130 = tpu.memref_slice %arg2[%dma_wait3A_119, %mul3A_0, %dma_wait3A_129] : memref<2x10240x32xf32, #tpu.memory_space<hbm>> -> memref<1x400x32xf32, #tpu.memory_space<hbm>>
      %dma_wait3A_131 = tpu.memref_squeeze %dma_wait3A_130 : memref<1x400x32xf32, #tpu.memory_space<hbm>> -> memref<400x32xf32, #tpu.memory_space<hbm>>
      tpu.wait_dma2 semaphore(%arg22 : memref<!tpu.dma_semaphore, #tpu.memory_space<semaphore_mem>>) src(%dma_wait3A_131 : memref<400x32xf32, #tpu.memory_space<hbm>>) dst(%dma_wait3A_128 : memref<400x32xf32, #tpu.memory_space<vmem>>)
      %dma_wait3A_132 = arith.constant 0 : i32
      %dma_wait3A_133 = arith.constant 0 : i32
      %dma_wait3A_134 = arith.constant 0 : i32
      %dma_wait3A_135 = tpu.memref_slice %arg11[%dma_wait3A_133, %dma_wait3A_134] : memref<640x32xf32, #tpu.memory_space<vmem>> -> memref<400x32xf32, #tpu.memory_space<vmem>>
      %dma_wait3A_136 = arith.constant 0 : i32
      %dma_wait3A_137 = tpu.memref_slice %arg3[%dma_wait3A_132, %mul3A_0, %dma_wait3A_136] : memref<2x10240x32xf32, #tpu.memory_space<hbm>> -> memref<1x400x32xf32, #tpu.memory_space<hbm>>
      %dma_wait3A_138 = tpu.memref_squeeze %dma_wait3A_137 : memref<1x400x32xf32, #tpu.memory_space<hbm>> -> memref<400x32xf32, #tpu.memory_space<hbm>>
      %dma_wait3A_139 = arith.constant 0 : i32
      %dma_wait3A_140 = arith.constant 0 : i32
      %dma_wait3A_141 = tpu.memref_slice %arg11[%dma_wait3A_139, %dma_wait3A_140] : memref<640x32xf32, #tpu.memory_space<vmem>> -> memref<400x32xf32, #tpu.memory_space<vmem>>
      %dma_wait3A_142 = arith.constant 0 : i32
      %dma_wait3A_143 = tpu.memref_slice %arg3[%dma_wait3A_132, %mul3A_0, %dma_wait3A_142] : memref<2x10240x32xf32, #tpu.memory_space<hbm>> -> memref<1x400x32xf32, #tpu.memory_space<hbm>>
      %dma_wait3A_144 = tpu.memref_squeeze %dma_wait3A_143 : memref<1x400x32xf32, #tpu.memory_space<hbm>> -> memref<400x32xf32, #tpu.memory_space<hbm>>
      tpu.wait_dma2 semaphore(%arg22 : memref<!tpu.dma_semaphore, #tpu.memory_space<semaphore_mem>>) src(%dma_wait3A_144 : memref<400x32xf32, #tpu.memory_space<hbm>>) dst(%dma_wait3A_141 : memref<400x32xf32, #tpu.memory_space<vmem>>)
      %dma_wait3A_145 = arith.constant 1 : i32
      %dma_wait3A_146 = arith.constant 0 : i32
      %dma_wait3A_147 = arith.constant 0 : i32
      %dma_wait3A_148 = tpu.memref_slice %arg12[%dma_wait3A_146, %dma_wait3A_147] : memref<640x32xf32, #tpu.memory_space<vmem>> -> memref<400x32xf32, #tpu.memory_space<vmem>>
      %dma_wait3A_149 = arith.constant 0 : i32
      %dma_wait3A_150 = tpu.memref_slice %arg3[%dma_wait3A_145, %mul3A_0, %dma_wait3A_149] : memref<2x10240x32xf32, #tpu.memory_space<hbm>> -> memref<1x400x32xf32, #tpu.memory_space<hbm>>
      %dma_wait3A_151 = tpu.memref_squeeze %dma_wait3A_150 : memref<1x400x32xf32, #tpu.memory_space<hbm>> -> memref<400x32xf32, #tpu.memory_space<hbm>>
      %dma_wait3A_152 = arith.constant 0 : i32
      %dma_wait3A_153 = arith.constant 0 : i32
      %dma_wait3A_154 = tpu.memref_slice %arg12[%dma_wait3A_152, %dma_wait3A_153] : memref<640x32xf32, #tpu.memory_space<vmem>> -> memref<400x32xf32, #tpu.memory_space<vmem>>
      %dma_wait3A_155 = arith.constant 0 : i32
      %dma_wait3A_156 = tpu.memref_slice %arg3[%dma_wait3A_145, %mul3A_0, %dma_wait3A_155] : memref<2x10240x32xf32, #tpu.memory_space<hbm>> -> memref<1x400x32xf32, #tpu.memory_space<hbm>>
      %dma_wait3A_157 = tpu.memref_squeeze %dma_wait3A_156 : memref<1x400x32xf32, #tpu.memory_space<hbm>> -> memref<400x32xf32, #tpu.memory_space<hbm>>
      tpu.wait_dma2 semaphore(%arg22 : memref<!tpu.dma_semaphore, #tpu.memory_space<semaphore_mem>>) src(%dma_wait3A_157 : memref<400x32xf32, #tpu.memory_space<hbm>>) dst(%dma_wait3A_154 : memref<400x32xf32, #tpu.memory_space<vmem>>)
      %dma_wait3A_158 = arith.constant 0 : i32
      %dma_wait3A_159 = arith.constant 0 : i32
      %dma_wait3A_160 = tpu.memref_slice %arg13[%dma_wait3A_158, %dma_wait3A_159] : memref<640x32xf32, #tpu.memory_space<vmem>> -> memref<400x32xf32, #tpu.memory_space<vmem>>
      %dma_wait3A_161 = arith.constant 0 : i32
      %dma_wait3A_162 = tpu.memref_slice %arg4[%mul3A_0, %dma_wait3A_161] : memref<10000x32xf32, #tpu.memory_space<hbm>> -> memref<400x32xf32, #tpu.memory_space<hbm>>
      %dma_wait3A_163 = arith.constant 0 : i32
      %dma_wait3A_164 = arith.constant 0 : i32
      %dma_wait3A_165 = tpu.memref_slice %arg13[%dma_wait3A_163, %dma_wait3A_164] : memref<640x32xf32, #tpu.memory_space<vmem>> -> memref<400x32xf32, #tpu.memory_space<vmem>>
      %dma_wait3A_166 = arith.constant 0 : i32
      %dma_wait3A_167 = tpu.memref_slice %arg4[%mul3A_0, %dma_wait3A_166] : memref<10000x32xf32, #tpu.memory_space<hbm>> -> memref<400x32xf32, #tpu.memory_space<hbm>>
      tpu.wait_dma2 semaphore(%arg22 : memref<!tpu.dma_semaphore, #tpu.memory_space<semaphore_mem>>) src(%dma_wait3A_167 : memref<400x32xf32, #tpu.memory_space<hbm>>) dst(%dma_wait3A_165 : memref<400x32xf32, #tpu.memory_space<vmem>>)
      %dma_wait3A_168 = arith.constant 0 : i32
      %dma_wait3A_169 = arith.constant 0 : i32
      %dma_wait3A_170 = tpu.memref_slice %arg14[%dma_wait3A_168, %dma_wait3A_169] : memref<640x32xf32, #tpu.memory_space<vmem>> -> memref<400x32xf32, #tpu.memory_space<vmem>>
      %dma_wait3A_171 = arith.constant 0 : i32
      %dma_wait3A_172 = tpu.memref_slice %arg5[%mul3A_0, %dma_wait3A_171] : memref<10000x32xf32, #tpu.memory_space<hbm>> -> memref<400x32xf32, #tpu.memory_space<hbm>>
      %dma_wait3A_173 = arith.constant 0 : i32
      %dma_wait3A_174 = arith.constant 0 : i32
      %dma_wait3A_175 = tpu.memref_slice %arg14[%dma_wait3A_173, %dma_wait3A_174] : memref<640x32xf32, #tpu.memory_space<vmem>> -> memref<400x32xf32, #tpu.memory_space<vmem>>
      %dma_wait3A_176 = arith.constant 0 : i32
      %dma_wait3A_177 = tpu.memref_slice %arg5[%mul3A_0, %dma_wait3A_176] : memref<10000x32xf32, #tpu.memory_space<hbm>> -> memref<400x32xf32, #tpu.memory_space<hbm>>
      tpu.wait_dma2 semaphore(%arg22 : memref<!tpu.dma_semaphore, #tpu.memory_space<semaphore_mem>>) src(%dma_wait3A_177 : memref<400x32xf32, #tpu.memory_space<hbm>>) dst(%dma_wait3A_175 : memref<400x32xf32, #tpu.memory_space<vmem>>)
      %get3A = arith.constant 0 : index
      %get3A_178 = tpu.vector_load %arg17[%get3A] {strides = array<i32>} : memref<64xf32, #tpu.memory_space<vmem>>, vector<16xf32>,
      %get3A_179 = vector.shape_cast %get3A_178 : vector<16xf32> to vector<16xf32>
      %get3A_180 = arith.constant 16 : index
      %get3A_181 = tpu.vector_load %arg17[%get3A_180] {strides = array<i32>} : memref<64xf32, #tpu.memory_space<vmem>>, vector<16xf32>,
      %get3A_182 = vector.shape_cast %get3A_181 : vector<16xf32> to vector<16xf32>
      %get3A_183 = arith.constant 32 : index
      %get3A_184 = tpu.vector_load %arg17[%get3A_183] {strides = array<i32>} : memref<64xf32, #tpu.memory_space<vmem>>, vector<16xf32>,
      %get3A_185 = vector.shape_cast %get3A_184 : vector<16xf32> to vector<16xf32>
      %get3A_186 = arith.constant 48 : index
      %get3A_187 = tpu.vector_load %arg17[%get3A_186] {strides = array<i32>} : memref<64xf32, #tpu.memory_space<vmem>>, vector<16xf32>,
      %get3A_188 = vector.shape_cast %get3A_187 : vector<16xf32> to vector<16xf32>
      %scan3A_189 = arith.constant 0 : i32
      %scan3A_190 = arith.constant 0 : i32
      %scan3A_191 = arith.constant 400 : i32
      %scan3A_192 = arith.addi %scan3A_190, %scan3A_191 : i32
      %scan3A_193 = arith.constant 1 : i32
      scf.for %scan3A_465 = %scan3A_190 to %scan3A_192 step %scan3A_193  : i32 {
        %get3A_466 = arith.index_cast %scan3A_465 : i32 to index
        %get3A_467 = arith.constant 0 : index
        %get3A_468 = tpu.vector_load %arg13[%get3A_466, %get3A_467] {strides = array<i32>} : memref<640x32xf32, #tpu.memory_space<vmem>>, vector<1x16xf32>,
        %get3A_469 = vector.shape_cast %get3A_468 : vector<1x16xf32> to vector<16xf32>
        %get3A_470 = arith.index_cast %scan3A_465 : i32 to index
        %get3A_471 = arith.constant 0 : index
        %get3A_472 = tpu.vector_load %arg9[%get3A_470, %get3A_471] {strides = array<i32>} : memref<640x32xf32, #tpu.memory_space<vmem>>, vector<1x16xf32>,
        %get3A_473 = vector.shape_cast %get3A_472 : vector<1x16xf32> to vector<16xf32>
        %add3A_474 = arith.addf %get3A_469, %get3A_473 : vector<16xf32>
        %get3A_475 = arith.index_cast %scan3A_465 : i32 to index
        %get3A_476 = arith.constant 0 : index
        %get3A_477 = tpu.vector_load %arg10[%get3A_475, %get3A_476] {strides = array<i32>} : memref<640x32xf32, #tpu.memory_space<vmem>>, vector<1x16xf32>,
        %get3A_478 = vector.shape_cast %get3A_477 : vector<1x16xf32> to vector<16xf32>
        %add3A_479 = arith.addf %add3A_474, %get3A_478 : vector<16xf32>
        %add3A_480 = arith.addf %add3A_479, %get3A_179 : vector<16xf32>
        %get3A_481 = arith.index_cast %scan3A_465 : i32 to index
        %get3A_482 = arith.constant 16 : index
        %get3A_483 = tpu.vector_load %arg13[%get3A_481, %get3A_482] {strides = array<i32>} : memref<640x32xf32, #tpu.memory_space<vmem>>, vector<1x16xf32>,
        %get3A_484 = vector.shape_cast %get3A_483 : vector<1x16xf32> to vector<16xf32>
        %get3A_485 = arith.index_cast %scan3A_465 : i32 to index
        %get3A_486 = arith.constant 16 : index
        %get3A_487 = tpu.vector_load %arg9[%get3A_485, %get3A_486] {strides = array<i32>} : memref<640x32xf32, #tpu.memory_space<vmem>>, vector<1x16xf32>,
        %get3A_488 = vector.shape_cast %get3A_487 : vector<1x16xf32> to vector<16xf32>
        %add3A_489 = arith.addf %get3A_484, %get3A_488 : vector<16xf32>
        %get3A_490 = arith.index_cast %scan3A_465 : i32 to index
        %get3A_491 = arith.constant 16 : index
        %get3A_492 = tpu.vector_load %arg10[%get3A_490, %get3A_491] {strides = array<i32>} : memref<640x32xf32, #tpu.memory_space<vmem>>, vector<1x16xf32>,
        %get3A_493 = vector.shape_cast %get3A_492 : vector<1x16xf32> to vector<16xf32>
        %add3A_494 = arith.addf %add3A_489, %get3A_493 : vector<16xf32>
        %add3A_495 = arith.addf %add3A_494, %get3A_182 : vector<16xf32>
        %max3A = arith.constant 0.000000e+00 : f32
        %max3A_496 = vector.broadcast %max3A : f32 to vector<16xf32>
        %max3A_497 = arith.maximumf %add3A_480, %max3A_496 : vector<16xf32>
        %swap3A = arith.index_cast %scan3A_465 : i32 to index
        %swap3A_498 = arith.constant 0 : index
        %swap3A_499 = tpu.vector_load %arg13[%swap3A, %swap3A_498] {strides = array<i32>} : memref<640x32xf32, #tpu.memory_space<vmem>>, vector<1x16xf32>,
        %swap3A_500 = vector.shape_cast %swap3A_499 : vector<1x16xf32> to vector<16xf32>
        %swap3A_501 = vector.shape_cast %max3A_497 : vector<16xf32> to vector<1x16xf32>
        tpu.vector_store %arg13[%swap3A, %swap3A_498], %swap3A_501 {strides = array<i32>} : memref<640x32xf32, #tpu.memory_space<vmem>>, vector<1x16xf32>,
        %max3A_502 = arith.constant 0.000000e+00 : f32
        %max3A_503 = vector.broadcast %max3A_502 : f32 to vector<16xf32>
        %max3A_504 = arith.maximumf %add3A_495, %max3A_503 : vector<16xf32>
        %swap3A_505 = arith.index_cast %scan3A_465 : i32 to index
        %swap3A_506 = arith.constant 16 : index
        %swap3A_507 = tpu.vector_load %arg13[%swap3A_505, %swap3A_506] {strides = array<i32>} : memref<640x32xf32, #tpu.memory_space<vmem>>, vector<1x16xf32>,
        %swap3A_508 = vector.shape_cast %swap3A_507 : vector<1x16xf32> to vector<16xf32>
        %swap3A_509 = vector.shape_cast %max3A_504 : vector<16xf32> to vector<1x16xf32>
        tpu.vector_store %arg13[%swap3A_505, %swap3A_506], %swap3A_509 {strides = array<i32>} : memref<640x32xf32, #tpu.memory_space<vmem>>, vector<1x16xf32>,
        %get3A_510 = arith.index_cast %scan3A_465 : i32 to index
        %get3A_511 = arith.constant 0 : index
        %get3A_512 = tpu.vector_load %arg14[%get3A_510, %get3A_511] {strides = array<i32>} : memref<640x32xf32, #tpu.memory_space<vmem>>, vector<1x16xf32>,
        %get3A_513 = vector.shape_cast %get3A_512 : vector<1x16xf32> to vector<16xf32>
        %get3A_514 = arith.index_cast %scan3A_465 : i32 to index
        %get3A_515 = arith.constant 0 : index
        %get3A_516 = tpu.vector_load %arg11[%get3A_514, %get3A_515] {strides = array<i32>} : memref<640x32xf32, #tpu.memory_space<vmem>>, vector<1x16xf32>,
        %get3A_517 = vector.shape_cast %get3A_516 : vector<1x16xf32> to vector<16xf32>
        %add3A_518 = arith.addf %get3A_513, %get3A_517 : vector<16xf32>
        %get3A_519 = arith.index_cast %scan3A_465 : i32 to index
        %get3A_520 = arith.constant 0 : index
        %get3A_521 = tpu.vector_load %arg12[%get3A_519, %get3A_520] {strides = array<i32>} : memref<640x32xf32, #tpu.memory_space<vmem>>, vector<1x16xf32>,
        %get3A_522 = vector.shape_cast %get3A_521 : vector<1x16xf32> to vector<16xf32>
        %add3A_523 = arith.addf %add3A_518, %get3A_522 : vector<16xf32>
        %add3A_524 = arith.addf %add3A_523, %get3A_185 : vector<16xf32>
        %get3A_525 = arith.index_cast %scan3A_465 : i32 to index
        %get3A_526 = arith.constant 16 : index
        %get3A_527 = tpu.vector_load %arg14[%get3A_525, %get3A_526] {strides = array<i32>} : memref<640x32xf32, #tpu.memory_space<vmem>>, vector<1x16xf32>,
        %get3A_528 = vector.shape_cast %get3A_527 : vector<1x16xf32> to vector<16xf32>
        %get3A_529 = arith.index_cast %scan3A_465 : i32 to index
        %get3A_530 = arith.constant 16 : index
        %get3A_531 = tpu.vector_load %arg11[%get3A_529, %get3A_530] {strides = array<i32>} : memref<640x32xf32, #tpu.memory_space<vmem>>, vector<1x16xf32>,
        %get3A_532 = vector.shape_cast %get3A_531 : vector<1x16xf32> to vector<16xf32>
        %add3A_533 = arith.addf %get3A_528, %get3A_532 : vector<16xf32>
        %get3A_534 = arith.index_cast %scan3A_465 : i32 to index
        %get3A_535 = arith.constant 16 : index
        %get3A_536 = tpu.vector_load %arg12[%get3A_534, %get3A_535] {strides = array<i32>} : memref<640x32xf32, #tpu.memory_space<vmem>>, vector<1x16xf32>,
        %get3A_537 = vector.shape_cast %get3A_536 : vector<1x16xf32> to vector<16xf32>
        %add3A_538 = arith.addf %add3A_533, %get3A_537 : vector<16xf32>
        %add3A_539 = arith.addf %add3A_538, %get3A_188 : vector<16xf32>
        %max3A_540 = arith.constant 0.000000e+00 : f32
        %max3A_541 = vector.broadcast %max3A_540 : f32 to vector<16xf32>
        %max3A_542 = arith.maximumf %add3A_524, %max3A_541 : vector<16xf32>
        %swap3A_543 = arith.index_cast %scan3A_465 : i32 to index
        %swap3A_544 = arith.constant 0 : index
        %swap3A_545 = tpu.vector_load %arg14[%swap3A_543, %swap3A_544] {strides = array<i32>} : memref<640x32xf32, #tpu.memory_space<vmem>>, vector<1x16xf32>,
        %swap3A_546 = vector.shape_cast %swap3A_545 : vector<1x16xf32> to vector<16xf32>
        %swap3A_547 = vector.shape_cast %max3A_542 : vector<16xf32> to vector<1x16xf32>
        tpu.vector_store %arg14[%swap3A_543, %swap3A_544], %swap3A_547 {strides = array<i32>} : memref<640x32xf32, #tpu.memory_space<vmem>>, vector<1x16xf32>,
        %max3A_548 = arith.constant 0.000000e+00 : f32
        %max3A_549 = vector.broadcast %max3A_548 : f32 to vector<16xf32>
        %max3A_550 = arith.maximumf %add3A_539, %max3A_549 : vector<16xf32>
        %swap3A_551 = arith.index_cast %scan3A_465 : i32 to index
        %swap3A_552 = arith.constant 16 : index
        %swap3A_553 = tpu.vector_load %arg14[%swap3A_551, %swap3A_552] {strides = array<i32>} : memref<640x32xf32, #tpu.memory_space<vmem>>, vector<1x16xf32>,
        %swap3A_554 = vector.shape_cast %swap3A_553 : vector<1x16xf32> to vector<16xf32>
        %swap3A_555 = vector.shape_cast %max3A_550 : vector<16xf32> to vector<1x16xf32>
        tpu.vector_store %arg14[%swap3A_551, %swap3A_552], %swap3A_555 {strides = array<i32>} : memref<640x32xf32, #tpu.memory_space<vmem>>, vector<1x16xf32>,
      }
      %scan3A_194 = arith.constant 400 : i32
      %dma_start3A_195 = arith.constant 0 : i32
      %dma_start3A_196 = arith.constant 0 : i32
      %dma_start3A_197 = arith.constant 0 : i32
      %dma_start3A_198 = tpu.memref_slice %arg13[%dma_start3A_196, %dma_start3A_197] : memref<640x32xf32, #tpu.memory_space<vmem>> -> memref<80x32xf32, #tpu.memory_space<vmem>>
      %dma_start3A_199 = arith.constant 0 : i32
      %dma_start3A_200 = tpu.memref_slice %arg15[%dma_start3A_195, %dma_start3A_199] : memref<8x80xi32, #tpu.memory_space<vmem>> -> memref<1x80xi32, #tpu.memory_space<vmem>>
      %dma_start3A_201 = tpu.memref_squeeze %dma_start3A_200 : memref<1x80xi32, #tpu.memory_space<vmem>> -> memref<80xi32, #tpu.memory_space<vmem>>
      %dma_start3A_202 = arith.constant 0 : i32
      %dma_start3A_203 = arith.constant 0 : i32
      %dma_start3A_204 = tpu.memref_slice %arg19[%dma_start3A_202, %dma_start3A_203] : memref<64x32xf32, #tpu.memory_space<vmem_shared>> -> memref<64x32xf32, #tpu.memory_space<vmem_shared>>
      tpu.enqueue_indirect_dma source(%dma_start3A_198 : memref<80x32xf32, #tpu.memory_space<vmem>>) target(%dma_start3A_204 : memref<64x32xf32, #tpu.memory_space<vmem_shared>>) offsets(%dma_start3A_201 : memref<80xi32, #tpu.memory_space<vmem>>) semaphore(%arg23 : memref<!tpu.dma_semaphore, #tpu.memory_space<semaphore_mem>>) {add = true}
      %dma_start3A_205 = arith.constant 0 : i32
      %dma_start3A_206 = arith.constant 0 : i32
      %dma_start3A_207 = arith.constant 0 : i32
      %dma_start3A_208 = tpu.memref_slice %arg14[%dma_start3A_206, %dma_start3A_207] : memref<640x32xf32, #tpu.memory_space<vmem>> -> memref<80x32xf32, #tpu.memory_space<vmem>>
      %dma_start3A_209 = arith.constant 0 : i32
      %dma_start3A_210 = tpu.memref_slice %arg15[%dma_start3A_205, %dma_start3A_209] : memref<8x80xi32, #tpu.memory_space<vmem>> -> memref<1x80xi32, #tpu.memory_space<vmem>>
      %dma_start3A_211 = tpu.memref_squeeze %dma_start3A_210 : memref<1x80xi32, #tpu.memory_space<vmem>> -> memref<80xi32, #tpu.memory_space<vmem>>
      %dma_start3A_212 = arith.constant 0 : i32
      %dma_start3A_213 = arith.constant 0 : i32
      %dma_start3A_214 = tpu.memref_slice %arg20[%dma_start3A_212, %dma_start3A_213] : memref<64x32xf32, #tpu.memory_space<vmem_shared>> -> memref<64x32xf32, #tpu.memory_space<vmem_shared>>
      tpu.enqueue_indirect_dma source(%dma_start3A_208 : memref<80x32xf32, #tpu.memory_space<vmem>>) target(%dma_start3A_214 : memref<64x32xf32, #tpu.memory_space<vmem_shared>>) offsets(%dma_start3A_211 : memref<80xi32, #tpu.memory_space<vmem>>) semaphore(%arg23 : memref<!tpu.dma_semaphore, #tpu.memory_space<semaphore_mem>>) {add = true}
      %dma_start3A_215 = arith.constant 0 : i32
      %dma_start3A_216 = arith.constant 0 : i32
      %dma_start3A_217 = tpu.memref_slice %arg15[%dma_start3A_215, %dma_start3A_216] : memref<8x80xi32, #tpu.memory_space<vmem>> -> memref<1x80xi32, #tpu.memory_space<vmem>>
      %dma_start3A_218 = tpu.memref_squeeze %dma_start3A_217 : memref<1x80xi32, #tpu.memory_space<vmem>> -> memref<80xi32, #tpu.memory_space<vmem>>
      %dma_start3A_219 = arith.constant 0 : i32
      %dma_start3A_220 = arith.constant 0 : i32
      %dma_start3A_221 = tpu.memref_slice %arg21[%dma_start3A_219, %dma_start3A_220] : memref<64x32xf32, #tpu.memory_space<vmem_shared>> -> memref<64x32xf32, #tpu.memory_space<vmem_shared>>
      tpu.enqueue_indirect_dma source(%arg16 : memref<80x32xf32, #tpu.memory_space<vmem>>) target(%dma_start3A_221 : memref<64x32xf32, #tpu.memory_space<vmem_shared>>) offsets(%dma_start3A_218 : memref<80xi32, #tpu.memory_space<vmem>>) semaphore(%arg23 : memref<!tpu.dma_semaphore, #tpu.memory_space<semaphore_mem>>) {add = true}
      %dma_start3A_222 = arith.constant 1 : i32
      %dma_start3A_223 = arith.constant 80 : i32
      %dma_start3A_224 = arith.constant 0 : i32
      %dma_start3A_225 = tpu.memref_slice %arg13[%dma_start3A_223, %dma_start3A_224] : memref<640x32xf32, #tpu.memory_space<vmem>> -> memref<80x32xf32, #tpu.memory_space<vmem>>
      %dma_start3A_226 = arith.constant 0 : i32
      %dma_start3A_227 = tpu.memref_slice %arg15[%dma_start3A_222, %dma_start3A_226] : memref<8x80xi32, #tpu.memory_space<vmem>> -> memref<1x80xi32, #tpu.memory_space<vmem>>
      %dma_start3A_228 = tpu.memref_squeeze %dma_start3A_227 : memref<1x80xi32, #tpu.memory_space<vmem>> -> memref<80xi32, #tpu.memory_space<vmem>>
      %dma_start3A_229 = arith.constant 0 : i32
      %dma_start3A_230 = arith.constant 0 : i32
      %dma_start3A_231 = tpu.memref_slice %arg19[%dma_start3A_229, %dma_start3A_230] : memref<64x32xf32, #tpu.memory_space<vmem_shared>> -> memref<64x32xf32, #tpu.memory_space<vmem_shared>>
      tpu.enqueue_indirect_dma source(%dma_start3A_225 : memref<80x32xf32, #tpu.memory_space<vmem>>) target(%dma_start3A_231 : memref<64x32xf32, #tpu.memory_space<vmem_shared>>) offsets(%dma_start3A_228 : memref<80xi32, #tpu.memory_space<vmem>>) semaphore(%arg23 : memref<!tpu.dma_semaphore, #tpu.memory_space<semaphore_mem>>) {add = true}
      %dma_start3A_232 = arith.constant 1 : i32
      %dma_start3A_233 = arith.constant 80 : i32
      %dma_start3A_234 = arith.constant 0 : i32
      %dma_start3A_235 = tpu.memref_slice %arg14[%dma_start3A_233, %dma_start3A_234] : memref<640x32xf32, #tpu.memory_space<vmem>> -> memref<80x32xf32, #tpu.memory_space<vmem>>
      %dma_start3A_236 = arith.constant 0 : i32
      %dma_start3A_237 = tpu.memref_slice %arg15[%dma_start3A_232, %dma_start3A_236] : memref<8x80xi32, #tpu.memory_space<vmem>> -> memref<1x80xi32, #tpu.memory_space<vmem>>
      %dma_start3A_238 = tpu.memref_squeeze %dma_start3A_237 : memref<1x80xi32, #tpu.memory_space<vmem>> -> memref<80xi32, #tpu.memory_space<vmem>>
      %dma_start3A_239 = arith.constant 0 : i32
      %dma_start3A_240 = arith.constant 0 : i32
      %dma_start3A_241 = tpu.memref_slice %arg20[%dma_start3A_239, %dma_start3A_240] : memref<64x32xf32, #tpu.memory_space<vmem_shared>> -> memref<64x32xf32, #tpu.memory_space<vmem_shared>>
      tpu.enqueue_indirect_dma source(%dma_start3A_235 : memref<80x32xf32, #tpu.memory_space<vmem>>) target(%dma_start3A_241 : memref<64x32xf32, #tpu.memory_space<vmem_shared>>) offsets(%dma_start3A_238 : memref<80xi32, #tpu.memory_space<vmem>>) semaphore(%arg23 : memref<!tpu.dma_semaphore, #tpu.memory_space<semaphore_mem>>) {add = true}
      %dma_start3A_242 = arith.constant 1 : i32
      %dma_start3A_243 = arith.constant 0 : i32
      %dma_start3A_244 = tpu.memref_slice %arg15[%dma_start3A_242, %dma_start3A_243] : memref<8x80xi32, #tpu.memory_space<vmem>> -> memref<1x80xi32, #tpu.memory_space<vmem>>
      %dma_start3A_245 = tpu.memref_squeeze %dma_start3A_244 : memref<1x80xi32, #tpu.memory_space<vmem>> -> memref<80xi32, #tpu.memory_space<vmem>>
      %dma_start3A_246 = arith.constant 0 : i32
      %dma_start3A_247 = arith.constant 0 : i32
      %dma_start3A_248 = tpu.memref_slice %arg21[%dma_start3A_246, %dma_start3A_247] : memref<64x32xf32, #tpu.memory_space<vmem_shared>> -> memref<64x32xf32, #tpu.memory_space<vmem_shared>>
      tpu.enqueue_indirect_dma source(%arg16 : memref<80x32xf32, #tpu.memory_space<vmem>>) target(%dma_start3A_248 : memref<64x32xf32, #tpu.memory_space<vmem_shared>>) offsets(%dma_start3A_245 : memref<80xi32, #tpu.memory_space<vmem>>) semaphore(%arg23 : memref<!tpu.dma_semaphore, #tpu.memory_space<semaphore_mem>>) {add = true}
      %dma_start3A_249 = arith.constant 2 : i32
      %dma_start3A_250 = arith.constant 160 : i32
      %dma_start3A_251 = arith.constant 0 : i32
      %dma_start3A_252 = tpu.memref_slice %arg13[%dma_start3A_250, %dma_start3A_251] : memref<640x32xf32, #tpu.memory_space<vmem>> -> memref<80x32xf32, #tpu.memory_space<vmem>>
      %dma_start3A_253 = arith.constant 0 : i32
      %dma_start3A_254 = tpu.memref_slice %arg15[%dma_start3A_249, %dma_start3A_253] : memref<8x80xi32, #tpu.memory_space<vmem>> -> memref<1x80xi32, #tpu.memory_space<vmem>>
      %dma_start3A_255 = tpu.memref_squeeze %dma_start3A_254 : memref<1x80xi32, #tpu.memory_space<vmem>> -> memref<80xi32, #tpu.memory_space<vmem>>
      %dma_start3A_256 = arith.constant 0 : i32
      %dma_start3A_257 = arith.constant 0 : i32
      %dma_start3A_258 = tpu.memref_slice %arg19[%dma_start3A_256, %dma_start3A_257] : memref<64x32xf32, #tpu.memory_space<vmem_shared>> -> memref<64x32xf32, #tpu.memory_space<vmem_shared>>
      tpu.enqueue_indirect_dma source(%dma_start3A_252 : memref<80x32xf32, #tpu.memory_space<vmem>>) target(%dma_start3A_258 : memref<64x32xf32, #tpu.memory_space<vmem_shared>>) offsets(%dma_start3A_255 : memref<80xi32, #tpu.memory_space<vmem>>) semaphore(%arg23 : memref<!tpu.dma_semaphore, #tpu.memory_space<semaphore_mem>>) {add = true}
      %dma_start3A_259 = arith.constant 2 : i32
      %dma_start3A_260 = arith.constant 160 : i32
      %dma_start3A_261 = arith.constant 0 : i32
      %dma_start3A_262 = tpu.memref_slice %arg14[%dma_start3A_260, %dma_start3A_261] : memref<640x32xf32, #tpu.memory_space<vmem>> -> memref<80x32xf32, #tpu.memory_space<vmem>>
      %dma_start3A_263 = arith.constant 0 : i32
      %dma_start3A_264 = tpu.memref_slice %arg15[%dma_start3A_259, %dma_start3A_263] : memref<8x80xi32, #tpu.memory_space<vmem>> -> memref<1x80xi32, #tpu.memory_space<vmem>>
      %dma_start3A_265 = tpu.memref_squeeze %dma_start3A_264 : memref<1x80xi32, #tpu.memory_space<vmem>> -> memref<80xi32, #tpu.memory_space<vmem>>
      %dma_start3A_266 = arith.constant 0 : i32
      %dma_start3A_267 = arith.constant 0 : i32
      %dma_start3A_268 = tpu.memref_slice %arg20[%dma_start3A_266, %dma_start3A_267] : memref<64x32xf32, #tpu.memory_space<vmem_shared>> -> memref<64x32xf32, #tpu.memory_space<vmem_shared>>
      tpu.enqueue_indirect_dma source(%dma_start3A_262 : memref<80x32xf32, #tpu.memory_space<vmem>>) target(%dma_start3A_268 : memref<64x32xf32, #tpu.memory_space<vmem_shared>>) offsets(%dma_start3A_265 : memref<80xi32, #tpu.memory_space<vmem>>) semaphore(%arg23 : memref<!tpu.dma_semaphore, #tpu.memory_space<semaphore_mem>>) {add = true}
      %dma_start3A_269 = arith.constant 2 : i32
      %dma_start3A_270 = arith.constant 0 : i32
      %dma_start3A_271 = tpu.memref_slice %arg15[%dma_start3A_269, %dma_start3A_270] : memref<8x80xi32, #tpu.memory_space<vmem>> -> memref<1x80xi32, #tpu.memory_space<vmem>>
      %dma_start3A_272 = tpu.memref_squeeze %dma_start3A_271 : memref<1x80xi32, #tpu.memory_space<vmem>> -> memref<80xi32, #tpu.memory_space<vmem>>
      %dma_start3A_273 = arith.constant 0 : i32
      %dma_start3A_274 = arith.constant 0 : i32
      %dma_start3A_275 = tpu.memref_slice %arg21[%dma_start3A_273, %dma_start3A_274] : memref<64x32xf32, #tpu.memory_space<vmem_shared>> -> memref<64x32xf32, #tpu.memory_space<vmem_shared>>
      tpu.enqueue_indirect_dma source(%arg16 : memref<80x32xf32, #tpu.memory_space<vmem>>) target(%dma_start3A_275 : memref<64x32xf32, #tpu.memory_space<vmem_shared>>) offsets(%dma_start3A_272 : memref<80xi32, #tpu.memory_space<vmem>>) semaphore(%arg23 : memref<!tpu.dma_semaphore, #tpu.memory_space<semaphore_mem>>) {add = true}
      %dma_start3A_276 = arith.constant 3 : i32
      %dma_start3A_277 = arith.constant 240 : i32
      %dma_start3A_278 = arith.constant 0 : i32
      %dma_start3A_279 = tpu.memref_slice %arg13[%dma_start3A_277, %dma_start3A_278] : memref<640x32xf32, #tpu.memory_space<vmem>> -> memref<80x32xf32, #tpu.memory_space<vmem>>
      %dma_start3A_280 = arith.constant 0 : i32
      %dma_start3A_281 = tpu.memref_slice %arg15[%dma_start3A_276, %dma_start3A_280] : memref<8x80xi32, #tpu.memory_space<vmem>> -> memref<1x80xi32, #tpu.memory_space<vmem>>
      %dma_start3A_282 = tpu.memref_squeeze %dma_start3A_281 : memref<1x80xi32, #tpu.memory_space<vmem>> -> memref<80xi32, #tpu.memory_space<vmem>>
      %dma_start3A_283 = arith.constant 0 : i32
      %dma_start3A_284 = arith.constant 0 : i32
      %dma_start3A_285 = tpu.memref_slice %arg19[%dma_start3A_283, %dma_start3A_284] : memref<64x32xf32, #tpu.memory_space<vmem_shared>> -> memref<64x32xf32, #tpu.memory_space<vmem_shared>>
      tpu.enqueue_indirect_dma source(%dma_start3A_279 : memref<80x32xf32, #tpu.memory_space<vmem>>) target(%dma_start3A_285 : memref<64x32xf32, #tpu.memory_space<vmem_shared>>) offsets(%dma_start3A_282 : memref<80xi32, #tpu.memory_space<vmem>>) semaphore(%arg23 : memref<!tpu.dma_semaphore, #tpu.memory_space<semaphore_mem>>) {add = true}
      %dma_start3A_286 = arith.constant 3 : i32
      %dma_start3A_287 = arith.constant 240 : i32
      %dma_start3A_288 = arith.constant 0 : i32
      %dma_start3A_289 = tpu.memref_slice %arg14[%dma_start3A_287, %dma_start3A_288] : memref<640x32xf32, #tpu.memory_space<vmem>> -> memref<80x32xf32, #tpu.memory_space<vmem>>
      %dma_start3A_290 = arith.constant 0 : i32
      %dma_start3A_291 = tpu.memref_slice %arg15[%dma_start3A_286, %dma_start3A_290] : memref<8x80xi32, #tpu.memory_space<vmem>> -> memref<1x80xi32, #tpu.memory_space<vmem>>
      %dma_start3A_292 = tpu.memref_squeeze %dma_start3A_291 : memref<1x80xi32, #tpu.memory_space<vmem>> -> memref<80xi32, #tpu.memory_space<vmem>>
      %dma_start3A_293 = arith.constant 0 : i32
      %dma_start3A_294 = arith.constant 0 : i32
      %dma_start3A_295 = tpu.memref_slice %arg20[%dma_start3A_293, %dma_start3A_294] : memref<64x32xf32, #tpu.memory_space<vmem_shared>> -> memref<64x32xf32, #tpu.memory_space<vmem_shared>>
      tpu.enqueue_indirect_dma source(%dma_start3A_289 : memref<80x32xf32, #tpu.memory_space<vmem>>) target(%dma_start3A_295 : memref<64x32xf32, #tpu.memory_space<vmem_shared>>) offsets(%dma_start3A_292 : memref<80xi32, #tpu.memory_space<vmem>>) semaphore(%arg23 : memref<!tpu.dma_semaphore, #tpu.memory_space<semaphore_mem>>) {add = true}
      %dma_start3A_296 = arith.constant 3 : i32
      %dma_start3A_297 = arith.constant 0 : i32
      %dma_start3A_298 = tpu.memref_slice %arg15[%dma_start3A_296, %dma_start3A_297] : memref<8x80xi32, #tpu.memory_space<vmem>> -> memref<1x80xi32, #tpu.memory_space<vmem>>
      %dma_start3A_299 = tpu.memref_squeeze %dma_start3A_298 : memref<1x80xi32, #tpu.memory_space<vmem>> -> memref<80xi32, #tpu.memory_space<vmem>>
      %dma_start3A_300 = arith.constant 0 : i32
      %dma_start3A_301 = arith.constant 0 : i32
      %dma_start3A_302 = tpu.memref_slice %arg21[%dma_start3A_300, %dma_start3A_301] : memref<64x32xf32, #tpu.memory_space<vmem_shared>> -> memref<64x32xf32, #tpu.memory_space<vmem_shared>>
      tpu.enqueue_indirect_dma source(%arg16 : memref<80x32xf32, #tpu.memory_space<vmem>>) target(%dma_start3A_302 : memref<64x32xf32, #tpu.memory_space<vmem_shared>>) offsets(%dma_start3A_299 : memref<80xi32, #tpu.memory_space<vmem>>) semaphore(%arg23 : memref<!tpu.dma_semaphore, #tpu.memory_space<semaphore_mem>>) {add = true}
      %dma_start3A_303 = arith.constant 4 : i32
      %dma_start3A_304 = arith.constant 320 : i32
      %dma_start3A_305 = arith.constant 0 : i32
      %dma_start3A_306 = tpu.memref_slice %arg13[%dma_start3A_304, %dma_start3A_305] : memref<640x32xf32, #tpu.memory_space<vmem>> -> memref<80x32xf32, #tpu.memory_space<vmem>>
      %dma_start3A_307 = arith.constant 0 : i32
      %dma_start3A_308 = tpu.memref_slice %arg15[%dma_start3A_303, %dma_start3A_307] : memref<8x80xi32, #tpu.memory_space<vmem>> -> memref<1x80xi32, #tpu.memory_space<vmem>>
      %dma_start3A_309 = tpu.memref_squeeze %dma_start3A_308 : memref<1x80xi32, #tpu.memory_space<vmem>> -> memref<80xi32, #tpu.memory_space<vmem>>
      %dma_start3A_310 = arith.constant 0 : i32
      %dma_start3A_311 = arith.constant 0 : i32
      %dma_start3A_312 = tpu.memref_slice %arg19[%dma_start3A_310, %dma_start3A_311] : memref<64x32xf32, #tpu.memory_space<vmem_shared>> -> memref<64x32xf32, #tpu.memory_space<vmem_shared>>
      tpu.enqueue_indirect_dma source(%dma_start3A_306 : memref<80x32xf32, #tpu.memory_space<vmem>>) target(%dma_start3A_312 : memref<64x32xf32, #tpu.memory_space<vmem_shared>>) offsets(%dma_start3A_309 : memref<80xi32, #tpu.memory_space<vmem>>) semaphore(%arg23 : memref<!tpu.dma_semaphore, #tpu.memory_space<semaphore_mem>>) {add = true}
      %dma_start3A_313 = arith.constant 4 : i32
      %dma_start3A_314 = arith.constant 320 : i32
      %dma_start3A_315 = arith.constant 0 : i32
      %dma_start3A_316 = tpu.memref_slice %arg14[%dma_start3A_314, %dma_start3A_315] : memref<640x32xf32, #tpu.memory_space<vmem>> -> memref<80x32xf32, #tpu.memory_space<vmem>>
      %dma_start3A_317 = arith.constant 0 : i32
      %dma_start3A_318 = tpu.memref_slice %arg15[%dma_start3A_313, %dma_start3A_317] : memref<8x80xi32, #tpu.memory_space<vmem>> -> memref<1x80xi32, #tpu.memory_space<vmem>>
      %dma_start3A_319 = tpu.memref_squeeze %dma_start3A_318 : memref<1x80xi32, #tpu.memory_space<vmem>> -> memref<80xi32, #tpu.memory_space<vmem>>
      %dma_start3A_320 = arith.constant 0 : i32
      %dma_start3A_321 = arith.constant 0 : i32
      %dma_start3A_322 = tpu.memref_slice %arg20[%dma_start3A_320, %dma_start3A_321] : memref<64x32xf32, #tpu.memory_space<vmem_shared>> -> memref<64x32xf32, #tpu.memory_space<vmem_shared>>
      tpu.enqueue_indirect_dma source(%dma_start3A_316 : memref<80x32xf32, #tpu.memory_space<vmem>>) target(%dma_start3A_322 : memref<64x32xf32, #tpu.memory_space<vmem_shared>>) offsets(%dma_start3A_319 : memref<80xi32, #tpu.memory_space<vmem>>) semaphore(%arg23 : memref<!tpu.dma_semaphore, #tpu.memory_space<semaphore_mem>>) {add = true}
      %dma_start3A_323 = arith.constant 4 : i32
      %dma_start3A_324 = arith.constant 0 : i32
      %dma_start3A_325 = tpu.memref_slice %arg15[%dma_start3A_323, %dma_start3A_324] : memref<8x80xi32, #tpu.memory_space<vmem>> -> memref<1x80xi32, #tpu.memory_space<vmem>>
      %dma_start3A_326 = tpu.memref_squeeze %dma_start3A_325 : memref<1x80xi32, #tpu.memory_space<vmem>> -> memref<80xi32, #tpu.memory_space<vmem>>
      %dma_start3A_327 = arith.constant 0 : i32
      %dma_start3A_328 = arith.constant 0 : i32
      %dma_start3A_329 = tpu.memref_slice %arg21[%dma_start3A_327, %dma_start3A_328] : memref<64x32xf32, #tpu.memory_space<vmem_shared>> -> memref<64x32xf32, #tpu.memory_space<vmem_shared>>
      tpu.enqueue_indirect_dma source(%arg16 : memref<80x32xf32, #tpu.memory_space<vmem>>) target(%dma_start3A_329 : memref<64x32xf32, #tpu.memory_space<vmem_shared>>) offsets(%dma_start3A_326 : memref<80xi32, #tpu.memory_space<vmem>>) semaphore(%arg23 : memref<!tpu.dma_semaphore, #tpu.memory_space<semaphore_mem>>) {add = true}
      %dma_wait3A_330 = arith.constant 0 : i32
      %dma_wait3A_331 = arith.constant 0 : i32
      %dma_wait3A_332 = arith.constant 0 : i32
      %dma_wait3A_333 = tpu.memref_slice %arg13[%dma_wait3A_331, %dma_wait3A_332] : memref<640x32xf32, #tpu.memory_space<vmem>> -> memref<80x32xf32, #tpu.memory_space<vmem>>
      %dma_wait3A_334 = arith.constant 0 : i32
      %dma_wait3A_335 = tpu.memref_slice %arg15[%dma_wait3A_330, %dma_wait3A_334] : memref<8x80xi32, #tpu.memory_space<vmem>> -> memref<1x80xi32, #tpu.memory_space<vmem>>
      %dma_wait3A_336 = tpu.memref_squeeze %dma_wait3A_335 : memref<1x80xi32, #tpu.memory_space<vmem>> -> memref<80xi32, #tpu.memory_space<vmem>>
      %dma_wait3A_337 = arith.constant 0 : i32
      %dma_wait3A_338 = arith.constant 0 : i32
      %dma_wait3A_339 = tpu.memref_slice %arg19[%dma_wait3A_337, %dma_wait3A_338] : memref<64x32xf32, #tpu.memory_space<vmem_shared>> -> memref<64x32xf32, #tpu.memory_space<vmem_shared>>
      tpu.wait_indirect_dma semaphore(%arg23 : memref<!tpu.dma_semaphore, #tpu.memory_space<semaphore_mem>>) src(%dma_wait3A_333 : memref<80x32xf32, #tpu.memory_space<vmem>>) dst(%dma_wait3A_339 : memref<64x32xf32, #tpu.memory_space<vmem_shared>>)
      %dma_wait3A_340 = arith.constant 0 : i32
      %dma_wait3A_341 = arith.constant 0 : i32
      %dma_wait3A_342 = arith.constant 0 : i32
      %dma_wait3A_343 = tpu.memref_slice %arg14[%dma_wait3A_341, %dma_wait3A_342] : memref<640x32xf32, #tpu.memory_space<vmem>> -> memref<80x32xf32, #tpu.memory_space<vmem>>
      %dma_wait3A_344 = arith.constant 0 : i32
      %dma_wait3A_345 = tpu.memref_slice %arg15[%dma_wait3A_340, %dma_wait3A_344] : memref<8x80xi32, #tpu.memory_space<vmem>> -> memref<1x80xi32, #tpu.memory_space<vmem>>
      %dma_wait3A_346 = tpu.memref_squeeze %dma_wait3A_345 : memref<1x80xi32, #tpu.memory_space<vmem>> -> memref<80xi32, #tpu.memory_space<vmem>>
      %dma_wait3A_347 = arith.constant 0 : i32
      %dma_wait3A_348 = arith.constant 0 : i32
      %dma_wait3A_349 = tpu.memref_slice %arg20[%dma_wait3A_347, %dma_wait3A_348] : memref<64x32xf32, #tpu.memory_space<vmem_shared>> -> memref<64x32xf32, #tpu.memory_space<vmem_shared>>
      tpu.wait_indirect_dma semaphore(%arg23 : memref<!tpu.dma_semaphore, #tpu.memory_space<semaphore_mem>>) src(%dma_wait3A_343 : memref<80x32xf32, #tpu.memory_space<vmem>>) dst(%dma_wait3A_349 : memref<64x32xf32, #tpu.memory_space<vmem_shared>>)
      %dma_wait3A_350 = arith.constant 0 : i32
      %dma_wait3A_351 = arith.constant 0 : i32
      %dma_wait3A_352 = tpu.memref_slice %arg15[%dma_wait3A_350, %dma_wait3A_351] : memref<8x80xi32, #tpu.memory_space<vmem>> -> memref<1x80xi32, #tpu.memory_space<vmem>>
      %dma_wait3A_353 = tpu.memref_squeeze %dma_wait3A_352 : memref<1x80xi32, #tpu.memory_space<vmem>> -> memref<80xi32, #tpu.memory_space<vmem>>
      %dma_wait3A_354 = arith.constant 0 : i32
      %dma_wait3A_355 = arith.constant 0 : i32
      %dma_wait3A_356 = tpu.memref_slice %arg21[%dma_wait3A_354, %dma_wait3A_355] : memref<64x32xf32, #tpu.memory_space<vmem_shared>> -> memref<64x32xf32, #tpu.memory_space<vmem_shared>>
      tpu.wait_indirect_dma semaphore(%arg23 : memref<!tpu.dma_semaphore, #tpu.memory_space<semaphore_mem>>) src(%arg16 : memref<80x32xf32, #tpu.memory_space<vmem>>) dst(%dma_wait3A_356 : memref<64x32xf32, #tpu.memory_space<vmem_shared>>)
      %dma_wait3A_357 = arith.constant 1 : i32
      %dma_wait3A_358 = arith.constant 80 : i32
      %dma_wait3A_359 = arith.constant 0 : i32
      %dma_wait3A_360 = tpu.memref_slice %arg13[%dma_wait3A_358, %dma_wait3A_359] : memref<640x32xf32, #tpu.memory_space<vmem>> -> memref<80x32xf32, #tpu.memory_space<vmem>>
      %dma_wait3A_361 = arith.constant 0 : i32
      %dma_wait3A_362 = tpu.memref_slice %arg15[%dma_wait3A_357, %dma_wait3A_361] : memref<8x80xi32, #tpu.memory_space<vmem>> -> memref<1x80xi32, #tpu.memory_space<vmem>>
      %dma_wait3A_363 = tpu.memref_squeeze %dma_wait3A_362 : memref<1x80xi32, #tpu.memory_space<vmem>> -> memref<80xi32, #tpu.memory_space<vmem>>
      %dma_wait3A_364 = arith.constant 0 : i32
      %dma_wait3A_365 = arith.constant 0 : i32
      %dma_wait3A_366 = tpu.memref_slice %arg19[%dma_wait3A_364, %dma_wait3A_365] : memref<64x32xf32, #tpu.memory_space<vmem_shared>> -> memref<64x32xf32, #tpu.memory_space<vmem_shared>>
      tpu.wait_indirect_dma semaphore(%arg23 : memref<!tpu.dma_semaphore, #tpu.memory_space<semaphore_mem>>) src(%dma_wait3A_360 : memref<80x32xf32, #tpu.memory_space<vmem>>) dst(%dma_wait3A_366 : memref<64x32xf32, #tpu.memory_space<vmem_shared>>)
      %dma_wait3A_367 = arith.constant 1 : i32
      %dma_wait3A_368 = arith.constant 80 : i32
      %dma_wait3A_369 = arith.constant 0 : i32
      %dma_wait3A_370 = tpu.memref_slice %arg14[%dma_wait3A_368, %dma_wait3A_369] : memref<640x32xf32, #tpu.memory_space<vmem>> -> memref<80x32xf32, #tpu.memory_space<vmem>>
      %dma_wait3A_371 = arith.constant 0 : i32
      %dma_wait3A_372 = tpu.memref_slice %arg15[%dma_wait3A_367, %dma_wait3A_371] : memref<8x80xi32, #tpu.memory_space<vmem>> -> memref<1x80xi32, #tpu.memory_space<vmem>>
      %dma_wait3A_373 = tpu.memref_squeeze %dma_wait3A_372 : memref<1x80xi32, #tpu.memory_space<vmem>> -> memref<80xi32, #tpu.memory_space<vmem>>
      %dma_wait3A_374 = arith.constant 0 : i32
      %dma_wait3A_375 = arith.constant 0 : i32
      %dma_wait3A_376 = tpu.memref_slice %arg20[%dma_wait3A_374, %dma_wait3A_375] : memref<64x32xf32, #tpu.memory_space<vmem_shared>> -> memref<64x32xf32, #tpu.memory_space<vmem_shared>>
      tpu.wait_indirect_dma semaphore(%arg23 : memref<!tpu.dma_semaphore, #tpu.memory_space<semaphore_mem>>) src(%dma_wait3A_370 : memref<80x32xf32, #tpu.memory_space<vmem>>) dst(%dma_wait3A_376 : memref<64x32xf32, #tpu.memory_space<vmem_shared>>)
      %dma_wait3A_377 = arith.constant 1 : i32
      %dma_wait3A_378 = arith.constant 0 : i32
      %dma_wait3A_379 = tpu.memref_slice %arg15[%dma_wait3A_377, %dma_wait3A_378] : memref<8x80xi32, #tpu.memory_space<vmem>> -> memref<1x80xi32, #tpu.memory_space<vmem>>
      %dma_wait3A_380 = tpu.memref_squeeze %dma_wait3A_379 : memref<1x80xi32, #tpu.memory_space<vmem>> -> memref<80xi32, #tpu.memory_space<vmem>>
      %dma_wait3A_381 = arith.constant 0 : i32
      %dma_wait3A_382 = arith.constant 0 : i32
      %dma_wait3A_383 = tpu.memref_slice %arg21[%dma_wait3A_381, %dma_wait3A_382] : memref<64x32xf32, #tpu.memory_space<vmem_shared>> -> memref<64x32xf32, #tpu.memory_space<vmem_shared>>
      tpu.wait_indirect_dma semaphore(%arg23 : memref<!tpu.dma_semaphore, #tpu.memory_space<semaphore_mem>>) src(%arg16 : memref<80x32xf32, #tpu.memory_space<vmem>>) dst(%dma_wait3A_383 : memref<64x32xf32, #tpu.memory_space<vmem_shared>>)
      %dma_wait3A_384 = arith.constant 2 : i32
      %dma_wait3A_385 = arith.constant 160 : i32
      %dma_wait3A_386 = arith.constant 0 : i32
      %dma_wait3A_387 = tpu.memref_slice %arg13[%dma_wait3A_385, %dma_wait3A_386] : memref<640x32xf32, #tpu.memory_space<vmem>> -> memref<80x32xf32, #tpu.memory_space<vmem>>
      %dma_wait3A_388 = arith.constant 0 : i32
      %dma_wait3A_389 = tpu.memref_slice %arg15[%dma_wait3A_384, %dma_wait3A_388] : memref<8x80xi32, #tpu.memory_space<vmem>> -> memref<1x80xi32, #tpu.memory_space<vmem>>
      %dma_wait3A_390 = tpu.memref_squeeze %dma_wait3A_389 : memref<1x80xi32, #tpu.memory_space<vmem>> -> memref<80xi32, #tpu.memory_space<vmem>>
      %dma_wait3A_391 = arith.constant 0 : i32
      %dma_wait3A_392 = arith.constant 0 : i32
      %dma_wait3A_393 = tpu.memref_slice %arg19[%dma_wait3A_391, %dma_wait3A_392] : memref<64x32xf32, #tpu.memory_space<vmem_shared>> -> memref<64x32xf32, #tpu.memory_space<vmem_shared>>
      tpu.wait_indirect_dma semaphore(%arg23 : memref<!tpu.dma_semaphore, #tpu.memory_space<semaphore_mem>>) src(%dma_wait3A_387 : memref<80x32xf32, #tpu.memory_space<vmem>>) dst(%dma_wait3A_393 : memref<64x32xf32, #tpu.memory_space<vmem_shared>>)
      %dma_wait3A_394 = arith.constant 2 : i32
      %dma_wait3A_395 = arith.constant 160 : i32
      %dma_wait3A_396 = arith.constant 0 : i32
      %dma_wait3A_397 = tpu.memref_slice %arg14[%dma_wait3A_395, %dma_wait3A_396] : memref<640x32xf32, #tpu.memory_space<vmem>> -> memref<80x32xf32, #tpu.memory_space<vmem>>
      %dma_wait3A_398 = arith.constant 0 : i32
      %dma_wait3A_399 = tpu.memref_slice %arg15[%dma_wait3A_394, %dma_wait3A_398] : memref<8x80xi32, #tpu.memory_space<vmem>> -> memref<1x80xi32, #tpu.memory_space<vmem>>
      %dma_wait3A_400 = tpu.memref_squeeze %dma_wait3A_399 : memref<1x80xi32, #tpu.memory_space<vmem>> -> memref<80xi32, #tpu.memory_space<vmem>>
      %dma_wait3A_401 = arith.constant 0 : i32
      %dma_wait3A_402 = arith.constant 0 : i32
      %dma_wait3A_403 = tpu.memref_slice %arg20[%dma_wait3A_401, %dma_wait3A_402] : memref<64x32xf32, #tpu.memory_space<vmem_shared>> -> memref<64x32xf32, #tpu.memory_space<vmem_shared>>
      tpu.wait_indirect_dma semaphore(%arg23 : memref<!tpu.dma_semaphore, #tpu.memory_space<semaphore_mem>>) src(%dma_wait3A_397 : memref<80x32xf32, #tpu.memory_space<vmem>>) dst(%dma_wait3A_403 : memref<64x32xf32, #tpu.memory_space<vmem_shared>>)
      %dma_wait3A_404 = arith.constant 2 : i32
      %dma_wait3A_405 = arith.constant 0 : i32
      %dma_wait3A_406 = tpu.memref_slice %arg15[%dma_wait3A_404, %dma_wait3A_405] : memref<8x80xi32, #tpu.memory_space<vmem>> -> memref<1x80xi32, #tpu.memory_space<vmem>>
      %dma_wait3A_407 = tpu.memref_squeeze %dma_wait3A_406 : memref<1x80xi32, #tpu.memory_space<vmem>> -> memref<80xi32, #tpu.memory_space<vmem>>
      %dma_wait3A_408 = arith.constant 0 : i32
      %dma_wait3A_409 = arith.constant 0 : i32
      %dma_wait3A_410 = tpu.memref_slice %arg21[%dma_wait3A_408, %dma_wait3A_409] : memref<64x32xf32, #tpu.memory_space<vmem_shared>> -> memref<64x32xf32, #tpu.memory_space<vmem_shared>>
      tpu.wait_indirect_dma semaphore(%arg23 : memref<!tpu.dma_semaphore, #tpu.memory_space<semaphore_mem>>) src(%arg16 : memref<80x32xf32, #tpu.memory_space<vmem>>) dst(%dma_wait3A_410 : memref<64x32xf32, #tpu.memory_space<vmem_shared>>)
      %dma_wait3A_411 = arith.constant 3 : i32
      %dma_wait3A_412 = arith.constant 240 : i32
      %dma_wait3A_413 = arith.constant 0 : i32
      %dma_wait3A_414 = tpu.memref_slice %arg13[%dma_wait3A_412, %dma_wait3A_413] : memref<640x32xf32, #tpu.memory_space<vmem>> -> memref<80x32xf32, #tpu.memory_space<vmem>>
      %dma_wait3A_415 = arith.constant 0 : i32
      %dma_wait3A_416 = tpu.memref_slice %arg15[%dma_wait3A_411, %dma_wait3A_415] : memref<8x80xi32, #tpu.memory_space<vmem>> -> memref<1x80xi32, #tpu.memory_space<vmem>>
      %dma_wait3A_417 = tpu.memref_squeeze %dma_wait3A_416 : memref<1x80xi32, #tpu.memory_space<vmem>> -> memref<80xi32, #tpu.memory_space<vmem>>
      %dma_wait3A_418 = arith.constant 0 : i32
      %dma_wait3A_419 = arith.constant 0 : i32
      %dma_wait3A_420 = tpu.memref_slice %arg19[%dma_wait3A_418, %dma_wait3A_419] : memref<64x32xf32, #tpu.memory_space<vmem_shared>> -> memref<64x32xf32, #tpu.memory_space<vmem_shared>>
      tpu.wait_indirect_dma semaphore(%arg23 : memref<!tpu.dma_semaphore, #tpu.memory_space<semaphore_mem>>) src(%dma_wait3A_414 : memref<80x32xf32, #tpu.memory_space<vmem>>) dst(%dma_wait3A_420 : memref<64x32xf32, #tpu.memory_space<vmem_shared>>)
      %dma_wait3A_421 = arith.constant 3 : i32
      %dma_wait3A_422 = arith.constant 240 : i32
      %dma_wait3A_423 = arith.constant 0 : i32
      %dma_wait3A_424 = tpu.memref_slice %arg14[%dma_wait3A_422, %dma_wait3A_423] : memref<640x32xf32, #tpu.memory_space<vmem>> -> memref<80x32xf32, #tpu.memory_space<vmem>>
      %dma_wait3A_425 = arith.constant 0 : i32
      %dma_wait3A_426 = tpu.memref_slice %arg15[%dma_wait3A_421, %dma_wait3A_425] : memref<8x80xi32, #tpu.memory_space<vmem>> -> memref<1x80xi32, #tpu.memory_space<vmem>>
      %dma_wait3A_427 = tpu.memref_squeeze %dma_wait3A_426 : memref<1x80xi32, #tpu.memory_space<vmem>> -> memref<80xi32, #tpu.memory_space<vmem>>
      %dma_wait3A_428 = arith.constant 0 : i32
      %dma_wait3A_429 = arith.constant 0 : i32
      %dma_wait3A_430 = tpu.memref_slice %arg20[%dma_wait3A_428, %dma_wait3A_429] : memref<64x32xf32, #tpu.memory_space<vmem_shared>> -> memref<64x32xf32, #tpu.memory_space<vmem_shared>>
      tpu.wait_indirect_dma semaphore(%arg23 : memref<!tpu.dma_semaphore, #tpu.memory_space<semaphore_mem>>) src(%dma_wait3A_424 : memref<80x32xf32, #tpu.memory_space<vmem>>) dst(%dma_wait3A_430 : memref<64x32xf32, #tpu.memory_space<vmem_shared>>)
      %dma_wait3A_431 = arith.constant 3 : i32
      %dma_wait3A_432 = arith.constant 0 : i32
      %dma_wait3A_433 = tpu.memref_slice %arg15[%dma_wait3A_431, %dma_wait3A_432] : memref<8x80xi32, #tpu.memory_space<vmem>> -> memref<1x80xi32, #tpu.memory_space<vmem>>
      %dma_wait3A_434 = tpu.memref_squeeze %dma_wait3A_433 : memref<1x80xi32, #tpu.memory_space<vmem>> -> memref<80xi32, #tpu.memory_space<vmem>>
      %dma_wait3A_435 = arith.constant 0 : i32
      %dma_wait3A_436 = arith.constant 0 : i32
      %dma_wait3A_437 = tpu.memref_slice %arg21[%dma_wait3A_435, %dma_wait3A_436] : memref<64x32xf32, #tpu.memory_space<vmem_shared>> -> memref<64x32xf32, #tpu.memory_space<vmem_shared>>
      tpu.wait_indirect_dma semaphore(%arg23 : memref<!tpu.dma_semaphore, #tpu.memory_space<semaphore_mem>>) src(%arg16 : memref<80x32xf32, #tpu.memory_space<vmem>>) dst(%dma_wait3A_437 : memref<64x32xf32, #tpu.memory_space<vmem_shared>>)
      %dma_wait3A_438 = arith.constant 4 : i32
      %dma_wait3A_439 = arith.constant 320 : i32
      %dma_wait3A_440 = arith.constant 0 : i32
      %dma_wait3A_441 = tpu.memref_slice %arg13[%dma_wait3A_439, %dma_wait3A_440] : memref<640x32xf32, #tpu.memory_space<vmem>> -> memref<80x32xf32, #tpu.memory_space<vmem>>
      %dma_wait3A_442 = arith.constant 0 : i32
      %dma_wait3A_443 = tpu.memref_slice %arg15[%dma_wait3A_438, %dma_wait3A_442] : memref<8x80xi32, #tpu.memory_space<vmem>> -> memref<1x80xi32, #tpu.memory_space<vmem>>
      %dma_wait3A_444 = tpu.memref_squeeze %dma_wait3A_443 : memref<1x80xi32, #tpu.memory_space<vmem>> -> memref<80xi32, #tpu.memory_space<vmem>>
      %dma_wait3A_445 = arith.constant 0 : i32
      %dma_wait3A_446 = arith.constant 0 : i32
      %dma_wait3A_447 = tpu.memref_slice %arg19[%dma_wait3A_445, %dma_wait3A_446] : memref<64x32xf32, #tpu.memory_space<vmem_shared>> -> memref<64x32xf32, #tpu.memory_space<vmem_shared>>
      tpu.wait_indirect_dma semaphore(%arg23 : memref<!tpu.dma_semaphore, #tpu.memory_space<semaphore_mem>>) src(%dma_wait3A_441 : memref<80x32xf32, #tpu.memory_space<vmem>>) dst(%dma_wait3A_447 : memref<64x32xf32, #tpu.memory_space<vmem_shared>>)
      %dma_wait3A_448 = arith.constant 4 : i32
      %dma_wait3A_449 = arith.constant 320 : i32
      %dma_wait3A_450 = arith.constant 0 : i32
      %dma_wait3A_451 = tpu.memref_slice %arg14[%dma_wait3A_449, %dma_wait3A_450] : memref<640x32xf32, #tpu.memory_space<vmem>> -> memref<80x32xf32, #tpu.memory_space<vmem>>
      %dma_wait3A_452 = arith.constant 0 : i32
      %dma_wait3A_453 = tpu.memref_slice %arg15[%dma_wait3A_448, %dma_wait3A_452] : memref<8x80xi32, #tpu.memory_space<vmem>> -> memref<1x80xi32, #tpu.memory_space<vmem>>
      %dma_wait3A_454 = tpu.memref_squeeze %dma_wait3A_453 : memref<1x80xi32, #tpu.memory_space<vmem>> -> memref<80xi32, #tpu.memory_space<vmem>>
      %dma_wait3A_455 = arith.constant 0 : i32
      %dma_wait3A_456 = arith.constant 0 : i32
      %dma_wait3A_457 = tpu.memref_slice %arg20[%dma_wait3A_455, %dma_wait3A_456] : memref<64x32xf32, #tpu.memory_space<vmem_shared>> -> memref<64x32xf32, #tpu.memory_space<vmem_shared>>
      tpu.wait_indirect_dma semaphore(%arg23 : memref<!tpu.dma_semaphore, #tpu.memory_space<semaphore_mem>>) src(%dma_wait3A_451 : memref<80x32xf32, #tpu.memory_space<vmem>>) dst(%dma_wait3A_457 : memref<64x32xf32, #tpu.memory_space<vmem_shared>>)
      %dma_wait3A_458 = arith.constant 4 : i32
      %dma_wait3A_459 = arith.constant 0 : i32
      %dma_wait3A_460 = tpu.memref_slice %arg15[%dma_wait3A_458, %dma_wait3A_459] : memref<8x80xi32, #tpu.memory_space<vmem>> -> memref<1x80xi32, #tpu.memory_space<vmem>>
      %dma_wait3A_461 = tpu.memref_squeeze %dma_wait3A_460 : memref<1x80xi32, #tpu.memory_space<vmem>> -> memref<80xi32, #tpu.memory_space<vmem>>
      %dma_wait3A_462 = arith.constant 0 : i32
      %dma_wait3A_463 = arith.constant 0 : i32
      %dma_wait3A_464 = tpu.memref_slice %arg21[%dma_wait3A_462, %dma_wait3A_463] : memref<64x32xf32, #tpu.memory_space<vmem_shared>> -> memref<64x32xf32, #tpu.memory_space<vmem_shared>>
      tpu.wait_indirect_dma semaphore(%arg23 : memref<!tpu.dma_semaphore, #tpu.memory_space<semaphore_mem>>) src(%arg16 : memref<80x32xf32, #tpu.memory_space<vmem>>) dst(%dma_wait3A_464 : memref<64x32xf32, #tpu.memory_space<vmem_shared>>)
    } else {
    }
    %barrier3A_17 = arith.constant 0 : index
    tpu.barrier barrier_id(%barrier3A_17)
    %eq3A_18 = arith.constant 0 : i32
    %eq3A_19 = arith.cmpi eq, %arg1, %eq3A_18 : i32
    %convert_element_type3A_20 = arith.extui %eq3A_19 : i1 to i32
    %cond3A_21 = arith.constant 0 : i32
    %cond3A_22 = arith.cmpi ne, %convert_element_type3A_20, %cond3A_21 : i32
    scf.if %cond3A_22 {
      %mul3A_23 = arith.constant 64 : i32
      %mul3A_24 = arith.muli %arg0, %mul3A_23 : i32
      "tpu.region"() ({
        %run_scoped3A = tpu.sem_alloc : memref<!tpu.dma_semaphore, #tpu.memory_space<semaphore_mem>>
        %dma_start3A = arith.constant 0 : i32
        %dma_start3A_25 = tpu.memref_slice %arg8[%mul3A_24, %dma_start3A] : memref<128x128xf32, #tpu.memory_space<hbm>> -> memref<64x32xf32, #tpu.memory_space<hbm>>
        tpu.enqueue_dma source(%arg19 : memref<64x32xf32, #tpu.memory_space<vmem_shared>>) target(%dma_start3A_25 : memref<64x32xf32, #tpu.memory_space<hbm>>) target_semaphore(%run_scoped3A : memref<!tpu.dma_semaphore, #tpu.memory_space<semaphore_mem>>)
        %dma_wait3A = arith.constant 0 : i32
        %dma_wait3A_26 = tpu.memref_slice %arg8[%mul3A_24, %dma_wait3A] : memref<128x128xf32, #tpu.memory_space<hbm>> -> memref<64x32xf32, #tpu.memory_space<hbm>>
        tpu.wait_dma2 semaphore(%run_scoped3A : memref<!tpu.dma_semaphore, #tpu.memory_space<semaphore_mem>>) src(%arg19 : memref<64x32xf32, #tpu.memory_space<vmem_shared>>) dst(%dma_wait3A_26 : memref<64x32xf32, #tpu.memory_space<hbm>>)
        tpu.yield
      }) : () -> ()
      "tpu.region"() ({
        %run_scoped3A = tpu.sem_alloc : memref<!tpu.dma_semaphore, #tpu.memory_space<semaphore_mem>>
        %dma_start3A = arith.constant 32 : i32
        %dma_start3A_25 = tpu.memref_slice %arg8[%mul3A_24, %dma_start3A] : memref<128x128xf32, #tpu.memory_space<hbm>> -> memref<64x32xf32, #tpu.memory_space<hbm>>
        tpu.enqueue_dma source(%arg20 : memref<64x32xf32, #tpu.memory_space<vmem_shared>>) target(%dma_start3A_25 : memref<64x32xf32, #tpu.memory_space<hbm>>) target_semaphore(%run_scoped3A : memref<!tpu.dma_semaphore, #tpu.memory_space<semaphore_mem>>)
        %dma_wait3A = arith.constant 32 : i32
        %dma_wait3A_26 = tpu.memref_slice %arg8[%mul3A_24, %dma_wait3A] : memref<128x128xf32, #tpu.memory_space<hbm>> -> memref<64x32xf32, #tpu.memory_space<hbm>>
        tpu.wait_dma2 semaphore(%run_scoped3A : memref<!tpu.dma_semaphore, #tpu.memory_space<semaphore_mem>>) src(%arg20 : memref<64x32xf32, #tpu.memory_space<vmem_shared>>) dst(%dma_wait3A_26 : memref<64x32xf32, #tpu.memory_space<hbm>>)
        tpu.yield
      }) : () -> ()
      "tpu.region"() ({
        %run_scoped3A = tpu.sem_alloc : memref<!tpu.dma_semaphore, #tpu.memory_space<semaphore_mem>>
        %dma_start3A = arith.constant 64 : i32
        %dma_start3A_25 = tpu.memref_slice %arg8[%mul3A_24, %dma_start3A] : memref<128x128xf32, #tpu.memory_space<hbm>> -> memref<64x32xf32, #tpu.memory_space<hbm>>
        tpu.enqueue_dma source(%arg21 : memref<64x32xf32, #tpu.memory_space<vmem_shared>>) target(%dma_start3A_25 : memref<64x32xf32, #tpu.memory_space<hbm>>) target_semaphore(%run_scoped3A : memref<!tpu.dma_semaphore, #tpu.memory_space<semaphore_mem>>)
        %dma_wait3A = arith.constant 64 : i32
        %dma_wait3A_26 = tpu.memref_slice %arg8[%mul3A_24, %dma_wait3A] : memref<128x128xf32, #tpu.memory_space<hbm>> -> memref<64x32xf32, #tpu.memory_space<hbm>>
        tpu.wait_dma2 semaphore(%run_scoped3A : memref<!tpu.dma_semaphore, #tpu.memory_space<semaphore_mem>>) src(%arg21 : memref<64x32xf32, #tpu.memory_space<vmem_shared>>) dst(%dma_wait3A_26 : memref<64x32xf32, #tpu.memory_space<hbm>>)
        tpu.yield
      }) : () -> ()
      "tpu.region"() ({
        %run_scoped3A = tpu.sem_alloc : memref<!tpu.dma_semaphore, #tpu.memory_space<semaphore_mem>>
        %dma_start3A = arith.constant 96 : i32
        %dma_start3A_25 = tpu.memref_slice %arg8[%mul3A_24, %dma_start3A] : memref<128x128xf32, #tpu.memory_space<hbm>> -> memref<64x32xf32, #tpu.memory_space<hbm>>
        %dma_start3A_26 = arith.constant 96 : i32
        %dma_start3A_27 = tpu.memref_slice %arg8[%mul3A_24, %dma_start3A_26] : memref<128x128xf32, #tpu.memory_space<hbm>> -> memref<64x32xf32, #tpu.memory_space<hbm>>
        tpu.enqueue_dma source(%arg18 : memref<64x32xf32, #tpu.memory_space<vmem>>) target(%dma_start3A_27 : memref<64x32xf32, #tpu.memory_space<hbm>>) target_semaphore(%run_scoped3A : memref<!tpu.dma_semaphore, #tpu.memory_space<semaphore_mem>>)
        %dma_wait3A = arith.constant 96 : i32
        %dma_wait3A_28 = tpu.memref_slice %arg8[%mul3A_24, %dma_wait3A] : memref<128x128xf32, #tpu.memory_space<hbm>> -> memref<64x32xf32, #tpu.memory_space<hbm>>
        %dma_wait3A_29 = arith.constant 96 : i32
        %dma_wait3A_30 = tpu.memref_slice %arg8[%mul3A_24, %dma_wait3A_29] : memref<128x128xf32, #tpu.memory_space<hbm>> -> memref<64x32xf32, #tpu.memory_space<hbm>>
        tpu.wait_dma2 semaphore(%run_scoped3A : memref<!tpu.dma_semaphore, #tpu.memory_space<semaphore_mem>>) src(%arg18 : memref<64x32xf32, #tpu.memory_space<vmem>>) dst(%dma_wait3A_30 : memref<64x32xf32, #tpu.memory_space<hbm>>)
        tpu.yield
      }) : () -> ()
    } else {
    }
    return
  }
}

#map = affine_map<(d0, d1) -> (0, 0)>
#map1 = affine_map<(d0, d1) -> (0, 0, 0)>
module attributes {stable_mosaic.version = 14 : i64} {
  func.func @_agg_body(%arg0: i32, %arg1: i32, %arg2: memref<10000x32xf32, #tpu.memory_space<hbm>>, %arg3: memref<10000x32xf32, #tpu.memory_space<hbm>>, %arg4: memref<32x125x80xi32, #tpu.memory_space<hbm>>, %arg5: memref<32x125x80xi32, #tpu.memory_space<hbm>>, %arg6: memref<2x10240x32xf32, #tpu.memory_space<hbm>>, %arg7: memref<2x10240x32xf32, #tpu.memory_space<hbm>>, %arg8: memref<125x80xi32, #tpu.memory_space<vmem>>, %arg9: memref<125x80xi32, #tpu.memory_space<vmem>>, %arg10: memref<640x32xf32, #tpu.memory_space<vmem>>, %arg11: memref<10240x32xf32, #tpu.memory_space<vmem_shared>>, %arg12: memref<10240x32xf32, #tpu.memory_space<vmem_shared>>, %arg13: memref<80x32xf32, #tpu.memory_space<vmem>>, %arg14: memref<80x32xf32, #tpu.memory_space<vmem>>, %arg15: memref<80x32xf32, #tpu.memory_space<vmem>>, %arg16: memref<80x32xf32, #tpu.memory_space<vmem>>, %arg17: memref<80x32xf32, #tpu.memory_space<vmem>>, %arg18: memref<80x32xf32, #tpu.memory_space<vmem>>, %arg19: memref<80x32xf32, #tpu.memory_space<vmem>>, %arg20: memref<80x32xf32, #tpu.memory_space<vmem>>, %arg21: memref<80x32xf32, #tpu.memory_space<vmem>>, %arg22: memref<80x32xf32, #tpu.memory_space<vmem>>, %arg23: memref<!tpu.dma_semaphore, #tpu.memory_space<semaphore_mem>>, %arg24: memref<!tpu.dma_semaphore, #tpu.memory_space<semaphore_mem>>, %arg25: memref<!tpu.dma_semaphore, #tpu.memory_space<semaphore_mem>>, %arg26: memref<!tpu.dma_semaphore, #tpu.memory_space<semaphore_mem>>, %arg27: memref<!tpu.dma_semaphore, #tpu.memory_space<semaphore_mem>>, %arg28: memref<!tpu.dma_semaphore, #tpu.memory_space<semaphore_mem>>, %arg29: memref<!tpu.dma_semaphore, #tpu.memory_space<semaphore_mem>>, %arg30: memref<!tpu.dma_semaphore, #tpu.memory_space<semaphore_mem>>, %arg31: memref<!tpu.dma_semaphore, #tpu.memory_space<semaphore_mem>>, %arg32: memref<!tpu.dma_semaphore, #tpu.memory_space<semaphore_mem>>, %arg33: memref<!tpu.dma_semaphore, #tpu.memory_space<semaphore_mem>>, %arg34: memref<!tpu.dma_semaphore, #tpu.memory_space<semaphore_mem>>, %arg35: memref<!tpu.dma_semaphore, #tpu.memory_space<semaphore_mem>>, %arg36: memref<!tpu.dma_semaphore, #tpu.memory_space<semaphore_mem>>, %arg37: memref<!tpu.dma_semaphore, #tpu.memory_space<semaphore_mem>>, %arg38: memref<!tpu.dma_semaphore, #tpu.memory_space<semaphore_mem>>, %arg39: memref<!tpu.dma_semaphore, #tpu.memory_space<semaphore_mem>>, %arg40: memref<!tpu.dma_semaphore, #tpu.memory_space<semaphore_mem>>, %arg41: memref<!tpu.dma_semaphore, #tpu.memory_space<semaphore_mem>>, %arg42: memref<!tpu.dma_semaphore, #tpu.memory_space<semaphore_mem>>) attributes {dimension_semantics = [#tpu.dimension_semantics<core_parallel>, #tpu.dimension_semantics<subcore_parallel>], iteration_bounds = array<i64: 2, 16>, scalar_prefetch = 0 : i64, scratch_operands = 35 : i64, tpu.core_type = #tpu.core_type<sc_vector_subcore>, window_params = [{transform_indices = #map}, {transform_indices = #map}, {transform_indices = #map1}, {transform_indices = #map1}, {transform_indices = #map1}, {transform_indices = #map1}]} {
    %mul3A = arith.constant 16 : i32
    %mul3A_0 = arith.muli %arg0, %mul3A : i32
    %add3A = arith.addi %mul3A_0, %arg1 : i32
    "tpu.region"() ({
      %run_scoped3A = tpu.sem_alloc : memref<!tpu.dma_semaphore, #tpu.memory_space<semaphore_mem>>
      %dma_start3A_293 = arith.constant 0 : i32
      %dma_start3A_294 = arith.constant 0 : i32
      %dma_start3A_295 = tpu.memref_slice %arg4[%add3A, %dma_start3A_293, %dma_start3A_294] : memref<32x125x80xi32, #tpu.memory_space<hbm>> -> memref<1x125x80xi32, #tpu.memory_space<hbm>>
      %dma_start3A_296 = tpu.memref_squeeze %dma_start3A_295 : memref<1x125x80xi32, #tpu.memory_space<hbm>> -> memref<125x80xi32, #tpu.memory_space<hbm>>
      %dma_start3A_297 = arith.constant 0 : i32
      %dma_start3A_298 = arith.constant 0 : i32
      %dma_start3A_299 = tpu.memref_slice %arg4[%add3A, %dma_start3A_297, %dma_start3A_298] : memref<32x125x80xi32, #tpu.memory_space<hbm>> -> memref<1x125x80xi32, #tpu.memory_space<hbm>>
      %dma_start3A_300 = tpu.memref_squeeze %dma_start3A_299 : memref<1x125x80xi32, #tpu.memory_space<hbm>> -> memref<125x80xi32, #tpu.memory_space<hbm>>
      tpu.enqueue_dma source(%dma_start3A_300 : memref<125x80xi32, #tpu.memory_space<hbm>>) target(%arg8 : memref<125x80xi32, #tpu.memory_space<vmem>>) target_semaphore(%run_scoped3A : memref<!tpu.dma_semaphore, #tpu.memory_space<semaphore_mem>>)
      %dma_wait3A_301 = arith.constant 0 : i32
      %dma_wait3A_302 = arith.constant 0 : i32
      %dma_wait3A_303 = tpu.memref_slice %arg4[%add3A, %dma_wait3A_301, %dma_wait3A_302] : memref<32x125x80xi32, #tpu.memory_space<hbm>> -> memref<1x125x80xi32, #tpu.memory_space<hbm>>
      %dma_wait3A_304 = tpu.memref_squeeze %dma_wait3A_303 : memref<1x125x80xi32, #tpu.memory_space<hbm>> -> memref<125x80xi32, #tpu.memory_space<hbm>>
      %dma_wait3A_305 = arith.constant 0 : i32
      %dma_wait3A_306 = arith.constant 0 : i32
      %dma_wait3A_307 = tpu.memref_slice %arg4[%add3A, %dma_wait3A_305, %dma_wait3A_306] : memref<32x125x80xi32, #tpu.memory_space<hbm>> -> memref<1x125x80xi32, #tpu.memory_space<hbm>>
      %dma_wait3A_308 = tpu.memref_squeeze %dma_wait3A_307 : memref<1x125x80xi32, #tpu.memory_space<hbm>> -> memref<125x80xi32, #tpu.memory_space<hbm>>
      tpu.wait_dma2 semaphore(%run_scoped3A : memref<!tpu.dma_semaphore, #tpu.memory_space<semaphore_mem>>) src(%dma_wait3A_308 : memref<125x80xi32, #tpu.memory_space<hbm>>) dst(%arg8 : memref<125x80xi32, #tpu.memory_space<vmem>>)
      tpu.yield
    }) : () -> ()
    "tpu.region"() ({
      %run_scoped3A = tpu.sem_alloc : memref<!tpu.dma_semaphore, #tpu.memory_space<semaphore_mem>>
      %dma_start3A_293 = arith.constant 0 : i32
      %dma_start3A_294 = arith.constant 0 : i32
      %dma_start3A_295 = tpu.memref_slice %arg5[%add3A, %dma_start3A_293, %dma_start3A_294] : memref<32x125x80xi32, #tpu.memory_space<hbm>> -> memref<1x125x80xi32, #tpu.memory_space<hbm>>
      %dma_start3A_296 = tpu.memref_squeeze %dma_start3A_295 : memref<1x125x80xi32, #tpu.memory_space<hbm>> -> memref<125x80xi32, #tpu.memory_space<hbm>>
      %dma_start3A_297 = arith.constant 0 : i32
      %dma_start3A_298 = arith.constant 0 : i32
      %dma_start3A_299 = tpu.memref_slice %arg5[%add3A, %dma_start3A_297, %dma_start3A_298] : memref<32x125x80xi32, #tpu.memory_space<hbm>> -> memref<1x125x80xi32, #tpu.memory_space<hbm>>
      %dma_start3A_300 = tpu.memref_squeeze %dma_start3A_299 : memref<1x125x80xi32, #tpu.memory_space<hbm>> -> memref<125x80xi32, #tpu.memory_space<hbm>>
      tpu.enqueue_dma source(%dma_start3A_300 : memref<125x80xi32, #tpu.memory_space<hbm>>) target(%arg9 : memref<125x80xi32, #tpu.memory_space<vmem>>) target_semaphore(%run_scoped3A : memref<!tpu.dma_semaphore, #tpu.memory_space<semaphore_mem>>)
      %dma_wait3A_301 = arith.constant 0 : i32
      %dma_wait3A_302 = arith.constant 0 : i32
      %dma_wait3A_303 = tpu.memref_slice %arg5[%add3A, %dma_wait3A_301, %dma_wait3A_302] : memref<32x125x80xi32, #tpu.memory_space<hbm>> -> memref<1x125x80xi32, #tpu.memory_space<hbm>>
      %dma_wait3A_304 = tpu.memref_squeeze %dma_wait3A_303 : memref<1x125x80xi32, #tpu.memory_space<hbm>> -> memref<125x80xi32, #tpu.memory_space<hbm>>
      %dma_wait3A_305 = arith.constant 0 : i32
      %dma_wait3A_306 = arith.constant 0 : i32
      %dma_wait3A_307 = tpu.memref_slice %arg5[%add3A, %dma_wait3A_305, %dma_wait3A_306] : memref<32x125x80xi32, #tpu.memory_space<hbm>> -> memref<1x125x80xi32, #tpu.memory_space<hbm>>
      %dma_wait3A_308 = tpu.memref_squeeze %dma_wait3A_307 : memref<1x125x80xi32, #tpu.memory_space<hbm>> -> memref<125x80xi32, #tpu.memory_space<hbm>>
      tpu.wait_dma2 semaphore(%run_scoped3A : memref<!tpu.dma_semaphore, #tpu.memory_space<semaphore_mem>>) src(%dma_wait3A_308 : memref<125x80xi32, #tpu.memory_space<hbm>>) dst(%arg9 : memref<125x80xi32, #tpu.memory_space<vmem>>)
      tpu.yield
    }) : () -> ()
    %scan3A = arith.constant 0 : i32
    %scan3A_1 = arith.constant 0 : i32
    %scan3A_2 = arith.constant 640 : i32
    %scan3A_3 = arith.addi %scan3A_1, %scan3A_2 : i32
    %scan3A_4 = arith.constant 1 : i32
    scf.for %scan3A_293 = %scan3A_1 to %scan3A_3 step %scan3A_4  : i32 {
      %broadcast_in_dim3A = arith.constant 0.000000e+00 : f32
      %broadcast_in_dim3A_294 = vector.broadcast %broadcast_in_dim3A : f32 to vector<16xf32>
      %swap3A = arith.index_cast %scan3A_293 : i32 to index
      %swap3A_295 = arith.constant 0 : index
      %swap3A_296 = tpu.vector_load %arg10[%swap3A, %swap3A_295] {strides = array<i32>} : memref<640x32xf32, #tpu.memory_space<vmem>>, vector<1x16xf32>,
      %swap3A_297 = vector.shape_cast %swap3A_296 : vector<1x16xf32> to vector<16xf32>
      %swap3A_298 = vector.shape_cast %broadcast_in_dim3A_294 : vector<16xf32> to vector<1x16xf32>
      tpu.vector_store %arg10[%swap3A, %swap3A_295], %swap3A_298 {strides = array<i32>} : memref<640x32xf32, #tpu.memory_space<vmem>>, vector<1x16xf32>,
      %broadcast_in_dim3A_299 = arith.constant 0.000000e+00 : f32
      %broadcast_in_dim3A_300 = vector.broadcast %broadcast_in_dim3A_299 : f32 to vector<16xf32>
      %swap3A_301 = arith.index_cast %scan3A_293 : i32 to index
      %swap3A_302 = arith.constant 16 : index
      %swap3A_303 = tpu.vector_load %arg10[%swap3A_301, %swap3A_302] {strides = array<i32>} : memref<640x32xf32, #tpu.memory_space<vmem>>, vector<1x16xf32>,
      %swap3A_304 = vector.shape_cast %swap3A_303 : vector<1x16xf32> to vector<16xf32>
      %swap3A_305 = vector.shape_cast %broadcast_in_dim3A_300 : vector<16xf32> to vector<1x16xf32>
      tpu.vector_store %arg10[%swap3A_301, %swap3A_302], %swap3A_305 {strides = array<i32>} : memref<640x32xf32, #tpu.memory_space<vmem>>, vector<1x16xf32>,
    }
    %scan3A_5 = arith.constant 640 : i32
    %mul3A_6 = arith.constant 640 : i32
    %mul3A_7 = arith.muli %arg1, %mul3A_6 : i32
    "tpu.region"() ({
      %run_scoped3A = tpu.sem_alloc : memref<!tpu.dma_semaphore, #tpu.memory_space<semaphore_mem>>
      %dma_start3A_293 = arith.constant 0 : i32
      %dma_start3A_294 = tpu.memref_slice %arg11[%mul3A_7, %dma_start3A_293] : memref<10240x32xf32, #tpu.memory_space<vmem_shared>> -> memref<640x32xf32, #tpu.memory_space<vmem_shared>>
      %dma_start3A_295 = arith.constant 0 : i32
      %dma_start3A_296 = tpu.memref_slice %arg11[%mul3A_7, %dma_start3A_295] : memref<10240x32xf32, #tpu.memory_space<vmem_shared>> -> memref<640x32xf32, #tpu.memory_space<vmem_shared>>
      tpu.enqueue_dma source(%arg10 : memref<640x32xf32, #tpu.memory_space<vmem>>) target(%dma_start3A_296 : memref<640x32xf32, #tpu.memory_space<vmem_shared>>) target_semaphore(%run_scoped3A : memref<!tpu.dma_semaphore, #tpu.memory_space<semaphore_mem>>)
      %dma_wait3A_297 = arith.constant 0 : i32
      %dma_wait3A_298 = tpu.memref_slice %arg11[%mul3A_7, %dma_wait3A_297] : memref<10240x32xf32, #tpu.memory_space<vmem_shared>> -> memref<640x32xf32, #tpu.memory_space<vmem_shared>>
      %dma_wait3A_299 = arith.constant 0 : i32
      %dma_wait3A_300 = tpu.memref_slice %arg11[%mul3A_7, %dma_wait3A_299] : memref<10240x32xf32, #tpu.memory_space<vmem_shared>> -> memref<640x32xf32, #tpu.memory_space<vmem_shared>>
      tpu.wait_dma2 semaphore(%run_scoped3A : memref<!tpu.dma_semaphore, #tpu.memory_space<semaphore_mem>>) src(%arg10 : memref<640x32xf32, #tpu.memory_space<vmem>>) dst(%dma_wait3A_300 : memref<640x32xf32, #tpu.memory_space<vmem_shared>>)
      tpu.yield
    }) : () -> ()
    "tpu.region"() ({
      %run_scoped3A = tpu.sem_alloc : memref<!tpu.dma_semaphore, #tpu.memory_space<semaphore_mem>>
      %dma_start3A_293 = arith.constant 0 : i32
      %dma_start3A_294 = tpu.memref_slice %arg12[%mul3A_7, %dma_start3A_293] : memref<10240x32xf32, #tpu.memory_space<vmem_shared>> -> memref<640x32xf32, #tpu.memory_space<vmem_shared>>
      %dma_start3A_295 = arith.constant 0 : i32
      %dma_start3A_296 = tpu.memref_slice %arg12[%mul3A_7, %dma_start3A_295] : memref<10240x32xf32, #tpu.memory_space<vmem_shared>> -> memref<640x32xf32, #tpu.memory_space<vmem_shared>>
      tpu.enqueue_dma source(%arg10 : memref<640x32xf32, #tpu.memory_space<vmem>>) target(%dma_start3A_296 : memref<640x32xf32, #tpu.memory_space<vmem_shared>>) target_semaphore(%run_scoped3A : memref<!tpu.dma_semaphore, #tpu.memory_space<semaphore_mem>>)
      %dma_wait3A_297 = arith.constant 0 : i32
      %dma_wait3A_298 = tpu.memref_slice %arg12[%mul3A_7, %dma_wait3A_297] : memref<10240x32xf32, #tpu.memory_space<vmem_shared>> -> memref<640x32xf32, #tpu.memory_space<vmem_shared>>
      %dma_wait3A_299 = arith.constant 0 : i32
      %dma_wait3A_300 = tpu.memref_slice %arg12[%mul3A_7, %dma_wait3A_299] : memref<10240x32xf32, #tpu.memory_space<vmem_shared>> -> memref<640x32xf32, #tpu.memory_space<vmem_shared>>
      tpu.wait_dma2 semaphore(%run_scoped3A : memref<!tpu.dma_semaphore, #tpu.memory_space<semaphore_mem>>) src(%arg10 : memref<640x32xf32, #tpu.memory_space<vmem>>) dst(%dma_wait3A_300 : memref<640x32xf32, #tpu.memory_space<vmem_shared>>)
      tpu.yield
    }) : () -> ()
    %barrier3A = arith.constant 0 : index
    tpu.barrier barrier_id(%barrier3A)
    %dma_start3A = arith.constant 0 : i32
    %dma_start3A_8 = arith.constant 0 : i32
    %dma_start3A_9 = tpu.memref_slice %arg8[%dma_start3A, %dma_start3A_8] : memref<125x80xi32, #tpu.memory_space<vmem>> -> memref<1x80xi32, #tpu.memory_space<vmem>>
    %dma_start3A_10 = tpu.memref_squeeze %dma_start3A_9 : memref<1x80xi32, #tpu.memory_space<vmem>> -> memref<80xi32, #tpu.memory_space<vmem>>
    %dma_start3A_11 = arith.constant 0 : i32
    %dma_start3A_12 = arith.constant 0 : i32
    %dma_start3A_13 = tpu.memref_slice %arg2[%dma_start3A_11, %dma_start3A_12] : memref<10000x32xf32, #tpu.memory_space<hbm>> -> memref<10000x32xf32, #tpu.memory_space<hbm>>
    tpu.enqueue_indirect_dma source(%dma_start3A_13 : memref<10000x32xf32, #tpu.memory_space<hbm>>) target(%arg13 : memref<80x32xf32, #tpu.memory_space<vmem>>) offsets(%dma_start3A_10 : memref<80xi32, #tpu.memory_space<vmem>>) semaphore(%arg23 : memref<!tpu.dma_semaphore, #tpu.memory_space<semaphore_mem>>)
    %dma_start3A_14 = arith.constant 0 : i32
    %dma_start3A_15 = arith.constant 0 : i32
    %dma_start3A_16 = tpu.memref_slice %arg9[%dma_start3A_14, %dma_start3A_15] : memref<125x80xi32, #tpu.memory_space<vmem>> -> memref<1x80xi32, #tpu.memory_space<vmem>>
    %dma_start3A_17 = tpu.memref_squeeze %dma_start3A_16 : memref<1x80xi32, #tpu.memory_space<vmem>> -> memref<80xi32, #tpu.memory_space<vmem>>
    %dma_start3A_18 = arith.constant 0 : i32
    %dma_start3A_19 = arith.constant 0 : i32
    %dma_start3A_20 = tpu.memref_slice %arg3[%dma_start3A_18, %dma_start3A_19] : memref<10000x32xf32, #tpu.memory_space<hbm>> -> memref<10000x32xf32, #tpu.memory_space<hbm>>
    tpu.enqueue_indirect_dma source(%dma_start3A_20 : memref<10000x32xf32, #tpu.memory_space<hbm>>) target(%arg18 : memref<80x32xf32, #tpu.memory_space<vmem>>) offsets(%dma_start3A_17 : memref<80xi32, #tpu.memory_space<vmem>>) semaphore(%arg28 : memref<!tpu.dma_semaphore, #tpu.memory_space<semaphore_mem>>)
    %dma_start3A_21 = arith.constant 1 : i32
    %dma_start3A_22 = arith.constant 0 : i32
    %dma_start3A_23 = tpu.memref_slice %arg8[%dma_start3A_21, %dma_start3A_22] : memref<125x80xi32, #tpu.memory_space<vmem>> -> memref<1x80xi32, #tpu.memory_space<vmem>>
    %dma_start3A_24 = tpu.memref_squeeze %dma_start3A_23 : memref<1x80xi32, #tpu.memory_space<vmem>> -> memref<80xi32, #tpu.memory_space<vmem>>
    %dma_start3A_25 = arith.constant 0 : i32
    %dma_start3A_26 = arith.constant 0 : i32
    %dma_start3A_27 = tpu.memref_slice %arg2[%dma_start3A_25, %dma_start3A_26] : memref<10000x32xf32, #tpu.memory_space<hbm>> -> memref<10000x32xf32, #tpu.memory_space<hbm>>
    tpu.enqueue_indirect_dma source(%dma_start3A_27 : memref<10000x32xf32, #tpu.memory_space<hbm>>) target(%arg14 : memref<80x32xf32, #tpu.memory_space<vmem>>) offsets(%dma_start3A_24 : memref<80xi32, #tpu.memory_space<vmem>>) semaphore(%arg24 : memref<!tpu.dma_semaphore, #tpu.memory_space<semaphore_mem>>)
    %dma_start3A_28 = arith.constant 1 : i32
    %dma_start3A_29 = arith.constant 0 : i32
    %dma_start3A_30 = tpu.memref_slice %arg9[%dma_start3A_28, %dma_start3A_29] : memref<125x80xi32, #tpu.memory_space<vmem>> -> memref<1x80xi32, #tpu.memory_space<vmem>>
    %dma_start3A_31 = tpu.memref_squeeze %dma_start3A_30 : memref<1x80xi32, #tpu.memory_space<vmem>> -> memref<80xi32, #tpu.memory_space<vmem>>
    %dma_start3A_32 = arith.constant 0 : i32
    %dma_start3A_33 = arith.constant 0 : i32
    %dma_start3A_34 = tpu.memref_slice %arg3[%dma_start3A_32, %dma_start3A_33] : memref<10000x32xf32, #tpu.memory_space<hbm>> -> memref<10000x32xf32, #tpu.memory_space<hbm>>
    tpu.enqueue_indirect_dma source(%dma_start3A_34 : memref<10000x32xf32, #tpu.memory_space<hbm>>) target(%arg19 : memref<80x32xf32, #tpu.memory_space<vmem>>) offsets(%dma_start3A_31 : memref<80xi32, #tpu.memory_space<vmem>>) semaphore(%arg29 : memref<!tpu.dma_semaphore, #tpu.memory_space<semaphore_mem>>)
    %dma_start3A_35 = arith.constant 2 : i32
    %dma_start3A_36 = arith.constant 0 : i32
    %dma_start3A_37 = tpu.memref_slice %arg8[%dma_start3A_35, %dma_start3A_36] : memref<125x80xi32, #tpu.memory_space<vmem>> -> memref<1x80xi32, #tpu.memory_space<vmem>>
    %dma_start3A_38 = tpu.memref_squeeze %dma_start3A_37 : memref<1x80xi32, #tpu.memory_space<vmem>> -> memref<80xi32, #tpu.memory_space<vmem>>
    %dma_start3A_39 = arith.constant 0 : i32
    %dma_start3A_40 = arith.constant 0 : i32
    %dma_start3A_41 = tpu.memref_slice %arg2[%dma_start3A_39, %dma_start3A_40] : memref<10000x32xf32, #tpu.memory_space<hbm>> -> memref<10000x32xf32, #tpu.memory_space<hbm>>
    tpu.enqueue_indirect_dma source(%dma_start3A_41 : memref<10000x32xf32, #tpu.memory_space<hbm>>) target(%arg15 : memref<80x32xf32, #tpu.memory_space<vmem>>) offsets(%dma_start3A_38 : memref<80xi32, #tpu.memory_space<vmem>>) semaphore(%arg25 : memref<!tpu.dma_semaphore, #tpu.memory_space<semaphore_mem>>)
    %dma_start3A_42 = arith.constant 2 : i32
    %dma_start3A_43 = arith.constant 0 : i32
    %dma_start3A_44 = tpu.memref_slice %arg9[%dma_start3A_42, %dma_start3A_43] : memref<125x80xi32, #tpu.memory_space<vmem>> -> memref<1x80xi32, #tpu.memory_space<vmem>>
    %dma_start3A_45 = tpu.memref_squeeze %dma_start3A_44 : memref<1x80xi32, #tpu.memory_space<vmem>> -> memref<80xi32, #tpu.memory_space<vmem>>
    %dma_start3A_46 = arith.constant 0 : i32
    %dma_start3A_47 = arith.constant 0 : i32
    %dma_start3A_48 = tpu.memref_slice %arg3[%dma_start3A_46, %dma_start3A_47] : memref<10000x32xf32, #tpu.memory_space<hbm>> -> memref<10000x32xf32, #tpu.memory_space<hbm>>
    tpu.enqueue_indirect_dma source(%dma_start3A_48 : memref<10000x32xf32, #tpu.memory_space<hbm>>) target(%arg20 : memref<80x32xf32, #tpu.memory_space<vmem>>) offsets(%dma_start3A_45 : memref<80xi32, #tpu.memory_space<vmem>>) semaphore(%arg30 : memref<!tpu.dma_semaphore, #tpu.memory_space<semaphore_mem>>)
    %dma_start3A_49 = arith.constant 3 : i32
    %dma_start3A_50 = arith.constant 0 : i32
    %dma_start3A_51 = tpu.memref_slice %arg8[%dma_start3A_49, %dma_start3A_50] : memref<125x80xi32, #tpu.memory_space<vmem>> -> memref<1x80xi32, #tpu.memory_space<vmem>>
    %dma_start3A_52 = tpu.memref_squeeze %dma_start3A_51 : memref<1x80xi32, #tpu.memory_space<vmem>> -> memref<80xi32, #tpu.memory_space<vmem>>
    %dma_start3A_53 = arith.constant 0 : i32
    %dma_start3A_54 = arith.constant 0 : i32
    %dma_start3A_55 = tpu.memref_slice %arg2[%dma_start3A_53, %dma_start3A_54] : memref<10000x32xf32, #tpu.memory_space<hbm>> -> memref<10000x32xf32, #tpu.memory_space<hbm>>
    tpu.enqueue_indirect_dma source(%dma_start3A_55 : memref<10000x32xf32, #tpu.memory_space<hbm>>) target(%arg16 : memref<80x32xf32, #tpu.memory_space<vmem>>) offsets(%dma_start3A_52 : memref<80xi32, #tpu.memory_space<vmem>>) semaphore(%arg26 : memref<!tpu.dma_semaphore, #tpu.memory_space<semaphore_mem>>)
    %dma_start3A_56 = arith.constant 3 : i32
    %dma_start3A_57 = arith.constant 0 : i32
    %dma_start3A_58 = tpu.memref_slice %arg9[%dma_start3A_56, %dma_start3A_57] : memref<125x80xi32, #tpu.memory_space<vmem>> -> memref<1x80xi32, #tpu.memory_space<vmem>>
    %dma_start3A_59 = tpu.memref_squeeze %dma_start3A_58 : memref<1x80xi32, #tpu.memory_space<vmem>> -> memref<80xi32, #tpu.memory_space<vmem>>
    %dma_start3A_60 = arith.constant 0 : i32
    %dma_start3A_61 = arith.constant 0 : i32
    %dma_start3A_62 = tpu.memref_slice %arg3[%dma_start3A_60, %dma_start3A_61] : memref<10000x32xf32, #tpu.memory_space<hbm>> -> memref<10000x32xf32, #tpu.memory_space<hbm>>
    tpu.enqueue_indirect_dma source(%dma_start3A_62 : memref<10000x32xf32, #tpu.memory_space<hbm>>) target(%arg21 : memref<80x32xf32, #tpu.memory_space<vmem>>) offsets(%dma_start3A_59 : memref<80xi32, #tpu.memory_space<vmem>>) semaphore(%arg31 : memref<!tpu.dma_semaphore, #tpu.memory_space<semaphore_mem>>)
    %dma_start3A_63 = arith.constant 4 : i32
    %dma_start3A_64 = arith.constant 0 : i32
    %dma_start3A_65 = tpu.memref_slice %arg8[%dma_start3A_63, %dma_start3A_64] : memref<125x80xi32, #tpu.memory_space<vmem>> -> memref<1x80xi32, #tpu.memory_space<vmem>>
    %dma_start3A_66 = tpu.memref_squeeze %dma_start3A_65 : memref<1x80xi32, #tpu.memory_space<vmem>> -> memref<80xi32, #tpu.memory_space<vmem>>
    %dma_start3A_67 = arith.constant 0 : i32
    %dma_start3A_68 = arith.constant 0 : i32
    %dma_start3A_69 = tpu.memref_slice %arg2[%dma_start3A_67, %dma_start3A_68] : memref<10000x32xf32, #tpu.memory_space<hbm>> -> memref<10000x32xf32, #tpu.memory_space<hbm>>
    tpu.enqueue_indirect_dma source(%dma_start3A_69 : memref<10000x32xf32, #tpu.memory_space<hbm>>) target(%arg17 : memref<80x32xf32, #tpu.memory_space<vmem>>) offsets(%dma_start3A_66 : memref<80xi32, #tpu.memory_space<vmem>>) semaphore(%arg27 : memref<!tpu.dma_semaphore, #tpu.memory_space<semaphore_mem>>)
    %dma_start3A_70 = arith.constant 4 : i32
    %dma_start3A_71 = arith.constant 0 : i32
    %dma_start3A_72 = tpu.memref_slice %arg9[%dma_start3A_70, %dma_start3A_71] : memref<125x80xi32, #tpu.memory_space<vmem>> -> memref<1x80xi32, #tpu.memory_space<vmem>>
    %dma_start3A_73 = tpu.memref_squeeze %dma_start3A_72 : memref<1x80xi32, #tpu.memory_space<vmem>> -> memref<80xi32, #tpu.memory_space<vmem>>
    %dma_start3A_74 = arith.constant 0 : i32
    %dma_start3A_75 = arith.constant 0 : i32
    %dma_start3A_76 = tpu.memref_slice %arg3[%dma_start3A_74, %dma_start3A_75] : memref<10000x32xf32, #tpu.memory_space<hbm>> -> memref<10000x32xf32, #tpu.memory_space<hbm>>
    tpu.enqueue_indirect_dma source(%dma_start3A_76 : memref<10000x32xf32, #tpu.memory_space<hbm>>) target(%arg22 : memref<80x32xf32, #tpu.memory_space<vmem>>) offsets(%dma_start3A_73 : memref<80xi32, #tpu.memory_space<vmem>>) semaphore(%arg32 : memref<!tpu.dma_semaphore, #tpu.memory_space<semaphore_mem>>)
    %scan3A_77 = arith.constant 0 : i32
    %scan3A_78 = arith.constant 0 : i32
    %scan3A_79 = arith.constant 24 : i32
    %scan3A_80 = arith.addi %scan3A_78, %scan3A_79 : i32
    %scan3A_81 = arith.constant 1 : i32
    scf.for %scan3A_293 = %scan3A_78 to %scan3A_80 step %scan3A_81  : i32 {
      %mul3A_294 = arith.constant 5 : i32
      %mul3A_295 = arith.muli %scan3A_293, %mul3A_294 : i32
      %add3A_296 = arith.constant 0 : i32
      %add3A_297 = arith.addi %mul3A_295, %add3A_296 : i32
      %dma_wait3A_298 = arith.constant 0 : i32
      %dma_wait3A_299 = tpu.memref_slice %arg8[%add3A_297, %dma_wait3A_298] : memref<125x80xi32, #tpu.memory_space<vmem>> -> memref<1x80xi32, #tpu.memory_space<vmem>>
      %dma_wait3A_300 = tpu.memref_squeeze %dma_wait3A_299 : memref<1x80xi32, #tpu.memory_space<vmem>> -> memref<80xi32, #tpu.memory_space<vmem>>
      %dma_wait3A_301 = arith.constant 0 : i32
      %dma_wait3A_302 = arith.constant 0 : i32
      %dma_wait3A_303 = tpu.memref_slice %arg2[%dma_wait3A_301, %dma_wait3A_302] : memref<10000x32xf32, #tpu.memory_space<hbm>> -> memref<10000x32xf32, #tpu.memory_space<hbm>>
      tpu.wait_indirect_dma semaphore(%arg23 : memref<!tpu.dma_semaphore, #tpu.memory_space<semaphore_mem>>) src(%dma_wait3A_303 : memref<10000x32xf32, #tpu.memory_space<hbm>>) dst(%arg13 : memref<80x32xf32, #tpu.memory_space<vmem>>)
      %dma_wait3A_304 = arith.constant 0 : i32
      %dma_wait3A_305 = tpu.memref_slice %arg9[%add3A_297, %dma_wait3A_304] : memref<125x80xi32, #tpu.memory_space<vmem>> -> memref<1x80xi32, #tpu.memory_space<vmem>>
      %dma_wait3A_306 = tpu.memref_squeeze %dma_wait3A_305 : memref<1x80xi32, #tpu.memory_space<vmem>> -> memref<80xi32, #tpu.memory_space<vmem>>
      %dma_wait3A_307 = arith.constant 0 : i32
      %dma_wait3A_308 = arith.constant 0 : i32
      %dma_wait3A_309 = tpu.memref_slice %arg3[%dma_wait3A_307, %dma_wait3A_308] : memref<10000x32xf32, #tpu.memory_space<hbm>> -> memref<10000x32xf32, #tpu.memory_space<hbm>>
      tpu.wait_indirect_dma semaphore(%arg28 : memref<!tpu.dma_semaphore, #tpu.memory_space<semaphore_mem>>) src(%dma_wait3A_309 : memref<10000x32xf32, #tpu.memory_space<hbm>>) dst(%arg18 : memref<80x32xf32, #tpu.memory_space<vmem>>)
      %dma_start3A_310 = arith.constant 0 : i32
      %dma_start3A_311 = tpu.memref_slice %arg9[%add3A_297, %dma_start3A_310] : memref<125x80xi32, #tpu.memory_space<vmem>> -> memref<1x80xi32, #tpu.memory_space<vmem>>
      %dma_start3A_312 = tpu.memref_squeeze %dma_start3A_311 : memref<1x80xi32, #tpu.memory_space<vmem>> -> memref<80xi32, #tpu.memory_space<vmem>>
      %dma_start3A_313 = arith.constant 0 : i32
      %dma_start3A_314 = arith.constant 0 : i32
      %dma_start3A_315 = tpu.memref_slice %arg11[%dma_start3A_313, %dma_start3A_314] : memref<10240x32xf32, #tpu.memory_space<vmem_shared>> -> memref<10240x32xf32, #tpu.memory_space<vmem_shared>>
      tpu.enqueue_indirect_dma source(%arg13 : memref<80x32xf32, #tpu.memory_space<vmem>>) target(%dma_start3A_315 : memref<10240x32xf32, #tpu.memory_space<vmem_shared>>) offsets(%dma_start3A_312 : memref<80xi32, #tpu.memory_space<vmem>>) semaphore(%arg33 : memref<!tpu.dma_semaphore, #tpu.memory_space<semaphore_mem>>) {add = true}
      %dma_start3A_316 = arith.constant 0 : i32
      %dma_start3A_317 = tpu.memref_slice %arg8[%add3A_297, %dma_start3A_316] : memref<125x80xi32, #tpu.memory_space<vmem>> -> memref<1x80xi32, #tpu.memory_space<vmem>>
      %dma_start3A_318 = tpu.memref_squeeze %dma_start3A_317 : memref<1x80xi32, #tpu.memory_space<vmem>> -> memref<80xi32, #tpu.memory_space<vmem>>
      %dma_start3A_319 = arith.constant 0 : i32
      %dma_start3A_320 = arith.constant 0 : i32
      %dma_start3A_321 = tpu.memref_slice %arg12[%dma_start3A_319, %dma_start3A_320] : memref<10240x32xf32, #tpu.memory_space<vmem_shared>> -> memref<10240x32xf32, #tpu.memory_space<vmem_shared>>
      tpu.enqueue_indirect_dma source(%arg18 : memref<80x32xf32, #tpu.memory_space<vmem>>) target(%dma_start3A_321 : memref<10240x32xf32, #tpu.memory_space<vmem_shared>>) offsets(%dma_start3A_318 : memref<80xi32, #tpu.memory_space<vmem>>) semaphore(%arg38 : memref<!tpu.dma_semaphore, #tpu.memory_space<semaphore_mem>>) {add = true}
      %dma_wait3A_322 = arith.constant 0 : i32
      %dma_wait3A_323 = tpu.memref_slice %arg9[%add3A_297, %dma_wait3A_322] : memref<125x80xi32, #tpu.memory_space<vmem>> -> memref<1x80xi32, #tpu.memory_space<vmem>>
      %dma_wait3A_324 = tpu.memref_squeeze %dma_wait3A_323 : memref<1x80xi32, #tpu.memory_space<vmem>> -> memref<80xi32, #tpu.memory_space<vmem>>
      %dma_wait3A_325 = arith.constant 0 : i32
      %dma_wait3A_326 = arith.constant 0 : i32
      %dma_wait3A_327 = tpu.memref_slice %arg11[%dma_wait3A_325, %dma_wait3A_326] : memref<10240x32xf32, #tpu.memory_space<vmem_shared>> -> memref<10240x32xf32, #tpu.memory_space<vmem_shared>>
      tpu.wait_indirect_dma semaphore(%arg33 : memref<!tpu.dma_semaphore, #tpu.memory_space<semaphore_mem>>) src(%arg13 : memref<80x32xf32, #tpu.memory_space<vmem>>) dst(%dma_wait3A_327 : memref<10240x32xf32, #tpu.memory_space<vmem_shared>>)
      %dma_wait3A_328 = arith.constant 0 : i32
      %dma_wait3A_329 = tpu.memref_slice %arg8[%add3A_297, %dma_wait3A_328] : memref<125x80xi32, #tpu.memory_space<vmem>> -> memref<1x80xi32, #tpu.memory_space<vmem>>
      %dma_wait3A_330 = tpu.memref_squeeze %dma_wait3A_329 : memref<1x80xi32, #tpu.memory_space<vmem>> -> memref<80xi32, #tpu.memory_space<vmem>>
      %dma_wait3A_331 = arith.constant 0 : i32
      %dma_wait3A_332 = arith.constant 0 : i32
      %dma_wait3A_333 = tpu.memref_slice %arg12[%dma_wait3A_331, %dma_wait3A_332] : memref<10240x32xf32, #tpu.memory_space<vmem_shared>> -> memref<10240x32xf32, #tpu.memory_space<vmem_shared>>
      tpu.wait_indirect_dma semaphore(%arg38 : memref<!tpu.dma_semaphore, #tpu.memory_space<semaphore_mem>>) src(%arg18 : memref<80x32xf32, #tpu.memory_space<vmem>>) dst(%dma_wait3A_333 : memref<10240x32xf32, #tpu.memory_space<vmem_shared>>)
      %add3A_334 = arith.constant 5 : i32
      %add3A_335 = arith.addi %add3A_297, %add3A_334 : i32
      %dma_start3A_336 = arith.constant 0 : i32
      %dma_start3A_337 = tpu.memref_slice %arg8[%add3A_335, %dma_start3A_336] : memref<125x80xi32, #tpu.memory_space<vmem>> -> memref<1x80xi32, #tpu.memory_space<vmem>>
      %dma_start3A_338 = tpu.memref_squeeze %dma_start3A_337 : memref<1x80xi32, #tpu.memory_space<vmem>> -> memref<80xi32, #tpu.memory_space<vmem>>
      %dma_start3A_339 = arith.constant 0 : i32
      %dma_start3A_340 = arith.constant 0 : i32
      %dma_start3A_341 = tpu.memref_slice %arg2[%dma_start3A_339, %dma_start3A_340] : memref<10000x32xf32, #tpu.memory_space<hbm>> -> memref<10000x32xf32, #tpu.memory_space<hbm>>
      tpu.enqueue_indirect_dma source(%dma_start3A_341 : memref<10000x32xf32, #tpu.memory_space<hbm>>) target(%arg13 : memref<80x32xf32, #tpu.memory_space<vmem>>) offsets(%dma_start3A_338 : memref<80xi32, #tpu.memory_space<vmem>>) semaphore(%arg23 : memref<!tpu.dma_semaphore, #tpu.memory_space<semaphore_mem>>)
      %dma_start3A_342 = arith.constant 0 : i32
      %dma_start3A_343 = tpu.memref_slice %arg9[%add3A_335, %dma_start3A_342] : memref<125x80xi32, #tpu.memory_space<vmem>> -> memref<1x80xi32, #tpu.memory_space<vmem>>
      %dma_start3A_344 = tpu.memref_squeeze %dma_start3A_343 : memref<1x80xi32, #tpu.memory_space<vmem>> -> memref<80xi32, #tpu.memory_space<vmem>>
      %dma_start3A_345 = arith.constant 0 : i32
      %dma_start3A_346 = arith.constant 0 : i32
      %dma_start3A_347 = tpu.memref_slice %arg3[%dma_start3A_345, %dma_start3A_346] : memref<10000x32xf32, #tpu.memory_space<hbm>> -> memref<10000x32xf32, #tpu.memory_space<hbm>>
      tpu.enqueue_indirect_dma source(%dma_start3A_347 : memref<10000x32xf32, #tpu.memory_space<hbm>>) target(%arg18 : memref<80x32xf32, #tpu.memory_space<vmem>>) offsets(%dma_start3A_344 : memref<80xi32, #tpu.memory_space<vmem>>) semaphore(%arg28 : memref<!tpu.dma_semaphore, #tpu.memory_space<semaphore_mem>>)
      %mul3A_348 = arith.constant 5 : i32
      %mul3A_349 = arith.muli %scan3A_293, %mul3A_348 : i32
      %add3A_350 = arith.constant 1 : i32
      %add3A_351 = arith.addi %mul3A_349, %add3A_350 : i32
      %dma_wait3A_352 = arith.constant 0 : i32
      %dma_wait3A_353 = tpu.memref_slice %arg8[%add3A_351, %dma_wait3A_352] : memref<125x80xi32, #tpu.memory_space<vmem>> -> memref<1x80xi32, #tpu.memory_space<vmem>>
      %dma_wait3A_354 = tpu.memref_squeeze %dma_wait3A_353 : memref<1x80xi32, #tpu.memory_space<vmem>> -> memref<80xi32, #tpu.memory_space<vmem>>
      %dma_wait3A_355 = arith.constant 0 : i32
      %dma_wait3A_356 = arith.constant 0 : i32
      %dma_wait3A_357 = tpu.memref_slice %arg2[%dma_wait3A_355, %dma_wait3A_356] : memref<10000x32xf32, #tpu.memory_space<hbm>> -> memref<10000x32xf32, #tpu.memory_space<hbm>>
      tpu.wait_indirect_dma semaphore(%arg24 : memref<!tpu.dma_semaphore, #tpu.memory_space<semaphore_mem>>) src(%dma_wait3A_357 : memref<10000x32xf32, #tpu.memory_space<hbm>>) dst(%arg14 : memref<80x32xf32, #tpu.memory_space<vmem>>)
      %dma_wait3A_358 = arith.constant 0 : i32
      %dma_wait3A_359 = tpu.memref_slice %arg9[%add3A_351, %dma_wait3A_358] : memref<125x80xi32, #tpu.memory_space<vmem>> -> memref<1x80xi32, #tpu.memory_space<vmem>>
      %dma_wait3A_360 = tpu.memref_squeeze %dma_wait3A_359 : memref<1x80xi32, #tpu.memory_space<vmem>> -> memref<80xi32, #tpu.memory_space<vmem>>
      %dma_wait3A_361 = arith.constant 0 : i32
      %dma_wait3A_362 = arith.constant 0 : i32
      %dma_wait3A_363 = tpu.memref_slice %arg3[%dma_wait3A_361, %dma_wait3A_362] : memref<10000x32xf32, #tpu.memory_space<hbm>> -> memref<10000x32xf32, #tpu.memory_space<hbm>>
      tpu.wait_indirect_dma semaphore(%arg29 : memref<!tpu.dma_semaphore, #tpu.memory_space<semaphore_mem>>) src(%dma_wait3A_363 : memref<10000x32xf32, #tpu.memory_space<hbm>>) dst(%arg19 : memref<80x32xf32, #tpu.memory_space<vmem>>)
      %dma_start3A_364 = arith.constant 0 : i32
      %dma_start3A_365 = tpu.memref_slice %arg9[%add3A_351, %dma_start3A_364] : memref<125x80xi32, #tpu.memory_space<vmem>> -> memref<1x80xi32, #tpu.memory_space<vmem>>
      %dma_start3A_366 = tpu.memref_squeeze %dma_start3A_365 : memref<1x80xi32, #tpu.memory_space<vmem>> -> memref<80xi32, #tpu.memory_space<vmem>>
      %dma_start3A_367 = arith.constant 0 : i32
      %dma_start3A_368 = arith.constant 0 : i32
      %dma_start3A_369 = tpu.memref_slice %arg11[%dma_start3A_367, %dma_start3A_368] : memref<10240x32xf32, #tpu.memory_space<vmem_shared>> -> memref<10240x32xf32, #tpu.memory_space<vmem_shared>>
      tpu.enqueue_indirect_dma source(%arg14 : memref<80x32xf32, #tpu.memory_space<vmem>>) target(%dma_start3A_369 : memref<10240x32xf32, #tpu.memory_space<vmem_shared>>) offsets(%dma_start3A_366 : memref<80xi32, #tpu.memory_space<vmem>>) semaphore(%arg34 : memref<!tpu.dma_semaphore, #tpu.memory_space<semaphore_mem>>) {add = true}
      %dma_start3A_370 = arith.constant 0 : i32
      %dma_start3A_371 = tpu.memref_slice %arg8[%add3A_351, %dma_start3A_370] : memref<125x80xi32, #tpu.memory_space<vmem>> -> memref<1x80xi32, #tpu.memory_space<vmem>>
      %dma_start3A_372 = tpu.memref_squeeze %dma_start3A_371 : memref<1x80xi32, #tpu.memory_space<vmem>> -> memref<80xi32, #tpu.memory_space<vmem>>
      %dma_start3A_373 = arith.constant 0 : i32
      %dma_start3A_374 = arith.constant 0 : i32
      %dma_start3A_375 = tpu.memref_slice %arg12[%dma_start3A_373, %dma_start3A_374] : memref<10240x32xf32, #tpu.memory_space<vmem_shared>> -> memref<10240x32xf32, #tpu.memory_space<vmem_shared>>
      tpu.enqueue_indirect_dma source(%arg19 : memref<80x32xf32, #tpu.memory_space<vmem>>) target(%dma_start3A_375 : memref<10240x32xf32, #tpu.memory_space<vmem_shared>>) offsets(%dma_start3A_372 : memref<80xi32, #tpu.memory_space<vmem>>) semaphore(%arg39 : memref<!tpu.dma_semaphore, #tpu.memory_space<semaphore_mem>>) {add = true}
      %dma_wait3A_376 = arith.constant 0 : i32
      %dma_wait3A_377 = tpu.memref_slice %arg9[%add3A_351, %dma_wait3A_376] : memref<125x80xi32, #tpu.memory_space<vmem>> -> memref<1x80xi32, #tpu.memory_space<vmem>>
      %dma_wait3A_378 = tpu.memref_squeeze %dma_wait3A_377 : memref<1x80xi32, #tpu.memory_space<vmem>> -> memref<80xi32, #tpu.memory_space<vmem>>
      %dma_wait3A_379 = arith.constant 0 : i32
      %dma_wait3A_380 = arith.constant 0 : i32
      %dma_wait3A_381 = tpu.memref_slice %arg11[%dma_wait3A_379, %dma_wait3A_380] : memref<10240x32xf32, #tpu.memory_space<vmem_shared>> -> memref<10240x32xf32, #tpu.memory_space<vmem_shared>>
      tpu.wait_indirect_dma semaphore(%arg34 : memref<!tpu.dma_semaphore, #tpu.memory_space<semaphore_mem>>) src(%arg14 : memref<80x32xf32, #tpu.memory_space<vmem>>) dst(%dma_wait3A_381 : memref<10240x32xf32, #tpu.memory_space<vmem_shared>>)
      %dma_wait3A_382 = arith.constant 0 : i32
      %dma_wait3A_383 = tpu.memref_slice %arg8[%add3A_351, %dma_wait3A_382] : memref<125x80xi32, #tpu.memory_space<vmem>> -> memref<1x80xi32, #tpu.memory_space<vmem>>
      %dma_wait3A_384 = tpu.memref_squeeze %dma_wait3A_383 : memref<1x80xi32, #tpu.memory_space<vmem>> -> memref<80xi32, #tpu.memory_space<vmem>>
      %dma_wait3A_385 = arith.constant 0 : i32
      %dma_wait3A_386 = arith.constant 0 : i32
      %dma_wait3A_387 = tpu.memref_slice %arg12[%dma_wait3A_385, %dma_wait3A_386] : memref<10240x32xf32, #tpu.memory_space<vmem_shared>> -> memref<10240x32xf32, #tpu.memory_space<vmem_shared>>
      tpu.wait_indirect_dma semaphore(%arg39 : memref<!tpu.dma_semaphore, #tpu.memory_space<semaphore_mem>>) src(%arg19 : memref<80x32xf32, #tpu.memory_space<vmem>>) dst(%dma_wait3A_387 : memref<10240x32xf32, #tpu.memory_space<vmem_shared>>)
      %add3A_388 = arith.constant 5 : i32
      %add3A_389 = arith.addi %add3A_351, %add3A_388 : i32
      %dma_start3A_390 = arith.constant 0 : i32
      %dma_start3A_391 = tpu.memref_slice %arg8[%add3A_389, %dma_start3A_390] : memref<125x80xi32, #tpu.memory_space<vmem>> -> memref<1x80xi32, #tpu.memory_space<vmem>>
      %dma_start3A_392 = tpu.memref_squeeze %dma_start3A_391 : memref<1x80xi32, #tpu.memory_space<vmem>> -> memref<80xi32, #tpu.memory_space<vmem>>
      %dma_start3A_393 = arith.constant 0 : i32
      %dma_start3A_394 = arith.constant 0 : i32
      %dma_start3A_395 = tpu.memref_slice %arg2[%dma_start3A_393, %dma_start3A_394] : memref<10000x32xf32, #tpu.memory_space<hbm>> -> memref<10000x32xf32, #tpu.memory_space<hbm>>
      tpu.enqueue_indirect_dma source(%dma_start3A_395 : memref<10000x32xf32, #tpu.memory_space<hbm>>) target(%arg14 : memref<80x32xf32, #tpu.memory_space<vmem>>) offsets(%dma_start3A_392 : memref<80xi32, #tpu.memory_space<vmem>>) semaphore(%arg24 : memref<!tpu.dma_semaphore, #tpu.memory_space<semaphore_mem>>)
      %dma_start3A_396 = arith.constant 0 : i32
      %dma_start3A_397 = tpu.memref_slice %arg9[%add3A_389, %dma_start3A_396] : memref<125x80xi32, #tpu.memory_space<vmem>> -> memref<1x80xi32, #tpu.memory_space<vmem>>
      %dma_start3A_398 = tpu.memref_squeeze %dma_start3A_397 : memref<1x80xi32, #tpu.memory_space<vmem>> -> memref<80xi32, #tpu.memory_space<vmem>>
      %dma_start3A_399 = arith.constant 0 : i32
      %dma_start3A_400 = arith.constant 0 : i32
      %dma_start3A_401 = tpu.memref_slice %arg3[%dma_start3A_399, %dma_start3A_400] : memref<10000x32xf32, #tpu.memory_space<hbm>> -> memref<10000x32xf32, #tpu.memory_space<hbm>>
      tpu.enqueue_indirect_dma source(%dma_start3A_401 : memref<10000x32xf32, #tpu.memory_space<hbm>>) target(%arg19 : memref<80x32xf32, #tpu.memory_space<vmem>>) offsets(%dma_start3A_398 : memref<80xi32, #tpu.memory_space<vmem>>) semaphore(%arg29 : memref<!tpu.dma_semaphore, #tpu.memory_space<semaphore_mem>>)
      %mul3A_402 = arith.constant 5 : i32
      %mul3A_403 = arith.muli %scan3A_293, %mul3A_402 : i32
      %add3A_404 = arith.constant 2 : i32
      %add3A_405 = arith.addi %mul3A_403, %add3A_404 : i32
      %dma_wait3A_406 = arith.constant 0 : i32
      %dma_wait3A_407 = tpu.memref_slice %arg8[%add3A_405, %dma_wait3A_406] : memref<125x80xi32, #tpu.memory_space<vmem>> -> memref<1x80xi32, #tpu.memory_space<vmem>>
      %dma_wait3A_408 = tpu.memref_squeeze %dma_wait3A_407 : memref<1x80xi32, #tpu.memory_space<vmem>> -> memref<80xi32, #tpu.memory_space<vmem>>
      %dma_wait3A_409 = arith.constant 0 : i32
      %dma_wait3A_410 = arith.constant 0 : i32
      %dma_wait3A_411 = tpu.memref_slice %arg2[%dma_wait3A_409, %dma_wait3A_410] : memref<10000x32xf32, #tpu.memory_space<hbm>> -> memref<10000x32xf32, #tpu.memory_space<hbm>>
      tpu.wait_indirect_dma semaphore(%arg25 : memref<!tpu.dma_semaphore, #tpu.memory_space<semaphore_mem>>) src(%dma_wait3A_411 : memref<10000x32xf32, #tpu.memory_space<hbm>>) dst(%arg15 : memref<80x32xf32, #tpu.memory_space<vmem>>)
      %dma_wait3A_412 = arith.constant 0 : i32
      %dma_wait3A_413 = tpu.memref_slice %arg9[%add3A_405, %dma_wait3A_412] : memref<125x80xi32, #tpu.memory_space<vmem>> -> memref<1x80xi32, #tpu.memory_space<vmem>>
      %dma_wait3A_414 = tpu.memref_squeeze %dma_wait3A_413 : memref<1x80xi32, #tpu.memory_space<vmem>> -> memref<80xi32, #tpu.memory_space<vmem>>
      %dma_wait3A_415 = arith.constant 0 : i32
      %dma_wait3A_416 = arith.constant 0 : i32
      %dma_wait3A_417 = tpu.memref_slice %arg3[%dma_wait3A_415, %dma_wait3A_416] : memref<10000x32xf32, #tpu.memory_space<hbm>> -> memref<10000x32xf32, #tpu.memory_space<hbm>>
      tpu.wait_indirect_dma semaphore(%arg30 : memref<!tpu.dma_semaphore, #tpu.memory_space<semaphore_mem>>) src(%dma_wait3A_417 : memref<10000x32xf32, #tpu.memory_space<hbm>>) dst(%arg20 : memref<80x32xf32, #tpu.memory_space<vmem>>)
      %dma_start3A_418 = arith.constant 0 : i32
      %dma_start3A_419 = tpu.memref_slice %arg9[%add3A_405, %dma_start3A_418] : memref<125x80xi32, #tpu.memory_space<vmem>> -> memref<1x80xi32, #tpu.memory_space<vmem>>
      %dma_start3A_420 = tpu.memref_squeeze %dma_start3A_419 : memref<1x80xi32, #tpu.memory_space<vmem>> -> memref<80xi32, #tpu.memory_space<vmem>>
      %dma_start3A_421 = arith.constant 0 : i32
      %dma_start3A_422 = arith.constant 0 : i32
      %dma_start3A_423 = tpu.memref_slice %arg11[%dma_start3A_421, %dma_start3A_422] : memref<10240x32xf32, #tpu.memory_space<vmem_shared>> -> memref<10240x32xf32, #tpu.memory_space<vmem_shared>>
      tpu.enqueue_indirect_dma source(%arg15 : memref<80x32xf32, #tpu.memory_space<vmem>>) target(%dma_start3A_423 : memref<10240x32xf32, #tpu.memory_space<vmem_shared>>) offsets(%dma_start3A_420 : memref<80xi32, #tpu.memory_space<vmem>>) semaphore(%arg35 : memref<!tpu.dma_semaphore, #tpu.memory_space<semaphore_mem>>) {add = true}
      %dma_start3A_424 = arith.constant 0 : i32
      %dma_start3A_425 = tpu.memref_slice %arg8[%add3A_405, %dma_start3A_424] : memref<125x80xi32, #tpu.memory_space<vmem>> -> memref<1x80xi32, #tpu.memory_space<vmem>>
      %dma_start3A_426 = tpu.memref_squeeze %dma_start3A_425 : memref<1x80xi32, #tpu.memory_space<vmem>> -> memref<80xi32, #tpu.memory_space<vmem>>
      %dma_start3A_427 = arith.constant 0 : i32
      %dma_start3A_428 = arith.constant 0 : i32
      %dma_start3A_429 = tpu.memref_slice %arg12[%dma_start3A_427, %dma_start3A_428] : memref<10240x32xf32, #tpu.memory_space<vmem_shared>> -> memref<10240x32xf32, #tpu.memory_space<vmem_shared>>
      tpu.enqueue_indirect_dma source(%arg20 : memref<80x32xf32, #tpu.memory_space<vmem>>) target(%dma_start3A_429 : memref<10240x32xf32, #tpu.memory_space<vmem_shared>>) offsets(%dma_start3A_426 : memref<80xi32, #tpu.memory_space<vmem>>) semaphore(%arg40 : memref<!tpu.dma_semaphore, #tpu.memory_space<semaphore_mem>>) {add = true}
      %dma_wait3A_430 = arith.constant 0 : i32
      %dma_wait3A_431 = tpu.memref_slice %arg9[%add3A_405, %dma_wait3A_430] : memref<125x80xi32, #tpu.memory_space<vmem>> -> memref<1x80xi32, #tpu.memory_space<vmem>>
      %dma_wait3A_432 = tpu.memref_squeeze %dma_wait3A_431 : memref<1x80xi32, #tpu.memory_space<vmem>> -> memref<80xi32, #tpu.memory_space<vmem>>
      %dma_wait3A_433 = arith.constant 0 : i32
      %dma_wait3A_434 = arith.constant 0 : i32
      %dma_wait3A_435 = tpu.memref_slice %arg11[%dma_wait3A_433, %dma_wait3A_434] : memref<10240x32xf32, #tpu.memory_space<vmem_shared>> -> memref<10240x32xf32, #tpu.memory_space<vmem_shared>>
      tpu.wait_indirect_dma semaphore(%arg35 : memref<!tpu.dma_semaphore, #tpu.memory_space<semaphore_mem>>) src(%arg15 : memref<80x32xf32, #tpu.memory_space<vmem>>) dst(%dma_wait3A_435 : memref<10240x32xf32, #tpu.memory_space<vmem_shared>>)
      %dma_wait3A_436 = arith.constant 0 : i32
      %dma_wait3A_437 = tpu.memref_slice %arg8[%add3A_405, %dma_wait3A_436] : memref<125x80xi32, #tpu.memory_space<vmem>> -> memref<1x80xi32, #tpu.memory_space<vmem>>
      %dma_wait3A_438 = tpu.memref_squeeze %dma_wait3A_437 : memref<1x80xi32, #tpu.memory_space<vmem>> -> memref<80xi32, #tpu.memory_space<vmem>>
      %dma_wait3A_439 = arith.constant 0 : i32
      %dma_wait3A_440 = arith.constant 0 : i32
      %dma_wait3A_441 = tpu.memref_slice %arg12[%dma_wait3A_439, %dma_wait3A_440] : memref<10240x32xf32, #tpu.memory_space<vmem_shared>> -> memref<10240x32xf32, #tpu.memory_space<vmem_shared>>
      tpu.wait_indirect_dma semaphore(%arg40 : memref<!tpu.dma_semaphore, #tpu.memory_space<semaphore_mem>>) src(%arg20 : memref<80x32xf32, #tpu.memory_space<vmem>>) dst(%dma_wait3A_441 : memref<10240x32xf32, #tpu.memory_space<vmem_shared>>)
      %add3A_442 = arith.constant 5 : i32
      %add3A_443 = arith.addi %add3A_405, %add3A_442 : i32
      %dma_start3A_444 = arith.constant 0 : i32
      %dma_start3A_445 = tpu.memref_slice %arg8[%add3A_443, %dma_start3A_444] : memref<125x80xi32, #tpu.memory_space<vmem>> -> memref<1x80xi32, #tpu.memory_space<vmem>>
      %dma_start3A_446 = tpu.memref_squeeze %dma_start3A_445 : memref<1x80xi32, #tpu.memory_space<vmem>> -> memref<80xi32, #tpu.memory_space<vmem>>
      %dma_start3A_447 = arith.constant 0 : i32
      %dma_start3A_448 = arith.constant 0 : i32
      %dma_start3A_449 = tpu.memref_slice %arg2[%dma_start3A_447, %dma_start3A_448] : memref<10000x32xf32, #tpu.memory_space<hbm>> -> memref<10000x32xf32, #tpu.memory_space<hbm>>
      tpu.enqueue_indirect_dma source(%dma_start3A_449 : memref<10000x32xf32, #tpu.memory_space<hbm>>) target(%arg15 : memref<80x32xf32, #tpu.memory_space<vmem>>) offsets(%dma_start3A_446 : memref<80xi32, #tpu.memory_space<vmem>>) semaphore(%arg25 : memref<!tpu.dma_semaphore, #tpu.memory_space<semaphore_mem>>)
      %dma_start3A_450 = arith.constant 0 : i32
      %dma_start3A_451 = tpu.memref_slice %arg9[%add3A_443, %dma_start3A_450] : memref<125x80xi32, #tpu.memory_space<vmem>> -> memref<1x80xi32, #tpu.memory_space<vmem>>
      %dma_start3A_452 = tpu.memref_squeeze %dma_start3A_451 : memref<1x80xi32, #tpu.memory_space<vmem>> -> memref<80xi32, #tpu.memory_space<vmem>>
      %dma_start3A_453 = arith.constant 0 : i32
      %dma_start3A_454 = arith.constant 0 : i32
      %dma_start3A_455 = tpu.memref_slice %arg3[%dma_start3A_453, %dma_start3A_454] : memref<10000x32xf32, #tpu.memory_space<hbm>> -> memref<10000x32xf32, #tpu.memory_space<hbm>>
      tpu.enqueue_indirect_dma source(%dma_start3A_455 : memref<10000x32xf32, #tpu.memory_space<hbm>>) target(%arg20 : memref<80x32xf32, #tpu.memory_space<vmem>>) offsets(%dma_start3A_452 : memref<80xi32, #tpu.memory_space<vmem>>) semaphore(%arg30 : memref<!tpu.dma_semaphore, #tpu.memory_space<semaphore_mem>>)
      %mul3A_456 = arith.constant 5 : i32
      %mul3A_457 = arith.muli %scan3A_293, %mul3A_456 : i32
      %add3A_458 = arith.constant 3 : i32
      %add3A_459 = arith.addi %mul3A_457, %add3A_458 : i32
      %dma_wait3A_460 = arith.constant 0 : i32
      %dma_wait3A_461 = tpu.memref_slice %arg8[%add3A_459, %dma_wait3A_460] : memref<125x80xi32, #tpu.memory_space<vmem>> -> memref<1x80xi32, #tpu.memory_space<vmem>>
      %dma_wait3A_462 = tpu.memref_squeeze %dma_wait3A_461 : memref<1x80xi32, #tpu.memory_space<vmem>> -> memref<80xi32, #tpu.memory_space<vmem>>
      %dma_wait3A_463 = arith.constant 0 : i32
      %dma_wait3A_464 = arith.constant 0 : i32
      %dma_wait3A_465 = tpu.memref_slice %arg2[%dma_wait3A_463, %dma_wait3A_464] : memref<10000x32xf32, #tpu.memory_space<hbm>> -> memref<10000x32xf32, #tpu.memory_space<hbm>>
      tpu.wait_indirect_dma semaphore(%arg26 : memref<!tpu.dma_semaphore, #tpu.memory_space<semaphore_mem>>) src(%dma_wait3A_465 : memref<10000x32xf32, #tpu.memory_space<hbm>>) dst(%arg16 : memref<80x32xf32, #tpu.memory_space<vmem>>)
      %dma_wait3A_466 = arith.constant 0 : i32
      %dma_wait3A_467 = tpu.memref_slice %arg9[%add3A_459, %dma_wait3A_466] : memref<125x80xi32, #tpu.memory_space<vmem>> -> memref<1x80xi32, #tpu.memory_space<vmem>>
      %dma_wait3A_468 = tpu.memref_squeeze %dma_wait3A_467 : memref<1x80xi32, #tpu.memory_space<vmem>> -> memref<80xi32, #tpu.memory_space<vmem>>
      %dma_wait3A_469 = arith.constant 0 : i32
      %dma_wait3A_470 = arith.constant 0 : i32
      %dma_wait3A_471 = tpu.memref_slice %arg3[%dma_wait3A_469, %dma_wait3A_470] : memref<10000x32xf32, #tpu.memory_space<hbm>> -> memref<10000x32xf32, #tpu.memory_space<hbm>>
      tpu.wait_indirect_dma semaphore(%arg31 : memref<!tpu.dma_semaphore, #tpu.memory_space<semaphore_mem>>) src(%dma_wait3A_471 : memref<10000x32xf32, #tpu.memory_space<hbm>>) dst(%arg21 : memref<80x32xf32, #tpu.memory_space<vmem>>)
      %dma_start3A_472 = arith.constant 0 : i32
      %dma_start3A_473 = tpu.memref_slice %arg9[%add3A_459, %dma_start3A_472] : memref<125x80xi32, #tpu.memory_space<vmem>> -> memref<1x80xi32, #tpu.memory_space<vmem>>
      %dma_start3A_474 = tpu.memref_squeeze %dma_start3A_473 : memref<1x80xi32, #tpu.memory_space<vmem>> -> memref<80xi32, #tpu.memory_space<vmem>>
      %dma_start3A_475 = arith.constant 0 : i32
      %dma_start3A_476 = arith.constant 0 : i32
      %dma_start3A_477 = tpu.memref_slice %arg11[%dma_start3A_475, %dma_start3A_476] : memref<10240x32xf32, #tpu.memory_space<vmem_shared>> -> memref<10240x32xf32, #tpu.memory_space<vmem_shared>>
      tpu.enqueue_indirect_dma source(%arg16 : memref<80x32xf32, #tpu.memory_space<vmem>>) target(%dma_start3A_477 : memref<10240x32xf32, #tpu.memory_space<vmem_shared>>) offsets(%dma_start3A_474 : memref<80xi32, #tpu.memory_space<vmem>>) semaphore(%arg36 : memref<!tpu.dma_semaphore, #tpu.memory_space<semaphore_mem>>) {add = true}
      %dma_start3A_478 = arith.constant 0 : i32
      %dma_start3A_479 = tpu.memref_slice %arg8[%add3A_459, %dma_start3A_478] : memref<125x80xi32, #tpu.memory_space<vmem>> -> memref<1x80xi32, #tpu.memory_space<vmem>>
      %dma_start3A_480 = tpu.memref_squeeze %dma_start3A_479 : memref<1x80xi32, #tpu.memory_space<vmem>> -> memref<80xi32, #tpu.memory_space<vmem>>
      %dma_start3A_481 = arith.constant 0 : i32
      %dma_start3A_482 = arith.constant 0 : i32
      %dma_start3A_483 = tpu.memref_slice %arg12[%dma_start3A_481, %dma_start3A_482] : memref<10240x32xf32, #tpu.memory_space<vmem_shared>> -> memref<10240x32xf32, #tpu.memory_space<vmem_shared>>
      tpu.enqueue_indirect_dma source(%arg21 : memref<80x32xf32, #tpu.memory_space<vmem>>) target(%dma_start3A_483 : memref<10240x32xf32, #tpu.memory_space<vmem_shared>>) offsets(%dma_start3A_480 : memref<80xi32, #tpu.memory_space<vmem>>) semaphore(%arg41 : memref<!tpu.dma_semaphore, #tpu.memory_space<semaphore_mem>>) {add = true}
      %dma_wait3A_484 = arith.constant 0 : i32
      %dma_wait3A_485 = tpu.memref_slice %arg9[%add3A_459, %dma_wait3A_484] : memref<125x80xi32, #tpu.memory_space<vmem>> -> memref<1x80xi32, #tpu.memory_space<vmem>>
      %dma_wait3A_486 = tpu.memref_squeeze %dma_wait3A_485 : memref<1x80xi32, #tpu.memory_space<vmem>> -> memref<80xi32, #tpu.memory_space<vmem>>
      %dma_wait3A_487 = arith.constant 0 : i32
      %dma_wait3A_488 = arith.constant 0 : i32
      %dma_wait3A_489 = tpu.memref_slice %arg11[%dma_wait3A_487, %dma_wait3A_488] : memref<10240x32xf32, #tpu.memory_space<vmem_shared>> -> memref<10240x32xf32, #tpu.memory_space<vmem_shared>>
      tpu.wait_indirect_dma semaphore(%arg36 : memref<!tpu.dma_semaphore, #tpu.memory_space<semaphore_mem>>) src(%arg16 : memref<80x32xf32, #tpu.memory_space<vmem>>) dst(%dma_wait3A_489 : memref<10240x32xf32, #tpu.memory_space<vmem_shared>>)
      %dma_wait3A_490 = arith.constant 0 : i32
      %dma_wait3A_491 = tpu.memref_slice %arg8[%add3A_459, %dma_wait3A_490] : memref<125x80xi32, #tpu.memory_space<vmem>> -> memref<1x80xi32, #tpu.memory_space<vmem>>
      %dma_wait3A_492 = tpu.memref_squeeze %dma_wait3A_491 : memref<1x80xi32, #tpu.memory_space<vmem>> -> memref<80xi32, #tpu.memory_space<vmem>>
      %dma_wait3A_493 = arith.constant 0 : i32
      %dma_wait3A_494 = arith.constant 0 : i32
      %dma_wait3A_495 = tpu.memref_slice %arg12[%dma_wait3A_493, %dma_wait3A_494] : memref<10240x32xf32, #tpu.memory_space<vmem_shared>> -> memref<10240x32xf32, #tpu.memory_space<vmem_shared>>
      tpu.wait_indirect_dma semaphore(%arg41 : memref<!tpu.dma_semaphore, #tpu.memory_space<semaphore_mem>>) src(%arg21 : memref<80x32xf32, #tpu.memory_space<vmem>>) dst(%dma_wait3A_495 : memref<10240x32xf32, #tpu.memory_space<vmem_shared>>)
      %add3A_496 = arith.constant 5 : i32
      %add3A_497 = arith.addi %add3A_459, %add3A_496 : i32
      %dma_start3A_498 = arith.constant 0 : i32
      %dma_start3A_499 = tpu.memref_slice %arg8[%add3A_497, %dma_start3A_498] : memref<125x80xi32, #tpu.memory_space<vmem>> -> memref<1x80xi32, #tpu.memory_space<vmem>>
      %dma_start3A_500 = tpu.memref_squeeze %dma_start3A_499 : memref<1x80xi32, #tpu.memory_space<vmem>> -> memref<80xi32, #tpu.memory_space<vmem>>
      %dma_start3A_501 = arith.constant 0 : i32
      %dma_start3A_502 = arith.constant 0 : i32
      %dma_start3A_503 = tpu.memref_slice %arg2[%dma_start3A_501, %dma_start3A_502] : memref<10000x32xf32, #tpu.memory_space<hbm>> -> memref<10000x32xf32, #tpu.memory_space<hbm>>
      tpu.enqueue_indirect_dma source(%dma_start3A_503 : memref<10000x32xf32, #tpu.memory_space<hbm>>) target(%arg16 : memref<80x32xf32, #tpu.memory_space<vmem>>) offsets(%dma_start3A_500 : memref<80xi32, #tpu.memory_space<vmem>>) semaphore(%arg26 : memref<!tpu.dma_semaphore, #tpu.memory_space<semaphore_mem>>)
      %dma_start3A_504 = arith.constant 0 : i32
      %dma_start3A_505 = tpu.memref_slice %arg9[%add3A_497, %dma_start3A_504] : memref<125x80xi32, #tpu.memory_space<vmem>> -> memref<1x80xi32, #tpu.memory_space<vmem>>
      %dma_start3A_506 = tpu.memref_squeeze %dma_start3A_505 : memref<1x80xi32, #tpu.memory_space<vmem>> -> memref<80xi32, #tpu.memory_space<vmem>>
      %dma_start3A_507 = arith.constant 0 : i32
      %dma_start3A_508 = arith.constant 0 : i32
      %dma_start3A_509 = tpu.memref_slice %arg3[%dma_start3A_507, %dma_start3A_508] : memref<10000x32xf32, #tpu.memory_space<hbm>> -> memref<10000x32xf32, #tpu.memory_space<hbm>>
      tpu.enqueue_indirect_dma source(%dma_start3A_509 : memref<10000x32xf32, #tpu.memory_space<hbm>>) target(%arg21 : memref<80x32xf32, #tpu.memory_space<vmem>>) offsets(%dma_start3A_506 : memref<80xi32, #tpu.memory_space<vmem>>) semaphore(%arg31 : memref<!tpu.dma_semaphore, #tpu.memory_space<semaphore_mem>>)
      %mul3A_510 = arith.constant 5 : i32
      %mul3A_511 = arith.muli %scan3A_293, %mul3A_510 : i32
      %add3A_512 = arith.constant 4 : i32
      %add3A_513 = arith.addi %mul3A_511, %add3A_512 : i32
      %dma_wait3A_514 = arith.constant 0 : i32
      %dma_wait3A_515 = tpu.memref_slice %arg8[%add3A_513, %dma_wait3A_514] : memref<125x80xi32, #tpu.memory_space<vmem>> -> memref<1x80xi32, #tpu.memory_space<vmem>>
      %dma_wait3A_516 = tpu.memref_squeeze %dma_wait3A_515 : memref<1x80xi32, #tpu.memory_space<vmem>> -> memref<80xi32, #tpu.memory_space<vmem>>
      %dma_wait3A_517 = arith.constant 0 : i32
      %dma_wait3A_518 = arith.constant 0 : i32
      %dma_wait3A_519 = tpu.memref_slice %arg2[%dma_wait3A_517, %dma_wait3A_518] : memref<10000x32xf32, #tpu.memory_space<hbm>> -> memref<10000x32xf32, #tpu.memory_space<hbm>>
      tpu.wait_indirect_dma semaphore(%arg27 : memref<!tpu.dma_semaphore, #tpu.memory_space<semaphore_mem>>) src(%dma_wait3A_519 : memref<10000x32xf32, #tpu.memory_space<hbm>>) dst(%arg17 : memref<80x32xf32, #tpu.memory_space<vmem>>)
      %dma_wait3A_520 = arith.constant 0 : i32
      %dma_wait3A_521 = tpu.memref_slice %arg9[%add3A_513, %dma_wait3A_520] : memref<125x80xi32, #tpu.memory_space<vmem>> -> memref<1x80xi32, #tpu.memory_space<vmem>>
      %dma_wait3A_522 = tpu.memref_squeeze %dma_wait3A_521 : memref<1x80xi32, #tpu.memory_space<vmem>> -> memref<80xi32, #tpu.memory_space<vmem>>
      %dma_wait3A_523 = arith.constant 0 : i32
      %dma_wait3A_524 = arith.constant 0 : i32
      %dma_wait3A_525 = tpu.memref_slice %arg3[%dma_wait3A_523, %dma_wait3A_524] : memref<10000x32xf32, #tpu.memory_space<hbm>> -> memref<10000x32xf32, #tpu.memory_space<hbm>>
      tpu.wait_indirect_dma semaphore(%arg32 : memref<!tpu.dma_semaphore, #tpu.memory_space<semaphore_mem>>) src(%dma_wait3A_525 : memref<10000x32xf32, #tpu.memory_space<hbm>>) dst(%arg22 : memref<80x32xf32, #tpu.memory_space<vmem>>)
      %dma_start3A_526 = arith.constant 0 : i32
      %dma_start3A_527 = tpu.memref_slice %arg9[%add3A_513, %dma_start3A_526] : memref<125x80xi32, #tpu.memory_space<vmem>> -> memref<1x80xi32, #tpu.memory_space<vmem>>
      %dma_start3A_528 = tpu.memref_squeeze %dma_start3A_527 : memref<1x80xi32, #tpu.memory_space<vmem>> -> memref<80xi32, #tpu.memory_space<vmem>>
      %dma_start3A_529 = arith.constant 0 : i32
      %dma_start3A_530 = arith.constant 0 : i32
      %dma_start3A_531 = tpu.memref_slice %arg11[%dma_start3A_529, %dma_start3A_530] : memref<10240x32xf32, #tpu.memory_space<vmem_shared>> -> memref<10240x32xf32, #tpu.memory_space<vmem_shared>>
      tpu.enqueue_indirect_dma source(%arg17 : memref<80x32xf32, #tpu.memory_space<vmem>>) target(%dma_start3A_531 : memref<10240x32xf32, #tpu.memory_space<vmem_shared>>) offsets(%dma_start3A_528 : memref<80xi32, #tpu.memory_space<vmem>>) semaphore(%arg37 : memref<!tpu.dma_semaphore, #tpu.memory_space<semaphore_mem>>) {add = true}
      %dma_start3A_532 = arith.constant 0 : i32
      %dma_start3A_533 = tpu.memref_slice %arg8[%add3A_513, %dma_start3A_532] : memref<125x80xi32, #tpu.memory_space<vmem>> -> memref<1x80xi32, #tpu.memory_space<vmem>>
      %dma_start3A_534 = tpu.memref_squeeze %dma_start3A_533 : memref<1x80xi32, #tpu.memory_space<vmem>> -> memref<80xi32, #tpu.memory_space<vmem>>
      %dma_start3A_535 = arith.constant 0 : i32
      %dma_start3A_536 = arith.constant 0 : i32
      %dma_start3A_537 = tpu.memref_slice %arg12[%dma_start3A_535, %dma_start3A_536] : memref<10240x32xf32, #tpu.memory_space<vmem_shared>> -> memref<10240x32xf32, #tpu.memory_space<vmem_shared>>
      tpu.enqueue_indirect_dma source(%arg22 : memref<80x32xf32, #tpu.memory_space<vmem>>) target(%dma_start3A_537 : memref<10240x32xf32, #tpu.memory_space<vmem_shared>>) offsets(%dma_start3A_534 : memref<80xi32, #tpu.memory_space<vmem>>) semaphore(%arg42 : memref<!tpu.dma_semaphore, #tpu.memory_space<semaphore_mem>>) {add = true}
      %dma_wait3A_538 = arith.constant 0 : i32
      %dma_wait3A_539 = tpu.memref_slice %arg9[%add3A_513, %dma_wait3A_538] : memref<125x80xi32, #tpu.memory_space<vmem>> -> memref<1x80xi32, #tpu.memory_space<vmem>>
      %dma_wait3A_540 = tpu.memref_squeeze %dma_wait3A_539 : memref<1x80xi32, #tpu.memory_space<vmem>> -> memref<80xi32, #tpu.memory_space<vmem>>
      %dma_wait3A_541 = arith.constant 0 : i32
      %dma_wait3A_542 = arith.constant 0 : i32
      %dma_wait3A_543 = tpu.memref_slice %arg11[%dma_wait3A_541, %dma_wait3A_542] : memref<10240x32xf32, #tpu.memory_space<vmem_shared>> -> memref<10240x32xf32, #tpu.memory_space<vmem_shared>>
      tpu.wait_indirect_dma semaphore(%arg37 : memref<!tpu.dma_semaphore, #tpu.memory_space<semaphore_mem>>) src(%arg17 : memref<80x32xf32, #tpu.memory_space<vmem>>) dst(%dma_wait3A_543 : memref<10240x32xf32, #tpu.memory_space<vmem_shared>>)
      %dma_wait3A_544 = arith.constant 0 : i32
      %dma_wait3A_545 = tpu.memref_slice %arg8[%add3A_513, %dma_wait3A_544] : memref<125x80xi32, #tpu.memory_space<vmem>> -> memref<1x80xi32, #tpu.memory_space<vmem>>
      %dma_wait3A_546 = tpu.memref_squeeze %dma_wait3A_545 : memref<1x80xi32, #tpu.memory_space<vmem>> -> memref<80xi32, #tpu.memory_space<vmem>>
      %dma_wait3A_547 = arith.constant 0 : i32
      %dma_wait3A_548 = arith.constant 0 : i32
      %dma_wait3A_549 = tpu.memref_slice %arg12[%dma_wait3A_547, %dma_wait3A_548] : memref<10240x32xf32, #tpu.memory_space<vmem_shared>> -> memref<10240x32xf32, #tpu.memory_space<vmem_shared>>
      tpu.wait_indirect_dma semaphore(%arg42 : memref<!tpu.dma_semaphore, #tpu.memory_space<semaphore_mem>>) src(%arg22 : memref<80x32xf32, #tpu.memory_space<vmem>>) dst(%dma_wait3A_549 : memref<10240x32xf32, #tpu.memory_space<vmem_shared>>)
      %add3A_550 = arith.constant 5 : i32
      %add3A_551 = arith.addi %add3A_513, %add3A_550 : i32
      %dma_start3A_552 = arith.constant 0 : i32
      %dma_start3A_553 = tpu.memref_slice %arg8[%add3A_551, %dma_start3A_552] : memref<125x80xi32, #tpu.memory_space<vmem>> -> memref<1x80xi32, #tpu.memory_space<vmem>>
      %dma_start3A_554 = tpu.memref_squeeze %dma_start3A_553 : memref<1x80xi32, #tpu.memory_space<vmem>> -> memref<80xi32, #tpu.memory_space<vmem>>
      %dma_start3A_555 = arith.constant 0 : i32
      %dma_start3A_556 = arith.constant 0 : i32
      %dma_start3A_557 = tpu.memref_slice %arg2[%dma_start3A_555, %dma_start3A_556] : memref<10000x32xf32, #tpu.memory_space<hbm>> -> memref<10000x32xf32, #tpu.memory_space<hbm>>
      tpu.enqueue_indirect_dma source(%dma_start3A_557 : memref<10000x32xf32, #tpu.memory_space<hbm>>) target(%arg17 : memref<80x32xf32, #tpu.memory_space<vmem>>) offsets(%dma_start3A_554 : memref<80xi32, #tpu.memory_space<vmem>>) semaphore(%arg27 : memref<!tpu.dma_semaphore, #tpu.memory_space<semaphore_mem>>)
      %dma_start3A_558 = arith.constant 0 : i32
      %dma_start3A_559 = tpu.memref_slice %arg9[%add3A_551, %dma_start3A_558] : memref<125x80xi32, #tpu.memory_space<vmem>> -> memref<1x80xi32, #tpu.memory_space<vmem>>
      %dma_start3A_560 = tpu.memref_squeeze %dma_start3A_559 : memref<1x80xi32, #tpu.memory_space<vmem>> -> memref<80xi32, #tpu.memory_space<vmem>>
      %dma_start3A_561 = arith.constant 0 : i32
      %dma_start3A_562 = arith.constant 0 : i32
      %dma_start3A_563 = tpu.memref_slice %arg3[%dma_start3A_561, %dma_start3A_562] : memref<10000x32xf32, #tpu.memory_space<hbm>> -> memref<10000x32xf32, #tpu.memory_space<hbm>>
      tpu.enqueue_indirect_dma source(%dma_start3A_563 : memref<10000x32xf32, #tpu.memory_space<hbm>>) target(%arg22 : memref<80x32xf32, #tpu.memory_space<vmem>>) offsets(%dma_start3A_560 : memref<80xi32, #tpu.memory_space<vmem>>) semaphore(%arg32 : memref<!tpu.dma_semaphore, #tpu.memory_space<semaphore_mem>>)
    }
    %scan3A_82 = arith.constant 24 : i32
    %dma_wait3A = arith.constant 120 : i32
    %dma_wait3A_83 = arith.constant 0 : i32
    %dma_wait3A_84 = tpu.memref_slice %arg8[%dma_wait3A, %dma_wait3A_83] : memref<125x80xi32, #tpu.memory_space<vmem>> -> memref<1x80xi32, #tpu.memory_space<vmem>>
    %dma_wait3A_85 = tpu.memref_squeeze %dma_wait3A_84 : memref<1x80xi32, #tpu.memory_space<vmem>> -> memref<80xi32, #tpu.memory_space<vmem>>
    %dma_wait3A_86 = arith.constant 0 : i32
    %dma_wait3A_87 = arith.constant 0 : i32
    %dma_wait3A_88 = tpu.memref_slice %arg2[%dma_wait3A_86, %dma_wait3A_87] : memref<10000x32xf32, #tpu.memory_space<hbm>> -> memref<10000x32xf32, #tpu.memory_space<hbm>>
    tpu.wait_indirect_dma semaphore(%arg23 : memref<!tpu.dma_semaphore, #tpu.memory_space<semaphore_mem>>) src(%dma_wait3A_88 : memref<10000x32xf32, #tpu.memory_space<hbm>>) dst(%arg13 : memref<80x32xf32, #tpu.memory_space<vmem>>)
    %dma_wait3A_89 = arith.constant 120 : i32
    %dma_wait3A_90 = arith.constant 0 : i32
    %dma_wait3A_91 = tpu.memref_slice %arg9[%dma_wait3A_89, %dma_wait3A_90] : memref<125x80xi32, #tpu.memory_space<vmem>> -> memref<1x80xi32, #tpu.memory_space<vmem>>
    %dma_wait3A_92 = tpu.memref_squeeze %dma_wait3A_91 : memref<1x80xi32, #tpu.memory_space<vmem>> -> memref<80xi32, #tpu.memory_space<vmem>>
    %dma_wait3A_93 = arith.constant 0 : i32
    %dma_wait3A_94 = arith.constant 0 : i32
    %dma_wait3A_95 = tpu.memref_slice %arg3[%dma_wait3A_93, %dma_wait3A_94] : memref<10000x32xf32, #tpu.memory_space<hbm>> -> memref<10000x32xf32, #tpu.memory_space<hbm>>
    tpu.wait_indirect_dma semaphore(%arg28 : memref<!tpu.dma_semaphore, #tpu.memory_space<semaphore_mem>>) src(%dma_wait3A_95 : memref<10000x32xf32, #tpu.memory_space<hbm>>) dst(%arg18 : memref<80x32xf32, #tpu.memory_space<vmem>>)
    %dma_start3A_96 = arith.constant 120 : i32
    %dma_start3A_97 = arith.constant 0 : i32
    %dma_start3A_98 = tpu.memref_slice %arg9[%dma_start3A_96, %dma_start3A_97] : memref<125x80xi32, #tpu.memory_space<vmem>> -> memref<1x80xi32, #tpu.memory_space<vmem>>
    %dma_start3A_99 = tpu.memref_squeeze %dma_start3A_98 : memref<1x80xi32, #tpu.memory_space<vmem>> -> memref<80xi32, #tpu.memory_space<vmem>>
    %dma_start3A_100 = arith.constant 0 : i32
    %dma_start3A_101 = arith.constant 0 : i32
    %dma_start3A_102 = tpu.memref_slice %arg11[%dma_start3A_100, %dma_start3A_101] : memref<10240x32xf32, #tpu.memory_space<vmem_shared>> -> memref<10240x32xf32, #tpu.memory_space<vmem_shared>>
    tpu.enqueue_indirect_dma source(%arg13 : memref<80x32xf32, #tpu.memory_space<vmem>>) target(%dma_start3A_102 : memref<10240x32xf32, #tpu.memory_space<vmem_shared>>) offsets(%dma_start3A_99 : memref<80xi32, #tpu.memory_space<vmem>>) semaphore(%arg33 : memref<!tpu.dma_semaphore, #tpu.memory_space<semaphore_mem>>) {add = true}
    %dma_start3A_103 = arith.constant 120 : i32
    %dma_start3A_104 = arith.constant 0 : i32
    %dma_start3A_105 = tpu.memref_slice %arg8[%dma_start3A_103, %dma_start3A_104] : memref<125x80xi32, #tpu.memory_space<vmem>> -> memref<1x80xi32, #tpu.memory_space<vmem>>
    %dma_start3A_106 = tpu.memref_squeeze %dma_start3A_105 : memref<1x80xi32, #tpu.memory_space<vmem>> -> memref<80xi32, #tpu.memory_space<vmem>>
    %dma_start3A_107 = arith.constant 0 : i32
    %dma_start3A_108 = arith.constant 0 : i32
    %dma_start3A_109 = tpu.memref_slice %arg12[%dma_start3A_107, %dma_start3A_108] : memref<10240x32xf32, #tpu.memory_space<vmem_shared>> -> memref<10240x32xf32, #tpu.memory_space<vmem_shared>>
    tpu.enqueue_indirect_dma source(%arg18 : memref<80x32xf32, #tpu.memory_space<vmem>>) target(%dma_start3A_109 : memref<10240x32xf32, #tpu.memory_space<vmem_shared>>) offsets(%dma_start3A_106 : memref<80xi32, #tpu.memory_space<vmem>>) semaphore(%arg38 : memref<!tpu.dma_semaphore, #tpu.memory_space<semaphore_mem>>) {add = true}
    %dma_wait3A_110 = arith.constant 120 : i32
    %dma_wait3A_111 = arith.constant 0 : i32
    %dma_wait3A_112 = tpu.memref_slice %arg9[%dma_wait3A_110, %dma_wait3A_111] : memref<125x80xi32, #tpu.memory_space<vmem>> -> memref<1x80xi32, #tpu.memory_space<vmem>>
    %dma_wait3A_113 = tpu.memref_squeeze %dma_wait3A_112 : memref<1x80xi32, #tpu.memory_space<vmem>> -> memref<80xi32, #tpu.memory_space<vmem>>
    %dma_wait3A_114 = arith.constant 0 : i32
    %dma_wait3A_115 = arith.constant 0 : i32
    %dma_wait3A_116 = tpu.memref_slice %arg11[%dma_wait3A_114, %dma_wait3A_115] : memref<10240x32xf32, #tpu.memory_space<vmem_shared>> -> memref<10240x32xf32, #tpu.memory_space<vmem_shared>>
    tpu.wait_indirect_dma semaphore(%arg33 : memref<!tpu.dma_semaphore, #tpu.memory_space<semaphore_mem>>) src(%arg13 : memref<80x32xf32, #tpu.memory_space<vmem>>) dst(%dma_wait3A_116 : memref<10240x32xf32, #tpu.memory_space<vmem_shared>>)
    %dma_wait3A_117 = arith.constant 120 : i32
    %dma_wait3A_118 = arith.constant 0 : i32
    %dma_wait3A_119 = tpu.memref_slice %arg8[%dma_wait3A_117, %dma_wait3A_118] : memref<125x80xi32, #tpu.memory_space<vmem>> -> memref<1x80xi32, #tpu.memory_space<vmem>>
    %dma_wait3A_120 = tpu.memref_squeeze %dma_wait3A_119 : memref<1x80xi32, #tpu.memory_space<vmem>> -> memref<80xi32, #tpu.memory_space<vmem>>
    %dma_wait3A_121 = arith.constant 0 : i32
    %dma_wait3A_122 = arith.constant 0 : i32
    %dma_wait3A_123 = tpu.memref_slice %arg12[%dma_wait3A_121, %dma_wait3A_122] : memref<10240x32xf32, #tpu.memory_space<vmem_shared>> -> memref<10240x32xf32, #tpu.memory_space<vmem_shared>>
    tpu.wait_indirect_dma semaphore(%arg38 : memref<!tpu.dma_semaphore, #tpu.memory_space<semaphore_mem>>) src(%arg18 : memref<80x32xf32, #tpu.memory_space<vmem>>) dst(%dma_wait3A_123 : memref<10240x32xf32, #tpu.memory_space<vmem_shared>>)
    %dma_wait3A_124 = arith.constant 121 : i32
    %dma_wait3A_125 = arith.constant 0 : i32
    %dma_wait3A_126 = tpu.memref_slice %arg8[%dma_wait3A_124, %dma_wait3A_125] : memref<125x80xi32, #tpu.memory_space<vmem>> -> memref<1x80xi32, #tpu.memory_space<vmem>>
    %dma_wait3A_127 = tpu.memref_squeeze %dma_wait3A_126 : memref<1x80xi32, #tpu.memory_space<vmem>> -> memref<80xi32, #tpu.memory_space<vmem>>
    %dma_wait3A_128 = arith.constant 0 : i32
    %dma_wait3A_129 = arith.constant 0 : i32
    %dma_wait3A_130 = tpu.memref_slice %arg2[%dma_wait3A_128, %dma_wait3A_129] : memref<10000x32xf32, #tpu.memory_space<hbm>> -> memref<10000x32xf32, #tpu.memory_space<hbm>>
    tpu.wait_indirect_dma semaphore(%arg24 : memref<!tpu.dma_semaphore, #tpu.memory_space<semaphore_mem>>) src(%dma_wait3A_130 : memref<10000x32xf32, #tpu.memory_space<hbm>>) dst(%arg14 : memref<80x32xf32, #tpu.memory_space<vmem>>)
    %dma_wait3A_131 = arith.constant 121 : i32
    %dma_wait3A_132 = arith.constant 0 : i32
    %dma_wait3A_133 = tpu.memref_slice %arg9[%dma_wait3A_131, %dma_wait3A_132] : memref<125x80xi32, #tpu.memory_space<vmem>> -> memref<1x80xi32, #tpu.memory_space<vmem>>
    %dma_wait3A_134 = tpu.memref_squeeze %dma_wait3A_133 : memref<1x80xi32, #tpu.memory_space<vmem>> -> memref<80xi32, #tpu.memory_space<vmem>>
    %dma_wait3A_135 = arith.constant 0 : i32
    %dma_wait3A_136 = arith.constant 0 : i32
    %dma_wait3A_137 = tpu.memref_slice %arg3[%dma_wait3A_135, %dma_wait3A_136] : memref<10000x32xf32, #tpu.memory_space<hbm>> -> memref<10000x32xf32, #tpu.memory_space<hbm>>
    tpu.wait_indirect_dma semaphore(%arg29 : memref<!tpu.dma_semaphore, #tpu.memory_space<semaphore_mem>>) src(%dma_wait3A_137 : memref<10000x32xf32, #tpu.memory_space<hbm>>) dst(%arg19 : memref<80x32xf32, #tpu.memory_space<vmem>>)
    %dma_start3A_138 = arith.constant 121 : i32
    %dma_start3A_139 = arith.constant 0 : i32
    %dma_start3A_140 = tpu.memref_slice %arg9[%dma_start3A_138, %dma_start3A_139] : memref<125x80xi32, #tpu.memory_space<vmem>> -> memref<1x80xi32, #tpu.memory_space<vmem>>
    %dma_start3A_141 = tpu.memref_squeeze %dma_start3A_140 : memref<1x80xi32, #tpu.memory_space<vmem>> -> memref<80xi32, #tpu.memory_space<vmem>>
    %dma_start3A_142 = arith.constant 0 : i32
    %dma_start3A_143 = arith.constant 0 : i32
    %dma_start3A_144 = tpu.memref_slice %arg11[%dma_start3A_142, %dma_start3A_143] : memref<10240x32xf32, #tpu.memory_space<vmem_shared>> -> memref<10240x32xf32, #tpu.memory_space<vmem_shared>>
    tpu.enqueue_indirect_dma source(%arg14 : memref<80x32xf32, #tpu.memory_space<vmem>>) target(%dma_start3A_144 : memref<10240x32xf32, #tpu.memory_space<vmem_shared>>) offsets(%dma_start3A_141 : memref<80xi32, #tpu.memory_space<vmem>>) semaphore(%arg34 : memref<!tpu.dma_semaphore, #tpu.memory_space<semaphore_mem>>) {add = true}
    %dma_start3A_145 = arith.constant 121 : i32
    %dma_start3A_146 = arith.constant 0 : i32
    %dma_start3A_147 = tpu.memref_slice %arg8[%dma_start3A_145, %dma_start3A_146] : memref<125x80xi32, #tpu.memory_space<vmem>> -> memref<1x80xi32, #tpu.memory_space<vmem>>
    %dma_start3A_148 = tpu.memref_squeeze %dma_start3A_147 : memref<1x80xi32, #tpu.memory_space<vmem>> -> memref<80xi32, #tpu.memory_space<vmem>>
    %dma_start3A_149 = arith.constant 0 : i32
    %dma_start3A_150 = arith.constant 0 : i32
    %dma_start3A_151 = tpu.memref_slice %arg12[%dma_start3A_149, %dma_start3A_150] : memref<10240x32xf32, #tpu.memory_space<vmem_shared>> -> memref<10240x32xf32, #tpu.memory_space<vmem_shared>>
    tpu.enqueue_indirect_dma source(%arg19 : memref<80x32xf32, #tpu.memory_space<vmem>>) target(%dma_start3A_151 : memref<10240x32xf32, #tpu.memory_space<vmem_shared>>) offsets(%dma_start3A_148 : memref<80xi32, #tpu.memory_space<vmem>>) semaphore(%arg39 : memref<!tpu.dma_semaphore, #tpu.memory_space<semaphore_mem>>) {add = true}
    %dma_wait3A_152 = arith.constant 121 : i32
    %dma_wait3A_153 = arith.constant 0 : i32
    %dma_wait3A_154 = tpu.memref_slice %arg9[%dma_wait3A_152, %dma_wait3A_153] : memref<125x80xi32, #tpu.memory_space<vmem>> -> memref<1x80xi32, #tpu.memory_space<vmem>>
    %dma_wait3A_155 = tpu.memref_squeeze %dma_wait3A_154 : memref<1x80xi32, #tpu.memory_space<vmem>> -> memref<80xi32, #tpu.memory_space<vmem>>
    %dma_wait3A_156 = arith.constant 0 : i32
    %dma_wait3A_157 = arith.constant 0 : i32
    %dma_wait3A_158 = tpu.memref_slice %arg11[%dma_wait3A_156, %dma_wait3A_157] : memref<10240x32xf32, #tpu.memory_space<vmem_shared>> -> memref<10240x32xf32, #tpu.memory_space<vmem_shared>>
    tpu.wait_indirect_dma semaphore(%arg34 : memref<!tpu.dma_semaphore, #tpu.memory_space<semaphore_mem>>) src(%arg14 : memref<80x32xf32, #tpu.memory_space<vmem>>) dst(%dma_wait3A_158 : memref<10240x32xf32, #tpu.memory_space<vmem_shared>>)
    %dma_wait3A_159 = arith.constant 121 : i32
    %dma_wait3A_160 = arith.constant 0 : i32
    %dma_wait3A_161 = tpu.memref_slice %arg8[%dma_wait3A_159, %dma_wait3A_160] : memref<125x80xi32, #tpu.memory_space<vmem>> -> memref<1x80xi32, #tpu.memory_space<vmem>>
    %dma_wait3A_162 = tpu.memref_squeeze %dma_wait3A_161 : memref<1x80xi32, #tpu.memory_space<vmem>> -> memref<80xi32, #tpu.memory_space<vmem>>
    %dma_wait3A_163 = arith.constant 0 : i32
    %dma_wait3A_164 = arith.constant 0 : i32
    %dma_wait3A_165 = tpu.memref_slice %arg12[%dma_wait3A_163, %dma_wait3A_164] : memref<10240x32xf32, #tpu.memory_space<vmem_shared>> -> memref<10240x32xf32, #tpu.memory_space<vmem_shared>>
    tpu.wait_indirect_dma semaphore(%arg39 : memref<!tpu.dma_semaphore, #tpu.memory_space<semaphore_mem>>) src(%arg19 : memref<80x32xf32, #tpu.memory_space<vmem>>) dst(%dma_wait3A_165 : memref<10240x32xf32, #tpu.memory_space<vmem_shared>>)
    %dma_wait3A_166 = arith.constant 122 : i32
    %dma_wait3A_167 = arith.constant 0 : i32
    %dma_wait3A_168 = tpu.memref_slice %arg8[%dma_wait3A_166, %dma_wait3A_167] : memref<125x80xi32, #tpu.memory_space<vmem>> -> memref<1x80xi32, #tpu.memory_space<vmem>>
    %dma_wait3A_169 = tpu.memref_squeeze %dma_wait3A_168 : memref<1x80xi32, #tpu.memory_space<vmem>> -> memref<80xi32, #tpu.memory_space<vmem>>
    %dma_wait3A_170 = arith.constant 0 : i32
    %dma_wait3A_171 = arith.constant 0 : i32
    %dma_wait3A_172 = tpu.memref_slice %arg2[%dma_wait3A_170, %dma_wait3A_171] : memref<10000x32xf32, #tpu.memory_space<hbm>> -> memref<10000x32xf32, #tpu.memory_space<hbm>>
    tpu.wait_indirect_dma semaphore(%arg25 : memref<!tpu.dma_semaphore, #tpu.memory_space<semaphore_mem>>) src(%dma_wait3A_172 : memref<10000x32xf32, #tpu.memory_space<hbm>>) dst(%arg15 : memref<80x32xf32, #tpu.memory_space<vmem>>)
    %dma_wait3A_173 = arith.constant 122 : i32
    %dma_wait3A_174 = arith.constant 0 : i32
    %dma_wait3A_175 = tpu.memref_slice %arg9[%dma_wait3A_173, %dma_wait3A_174] : memref<125x80xi32, #tpu.memory_space<vmem>> -> memref<1x80xi32, #tpu.memory_space<vmem>>
    %dma_wait3A_176 = tpu.memref_squeeze %dma_wait3A_175 : memref<1x80xi32, #tpu.memory_space<vmem>> -> memref<80xi32, #tpu.memory_space<vmem>>
    %dma_wait3A_177 = arith.constant 0 : i32
    %dma_wait3A_178 = arith.constant 0 : i32
    %dma_wait3A_179 = tpu.memref_slice %arg3[%dma_wait3A_177, %dma_wait3A_178] : memref<10000x32xf32, #tpu.memory_space<hbm>> -> memref<10000x32xf32, #tpu.memory_space<hbm>>
    tpu.wait_indirect_dma semaphore(%arg30 : memref<!tpu.dma_semaphore, #tpu.memory_space<semaphore_mem>>) src(%dma_wait3A_179 : memref<10000x32xf32, #tpu.memory_space<hbm>>) dst(%arg20 : memref<80x32xf32, #tpu.memory_space<vmem>>)
    %dma_start3A_180 = arith.constant 122 : i32
    %dma_start3A_181 = arith.constant 0 : i32
    %dma_start3A_182 = tpu.memref_slice %arg9[%dma_start3A_180, %dma_start3A_181] : memref<125x80xi32, #tpu.memory_space<vmem>> -> memref<1x80xi32, #tpu.memory_space<vmem>>
    %dma_start3A_183 = tpu.memref_squeeze %dma_start3A_182 : memref<1x80xi32, #tpu.memory_space<vmem>> -> memref<80xi32, #tpu.memory_space<vmem>>
    %dma_start3A_184 = arith.constant 0 : i32
    %dma_start3A_185 = arith.constant 0 : i32
    %dma_start3A_186 = tpu.memref_slice %arg11[%dma_start3A_184, %dma_start3A_185] : memref<10240x32xf32, #tpu.memory_space<vmem_shared>> -> memref<10240x32xf32, #tpu.memory_space<vmem_shared>>
    tpu.enqueue_indirect_dma source(%arg15 : memref<80x32xf32, #tpu.memory_space<vmem>>) target(%dma_start3A_186 : memref<10240x32xf32, #tpu.memory_space<vmem_shared>>) offsets(%dma_start3A_183 : memref<80xi32, #tpu.memory_space<vmem>>) semaphore(%arg35 : memref<!tpu.dma_semaphore, #tpu.memory_space<semaphore_mem>>) {add = true}
    %dma_start3A_187 = arith.constant 122 : i32
    %dma_start3A_188 = arith.constant 0 : i32
    %dma_start3A_189 = tpu.memref_slice %arg8[%dma_start3A_187, %dma_start3A_188] : memref<125x80xi32, #tpu.memory_space<vmem>> -> memref<1x80xi32, #tpu.memory_space<vmem>>
    %dma_start3A_190 = tpu.memref_squeeze %dma_start3A_189 : memref<1x80xi32, #tpu.memory_space<vmem>> -> memref<80xi32, #tpu.memory_space<vmem>>
    %dma_start3A_191 = arith.constant 0 : i32
    %dma_start3A_192 = arith.constant 0 : i32
    %dma_start3A_193 = tpu.memref_slice %arg12[%dma_start3A_191, %dma_start3A_192] : memref<10240x32xf32, #tpu.memory_space<vmem_shared>> -> memref<10240x32xf32, #tpu.memory_space<vmem_shared>>
    tpu.enqueue_indirect_dma source(%arg20 : memref<80x32xf32, #tpu.memory_space<vmem>>) target(%dma_start3A_193 : memref<10240x32xf32, #tpu.memory_space<vmem_shared>>) offsets(%dma_start3A_190 : memref<80xi32, #tpu.memory_space<vmem>>) semaphore(%arg40 : memref<!tpu.dma_semaphore, #tpu.memory_space<semaphore_mem>>) {add = true}
    %dma_wait3A_194 = arith.constant 122 : i32
    %dma_wait3A_195 = arith.constant 0 : i32
    %dma_wait3A_196 = tpu.memref_slice %arg9[%dma_wait3A_194, %dma_wait3A_195] : memref<125x80xi32, #tpu.memory_space<vmem>> -> memref<1x80xi32, #tpu.memory_space<vmem>>
    %dma_wait3A_197 = tpu.memref_squeeze %dma_wait3A_196 : memref<1x80xi32, #tpu.memory_space<vmem>> -> memref<80xi32, #tpu.memory_space<vmem>>
    %dma_wait3A_198 = arith.constant 0 : i32
    %dma_wait3A_199 = arith.constant 0 : i32
    %dma_wait3A_200 = tpu.memref_slice %arg11[%dma_wait3A_198, %dma_wait3A_199] : memref<10240x32xf32, #tpu.memory_space<vmem_shared>> -> memref<10240x32xf32, #tpu.memory_space<vmem_shared>>
    tpu.wait_indirect_dma semaphore(%arg35 : memref<!tpu.dma_semaphore, #tpu.memory_space<semaphore_mem>>) src(%arg15 : memref<80x32xf32, #tpu.memory_space<vmem>>) dst(%dma_wait3A_200 : memref<10240x32xf32, #tpu.memory_space<vmem_shared>>)
    %dma_wait3A_201 = arith.constant 122 : i32
    %dma_wait3A_202 = arith.constant 0 : i32
    %dma_wait3A_203 = tpu.memref_slice %arg8[%dma_wait3A_201, %dma_wait3A_202] : memref<125x80xi32, #tpu.memory_space<vmem>> -> memref<1x80xi32, #tpu.memory_space<vmem>>
    %dma_wait3A_204 = tpu.memref_squeeze %dma_wait3A_203 : memref<1x80xi32, #tpu.memory_space<vmem>> -> memref<80xi32, #tpu.memory_space<vmem>>
    %dma_wait3A_205 = arith.constant 0 : i32
    %dma_wait3A_206 = arith.constant 0 : i32
    %dma_wait3A_207 = tpu.memref_slice %arg12[%dma_wait3A_205, %dma_wait3A_206] : memref<10240x32xf32, #tpu.memory_space<vmem_shared>> -> memref<10240x32xf32, #tpu.memory_space<vmem_shared>>
    tpu.wait_indirect_dma semaphore(%arg40 : memref<!tpu.dma_semaphore, #tpu.memory_space<semaphore_mem>>) src(%arg20 : memref<80x32xf32, #tpu.memory_space<vmem>>) dst(%dma_wait3A_207 : memref<10240x32xf32, #tpu.memory_space<vmem_shared>>)
    %dma_wait3A_208 = arith.constant 123 : i32
    %dma_wait3A_209 = arith.constant 0 : i32
    %dma_wait3A_210 = tpu.memref_slice %arg8[%dma_wait3A_208, %dma_wait3A_209] : memref<125x80xi32, #tpu.memory_space<vmem>> -> memref<1x80xi32, #tpu.memory_space<vmem>>
    %dma_wait3A_211 = tpu.memref_squeeze %dma_wait3A_210 : memref<1x80xi32, #tpu.memory_space<vmem>> -> memref<80xi32, #tpu.memory_space<vmem>>
    %dma_wait3A_212 = arith.constant 0 : i32
    %dma_wait3A_213 = arith.constant 0 : i32
    %dma_wait3A_214 = tpu.memref_slice %arg2[%dma_wait3A_212, %dma_wait3A_213] : memref<10000x32xf32, #tpu.memory_space<hbm>> -> memref<10000x32xf32, #tpu.memory_space<hbm>>
    tpu.wait_indirect_dma semaphore(%arg26 : memref<!tpu.dma_semaphore, #tpu.memory_space<semaphore_mem>>) src(%dma_wait3A_214 : memref<10000x32xf32, #tpu.memory_space<hbm>>) dst(%arg16 : memref<80x32xf32, #tpu.memory_space<vmem>>)
    %dma_wait3A_215 = arith.constant 123 : i32
    %dma_wait3A_216 = arith.constant 0 : i32
    %dma_wait3A_217 = tpu.memref_slice %arg9[%dma_wait3A_215, %dma_wait3A_216] : memref<125x80xi32, #tpu.memory_space<vmem>> -> memref<1x80xi32, #tpu.memory_space<vmem>>
    %dma_wait3A_218 = tpu.memref_squeeze %dma_wait3A_217 : memref<1x80xi32, #tpu.memory_space<vmem>> -> memref<80xi32, #tpu.memory_space<vmem>>
    %dma_wait3A_219 = arith.constant 0 : i32
    %dma_wait3A_220 = arith.constant 0 : i32
    %dma_wait3A_221 = tpu.memref_slice %arg3[%dma_wait3A_219, %dma_wait3A_220] : memref<10000x32xf32, #tpu.memory_space<hbm>> -> memref<10000x32xf32, #tpu.memory_space<hbm>>
    tpu.wait_indirect_dma semaphore(%arg31 : memref<!tpu.dma_semaphore, #tpu.memory_space<semaphore_mem>>) src(%dma_wait3A_221 : memref<10000x32xf32, #tpu.memory_space<hbm>>) dst(%arg21 : memref<80x32xf32, #tpu.memory_space<vmem>>)
    %dma_start3A_222 = arith.constant 123 : i32
    %dma_start3A_223 = arith.constant 0 : i32
    %dma_start3A_224 = tpu.memref_slice %arg9[%dma_start3A_222, %dma_start3A_223] : memref<125x80xi32, #tpu.memory_space<vmem>> -> memref<1x80xi32, #tpu.memory_space<vmem>>
    %dma_start3A_225 = tpu.memref_squeeze %dma_start3A_224 : memref<1x80xi32, #tpu.memory_space<vmem>> -> memref<80xi32, #tpu.memory_space<vmem>>
    %dma_start3A_226 = arith.constant 0 : i32
    %dma_start3A_227 = arith.constant 0 : i32
    %dma_start3A_228 = tpu.memref_slice %arg11[%dma_start3A_226, %dma_start3A_227] : memref<10240x32xf32, #tpu.memory_space<vmem_shared>> -> memref<10240x32xf32, #tpu.memory_space<vmem_shared>>
    tpu.enqueue_indirect_dma source(%arg16 : memref<80x32xf32, #tpu.memory_space<vmem>>) target(%dma_start3A_228 : memref<10240x32xf32, #tpu.memory_space<vmem_shared>>) offsets(%dma_start3A_225 : memref<80xi32, #tpu.memory_space<vmem>>) semaphore(%arg36 : memref<!tpu.dma_semaphore, #tpu.memory_space<semaphore_mem>>) {add = true}
    %dma_start3A_229 = arith.constant 123 : i32
    %dma_start3A_230 = arith.constant 0 : i32
    %dma_start3A_231 = tpu.memref_slice %arg8[%dma_start3A_229, %dma_start3A_230] : memref<125x80xi32, #tpu.memory_space<vmem>> -> memref<1x80xi32, #tpu.memory_space<vmem>>
    %dma_start3A_232 = tpu.memref_squeeze %dma_start3A_231 : memref<1x80xi32, #tpu.memory_space<vmem>> -> memref<80xi32, #tpu.memory_space<vmem>>
    %dma_start3A_233 = arith.constant 0 : i32
    %dma_start3A_234 = arith.constant 0 : i32
    %dma_start3A_235 = tpu.memref_slice %arg12[%dma_start3A_233, %dma_start3A_234] : memref<10240x32xf32, #tpu.memory_space<vmem_shared>> -> memref<10240x32xf32, #tpu.memory_space<vmem_shared>>
    tpu.enqueue_indirect_dma source(%arg21 : memref<80x32xf32, #tpu.memory_space<vmem>>) target(%dma_start3A_235 : memref<10240x32xf32, #tpu.memory_space<vmem_shared>>) offsets(%dma_start3A_232 : memref<80xi32, #tpu.memory_space<vmem>>) semaphore(%arg41 : memref<!tpu.dma_semaphore, #tpu.memory_space<semaphore_mem>>) {add = true}
    %dma_wait3A_236 = arith.constant 123 : i32
    %dma_wait3A_237 = arith.constant 0 : i32
    %dma_wait3A_238 = tpu.memref_slice %arg9[%dma_wait3A_236, %dma_wait3A_237] : memref<125x80xi32, #tpu.memory_space<vmem>> -> memref<1x80xi32, #tpu.memory_space<vmem>>
    %dma_wait3A_239 = tpu.memref_squeeze %dma_wait3A_238 : memref<1x80xi32, #tpu.memory_space<vmem>> -> memref<80xi32, #tpu.memory_space<vmem>>
    %dma_wait3A_240 = arith.constant 0 : i32
    %dma_wait3A_241 = arith.constant 0 : i32
    %dma_wait3A_242 = tpu.memref_slice %arg11[%dma_wait3A_240, %dma_wait3A_241] : memref<10240x32xf32, #tpu.memory_space<vmem_shared>> -> memref<10240x32xf32, #tpu.memory_space<vmem_shared>>
    tpu.wait_indirect_dma semaphore(%arg36 : memref<!tpu.dma_semaphore, #tpu.memory_space<semaphore_mem>>) src(%arg16 : memref<80x32xf32, #tpu.memory_space<vmem>>) dst(%dma_wait3A_242 : memref<10240x32xf32, #tpu.memory_space<vmem_shared>>)
    %dma_wait3A_243 = arith.constant 123 : i32
    %dma_wait3A_244 = arith.constant 0 : i32
    %dma_wait3A_245 = tpu.memref_slice %arg8[%dma_wait3A_243, %dma_wait3A_244] : memref<125x80xi32, #tpu.memory_space<vmem>> -> memref<1x80xi32, #tpu.memory_space<vmem>>
    %dma_wait3A_246 = tpu.memref_squeeze %dma_wait3A_245 : memref<1x80xi32, #tpu.memory_space<vmem>> -> memref<80xi32, #tpu.memory_space<vmem>>
    %dma_wait3A_247 = arith.constant 0 : i32
    %dma_wait3A_248 = arith.constant 0 : i32
    %dma_wait3A_249 = tpu.memref_slice %arg12[%dma_wait3A_247, %dma_wait3A_248] : memref<10240x32xf32, #tpu.memory_space<vmem_shared>> -> memref<10240x32xf32, #tpu.memory_space<vmem_shared>>
    tpu.wait_indirect_dma semaphore(%arg41 : memref<!tpu.dma_semaphore, #tpu.memory_space<semaphore_mem>>) src(%arg21 : memref<80x32xf32, #tpu.memory_space<vmem>>) dst(%dma_wait3A_249 : memref<10240x32xf32, #tpu.memory_space<vmem_shared>>)
    %dma_wait3A_250 = arith.constant 124 : i32
    %dma_wait3A_251 = arith.constant 0 : i32
    %dma_wait3A_252 = tpu.memref_slice %arg8[%dma_wait3A_250, %dma_wait3A_251] : memref<125x80xi32, #tpu.memory_space<vmem>> -> memref<1x80xi32, #tpu.memory_space<vmem>>
    %dma_wait3A_253 = tpu.memref_squeeze %dma_wait3A_252 : memref<1x80xi32, #tpu.memory_space<vmem>> -> memref<80xi32, #tpu.memory_space<vmem>>
    %dma_wait3A_254 = arith.constant 0 : i32
    %dma_wait3A_255 = arith.constant 0 : i32
    %dma_wait3A_256 = tpu.memref_slice %arg2[%dma_wait3A_254, %dma_wait3A_255] : memref<10000x32xf32, #tpu.memory_space<hbm>> -> memref<10000x32xf32, #tpu.memory_space<hbm>>
    tpu.wait_indirect_dma semaphore(%arg27 : memref<!tpu.dma_semaphore, #tpu.memory_space<semaphore_mem>>) src(%dma_wait3A_256 : memref<10000x32xf32, #tpu.memory_space<hbm>>) dst(%arg17 : memref<80x32xf32, #tpu.memory_space<vmem>>)
    %dma_wait3A_257 = arith.constant 124 : i32
    %dma_wait3A_258 = arith.constant 0 : i32
    %dma_wait3A_259 = tpu.memref_slice %arg9[%dma_wait3A_257, %dma_wait3A_258] : memref<125x80xi32, #tpu.memory_space<vmem>> -> memref<1x80xi32, #tpu.memory_space<vmem>>
    %dma_wait3A_260 = tpu.memref_squeeze %dma_wait3A_259 : memref<1x80xi32, #tpu.memory_space<vmem>> -> memref<80xi32, #tpu.memory_space<vmem>>
    %dma_wait3A_261 = arith.constant 0 : i32
    %dma_wait3A_262 = arith.constant 0 : i32
    %dma_wait3A_263 = tpu.memref_slice %arg3[%dma_wait3A_261, %dma_wait3A_262] : memref<10000x32xf32, #tpu.memory_space<hbm>> -> memref<10000x32xf32, #tpu.memory_space<hbm>>
    tpu.wait_indirect_dma semaphore(%arg32 : memref<!tpu.dma_semaphore, #tpu.memory_space<semaphore_mem>>) src(%dma_wait3A_263 : memref<10000x32xf32, #tpu.memory_space<hbm>>) dst(%arg22 : memref<80x32xf32, #tpu.memory_space<vmem>>)
    %dma_start3A_264 = arith.constant 124 : i32
    %dma_start3A_265 = arith.constant 0 : i32
    %dma_start3A_266 = tpu.memref_slice %arg9[%dma_start3A_264, %dma_start3A_265] : memref<125x80xi32, #tpu.memory_space<vmem>> -> memref<1x80xi32, #tpu.memory_space<vmem>>
    %dma_start3A_267 = tpu.memref_squeeze %dma_start3A_266 : memref<1x80xi32, #tpu.memory_space<vmem>> -> memref<80xi32, #tpu.memory_space<vmem>>
    %dma_start3A_268 = arith.constant 0 : i32
    %dma_start3A_269 = arith.constant 0 : i32
    %dma_start3A_270 = tpu.memref_slice %arg11[%dma_start3A_268, %dma_start3A_269] : memref<10240x32xf32, #tpu.memory_space<vmem_shared>> -> memref<10240x32xf32, #tpu.memory_space<vmem_shared>>
    tpu.enqueue_indirect_dma source(%arg17 : memref<80x32xf32, #tpu.memory_space<vmem>>) target(%dma_start3A_270 : memref<10240x32xf32, #tpu.memory_space<vmem_shared>>) offsets(%dma_start3A_267 : memref<80xi32, #tpu.memory_space<vmem>>) semaphore(%arg37 : memref<!tpu.dma_semaphore, #tpu.memory_space<semaphore_mem>>) {add = true}
    %dma_start3A_271 = arith.constant 124 : i32
    %dma_start3A_272 = arith.constant 0 : i32
    %dma_start3A_273 = tpu.memref_slice %arg8[%dma_start3A_271, %dma_start3A_272] : memref<125x80xi32, #tpu.memory_space<vmem>> -> memref<1x80xi32, #tpu.memory_space<vmem>>
    %dma_start3A_274 = tpu.memref_squeeze %dma_start3A_273 : memref<1x80xi32, #tpu.memory_space<vmem>> -> memref<80xi32, #tpu.memory_space<vmem>>
    %dma_start3A_275 = arith.constant 0 : i32
    %dma_start3A_276 = arith.constant 0 : i32
    %dma_start3A_277 = tpu.memref_slice %arg12[%dma_start3A_275, %dma_start3A_276] : memref<10240x32xf32, #tpu.memory_space<vmem_shared>> -> memref<10240x32xf32, #tpu.memory_space<vmem_shared>>
    tpu.enqueue_indirect_dma source(%arg22 : memref<80x32xf32, #tpu.memory_space<vmem>>) target(%dma_start3A_277 : memref<10240x32xf32, #tpu.memory_space<vmem_shared>>) offsets(%dma_start3A_274 : memref<80xi32, #tpu.memory_space<vmem>>) semaphore(%arg42 : memref<!tpu.dma_semaphore, #tpu.memory_space<semaphore_mem>>) {add = true}
    %dma_wait3A_278 = arith.constant 124 : i32
    %dma_wait3A_279 = arith.constant 0 : i32
    %dma_wait3A_280 = tpu.memref_slice %arg9[%dma_wait3A_278, %dma_wait3A_279] : memref<125x80xi32, #tpu.memory_space<vmem>> -> memref<1x80xi32, #tpu.memory_space<vmem>>
    %dma_wait3A_281 = tpu.memref_squeeze %dma_wait3A_280 : memref<1x80xi32, #tpu.memory_space<vmem>> -> memref<80xi32, #tpu.memory_space<vmem>>
    %dma_wait3A_282 = arith.constant 0 : i32
    %dma_wait3A_283 = arith.constant 0 : i32
    %dma_wait3A_284 = tpu.memref_slice %arg11[%dma_wait3A_282, %dma_wait3A_283] : memref<10240x32xf32, #tpu.memory_space<vmem_shared>> -> memref<10240x32xf32, #tpu.memory_space<vmem_shared>>
    tpu.wait_indirect_dma semaphore(%arg37 : memref<!tpu.dma_semaphore, #tpu.memory_space<semaphore_mem>>) src(%arg17 : memref<80x32xf32, #tpu.memory_space<vmem>>) dst(%dma_wait3A_284 : memref<10240x32xf32, #tpu.memory_space<vmem_shared>>)
    %dma_wait3A_285 = arith.constant 124 : i32
    %dma_wait3A_286 = arith.constant 0 : i32
    %dma_wait3A_287 = tpu.memref_slice %arg8[%dma_wait3A_285, %dma_wait3A_286] : memref<125x80xi32, #tpu.memory_space<vmem>> -> memref<1x80xi32, #tpu.memory_space<vmem>>
    %dma_wait3A_288 = tpu.memref_squeeze %dma_wait3A_287 : memref<1x80xi32, #tpu.memory_space<vmem>> -> memref<80xi32, #tpu.memory_space<vmem>>
    %dma_wait3A_289 = arith.constant 0 : i32
    %dma_wait3A_290 = arith.constant 0 : i32
    %dma_wait3A_291 = tpu.memref_slice %arg12[%dma_wait3A_289, %dma_wait3A_290] : memref<10240x32xf32, #tpu.memory_space<vmem_shared>> -> memref<10240x32xf32, #tpu.memory_space<vmem_shared>>
    tpu.wait_indirect_dma semaphore(%arg42 : memref<!tpu.dma_semaphore, #tpu.memory_space<semaphore_mem>>) src(%arg22 : memref<80x32xf32, #tpu.memory_space<vmem>>) dst(%dma_wait3A_291 : memref<10240x32xf32, #tpu.memory_space<vmem_shared>>)
    %barrier3A_292 = arith.constant 0 : index
    tpu.barrier barrier_id(%barrier3A_292)
    "tpu.region"() ({
      %run_scoped3A = tpu.sem_alloc : memref<!tpu.dma_semaphore, #tpu.memory_space<semaphore_mem>>
      %dma_start3A_293 = arith.constant 0 : i32
      %dma_start3A_294 = tpu.memref_slice %arg6[%arg0, %mul3A_7, %dma_start3A_293] : memref<2x10240x32xf32, #tpu.memory_space<hbm>> -> memref<1x640x32xf32, #tpu.memory_space<hbm>>
      %dma_start3A_295 = tpu.memref_squeeze %dma_start3A_294 : memref<1x640x32xf32, #tpu.memory_space<hbm>> -> memref<640x32xf32, #tpu.memory_space<hbm>>
      %dma_start3A_296 = arith.constant 0 : i32
      %dma_start3A_297 = tpu.memref_slice %arg11[%mul3A_7, %dma_start3A_296] : memref<10240x32xf32, #tpu.memory_space<vmem_shared>> -> memref<640x32xf32, #tpu.memory_space<vmem_shared>>
      tpu.enqueue_dma source(%dma_start3A_297 : memref<640x32xf32, #tpu.memory_space<vmem_shared>>) target(%dma_start3A_295 : memref<640x32xf32, #tpu.memory_space<hbm>>) target_semaphore(%run_scoped3A : memref<!tpu.dma_semaphore, #tpu.memory_space<semaphore_mem>>)
      %dma_wait3A_298 = arith.constant 0 : i32
      %dma_wait3A_299 = tpu.memref_slice %arg6[%arg0, %mul3A_7, %dma_wait3A_298] : memref<2x10240x32xf32, #tpu.memory_space<hbm>> -> memref<1x640x32xf32, #tpu.memory_space<hbm>>
      %dma_wait3A_300 = tpu.memref_squeeze %dma_wait3A_299 : memref<1x640x32xf32, #tpu.memory_space<hbm>> -> memref<640x32xf32, #tpu.memory_space<hbm>>
      %dma_wait3A_301 = arith.constant 0 : i32
      %dma_wait3A_302 = tpu.memref_slice %arg11[%mul3A_7, %dma_wait3A_301] : memref<10240x32xf32, #tpu.memory_space<vmem_shared>> -> memref<640x32xf32, #tpu.memory_space<vmem_shared>>
      tpu.wait_dma2 semaphore(%run_scoped3A : memref<!tpu.dma_semaphore, #tpu.memory_space<semaphore_mem>>) src(%dma_wait3A_302 : memref<640x32xf32, #tpu.memory_space<vmem_shared>>) dst(%dma_wait3A_300 : memref<640x32xf32, #tpu.memory_space<hbm>>)
      tpu.yield
    }) : () -> ()
    "tpu.region"() ({
      %run_scoped3A = tpu.sem_alloc : memref<!tpu.dma_semaphore, #tpu.memory_space<semaphore_mem>>
      %dma_start3A_293 = arith.constant 0 : i32
      %dma_start3A_294 = tpu.memref_slice %arg7[%arg0, %mul3A_7, %dma_start3A_293] : memref<2x10240x32xf32, #tpu.memory_space<hbm>> -> memref<1x640x32xf32, #tpu.memory_space<hbm>>
      %dma_start3A_295 = tpu.memref_squeeze %dma_start3A_294 : memref<1x640x32xf32, #tpu.memory_space<hbm>> -> memref<640x32xf32, #tpu.memory_space<hbm>>
      %dma_start3A_296 = arith.constant 0 : i32
      %dma_start3A_297 = tpu.memref_slice %arg12[%mul3A_7, %dma_start3A_296] : memref<10240x32xf32, #tpu.memory_space<vmem_shared>> -> memref<640x32xf32, #tpu.memory_space<vmem_shared>>
      tpu.enqueue_dma source(%dma_start3A_297 : memref<640x32xf32, #tpu.memory_space<vmem_shared>>) target(%dma_start3A_295 : memref<640x32xf32, #tpu.memory_space<hbm>>) target_semaphore(%run_scoped3A : memref<!tpu.dma_semaphore, #tpu.memory_space<semaphore_mem>>)
      %dma_wait3A_298 = arith.constant 0 : i32
      %dma_wait3A_299 = tpu.memref_slice %arg7[%arg0, %mul3A_7, %dma_wait3A_298] : memref<2x10240x32xf32, #tpu.memory_space<hbm>> -> memref<1x640x32xf32, #tpu.memory_space<hbm>>
      %dma_wait3A_300 = tpu.memref_squeeze %dma_wait3A_299 : memref<1x640x32xf32, #tpu.memory_space<hbm>> -> memref<640x32xf32, #tpu.memory_space<hbm>>
      %dma_wait3A_301 = arith.constant 0 : i32
      %dma_wait3A_302 = tpu.memref_slice %arg12[%mul3A_7, %dma_wait3A_301] : memref<10240x32xf32, #tpu.memory_space<vmem_shared>> -> memref<640x32xf32, #tpu.memory_space<vmem_shared>>
      tpu.wait_dma2 semaphore(%run_scoped3A : memref<!tpu.dma_semaphore, #tpu.memory_space<semaphore_mem>>) src(%dma_wait3A_302 : memref<640x32xf32, #tpu.memory_space<vmem_shared>>) dst(%dma_wait3A_300 : memref<640x32xf32, #tpu.memory_space<hbm>>)
      tpu.yield
    }) : () -> ()
    return
  }
}

module attributes {stable_mosaic.version = 14 : i64} {
  func.func @_proj_body(%arg0: i32, %arg1: memref<1000x128xf32, #tpu.memory_space<vmem>>, %arg2: memref<128x64xf32, #tpu.memory_space<vmem>>, %arg3: memref<2x32000xi32, #tpu.memory_space<vmem>>, %arg4: memref<1000x32xf32, #tpu.memory_space<vmem>>, %arg5: memref<1000x32xf32, #tpu.memory_space<vmem>>, %arg6: memref<320000xi32, #tpu.memory_space<vmem>>, %arg7: memref<320000xi32, #tpu.memory_space<vmem>>) attributes {dimension_semantics = [#tpu.dimension_semantics<arbitrary>], iteration_bounds = array<i64: 10>, scalar_prefetch = 0 : i64, scratch_operands = 0 : i64, tpu.core_type = #tpu.core_type<tc>, window_params = [{transform_indices = @transform_0, window_bounds = array<i64: 1000, 128>}, {pipeline_mode = #tpu.pipeline_mode<synchronous>, transform_indices = @transform_1, window_bounds = array<i64: 128, 64>}, {transform_indices = @transform_2, window_bounds = array<i64: 2, 32000>}, {transform_indices = @transform_3, window_bounds = array<i64: 1000, 32>}, {transform_indices = @transform_4, window_bounds = array<i64: 1000, 32>}, {pipeline_mode = #tpu.pipeline_mode<synchronous>, transform_indices = @transform_5, window_bounds = array<i64: 320000>}, {pipeline_mode = #tpu.pipeline_mode<synchronous>, transform_indices = @transform_6, window_bounds = array<i64: 320000>}]} {
    %get3A = arith.constant 0 : index
    %get3A_0 = arith.constant 0 : index
    %get3A_1 = vector.load %arg1[%get3A, %get3A_0] : memref<1000x128xf32, #tpu.memory_space<vmem>>, vector<1000x128xf32>
    %get3A_2 = arith.constant 0 : index
    %get3A_3 = arith.constant 0 : index
    %get3A_4 = vector.load %arg2[%get3A_2, %get3A_3] : memref<128x64xf32, #tpu.memory_space<vmem>>, vector<128x64xf32>
    %dot_general3A = arith.constant dense<0.000000e+00> : vector<1000x64xf32>
    %dot_general3A_5 = tpu.matmul %get3A_1, %get3A_4, %dot_general3A {dimension_numbers = #tpu.dot_dimension_numbers<[1], [0], [0], [1], [0, 0, 1, 1], [], []>, transpose_lhs_hint = false} : vector<1000x128xf32>, vector<128x64xf32>, vector<1000x64xf32> -> vector<1000x64xf32>
    %slice3A = vector.extract_strided_slice %dot_general3A_5 {offsets = [0, 0], sizes = [1000, 32], strides = [1, 1]} : vector<1000x64xf32> to vector<1000x32xf32>
    %swap3A = arith.constant 0 : index
    %swap3A_6 = arith.constant 0 : index
    %swap3A_7 = vector.load %arg4[%swap3A, %swap3A_6] : memref<1000x32xf32, #tpu.memory_space<vmem>>, vector<1000x32xf32>
    tpu.vector_store %arg4[%swap3A, %swap3A_6], %slice3A {strides = array<i32>} : memref<1000x32xf32, #tpu.memory_space<vmem>>, vector<1000x32xf32>,
    %slice3A_8 = vector.extract_strided_slice %dot_general3A_5 {offsets = [0, 32], sizes = [1000, 32], strides = [1, 1]} : vector<1000x64xf32> to vector<1000x32xf32>
    %swap3A_9 = arith.constant 0 : index
    %swap3A_10 = arith.constant 0 : index
    %swap3A_11 = vector.load %arg5[%swap3A_9, %swap3A_10] : memref<1000x32xf32, #tpu.memory_space<vmem>>, vector<1000x32xf32>
    tpu.vector_store %arg5[%swap3A_9, %swap3A_10], %slice3A_8 {strides = array<i32>} : memref<1000x32xf32, #tpu.memory_space<vmem>>, vector<1000x32xf32>,
    %get3A_12 = arith.constant 0 : index
    %get3A_13 = arith.constant 0 : index
    %get3A_14 = vector.load %arg3[%get3A_12, %get3A_13] : memref<2x32000xi32, #tpu.memory_space<vmem>>, vector<1x32000xi32>
    %get3A_15 = vector.shape_cast %get3A_14 : vector<1x32000xi32> to vector<32000xi32>
    %mul3A = arith.constant 32000 : i32
    %mul3A_16 = arith.muli %arg0, %mul3A : i32
    %swap3A_17 = arith.index_cast %mul3A_16 : i32 to index
    %swap3A_18 = vector.load %arg6[%swap3A_17] : memref<320000xi32, #tpu.memory_space<vmem>>, vector<32000xi32>
    tpu.vector_store %arg6[%swap3A_17], %get3A_15 {strides = array<i32>} : memref<320000xi32, #tpu.memory_space<vmem>>, vector<32000xi32>,
    %get3A_19 = arith.constant 1 : index
    %get3A_20 = arith.constant 0 : index
    %get3A_21 = vector.load %arg3[%get3A_19, %get3A_20] : memref<2x32000xi32, #tpu.memory_space<vmem>>, vector<1x32000xi32>
    %get3A_22 = vector.shape_cast %get3A_21 : vector<1x32000xi32> to vector<32000xi32>
    %mul3A_23 = arith.constant 32000 : i32
    %mul3A_24 = arith.muli %arg0, %mul3A_23 : i32
    %swap3A_25 = arith.index_cast %mul3A_24 : i32 to index
    %swap3A_26 = vector.load %arg7[%swap3A_25] : memref<320000xi32, #tpu.memory_space<vmem>>, vector<32000xi32>
    tpu.vector_store %arg7[%swap3A_25], %get3A_22 {strides = array<i32>} : memref<320000xi32, #tpu.memory_space<vmem>>, vector<32000xi32>,
    return
  }
  func.func @transform_0(%arg0: i32) -> (i32, i32) {
    %c0_i32 = arith.constant 0 : i32
    %c0_i32_0 = arith.constant 0 : i32
    return %arg0, %c0_i32 : i32, i32
  }
  func.func @transform_1(%arg0: i32) -> (i32, i32) {
    %c0_i32 = arith.constant 0 : i32
    %c0_i32_0 = arith.constant 0 : i32
    %c0_i32_1 = arith.constant 0 : i32
    return %c0_i32, %c0_i32_0 : i32, i32
  }
  func.func @transform_2(%arg0: i32) -> (i32, i32) {
    %c0_i32 = arith.constant 0 : i32
    %c0_i32_0 = arith.constant 0 : i32
    return %c0_i32, %arg0 : i32, i32
  }
  func.func @transform_3(%arg0: i32) -> (i32, i32) {
    %c0_i32 = arith.constant 0 : i32
    %c0_i32_0 = arith.constant 0 : i32
    return %arg0, %c0_i32 : i32, i32
  }
  func.func @transform_4(%arg0: i32) -> (i32, i32) {
    %c0_i32 = arith.constant 0 : i32
    %c0_i32_0 = arith.constant 0 : i32
    return %arg0, %c0_i32 : i32, i32
  }
  func.func @transform_5(%arg0: i32) -> i32 {
    %c0_i32 = arith.constant 0 : i32
    %c0_i32_0 = arith.constant 0 : i32
    return %c0_i32 : i32
  }
  func.func @transform_6(%arg0: i32) -> i32 {
    %c0_i32 = arith.constant 0 : i32
    %c0_i32_0 = arith.constant 0 : i32
    return %c0_i32 : i32
  }
}

module attributes {stable_mosaic.version = 14 : i64} {
  func.func @_head_body(%arg0: memref<128x128xf32, #tpu.memory_space<vmem>>, %arg1: memref<32x32xf32, #tpu.memory_space<vmem>>, %arg2: memref<1x32xf32, #tpu.memory_space<vmem>>, %arg3: memref<32x32xf32, #tpu.memory_space<vmem>>, %arg4: memref<1x32xf32, #tpu.memory_space<vmem>>, %arg5: memref<64x32xf32, #tpu.memory_space<vmem>>, %arg6: memref<1x32xf32, #tpu.memory_space<vmem>>, %arg7: memref<32x16xf32, #tpu.memory_space<vmem>>, %arg8: memref<1x16xf32, #tpu.memory_space<vmem>>, %arg9: memref<16x1xf32, #tpu.memory_space<vmem>>, %arg10: memref<1x1xf32, #tpu.memory_space<vmem>>, %arg11: memref<64x1xf32, #tpu.memory_space<vmem>>) attributes {dimension_semantics = [], scalar_prefetch = 0 : i64, scratch_operands = 0 : i64, tpu.core_type = #tpu.core_type<tc>} {
    %get3A = arith.constant 0 : index
    %get3A_0 = arith.constant 0 : index
    %get3A_1 = vector.load %arg0[%get3A, %get3A_0] : memref<128x128xf32, #tpu.memory_space<vmem>>, vector<64x128xf32>
    %get3A_2 = arith.constant 64 : index
    %get3A_3 = arith.constant 0 : index
    %get3A_4 = vector.load %arg0[%get3A_2, %get3A_3] : memref<128x128xf32, #tpu.memory_space<vmem>>, vector<64x128xf32>
    %add3A = arith.addf %get3A_1, %get3A_4 : vector<64x128xf32>
    %slice3A = vector.extract_strided_slice %add3A {offsets = [0, 0], sizes = [64, 32], strides = [1, 1]} : vector<64x128xf32> to vector<64x32xf32>
    %slice3A_5 = vector.extract_strided_slice %add3A {offsets = [0, 32], sizes = [64, 32], strides = [1, 1]} : vector<64x128xf32> to vector<64x32xf32>
    %slice3A_6 = vector.extract_strided_slice %add3A {offsets = [0, 64], sizes = [64, 32], strides = [1, 1]} : vector<64x128xf32> to vector<64x32xf32>
    %slice3A_7 = vector.extract_strided_slice %slice3A_6 {offsets = [0, 0], sizes = [64, 1], strides = [1, 1]} : vector<64x32xf32> to vector<64x1xf32>
    %max3A = arith.constant 1.000000e+00 : f32
    %max3A_8 = vector.broadcast %max3A : f32 to vector<64x1xf32>
    %max3A_9 = arith.maximumf %slice3A_7, %max3A_8 : vector<64x1xf32>
    %div3A = arith.constant 1.000000e+00 : f32
    %div3A_10 = vector.broadcast %div3A : f32 to vector<64x1xf32>
    %div3A_11 = arith.divf %div3A_10, %max3A_9 : vector<64x1xf32>
    %mul3A = vector.broadcast %div3A_11 : vector<64x1xf32> to vector<64x32xf32>
    %mul3A_12 = arith.mulf %slice3A, %mul3A : vector<64x32xf32>
    %get3A_13 = arith.constant 0 : index
    %get3A_14 = arith.constant 0 : index
    %get3A_15 = vector.load %arg1[%get3A_13, %get3A_14] : memref<32x32xf32, #tpu.memory_space<vmem>>, vector<32x32xf32>
    %dot_general3A = arith.constant dense<0.000000e+00> : vector<64x32xf32>
    %dot_general3A_16 = tpu.matmul %mul3A_12, %get3A_15, %dot_general3A {dimension_numbers = #tpu.dot_dimension_numbers<[1], [0], [0], [1], [0, 0, 1, 1], [], []>, transpose_lhs_hint = false} : vector<64x32xf32>, vector<32x32xf32>, vector<64x32xf32> -> vector<64x32xf32>
    %get3A_17 = arith.constant 0 : index
    %get3A_18 = arith.constant 0 : index
    %get3A_19 = vector.load %arg2[%get3A_17, %get3A_18] : memref<1x32xf32, #tpu.memory_space<vmem>>, vector<1x32xf32>
    %add3A_20 = vector.broadcast %get3A_19 : vector<1x32xf32> to vector<64x32xf32>
    %add3A_21 = arith.addf %dot_general3A_16, %add3A_20 : vector<64x32xf32>
    %mul3A_22 = vector.broadcast %div3A_11 : vector<64x1xf32> to vector<64x32xf32>
    %mul3A_23 = arith.mulf %slice3A_5, %mul3A_22 : vector<64x32xf32>
    %get3A_24 = arith.constant 0 : index
    %get3A_25 = arith.constant 0 : index
    %get3A_26 = vector.load %arg3[%get3A_24, %get3A_25] : memref<32x32xf32, #tpu.memory_space<vmem>>, vector<32x32xf32>
    %dot_general3A_27 = arith.constant dense<0.000000e+00> : vector<64x32xf32>
    %dot_general3A_28 = tpu.matmul %mul3A_23, %get3A_26, %dot_general3A_27 {dimension_numbers = #tpu.dot_dimension_numbers<[1], [0], [0], [1], [0, 0, 1, 1], [], []>, transpose_lhs_hint = false} : vector<64x32xf32>, vector<32x32xf32>, vector<64x32xf32> -> vector<64x32xf32>
    %get3A_29 = arith.constant 0 : index
    %get3A_30 = arith.constant 0 : index
    %get3A_31 = vector.load %arg4[%get3A_29, %get3A_30] : memref<1x32xf32, #tpu.memory_space<vmem>>, vector<1x32xf32>
    %add3A_32 = vector.broadcast %get3A_31 : vector<1x32xf32> to vector<64x32xf32>
    %add3A_33 = arith.addf %dot_general3A_28, %add3A_32 : vector<64x32xf32>
    %concatenate3A = tpu.concatenate %add3A_21, %add3A_33 in 1 : vector<64x32xf32>, vector<64x32xf32> -> vector<64x64xf32>
    %get3A_34 = arith.constant 0 : index
    %get3A_35 = arith.constant 0 : index
    %get3A_36 = vector.load %arg5[%get3A_34, %get3A_35] : memref<64x32xf32, #tpu.memory_space<vmem>>, vector<64x32xf32>
    %dot_general3A_37 = arith.constant dense<0.000000e+00> : vector<64x32xf32>
    %dot_general3A_38 = tpu.matmul %concatenate3A, %get3A_36, %dot_general3A_37 {dimension_numbers = #tpu.dot_dimension_numbers<[1], [0], [0], [1], [0, 0, 1, 1], [], []>, transpose_lhs_hint = false} : vector<64x64xf32>, vector<64x32xf32>, vector<64x32xf32> -> vector<64x32xf32>
    %get3A_39 = arith.constant 0 : index
    %get3A_40 = arith.constant 0 : index
    %get3A_41 = vector.load %arg6[%get3A_39, %get3A_40] : memref<1x32xf32, #tpu.memory_space<vmem>>, vector<1x32xf32>
    %add3A_42 = vector.broadcast %get3A_41 : vector<1x32xf32> to vector<64x32xf32>
    %add3A_43 = arith.addf %dot_general3A_38, %add3A_42 : vector<64x32xf32>
    %max3A_44 = arith.constant 0.000000e+00 : f32
    %max3A_45 = vector.broadcast %max3A_44 : f32 to vector<64x32xf32>
    %max3A_46 = arith.maximumf %add3A_43, %max3A_45 : vector<64x32xf32>
    %get3A_47 = arith.constant 0 : index
    %get3A_48 = arith.constant 0 : index
    %get3A_49 = vector.load %arg7[%get3A_47, %get3A_48] : memref<32x16xf32, #tpu.memory_space<vmem>>, vector<32x16xf32>
    %dot_general3A_50 = arith.constant dense<0.000000e+00> : vector<64x16xf32>
    %dot_general3A_51 = tpu.matmul %max3A_46, %get3A_49, %dot_general3A_50 {dimension_numbers = #tpu.dot_dimension_numbers<[1], [0], [0], [1], [0, 0, 1, 1], [], []>, transpose_lhs_hint = false} : vector<64x32xf32>, vector<32x16xf32>, vector<64x16xf32> -> vector<64x16xf32>
    %get3A_52 = arith.constant 0 : index
    %get3A_53 = arith.constant 0 : index
    %get3A_54 = vector.load %arg8[%get3A_52, %get3A_53] : memref<1x16xf32, #tpu.memory_space<vmem>>, vector<1x16xf32>
    %add3A_55 = vector.broadcast %get3A_54 : vector<1x16xf32> to vector<64x16xf32>
    %add3A_56 = arith.addf %dot_general3A_51, %add3A_55 : vector<64x16xf32>
    %max3A_57 = arith.constant 0.000000e+00 : f32
    %max3A_58 = vector.broadcast %max3A_57 : f32 to vector<64x16xf32>
    %max3A_59 = arith.maximumf %add3A_56, %max3A_58 : vector<64x16xf32>
    %get3A_60 = arith.constant 0 : index
    %get3A_61 = arith.constant 0 : index
    %get3A_62 = vector.load %arg9[%get3A_60, %get3A_61] : memref<16x1xf32, #tpu.memory_space<vmem>>, vector<16x1xf32>
    %dot_general3A_63 = arith.constant dense<0.000000e+00> : vector<64x1xf32>
    %dot_general3A_64 = tpu.matmul %max3A_59, %get3A_62, %dot_general3A_63 {dimension_numbers = #tpu.dot_dimension_numbers<[1], [0], [0], [1], [0, 0, 1, 1], [], []>, transpose_lhs_hint = false} : vector<64x16xf32>, vector<16x1xf32>, vector<64x1xf32> -> vector<64x1xf32>
    %get3A_65 = arith.constant 0 : index
    %get3A_66 = arith.constant 0 : index
    %get3A_67 = vector.load %arg10[%get3A_65, %get3A_66] : memref<1x1xf32, #tpu.memory_space<vmem>>, vector<1x1xf32>
    %add3A_68 = vector.broadcast %get3A_67 : vector<1x1xf32> to vector<64x1xf32>
    %add3A_69 = arith.addf %dot_general3A_64, %add3A_68 : vector<64x1xf32>
    %logistic3A = arith.negf %add3A_69 : vector<64x1xf32>
    %logistic3A_70 = math.exp %logistic3A : vector<64x1xf32>
    %logistic3A_71 = arith.constant 1.000000e+00 : f32
    %logistic3A_72 = vector.broadcast %logistic3A_71 : f32 to vector<64x1xf32>
    %logistic3A_73 = arith.addf %logistic3A_72, %logistic3A_70 : vector<64x1xf32>
    %logistic3A_74 = arith.divf %logistic3A_72, %logistic3A_73 : vector<64x1xf32>
    %swap3A = arith.constant 0 : index
    %swap3A_75 = arith.constant 0 : index
    %swap3A_76 = vector.load %arg11[%swap3A, %swap3A_75] : memref<64x1xf32, #tpu.memory_space<vmem>>, vector<64x1xf32>
    tpu.vector_store %arg11[%swap3A, %swap3A_75], %logistic3A_74 {strides = array<i32>} : memref<64x1xf32, #tpu.memory_space<vmem>>, vector<64x1xf32>,
    return
  }
}

</mosaic_0001>

<sc_bundles>
// kernel: kernel.6.cloned.1.call-start
scs
__scs_entry_jumppad:
0x0: {  	(pc) =	sbr.rel $0x88, $3  }
0x1: {  	(tag) =	ssettag $0x0;
	lr =	simm.s32 $0x1  }
0x2: {  	[smem:$0x3F90] =	sst lr;
	_ =	strace $0xD0000000  }
0x3: {  	_ = 	snop  }
0x4: {  	_ = 	snop  }
0x5: {  	_ = 	snop  }
0x6: {  	_ = 	snop  }
0x7: {  	_ = 	snop  }
__scs_overlays_trampoline_lowered:
0x8: {  	[smem:$0x3F9F] =	sst s0  }
0x9: {  	[smem:$0x3FA0] =	sst s1  }
0xa: {  	[smem:$0x3FA1] =	sst s2  }
0xb: {  	[smem:$0x3FA2] =	sst s3  }
0xc: {  	[smem:$0x3FA3] =	sst s4  }
0xd: {  	[smem:$0x3FA4] =	sst s5  }
0xe: {  	[smem:$0x3FA5] =	sst s6  }
0xf: {  	[smem:$0x3FA6] =	sst s7  }
0x10: {  	[smem:$0x3FA7] =	sst s8  }
0x11: {  	[smem:$0x3FA8] =	sst s9;
	s0 =	simm.s32 @!p0 $0x0  }
0x12: {  	s1 =	sld [smem:$0x3F8E];
	s0 =	simm.s32 @p0 $0x1  }
0x13: {  	[smem:$0x3FA9] =	sst s0;
	s0 =	simm.s32 @!p1 $0x0  }
0x14: {  	s2 =	sld [smem:$0x3F8D];
	s0 =	simm.s32 @p1 $0x1  }
0x15: {  	[smem:$0x3FAA] =	sst s0;
	s0 =	simm.s32 @!p2 $0x0  }
0x16: {  	s3 =	sld [smem:$0x3FDB];
	s0 =	simm.s32 @p2 $0x1  }
0x17: {  	s4 =	simm.s32 $0x1BF5;
	[smem:$0x3FAC] =	sst s0  }
0x18: {  	s0 =	sld [smem:$0x3F8F];
	_ =	swait.ge [sflag:s4], $0x0  }
0x19: {  	s7 =	sld [smem:$0x3F90]  }
0x1a: {  	s8 =	sadd.s32 $0xFFFFE003, lr  }
0x1b: {  	s9 =	sadd.s32 $0xFFFFFEF7, lr;
	s5 =	simm.s32 $0xFFFFFFFF;
	p2 =	slt.u32 s8, $0xFFFFF086  }
0x1c: {  	p1 =	slt.u32 s9, $0xF7A;
	s5 =	simm.s32 @!p2 $0x0  }
0x1d: {  	s5 =	simm.s32 @p1 $0x1;
	p0 =	seq.s32 s7, s2  }
0x1e: {  	s7 =	smul.u32 @!p0 $0xF7A, s2;
	p2 =	seq.s32 @!p0 s5, $0x0  }
0x1f: {  	s9 =	smul.u32 $0xF7A, s1;
	s8 =	simm.s32 @!p0 $0x1BF5;
	p2 =	por !p2, p0  }
0x20: {  	[sflag:s8] =	ssyncset.s32 @!p0 $0xFFFFF086;
	s6 =	sadd.s32 @!p0 s3, s7;
	s7 =	simm.s32 @!p0 $0x108  }
0x21: {  	s3 =	sadd.s32 s3, s9;
	s6 =	sadd.s32 @!p0 $0x88, s6;
	s7 =	simm.s32 @p2 $0x1082  }
0x22: {  	[simem:s7], [sflag:s8] =	dma.local @!p0 [hbm:s6], $0xF7A  }
0x23: {  	s9 =	sor.u32 $0xD0000000, s2;
	s6 =	simm.s32 $0x108;
	_ =	swait.ge @!p0 [sflag:s8], $0x0  }
0x24: {  	s3 =	sadd.s32 $0x88, s3;
	s6 =	simm.s32 @!p1 $0x1082;
	[sflag:s4] =	ssyncset.s32 $0xFFFFF086  }
0x25: {  	[simem:s6], [sflag:s4] =	dma.local [hbm:s3], $0xF7A  }
0x26: {  	[smem:$0x3F90] =	sst s1;
	(tag) =	ssettag s2;
	_ =	strace s9  }
0x27: {  	s1 =	sld [smem:$0x3FA0]  }
0x28: {  	s2 =	sld [smem:$0x3FA1]  }
0x29: {  	s4 =	sld [smem:$0x3FA3]  }
0x2a: {  	p0 =	seq.s32 s5, $0x0;
	s5 =	sld [smem:$0x3FA4]  }
0x2b: {  	s6 =	sld [smem:$0x3FA5]  }
0x2c: {  	s7 =	sld [smem:$0x3FA6]  }
0x2d: {  	s3 =	simm.s32 $0x108;
	s8 =	sld [smem:$0x3FA7]  }
0x2e: {  	s3 =	simm.s32 @!p0 $0x1082;
	s9 =	sld [smem:$0x3FA8]  }
0x2f: {  	lr =	sadd.s32 s0, s3;
	s0 =	sld [smem:$0x3F9F]  }
0x30: {  	s3 =	sld [smem:$0x3FA2]  }
0x31: {  	[smem:$0x3FAB] =	sst s10  }
0x32: {  	s10 =	sld [smem:$0x3FA9];
	_ =	sdelay $0x3  }
0x33: {  	p0 =	seq.s32 s10, $0x1;
	s10 =	sld [smem:$0x3FAB];
	_ =	sdelay $0x3  }
0x34: {  	[smem:$0x3FAB] =	sst s10  }
0x35: {  	s10 =	sld [smem:$0x3FAA];
	_ =	sdelay $0x3  }
0x36: {  	p1 =	seq.s32 s10, $0x1;
	s10 =	sld [smem:$0x3FAB];
	_ =	sdelay $0x3  }
0x37: {  	[smem:$0x3FAB] =	sst s10  }
0x38: {  	s10 =	sld [smem:$0x3FAC]  }
0x39: {  	_ = 	snop;
	(pc) =	sbr.ind lr, $3  }
0x3a: {  	_ = 	snop  }
0x3b: {  	_ = 	snop  }
0x3c: {  	p2 =	seq.s32 s10, $0x1;
	s10 =	sld [smem:$0x3FAB]  }
0x3d: {  	_ =	shalt  }
0x3e: {  	_ =	shalt  }
0x3f: {  	_ =	shalt  }
0x40: {  	_ =	shalt  }
0x41: {  	_ =	shalt  }
0x42: {  	_ =	shalt  }
0x43: {  	_ =	shalt  }
0x44: {  	_ =	shalt  }
0x45: {  	_ =	shalt  }
0x46: {  	_ =	shalt  }
0x47: {  	_ =	shalt  }
0x48: {  	_ =	shalt  }
0x49: {  	_ =	shalt  }
0x4a: {  	_ =	shalt  }
0x4b: {  	_ =	shalt  }
0x4c: {  	_ =	shalt  }
0x4d: {  	_ =	shalt  }
0x4e: {  	_ =	shalt  }
0x4f: {  	_ =	shalt  }
0x50: {  	_ =	shalt  }
0x51: {  	_ =	shalt  }
0x52: {  	_ =	shalt  }
0x53: {  	_ =	shalt  }
0x54: {  	_ =	shalt  }
0x55: {  	_ =	shalt  }
0x56: {  	_ =	shalt  }
0x57: {  	_ =	shalt  }
0x58: {  	_ =	shalt  }
0x59: {  	_ =	shalt  }
0x5a: {  	_ =	shalt  }
0x5b: {  	_ =	shalt  }
0x5c: {  	_ =	shalt  }
0x5d: {  	_ =	shalt  }
0x5e: {  	_ =	shalt  }
0x5f: {  	_ =	shalt  }
0x60: {  	_ =	shalt  }
0x61: {  	_ =	shalt  }
0x62: {  	_ =	shalt  }
0x63: {  	_ =	shalt  }
0x64: {  	_ =	shalt  }
0x65: {  	_ =	shalt  }
0x66: {  	_ =	shalt  }
0x67: {  	_ =	shalt  }
0x68: {  	_ =	shalt  }
0x69: {  	_ =	shalt  }
0x6a: {  	_ =	shalt  }
0x6b: {  	_ =	shalt  }
0x6c: {  	_ =	shalt  }
0x6d: {  	_ =	shalt  }
0x6e: {  	_ =	shalt  }
0x6f: {  	_ =	shalt  }
0x70: {  	_ =	shalt  }
0x71: {  	_ =	shalt  }
0x72: {  	_ =	shalt  }
0x73: {  	_ =	shalt  }
0x74: {  	_ =	shalt  }
0x75: {  	_ =	shalt  }
0x76: {  	_ =	shalt  }
0x77: {  	_ =	shalt  }
0x78: {  	_ =	shalt  }
0x79: {  	_ =	shalt  }
0x7a: {  	_ =	shalt  }
0x7b: {  	_ =	shalt  }
0x7c: {  	_ =	shalt  }
0x7d: {  	_ =	shalt  }
0x7e: {  	_ =	shalt  }
0x7f: {  	_ =	shalt  }
0x80: {  	_ =	shalt  }
0x81: {  	_ =	shalt  }
0x82: {  	_ =	shalt  }
0x83: {  	_ =	shalt  }
0x84: {  	_ =	shalt  }
0x85: {  	_ =	shalt  }
0x86: {  	_ =	shalt  }
0x87: {  	_ =	shalt  }
.Lfunc_end0:
.L_simem_size_0:
called_computation_lowered:
.L_overlay_start_0:
0x88: {  	s2 =	sld [smem:$0x3FD9]  }
0x89: {  	s3 =	sld [smem:$0x3FFE];
	_ =	sdelay $0x1  }
0x8a: {  	s1 =	srdreg.scid  }
0x8b: {  	s0 =	sand.u32 $0x1, s1  }
0x8c: {  	s16 =	sshll.u32 s0, $0xA;
	s2 =	sadd.s32 s3, s2  }
0x8d: {  	s2 =	sadd.s32 s2, s16  }
0x8e: {  	[smem:$0x3FB7] =	sst s2  }
0x8f: {  	_ = 	snop  }
0x90: {  	(tm) =	ssettm $0x1  }
0x91: {  	s17 =	sld [smem:$0x3FFB];
	_ =	sdelay $0x3  }
0x92: {  	_ =	strace s17  }
0x93: {  	s2 =	sld [smem:$0x3FFC];
	_ =	sdelay $0x3  }
0x94: {  	_ =	strace s2  }
0x95: {  	s2 =	sld [smem:$0x3FFD];
	_ =	sdelay $0x3  }
0x96: {  	_ =	strace s2  }
0x97: {  	_ =	strace $0x8FFFFFFF  }
0x98: {  	s18 =	sld [smem:$0x3FDB];
	_ =	sdelay $0x1  }
0x99: {  	s19 =	simm.s32 $_scs_section_size  }
0x9a: {  	s4 =	simm.s32 $_size__tile_overlayer_lowered;
	s5 =	simm.s32 $_tile_overlayer_lowered  }
0x9b: {  	s22 =	simm.s32 $0x1BFF;
	s21 =	sshll.u32 s5, $0x1;
	s2 =	sadd.s32 s19, s18  }
0x9c: {  	s6 =	simm.s32 $0x0;
	s20 =	sshll.u32 s4, $0x1;
	s4 =	sadd.s32 s21, s2  }
0x9d: {  	[timem:s6], [sflag:s22] =	dma.local [hbm:s4], s20  }
0x9e: {  	_ =	swait.ge [sflag:s22], s20  }
0x9f: {  	s3 =	ssub.s32 $0x0, s20;
	[sflag:s22] =	ssyncset.done $0x0  }
0xa0: {  	[sflag:s22] =	ssyncadd.s32 s3;
	_ =	sdelay $0x1  }
0xa1: {  	s23 =	simm.s32 $0x1B8B  }
0xa2: {  	_ =	swait.ge [sflag:s23], $0x1  }
0xa3: {  	[sflag:s23] =	ssyncset.done $0x0  }
0xa4: {  	s25 =	simm.s32 $0x1B8E;
	s24 =	sld [smem:$0x3FFE];
	[sflag:s23] =	ssyncadd.s32 $0xFFFFFFFF  }
0xa5: {  	s26 =	simm.s32 $execute0_lowered;
	[smem:$0x3FD2] =	sst s25  }
0xa6: {  	s4 =	sshll.u32 s26, $0x1;
	_ =	strace $0x80000046;
	[dreg:$0x1] =	wrdreg $0xFFFFFFFF  }
0xa7: {  	s28 =	simm.s32 $_size_execute0_lowered;
	s2 =	sadd.s32 s2, s4;
	[dreg:$0x0] =	wrdreg $0x0  }
0xa8: {  	s4 =	sshll.u32 s28, $0x1;
	[dreg:$0x2] =	wrdreg s2  }
0xa9: {  	[dreg:$0x3] =	wrdreg s4  }
0xaa: {  	[dreg:$0x4] =	wrdreg $0xC0  }
0xab: {  	_ =	task [dreg:s6], $0x5FFFF  }
0xac: {  	[dreg:$0x1] =	wrdreg $0xFFFFFFFF  }
0xad: {  	[dreg:$0x0] =	wrdreg $0x60  }
0xae: {  	[dreg:$0x2] =	wrdreg s24  }
0xaf: {  	[dreg:$0x3] =	wrdreg $0x9E200  }
0xb0: {  	[dreg:$0x4] =	wrdreg $0xEE200  }
0xb1: {  	[dreg:$0x5] =	wrdreg $0x9  }
0xb2: {  	_ =	task.clear_ibuf [dreg:s6], $0x6FFFF;
	_ =	strace $0x90000046  }
0xb3: {  	s29 =	simm.s32 $0x9;
	_ =	strace $0x80000048  }
0xb4: {  	_ =	swait.ge [sflag:s29], $0x1  }
0xb5: {  	[sflag:s29] =	ssyncadd.s32 $0xFFFFFFFF  }
0xb6: {  	_ =	strace $0x90000048  }
0xb7: {  	_ =	sfence  }
0xb8: {  	s30 =	sld [smem:$0x0];
	_ =	sdelay $0x2  }
0xb9: {  	s31 =	sshll.u32 s1, $0xD;
	s1 =	sshrl.u32 s1, $0x2  }
0xba: {  	s3 =	sand.u32 $0x4000, s31;
	s1 =	sadd.s32 s1, s30  }
0xbb: {  	s0 =	sor.u32 s3, s0;
	s1 =	sshll.u32 s1, $0x11  }
0xbc: {  	s0 =	sor.u32 s1, s0  }
0xbd: {  	s0 =	sadd.s32 $0x8F2B, s0  }
0xbe: {  	[sflag:s0] =	ssyncadd.remote.s32 $0x1  }
0xbf: {  	_ =	sfence.sel $0xFFFF  }
0xc0: {  	[dreg:$0x0] =	wrdreg $0xFFFFFFFF;
	(pc) =	sbr.abs _section_cstart, $3  }
0xc1: {  	[dreg:$0x1] =	wrdreg $0xFFFFFFFF  }
0xc2: {  	_ =	task.clear_ibuf [dreg:s6], $0x2FFFF;
	_ =	strace $0x9FFFFFFF  }
0xc3: {  	(tm) =	ssettm $0x7FFFFFFF  }
tec
execute0_lowered:
.L_overlay_start_1:
0x0: {  	(tag) =	ssettag $0x1  }
0x1: {  	s0 =	rddreg [dreg:$0x0]  }
0x2: {  	s3 =	rddreg [dreg:$0x1]  }
0x3: {  	s9 =	rddreg [dreg:$0x2]  }
0x4: {  	s1 =	srdreg.scid;
	s7 =	stileid.u32  }
0x5: {  	s5 =	simm.s32 $0x0;
	s29 =	simm.s32 $0x15;
	s17 =	simm.s32 $0x50  }
0x6: {  	s31 =	simm.s32 $0x1;
	s14 =	simm.s32 $0xE;
	s18 =	simm.s32 $0x13  }
0x7: {  	s19 =	simm.s32 $0x5;
	s20 =	simm.s32 $0xA;
	s2 =	simm.s32 $0x14  }
0x8: {  	s21 =	simm.s32 $0x0;
	s16 =	simm.s32 $0x3;
	s12 =	simm.s32 $0xD  }
0x9: {  	s13 =	simm.s32 $0x12;
	s1 =	sand.u32 $0x1, s1;
	s4 =	smul.u32 $0x5000, s7  }
0xa: {  	[smem:$0x7FF] =	sst s5;
	s5 =	sadd.s32 $0x16A00, s0;
	s22 =	sshll.u32 s1, $0x4  }
0xb: {  	s6 =	smul.u32 $0x50000, s1;
	_ =	strace $0x80000047;
	s1 =	ssub.s32 $0x2, s1  }
0xc: {  	s7 =	sor.u32 s7, s22;
	s23 =	sshrl.u32 s1, $0x1;
	s25 =	sadd.s32 s4, s3  }
0xd: {  	s7 =	smul.u32 $0x4E2, s7;
	s8 =	sadd.s32 s4, s6;
	s6 =	sadd.s32 $0x20800, s0  }
0xe: {  	s1 =	ssub.s32 s1, s23;
	[dreg:$0x6] =	wrdreg s25;
	s4 =	sadd.s32 s4, s9  }
0xf: {  	[dreg:$0x7] =	wrdreg s4;
	s28 =	smax.u32 s1, $0x1;
	s7 =	sadd.s32 s7, s0  }
0x10: {  	s8 =	sshrl.u32 s8, $0x3;
	[dreg:$0xa] =	wrdreg s28;
	s24 =	sadd.s32 $0x2E00, s7  }
0x11: {  	s0 =	sadd.s32 s8, s0;
	s7 =	sadd.s32 $0xCC00, s7;
	[dreg:$0x4] =	wrdreg s24  }
0x12: {  	s15 =	simm.s32 $0x17020;
	s26 =	sadd.s32 $0x2A600, s0;
	[dreg:$0x5] =	wrdreg s7  }
0x13: {  	s30 =	simm.s32 $0x18E20;
	s0 =	sadd.s32 $0x3E600, s0;
	[dreg:$0x8] =	wrdreg s26  }
0x14: {  	v0 =	vimm.f32 $0.0e+00;
	s22 =	simm.s32 $0xF;
	s23 =	simm.s32 $0x18420;
	[dreg:$0x9] =	wrdreg s0  }
.LBB2_1:
0x15: {  	[dreg:$0xb] =	wrdreg s21  }
0x16: {  	s0 =	simm.s32 $0x0;
	s26 =	rddreg [dreg:$0x4]  }
0x17: {  	[tilespmem:s0], [sflag:$0x15] =	stream.linear.gather [hbm4b:s26+s0], $0x2710, $0x38;
	[tilespmem:$0x1A220] =	vst v63  }
0x18: {  	_ =	swait.ge [sflag:s29], $0x2710  }
0x19: {  	[sflag:s29] =	ssyncset.done $0x0  }
0x1a: {  	s24 =	simm.s32 $0x2710;
	s28 =	rddreg [dreg:$0x5];
	[sflag:s29] =	ssyncadd.s32 $0xFFFFD8F0  }
0x1b: {  	[tilespmem:s24], [sflag:$0x15] =	stream.linear.gather [hbm4b:s28+s0], $0x2710, $0x38;
	[tilespmem:$0x1A220] =	vst v63  }
0x1c: {  	_ =	swait.ge [sflag:s29], $0x2710  }
0x1d: {  	[sflag:s29] =	ssyncset.done $0x0  }
0x1e: {  	s26 =	simm.s32 $0x0;
	s24 =	simm.s32 $0x80;
	[sflag:s29] =	ssyncadd.s32 $0xFFFFD8F0  }
.LBB2_2:
0x1f: {  	p0 =	sne.s32 s24, $0x13F80;
	[tilespmem:s26+$0x4E20] =	vst v0;
	s29 =	smov.u32 s24;
	s24 =	sadd.s32 $0x80, s24  }
.Ltmp0:
0x20: {  	[tilespmem:s26+$0x4E30] =	vst v0;
	(pc) =	sbr.rel @p0 .LBB2_2-.Ltmp0, $2  }
0x21: {  	_ =	sdelay $0x2  }
0x22: {  	s26 =	sshra.s32 s29, $0x2  }
0x23: {  	[tilespmem:s26+$0x4E20] =	vst v0  }
0x24: {  	[tilespmem:s26+$0x4E30] =	vst v0;
	s24 =	rddreg [dreg:$0x6];
	s29 =	simm.s32 $0x4E20;
	s25 =	simm.s32 $0x15  }
0x25: {  	[spmem:s24] =	stream.linear.scatter [tilespmem:s29], [sflag:$0x15], $0x5000, $0x38;
	[tilespmem:$0x1A220] =	vst v63  }
0x26: {  	_ =	swait.ge [sflag:s25], $0x5000  }
0x27: {  	[sflag:s25] =	ssyncset.done $0x0  }
0x28: {  	s28 =	rddreg [dreg:$0x7];
	[sflag:s25] =	ssyncadd.s32 $0xFFFFB000  }
0x29: {  	[spmem:s28] =	stream.linear.scatter [tilespmem:s29], [sflag:$0x15], $0x5000, $0x38;
	[tilespmem:$0x1A220] =	vst v63  }
0x2a: {  	_ =	swait.ge [sflag:s25], $0x5000  }
0x2b: {  	[sflag:s25] =	ssyncset.done $0x0  }
0x2c: {  	[sflag:s25] =	ssyncadd.s32 $0xFFFFB000  }
0x2d: {  	s8 =	simm.s32 $0x13E20;
	s29 =	simm.s32 $0x0;
	[bflag:$0x0] =	sbarrier.arrive $0xFFFF  }
0x2e: {  	[tilespmem:s8], [sflag:$0x1] =	stream.indirect.gather [hbm4b:s5+s17], $0x20, s29, s17, $0xb8;
	[tilespmem:$0x1A220] =	vst v63  }
0x2f: {  	s0 =	simm.s32 $0x2710;
	s10 =	simm.s32 $0x17020  }
0x30: {  	[tilespmem:s10], [sflag:$0x6] =	stream.indirect.gather [hbm4b:s6+s17], $0x20, s0, s17, $0xb8;
	[tilespmem:$0x1A220] =	vst v63  }
0x31: {  	s4 =	simm.s32 $0x14820  }
0x32: {  	[tilespmem:s4], [sflag:$0x2] =	stream.indirect.gather [hbm4b:s5+s17], $0x20, s17, s17, $0xb8;
	[tilespmem:$0x1A220] =	vst v63  }
0x33: {  	s1 =	simm.s32 $0x2760;
	s7 =	simm.s32 $0x17A20  }
0x34: {  	[tilespmem:s7], [sflag:$0x7] =	stream.indirect.gather [hbm4b:s6+s17], $0x20, s1, s17, $0xb8;
	[tilespmem:$0x1A220] =	vst v63  }
0x35: {  	s11 =	simm.s32 $0xA0;
	s1 =	simm.s32 $0x15220  }
0x36: {  	[tilespmem:s1], [sflag:$0x3] =	stream.indirect.gather [hbm4b:s5+s17], $0x20, s11, s17, $0xb8;
	[tilespmem:$0x1A220] =	vst v63  }
0x37: {  	s21 =	simm.s32 $0x27B0;
	s0 =	simm.s32 $0x18420  }
0x38: {  	[tilespmem:s0], [sflag:$0x8] =	stream.indirect.gather [hbm4b:s6+s17], $0x20, s21, s17, $0xb8;
	[tilespmem:$0x1A220] =	vst v63  }
0x39: {  	s28 =	simm.s32 $0x15C20;
	s25 =	simm.s32 $0xF0  }
0x3a: {  	[tilespmem:s28], [sflag:$0x4] =	stream.indirect.gather [hbm4b:s5+s17], $0x20, s25, s17, $0xb8;
	[tilespmem:$0x1A220] =	vst v63  }
0x3b: {  	s26 =	simm.s32 $0x2800;
	s29 =	simm.s32 $0x18E20  }
0x3c: {  	[tilespmem:s29], [sflag:$0x9] =	stream.indirect.gather [hbm4b:s6+s17], $0x20, s26, s17, $0xb8;
	[tilespmem:$0x1A220] =	vst v63  }
0x3d: {  	s11 =	simm.s32 $0x140;
	s26 =	simm.s32 $0x16620  }
0x3e: {  	[tilespmem:s26], [sflag:$0x5] =	stream.indirect.gather [hbm4b:s5+s17], $0x20, s11, s17, $0xb8;
	[tilespmem:$0x1A220] =	vst v63  }
0x3f: {  	s21 =	simm.s32 $0x2850;
	s25 =	simm.s32 $0x19820  }
0x40: {  	[tilespmem:s25], [sflag:$0xA] =	stream.indirect.gather [hbm4b:s6+s17], $0x20, s21, s17, $0xb8;
	[tilespmem:$0x1A220] =	vst v63  }
0x41: {  	_ =	swait.ge [sflag:s31], $0xA00  }
0x42: {  	[sflag:s31] =	ssyncset.done $0x0  }
0x43: {  	s21 =	simm.s32 $0x6;
	[sflag:s31] =	ssyncadd.s32 $0xFFFFF600  }
0x44: {  	_ =	swait.ge [sflag:s21], $0xA00  }
0x45: {  	[sflag:s21] =	ssyncset.done $0x0  }
0x46: {  	s11 =	simm.s32 $0x2710;
	[sflag:s21] =	ssyncadd.s32 $0xFFFFF600  }
0x47: {  	[spmem:s3] =	stream.indirect.scatter.add.f32 [tilespmem:s8], [sflag:$0xB], $0x20, s11, s17, $0xb8;
	[tilespmem:$0x1A220] =	vst v63  }
0x48: {  	s11 =	simm.s32 $0x0  }
0x49: {  	[spmem:s9] =	stream.indirect.scatter.add.f32 [tilespmem:s10], [sflag:$0x10], $0x20, s11, s17, $0xb8;
	[tilespmem:$0x1A220] =	vst v63  }
0x4a: {  	s11 =	simm.s32 $0xB  }
0x4b: {  	_ =	swait.ge [sflag:s11], $0xA00  }
0x4c: {  	[sflag:s11] =	ssyncset.done $0x0  }
0x4d: {  	s24 =	simm.s32 $0x10;
	[sflag:s11] =	ssyncadd.s32 $0xFFFFF600  }
0x4e: {  	_ =	swait.ge [sflag:s24], $0xA00  }
0x4f: {  	[sflag:s24] =	ssyncset.done $0x0  }
0x50: {  	s11 =	simm.s32 $0x190;
	[sflag:s24] =	ssyncadd.s32 $0xFFFFF600  }
0x51: {  	[tilespmem:s8], [sflag:$0x1] =	stream.indirect.gather [hbm4b:s5+s17], $0x20, s11, s17, $0xb8;
	[tilespmem:$0x1A220] =	vst v63  }
0x52: {  	s8 =	simm.s32 $0x28A0;
	s11 =	simm.s32 $0x2  }
0x53: {  	[tilespmem:s10], [sflag:$0x6] =	stream.indirect.gather [hbm4b:s6+s17], $0x20, s8, s17, $0xb8;
	[tilespmem:$0x1A220] =	vst v63  }
0x54: {  	_ =	swait.ge [sflag:s11], $0xA00  }
0x55: {  	[sflag:s11] =	ssyncset.done $0x0  }
0x56: {  	s24 =	simm.s32 $0x7;
	[sflag:s11] =	ssyncadd.s32 $0xFFFFF600  }
0x57: {  	_ =	swait.ge [sflag:s24], $0xA00  }
0x58: {  	[sflag:s24] =	ssyncset.done $0x0  }
0x59: {  	s10 =	simm.s32 $0x2760;
	[sflag:s24] =	ssyncadd.s32 $0xFFFFF600  }
0x5a: {  	[spmem:s3] =	stream.indirect.scatter.add.f32 [tilespmem:s4], [sflag:$0xC], $0x20, s10, s17, $0xb8;
	[tilespmem:$0x1A220] =	vst v63  }
0x5b: {  	s11 =	simm.s32 $0x50;
	s24 =	simm.s32 $0xC  }
0x5c: {  	[spmem:s9] =	stream.indirect.scatter.add.f32 [tilespmem:s7], [sflag:$0x11], $0x20, s11, s17, $0xb8;
	[tilespmem:$0x1A220] =	vst v63  }
0x5d: {  	_ =	swait.ge [sflag:s24], $0xA00  }
0x5e: {  	[sflag:s24] =	ssyncset.done $0x0  }
0x5f: {  	s10 =	simm.s32 $0x11;
	[sflag:s24] =	ssyncadd.s32 $0xFFFFF600  }
0x60: {  	_ =	swait.ge [sflag:s10], $0xA00  }
0x61: {  	[sflag:s10] =	ssyncset.done $0x0  }
0x62: {  	s11 =	simm.s32 $0x1E0;
	[sflag:s10] =	ssyncadd.s32 $0xFFFFF600  }
0x63: {  	[tilespmem:s4], [sflag:$0x2] =	stream.indirect.gather [hbm4b:s5+s17], $0x20, s11, s17, $0xb8;
	[tilespmem:$0x1A220] =	vst v63  }
0x64: {  	s4 =	simm.s32 $0x28F0  }
0x65: {  	[tilespmem:s7], [sflag:$0x7] =	stream.indirect.gather [hbm4b:s6+s17], $0x20, s4, s17, $0xb8;
	[tilespmem:$0x1A220] =	vst v63  }
0x66: {  	_ =	swait.ge [sflag:s16], $0xA00  }
0x67: {  	[sflag:s16] =	ssyncset.done $0x0  }
0x68: {  	s11 =	simm.s32 $0x8;
	[sflag:s16] =	ssyncadd.s32 $0xFFFFF600  }
0x69: {  	_ =	swait.ge [sflag:s11], $0xA00  }
0x6a: {  	[sflag:s11] =	ssyncset.done $0x0  }
0x6b: {  	s7 =	simm.s32 $0x27B0;
	[sflag:s11] =	ssyncadd.s32 $0xFFFFF600  }
0x6c: {  	[spmem:s3] =	stream.indirect.scatter.add.f32 [tilespmem:s1], [sflag:$0xD], $0x20, s7, s17, $0xb8;
	[tilespmem:$0x1A220] =	vst v63  }
0x6d: {  	s8 =	simm.s32 $0xA0  }
0x6e: {  	[spmem:s9] =	stream.indirect.scatter.add.f32 [tilespmem:s0], [sflag:$0x12], $0x20, s8, s17, $0xb8;
	[tilespmem:$0x1A220] =	vst v63  }
0x6f: {  	_ =	swait.ge [sflag:s12], $0xA00  }
0x70: {  	[sflag:s12] =	ssyncset.done $0x0  }
0x71: {  	[sflag:s12] =	ssyncadd.s32 $0xFFFFF600  }
0x72: {  	_ =	swait.ge [sflag:s13], $0xA00  }
0x73: {  	[sflag:s13] =	ssyncset.done $0x0  }
0x74: {  	s10 =	simm.s32 $0x230;
	[sflag:s13] =	ssyncadd.s32 $0xFFFFF600  }
0x75: {  	[tilespmem:s1], [sflag:$0x3] =	stream.indirect.gather [hbm4b:s5+s17], $0x20, s10, s17, $0xb8;
	[tilespmem:$0x1A220] =	vst v63  }
0x76: {  	s4 =	simm.s32 $0x2940  }
0x77: {  	[tilespmem:s0], [sflag:$0x8] =	stream.indirect.gather [hbm4b:s6+s17], $0x20, s4, s17, $0xb8;
	[tilespmem:$0x1A220] =	vst v63  }
0x78: {  	s0 =	smov.u32 s9;
	s9 =	simm.s32 $0x4  }
0x79: {  	_ =	swait.ge [sflag:s9], $0xA00  }
0x7a: {  	[sflag:s9] =	ssyncset.done $0x0  }
0x7b: {  	s10 =	simm.s32 $0x9;
	[sflag:s9] =	ssyncadd.s32 $0xFFFFF600  }
0x7c: {  	_ =	swait.ge [sflag:s10], $0xA00  }
0x7d: {  	[sflag:s10] =	ssyncset.done $0x0  }
0x7e: {  	s7 =	simm.s32 $0x2800;
	[sflag:s10] =	ssyncadd.s32 $0xFFFFF600  }
0x7f: {  	[spmem:s3] =	stream.indirect.scatter.add.f32 [tilespmem:s28], [sflag:$0xE], $0x20, s7, s17, $0xb8;
	[tilespmem:$0x1A220] =	vst v63  }
0x80: {  	s8 =	simm.s32 $0xF0  }
0x81: {  	[spmem:s0] =	stream.indirect.scatter.add.f32 [tilespmem:s29], [sflag:$0x13], $0x20, s8, s17, $0xb8;
	[tilespmem:$0x1A220] =	vst v63  }
0x82: {  	_ =	swait.ge [sflag:s14], $0xA00  }
0x83: {  	[sflag:s14] =	ssyncset.done $0x0  }
0x84: {  	[sflag:s14] =	ssyncadd.s32 $0xFFFFF600  }
0x85: {  	_ =	swait.ge [sflag:s18], $0xA00  }
0x86: {  	[sflag:s18] =	ssyncset.done $0x0  }
0x87: {  	s14 =	simm.s32 $0x280;
	[sflag:s18] =	ssyncadd.s32 $0xFFFFF600  }
0x88: {  	[tilespmem:s28], [sflag:$0x4] =	stream.indirect.gather [hbm4b:s5+s17], $0x20, s14, s17, $0xb8;
	[tilespmem:$0x1A220] =	vst v63  }
0x89: {  	s18 =	simm.s32 $0x2990  }
0x8a: {  	[tilespmem:s29], [sflag:$0x9] =	stream.indirect.gather [hbm4b:s6+s17], $0x20, s18, s17, $0xb8;
	[tilespmem:$0x1A220] =	vst v63  }
0x8b: {  	_ =	swait.ge [sflag:s19], $0xA00  }
0x8c: {  	[sflag:s19] =	ssyncset.done $0x0  }
0x8d: {  	[sflag:s19] =	ssyncadd.s32 $0xFFFFF600  }
0x8e: {  	_ =	swait.ge [sflag:s20], $0xA00  }
0x8f: {  	[sflag:s20] =	ssyncset.done $0x0  }
0x90: {  	[sflag:s20] =	ssyncadd.s32 $0xFFFFF600;
	s20 =	simm.s32 $0x2850  }
0x91: {  	[spmem:s3] =	stream.indirect.scatter.add.f32 [tilespmem:s26], [sflag:$0xF], $0x20, s20, s17, $0xb8;
	[tilespmem:$0x1A220] =	vst v63  }
0x92: {  	s28 =	simm.s32 $0x140  }
0x93: {  	[spmem:s0] =	stream.indirect.scatter.add.f32 [tilespmem:s25], [sflag:$0x14], $0x20, s28, s17, $0xb8;
	[tilespmem:$0x1A220] =	vst v63  }
0x94: {  	_ =	swait.ge [sflag:s22], $0xA00  }
0x95: {  	[sflag:s22] =	ssyncset.done $0x0  }
0x96: {  	[sflag:s22] =	ssyncadd.s32 $0xFFFFF600  }
0x97: {  	s24 =	simm.s32 $0x640;
	s14 =	simm.s32 $0xE;
	_ =	swait.ge [sflag:s2], $0xA00  }
0x98: {  	s29 =	simm.s32 $0x2D0;
	s18 =	simm.s32 $0x13;
	[sflag:s2] =	ssyncset.done $0x0  }
0x99: {  	s19 =	simm.s32 $0x5;
	s20 =	simm.s32 $0xA;
	[sflag:s2] =	ssyncadd.s32 $0xFFFFF600  }
0x9a: {  	[tilespmem:s26], [sflag:$0x5] =	stream.indirect.gather [hbm4b:s5+s17], $0x20, s29, s17, $0xb8;
	[tilespmem:$0x1A220] =	vst v63  }
0x9b: {  	s22 =	simm.s32 $0xF;
	s2 =	simm.s32 $0x14;
	s26 =	simm.s32 $0x29E0  }
.LBB2_4:
0x9c: {  	s25 =	simm.s32 $0x19820  }
0x9d: {  	[tilespmem:s25], [sflag:$0xA] =	stream.indirect.gather [hbm4b:s6+s17], $0x20, s26, s17, $0xb8;
	[tilespmem:$0x1A220] =	vst v63  }
0x9e: {  	s26 =	smov.u32 s24  }
0x9f: {  	p0 =	sne.s32 s24, $0x8FC0;
	s24 =	sadd.s32 $0x640, s24;
	_ =	swait.ge [sflag:s31], $0xA00  }
0xa0: {  	[sflag:s31] =	ssyncset.done $0x0  }
0xa1: {  	[sflag:s31] =	ssyncadd.s32 $0xFFFFF600  }
0xa2: {  	_ =	swait.ge [sflag:s21], $0xA00  }
0xa3: {  	s26 =	sshra.s32 s26, $0x2;
	[sflag:s21] =	ssyncset.done $0x0  }
0xa4: {  	s1 =	simm.s32 $0x13E20;
	s29 =	sadd.s32 $0x2710, s26;
	[sflag:s21] =	ssyncadd.s32 $0xFFFFF600  }
0xa5: {  	[spmem:s3] =	stream.indirect.scatter.add.f32 [tilespmem:s1], [sflag:$0xB], $0x20, s29, s17, $0xb8;
	[tilespmem:$0x1A220] =	vst v63  }
0xa6: {  	s4 =	simm.s32 $0x17020;
	s7 =	simm.s32 $0xB  }
0xa7: {  	[spmem:s0] =	stream.indirect.scatter.add.f32 [tilespmem:s4], [sflag:$0x10], $0x20, s26, s17, $0xb8;
	[tilespmem:$0x1A220] =	vst v63  }
0xa8: {  	_ =	swait.ge [sflag:s7], $0xA00  }
0xa9: {  	[sflag:s7] =	ssyncset.done $0x0  }
0xaa: {  	[sflag:s7] =	ssyncadd.s32 $0xFFFFF600;
	s7 =	simm.s32 $0x10  }
0xab: {  	_ =	swait.ge [sflag:s7], $0xA00  }
0xac: {  	[sflag:s7] =	ssyncset.done $0x0  }
0xad: {  	s8 =	simm.s32 $0x13E20;
	s29 =	sadd.s32 $0x190, s26;
	[sflag:s7] =	ssyncadd.s32 $0xFFFFF600  }
0xae: {  	[tilespmem:s1], [sflag:$0x1] =	stream.indirect.gather [hbm4b:s5+s17], $0x20, s29, s17, $0xb8;
	[tilespmem:$0x1A220] =	vst v63  }
0xaf: {  	s29 =	sadd.s32 $0x28A0, s26;
	s1 =	simm.s32 $0x2  }
0xb0: {  	[tilespmem:s4], [sflag:$0x6] =	stream.indirect.gather [hbm4b:s6+s17], $0x20, s29, s17, $0xb8;
	[tilespmem:$0x1A220] =	vst v63  }
0xb1: {  	_ =	swait.ge [sflag:s1], $0xA00  }
0xb2: {  	[sflag:s1] =	ssyncset.done $0x0  }
0xb3: {  	[sflag:s1] =	ssyncadd.s32 $0xFFFFF600;
	s1 =	simm.s32 $0x7  }
0xb4: {  	_ =	swait.ge [sflag:s1], $0xA00  }
0xb5: {  	[sflag:s1] =	ssyncset.done $0x0  }
0xb6: {  	s29 =	sadd.s32 $0x2760, s26;
	[sflag:s1] =	ssyncadd.s32 $0xFFFFF600;
	s1 =	simm.s32 $0x14820  }
0xb7: {  	[spmem:s3] =	stream.indirect.scatter.add.f32 [tilespmem:s1], [sflag:$0xC], $0x20, s29, s17, $0xb8;
	[tilespmem:$0x1A220] =	vst v63  }
0xb8: {  	s21 =	simm.s32 $0x17A20;
	s4 =	simm.s32 $0xC;
	s29 =	sadd.s32 $0x50, s26  }
0xb9: {  	[spmem:s0] =	stream.indirect.scatter.add.f32 [tilespmem:s21], [sflag:$0x11], $0x20, s29, s17, $0xb8;
	[tilespmem:$0x1A220] =	vst v63  }
0xba: {  	_ =	swait.ge [sflag:s4], $0xA00  }
0xbb: {  	[sflag:s4] =	ssyncset.done $0x0  }
0xbc: {  	[sflag:s4] =	ssyncadd.s32 $0xFFFFF600;
	s4 =	simm.s32 $0x11  }
0xbd: {  	_ =	swait.ge [sflag:s4], $0xA00  }
0xbe: {  	[sflag:s4] =	ssyncset.done $0x0  }
0xbf: {  	s29 =	sadd.s32 $0x1E0, s26;
	[sflag:s4] =	ssyncadd.s32 $0xFFFFF600;
	s4 =	simm.s32 $0x14820  }
0xc0: {  	[tilespmem:s1], [sflag:$0x2] =	stream.indirect.gather [hbm4b:s5+s17], $0x20, s29, s17, $0xb8;
	[tilespmem:$0x1A220] =	vst v63  }
0xc1: {  	s7 =	simm.s32 $0x17A20;
	s29 =	sadd.s32 $0x28F0, s26  }
0xc2: {  	[tilespmem:s21], [sflag:$0x7] =	stream.indirect.gather [hbm4b:s6+s17], $0x20, s29, s17, $0xb8;
	[tilespmem:$0x1A220] =	vst v63  }
0xc3: {  	_ =	swait.ge [sflag:s16], $0xA00  }
0xc4: {  	[sflag:s16] =	ssyncset.done $0x0  }
0xc5: {  	[sflag:s16] =	ssyncadd.s32 $0xFFFFF600  }
0xc6: {  	_ =	swait.ge [sflag:s11], $0xA00  }
0xc7: {  	[sflag:s11] =	ssyncset.done $0x0  }
0xc8: {  	s29 =	sadd.s32 $0x27B0, s26;
	s21 =	simm.s32 $0x15220;
	[sflag:s11] =	ssyncadd.s32 $0xFFFFF600  }
0xc9: {  	[spmem:s3] =	stream.indirect.scatter.add.f32 [tilespmem:s21], [sflag:$0xD], $0x20, s29, s17, $0xb8;
	[tilespmem:$0x1A220] =	vst v63  }
0xca: {  	s28 =	simm.s32 $0x18420;
	s29 =	sadd.s32 $0xA0, s26  }
0xcb: {  	[spmem:s0] =	stream.indirect.scatter.add.f32 [tilespmem:s28], [sflag:$0x12], $0x20, s29, s17, $0xb8;
	[tilespmem:$0x1A220] =	vst v63  }
0xcc: {  	_ =	swait.ge [sflag:s12], $0xA00  }
0xcd: {  	[sflag:s12] =	ssyncset.done $0x0  }
0xce: {  	[sflag:s12] =	ssyncadd.s32 $0xFFFFF600  }
0xcf: {  	_ =	swait.ge [sflag:s13], $0xA00  }
0xd0: {  	[sflag:s13] =	ssyncset.done $0x0  }
0xd1: {  	s1 =	simm.s32 $0x15220;
	s29 =	sadd.s32 $0x230, s26;
	[sflag:s13] =	ssyncadd.s32 $0xFFFFF600  }
0xd2: {  	[tilespmem:s21], [sflag:$0x3] =	stream.indirect.gather [hbm4b:s5+s17], $0x20, s29, s17, $0xb8;
	[tilespmem:$0x1A220] =	vst v63  }
0xd3: {  	s29 =	sadd.s32 $0x2940, s26  }
0xd4: {  	[tilespmem:s28], [sflag:$0x8] =	stream.indirect.gather [hbm4b:s6+s17], $0x20, s29, s17, $0xb8;
	[tilespmem:$0x1A220] =	vst v63  }
0xd5: {  	_ =	swait.ge [sflag:s9], $0xA00  }
0xd6: {  	[sflag:s9] =	ssyncset.done $0x0  }
0xd7: {  	[sflag:s9] =	ssyncadd.s32 $0xFFFFF600  }
0xd8: {  	_ =	swait.ge [sflag:s10], $0xA00  }
0xd9: {  	[sflag:s10] =	ssyncset.done $0x0  }
0xda: {  	s31 =	simm.s32 $0x15C20;
	s29 =	sadd.s32 $0x2800, s26;
	[sflag:s10] =	ssyncadd.s32 $0xFFFFF600  }
0xdb: {  	[spmem:s3] =	stream.indirect.scatter.add.f32 [tilespmem:s31], [sflag:$0xE], $0x20, s29, s17, $0xb8;
	[tilespmem:$0x1A220] =	vst v63  }
0xdc: {  	s21 =	simm.s32 $0x18E20;
	s29 =	sadd.s32 $0xF0, s26  }
0xdd: {  	[spmem:s0] =	stream.indirect.scatter.add.f32 [tilespmem:s21], [sflag:$0x13], $0x20, s29, s17, $0xb8;
	[tilespmem:$0x1A220] =	vst v63  }
0xde: {  	_ =	swait.ge [sflag:s14], $0xA00  }
0xdf: {  	[sflag:s14] =	ssyncset.done $0x0  }
0xe0: {  	[sflag:s14] =	ssyncadd.s32 $0xFFFFF600  }
0xe1: {  	_ =	swait.ge [sflag:s18], $0xA00  }
0xe2: {  	[sflag:s18] =	ssyncset.done $0x0  }
0xe3: {  	s28 =	simm.s32 $0x15C20;
	s29 =	sadd.s32 $0x280, s26;
	[sflag:s18] =	ssyncadd.s32 $0xFFFFF600  }
0xe4: {  	[tilespmem:s31], [sflag:$0x4] =	stream.indirect.gather [hbm4b:s5+s17], $0x20, s29, s17, $0xb8;
	[tilespmem:$0x1A220] =	vst v63  }
0xe5: {  	s29 =	sadd.s32 $0x2990, s26  }
0xe6: {  	[tilespmem:s21], [sflag:$0x9] =	stream.indirect.gather [hbm4b:s6+s17], $0x20, s29, s17, $0xb8;
	[tilespmem:$0x1A220] =	vst v63  }
0xe7: {  	s21 =	simm.s32 $0x6  }
0xe8: {  	_ =	swait.ge [sflag:s19], $0xA00  }
0xe9: {  	[sflag:s19] =	ssyncset.done $0x0  }
0xea: {  	[sflag:s19] =	ssyncadd.s32 $0xFFFFF600  }
0xeb: {  	_ =	swait.ge [sflag:s20], $0xA00  }
0xec: {  	[sflag:s20] =	ssyncset.done $0x0  }
0xed: {  	s31 =	simm.s32 $0x16620;
	s29 =	sadd.s32 $0x2850, s26;
	[sflag:s20] =	ssyncadd.s32 $0xFFFFF600  }
0xee: {  	[spmem:s3] =	stream.indirect.scatter.add.f32 [tilespmem:s31], [sflag:$0xF], $0x20, s29, s17, $0xb8;
	[tilespmem:$0x1A220] =	vst v63  }
0xef: {  	s29 =	sadd.s32 $0x140, s26  }
0xf0: {  	[spmem:s0] =	stream.indirect.scatter.add.f32 [tilespmem:s25], [sflag:$0x14], $0x20, s29, s17, $0xb8;
	[tilespmem:$0x1A220] =	vst v63  }
0xf1: {  	_ =	swait.ge [sflag:s22], $0xA00  }
0xf2: {  	[sflag:s22] =	ssyncset.done $0x0  }
0xf3: {  	[sflag:s22] =	ssyncadd.s32 $0xFFFFF600  }
0xf4: {  	_ =	swait.ge [sflag:s2], $0xA00  }
.Ltmp1:
0xf5: {  	[sflag:s2] =	ssyncset.done $0x0;
	(pc) =	sbr.rel @p0 .LBB2_4-.Ltmp1, $4  }
0xf6: {  	s29 =	sadd.s32 $0x2D0, s26;
	[sflag:s2] =	ssyncadd.s32 $0xFFFFF600  }
0xf7: {  	[tilespmem:s31], [sflag:$0x5] =	stream.indirect.gather [hbm4b:s5+s17], $0x20, s29, s17, $0xb8;
	[tilespmem:$0x1A220] =	vst v63  }
0xf8: {  	s25 =	simm.s32 $0x16620;
	s31 =	simm.s32 $0x1  }
0xf9: {  	s26 =	sadd.s32 $0x29E0, s26  }
0xfa: {  	s29 =	simm.s32 $0x19820  }
0xfb: {  	[tilespmem:s29], [sflag:$0xA] =	stream.indirect.gather [hbm4b:s6+s17], $0x20, s26, s17, $0xb8;
	[tilespmem:$0x1A220] =	vst v63  }
0xfc: {  	_ =	swait.ge [sflag:s31], $0xA00  }
0xfd: {  	[sflag:s31] =	ssyncset.done $0x0  }
0xfe: {  	[sflag:s31] =	ssyncadd.s32 $0xFFFFF600  }
0xff: {  	_ =	swait.ge [sflag:s21], $0xA00  }
0x100: {  	[sflag:s21] =	ssyncset.done $0x0  }
0x101: {  	s24 =	simm.s32 $0x4C90;
	[sflag:s21] =	ssyncadd.s32 $0xFFFFF600  }
0x102: {  	[spmem:s3] =	stream.indirect.scatter.add.f32 [tilespmem:s8], [sflag:$0xB], $0x20, s24, s17, $0xb8;
	[tilespmem:$0x1A220] =	vst v63  }
0x103: {  	s21 =	simm.s32 $0x2580;
	s24 =	simm.s32 $0xB  }
0x104: {  	[spmem:s0] =	stream.indirect.scatter.add.f32 [tilespmem:s15], [sflag:$0x10], $0x20, s21, s17, $0xb8;
	[tilespmem:$0x1A220] =	vst v63  }
0x105: {  	_ =	swait.ge [sflag:s24], $0xA00  }
0x106: {  	[sflag:s24] =	ssyncset.done $0x0  }
0x107: {  	s26 =	simm.s32 $0x10;
	[sflag:s24] =	ssyncadd.s32 $0xFFFFF600  }
0x108: {  	_ =	swait.ge [sflag:s26], $0xA00  }
0x109: {  	[sflag:s26] =	ssyncset.done $0x0  }
0x10a: {  	s21 =	simm.s32 $0x2;
	[sflag:s26] =	ssyncadd.s32 $0xFFFFF600  }
0x10b: {  	_ =	swait.ge [sflag:s21], $0xA00  }
0x10c: {  	[sflag:s21] =	ssyncset.done $0x0  }
0x10d: {  	s24 =	simm.s32 $0x7;
	[sflag:s21] =	ssyncadd.s32 $0xFFFFF600  }
0x10e: {  	_ =	swait.ge [sflag:s24], $0xA00  }
0x10f: {  	[sflag:s24] =	ssyncset.done $0x0  }
0x110: {  	s26 =	simm.s32 $0x4CE0;
	[sflag:s24] =	ssyncadd.s32 $0xFFFFF600  }
0x111: {  	[spmem:s3] =	stream.indirect.scatter.add.f32 [tilespmem:s4], [sflag:$0xC], $0x20, s26, s17, $0xb8;
	[tilespmem:$0x1A220] =	vst v63  }
0x112: {  	s8 =	simm.s32 $0x25D0;
	s24 =	simm.s32 $0xC  }
0x113: {  	[spmem:s0] =	stream.indirect.scatter.add.f32 [tilespmem:s7], [sflag:$0x11], $0x20, s8, s17, $0xb8;
	[tilespmem:$0x1A220] =	vst v63  }
0x114: {  	_ =	swait.ge [sflag:s24], $0xA00  }
0x115: {  	[sflag:s24] =	ssyncset.done $0x0  }
0x116: {  	s26 =	simm.s32 $0x11;
	[sflag:s24] =	ssyncadd.s32 $0xFFFFF600  }
0x117: {  	_ =	swait.ge [sflag:s26], $0xA00  }
0x118: {  	[sflag:s26] =	ssyncset.done $0x0  }
0x119: {  	[sflag:s26] =	ssyncadd.s32 $0xFFFFF600  }
0x11a: {  	_ =	swait.ge [sflag:s16], $0xA00  }
0x11b: {  	[sflag:s16] =	ssyncset.done $0x0  }
0x11c: {  	[sflag:s16] =	ssyncadd.s32 $0xFFFFF600  }
0x11d: {  	_ =	swait.ge [sflag:s11], $0xA00  }
0x11e: {  	[sflag:s11] =	ssyncset.done $0x0  }
0x11f: {  	s7 =	simm.s32 $0x4D30;
	[sflag:s11] =	ssyncadd.s32 $0xFFFFF600  }
0x120: {  	[spmem:s3] =	stream.indirect.scatter.add.f32 [tilespmem:s1], [sflag:$0xD], $0x20, s7, s17, $0xb8;
	[tilespmem:$0x1A220] =	vst v63  }
0x121: {  	s8 =	simm.s32 $0x2620  }
0x122: {  	[spmem:s0] =	stream.indirect.scatter.add.f32 [tilespmem:s23], [sflag:$0x12], $0x20, s8, s17, $0xb8;
	[tilespmem:$0x1A220] =	vst v63  }
0x123: {  	_ =	swait.ge [sflag:s12], $0xA00  }
0x124: {  	[sflag:s12] =	ssyncset.done $0x0  }
0x125: {  	[sflag:s12] =	ssyncadd.s32 $0xFFFFF600  }
0x126: {  	_ =	swait.ge [sflag:s13], $0xA00  }
0x127: {  	[sflag:s13] =	ssyncset.done $0x0  }
0x128: {  	[sflag:s13] =	ssyncadd.s32 $0xFFFFF600  }
0x129: {  	_ =	swait.ge [sflag:s9], $0xA00  }
0x12a: {  	[sflag:s9] =	ssyncset.done $0x0  }
0x12b: {  	[sflag:s9] =	ssyncadd.s32 $0xFFFFF600  }
0x12c: {  	_ =	swait.ge [sflag:s10], $0xA00  }
0x12d: {  	[sflag:s10] =	ssyncset.done $0x0  }
0x12e: {  	[sflag:s10] =	ssyncadd.s32 $0xFFFFF600;
	s10 =	simm.s32 $0x4D80  }
0x12f: {  	[spmem:s3] =	stream.indirect.scatter.add.f32 [tilespmem:s28], [sflag:$0xE], $0x20, s10, s17, $0xb8;
	[tilespmem:$0x1A220] =	vst v63  }
0x130: {  	s11 =	simm.s32 $0x2670  }
0x131: {  	[spmem:s0] =	stream.indirect.scatter.add.f32 [tilespmem:s30], [sflag:$0x13], $0x20, s11, s17, $0xb8;
	[tilespmem:$0x1A220] =	vst v63  }
0x132: {  	_ =	swait.ge [sflag:s14], $0xA00  }
0x133: {  	[sflag:s14] =	ssyncset.done $0x0  }
0x134: {  	[sflag:s14] =	ssyncadd.s32 $0xFFFFF600  }
0x135: {  	_ =	swait.ge [sflag:s18], $0xA00  }
0x136: {  	[sflag:s18] =	ssyncset.done $0x0  }
0x137: {  	[sflag:s18] =	ssyncadd.s32 $0xFFFFF600  }
0x138: {  	_ =	swait.ge [sflag:s19], $0xA00  }
0x139: {  	[sflag:s19] =	ssyncset.done $0x0  }
0x13a: {  	[sflag:s19] =	ssyncadd.s32 $0xFFFFF600  }
0x13b: {  	_ =	swait.ge [sflag:s20], $0xA00  }
0x13c: {  	[sflag:s20] =	ssyncset.done $0x0  }
0x13d: {  	s18 =	simm.s32 $0x4DD0;
	[sflag:s20] =	ssyncadd.s32 $0xFFFFF600  }
0x13e: {  	[spmem:s3] =	stream.indirect.scatter.add.f32 [tilespmem:s25], [sflag:$0xF], $0x20, s18, s17, $0xb8;
	[tilespmem:$0x1A220] =	vst v63  }
0x13f: {  	s19 =	simm.s32 $0x26C0  }
0x140: {  	[spmem:s0] =	stream.indirect.scatter.add.f32 [tilespmem:s29], [sflag:$0x14], $0x20, s19, s17, $0xb8;
	[tilespmem:$0x1A220] =	vst v63  }
0x141: {  	_ =	swait.ge [sflag:s22], $0xA00  }
0x142: {  	[sflag:s22] =	ssyncset.done $0x0  }
0x143: {  	[sflag:s22] =	ssyncadd.s32 $0xFFFFF600  }
0x144: {  	_ =	swait.ge [sflag:s2], $0xA00  }
0x145: {  	[sflag:s2] =	ssyncset.done $0x0  }
0x146: {  	s20 =	stileid.u32;
	[sflag:s2] =	ssyncadd.s32 $0xFFFFF600  }
0x147: {  	s24 =	sshll.u32 s20, $0x6;
	[bflag:$0x0] =	sbarrier.arrive $0xFFFF  }
0x148: {  	s24 =	sor.u32 $0x1C15, s24;
	s21 =	rddreg [dreg:$0x6]  }
0x149: {  	s22 =	simm.s32 $0x15;
	s29 =	rddreg [dreg:$0x8];
	s26 =	sshrl.u32 s21, $0x3  }
0x14a: {  	[hbm:s29], [sflag:s24] =	dma.local [spmem:s26], $0xA00  }
0x14b: {  	_ =	swait.ge [sflag:s22], $0xA00  }
0x14c: {  	[sflag:s22] =	ssyncset.done $0x0;
	s25 =	rddreg [dreg:$0x7]  }
0x14d: {  	s29 =	rddreg [dreg:$0x9];
	[sflag:s22] =	ssyncadd.s32 $0xFFFFF600;
	s26 =	sshrl.u32 s25, $0x3  }
0x14e: {  	[hbm:s29], [sflag:s24] =	dma.local [spmem:s26], $0xA00  }
0x14f: {  	s29 =	simm.s32 $0x15  }
0x150: {  	_ =	swait.ge [sflag:s29], $0xA00  }
0x151: {  	s26 =	rddreg [dreg:$0xb]  }
0x152: {  	s28 =	rddreg [dreg:$0xa];
	s21 =	sadd.s32 $0x1, s26  }
0x153: {  	p0 =	sne.s32 s21, s28  }
.Ltmp2:
0x154: {  	_ = 	snop;
	(pc) =	sbr.rel @p0 .LBB2_1-.Ltmp2, $4  }
0x155: {  	_ = 	snop  }
0x156: {  	s9 =	smov.u32 s0;
	s14 =	simm.s32 $0xE;
	s18 =	simm.s32 $0x13  }
0x157: {  	s20 =	simm.s32 $0xA;
	s19 =	simm.s32 $0x5;
	[sflag:s29] =	ssyncset.done $0x0  }
0x158: {  	s2 =	simm.s32 $0x14;
	s22 =	simm.s32 $0xF;
	[sflag:s29] =	ssyncadd.s32 $0xFFFFF600  }
0x159: {  	_ =	sfence.sel $0x180000  }
0x15a: {  	[bflag:$0x0] =	sbarrier.arrive $0xFFFF  }
0x15b: {  	_ =	strace $0x90000047  }
0x15c: {  	s0 =	stileid.u32;
	[bflag:$0x2] =	sbarrier.arrive $0xFFFF  }
0x15d: {  	p0 =	sne.s32 s0, $0x0;
	s0 =	rddreg [dreg:$0x3]  }
0x15e: {  	s0 =	sadd.s32 @!p0 $0x100000, s0  }
0x15f: {  	[sflag:s0] =	ssyncadd.tile.s32 @!p0 $0x1;
	_ =	shalt  }
.Lfunc_end2:
_tile_overlayer_lowered:
.L_overlay_start_2:
0x160: {  	(tag) =	ssettag $0x2  }
0x161: {  	s0 =	rddreg [dreg:$0x0];
	s2 =	stileid.u32  }
0x162: {  	s1 =	rddreg [dreg:$0x1];
	p0 =	sne.s32 s2, $0x0  }
0x163: {  	s3 =	rddreg [dreg:$0x2];
	[bflag:$0x3] =	sbarrier.arrive $0xFFFF;
	s2 =	simm.s32 @!p0 $0x1C15  }
0x164: {  	[timem:s3], [sflag:s2] =	dma.local @!p0 [hbm:s0], s1  }
0x165: {  	s0 =	simm.s32 @!p0 $0x15  }
0x166: {  	_ =	swait.ge @!p0 [sflag:s0], s1  }
0x167: {  	s1 =	ssub.s32 @!p0 $0x0, s1;
	[sflag:s0] =	ssyncset.done @!p0 $0x0  }
0x168: {  	[sflag:s0] =	ssyncadd.s32 @!p0 s1  }
0x169: {  	[bflag:$0x3] =	sbarrier.arrive $0xFFFF  }
0x16a: {  	_ =	shalt  }

// kernel: kernel.9.cloned.1.call-start
scs
__scs_entry_jumppad:
0x0: {  	(pc) =	sbr.rel $0x88, $3  }
0x1: {  	(tag) =	ssettag $0x0;
	lr =	simm.s32 $0x1  }
0x2: {  	[smem:$0x3F90] =	sst lr;
	_ =	strace $0xD0000000  }
0x3: {  	_ = 	snop  }
0x4: {  	_ = 	snop  }
0x5: {  	_ = 	snop  }
0x6: {  	_ = 	snop  }
0x7: {  	_ = 	snop  }
__scs_overlays_trampoline_lowered:
0x8: {  	[smem:$0x3F9F] =	sst s0  }
0x9: {  	[smem:$0x3FA0] =	sst s1  }
0xa: {  	[smem:$0x3FA1] =	sst s2  }
0xb: {  	[smem:$0x3FA2] =	sst s3  }
0xc: {  	[smem:$0x3FA3] =	sst s4  }
0xd: {  	[smem:$0x3FA4] =	sst s5  }
0xe: {  	[smem:$0x3FA5] =	sst s6  }
0xf: {  	[smem:$0x3FA6] =	sst s7  }
0x10: {  	[smem:$0x3FA7] =	sst s8  }
0x11: {  	[smem:$0x3FA8] =	sst s9;
	s0 =	simm.s32 @!p0 $0x0  }
0x12: {  	s1 =	sld [smem:$0x3F8E];
	s0 =	simm.s32 @p0 $0x1  }
0x13: {  	[smem:$0x3FA9] =	sst s0;
	s0 =	simm.s32 @!p1 $0x0  }
0x14: {  	s2 =	sld [smem:$0x3F8D];
	s0 =	simm.s32 @p1 $0x1  }
0x15: {  	[smem:$0x3FAA] =	sst s0;
	s0 =	simm.s32 @!p2 $0x0  }
0x16: {  	s3 =	sld [smem:$0x3FDB];
	s0 =	simm.s32 @p2 $0x1  }
0x17: {  	s4 =	simm.s32 $0x1BF5;
	[smem:$0x3FAC] =	sst s0  }
0x18: {  	s0 =	sld [smem:$0x3F8F];
	_ =	swait.ge [sflag:s4], $0x0  }
0x19: {  	s7 =	sld [smem:$0x3F90]  }
0x1a: {  	s8 =	sadd.s32 $0xFFFFE003, lr  }
0x1b: {  	s9 =	sadd.s32 $0xFFFFFEF7, lr;
	s5 =	simm.s32 $0xFFFFFFFF;
	p2 =	slt.u32 s8, $0xFFFFF086  }
0x1c: {  	p1 =	slt.u32 s9, $0xF7A;
	s5 =	simm.s32 @!p2 $0x0  }
0x1d: {  	s5 =	simm.s32 @p1 $0x1;
	p0 =	seq.s32 s7, s2  }
0x1e: {  	s7 =	smul.u32 @!p0 $0xF7A, s2;
	p2 =	seq.s32 @!p0 s5, $0x0  }
0x1f: {  	s9 =	smul.u32 $0xF7A, s1;
	s8 =	simm.s32 @!p0 $0x1BF5;
	p2 =	por !p2, p0  }
0x20: {  	[sflag:s8] =	ssyncset.s32 @!p0 $0xFFFFF086;
	s6 =	sadd.s32 @!p0 s3, s7;
	s7 =	simm.s32 @!p0 $0x108  }
0x21: {  	s3 =	sadd.s32 s3, s9;
	s6 =	sadd.s32 @!p0 $0x88, s6;
	s7 =	simm.s32 @p2 $0x1082  }
0x22: {  	[simem:s7], [sflag:s8] =	dma.local @!p0 [hbm:s6], $0xF7A  }
0x23: {  	s9 =	sor.u32 $0xD0000000, s2;
	s6 =	simm.s32 $0x108;
	_ =	swait.ge @!p0 [sflag:s8], $0x0  }
0x24: {  	s3 =	sadd.s32 $0x88, s3;
	s6 =	simm.s32 @!p1 $0x1082;
	[sflag:s4] =	ssyncset.s32 $0xFFFFF086  }
0x25: {  	[simem:s6], [sflag:s4] =	dma.local [hbm:s3], $0xF7A  }
0x26: {  	[smem:$0x3F90] =	sst s1;
	(tag) =	ssettag s2;
	_ =	strace s9  }
0x27: {  	s1 =	sld [smem:$0x3FA0]  }
0x28: {  	s2 =	sld [smem:$0x3FA1]  }
0x29: {  	s4 =	sld [smem:$0x3FA3]  }
0x2a: {  	p0 =	seq.s32 s5, $0x0;
	s5 =	sld [smem:$0x3FA4]  }
0x2b: {  	s6 =	sld [smem:$0x3FA5]  }
0x2c: {  	s7 =	sld [smem:$0x3FA6]  }
0x2d: {  	s3 =	simm.s32 $0x108;
	s8 =	sld [smem:$0x3FA7]  }
0x2e: {  	s3 =	simm.s32 @!p0 $0x1082;
	s9 =	sld [smem:$0x3FA8]  }
0x2f: {  	lr =	sadd.s32 s0, s3;
	s0 =	sld [smem:$0x3F9F]  }
0x30: {  	s3 =	sld [smem:$0x3FA2]  }
0x31: {  	[smem:$0x3FAB] =	sst s10  }
0x32: {  	s10 =	sld [smem:$0x3FA9];
	_ =	sdelay $0x3  }
0x33: {  	p0 =	seq.s32 s10, $0x1;
	s10 =	sld [smem:$0x3FAB];
	_ =	sdelay $0x3  }
0x34: {  	[smem:$0x3FAB] =	sst s10  }
0x35: {  	s10 =	sld [smem:$0x3FAA];
	_ =	sdelay $0x3  }
0x36: {  	p1 =	seq.s32 s10, $0x1;
	s10 =	sld [smem:$0x3FAB];
	_ =	sdelay $0x3  }
0x37: {  	[smem:$0x3FAB] =	sst s10  }
0x38: {  	s10 =	sld [smem:$0x3FAC]  }
0x39: {  	_ = 	snop;
	(pc) =	sbr.ind lr, $3  }
0x3a: {  	_ = 	snop  }
0x3b: {  	_ = 	snop  }
0x3c: {  	p2 =	seq.s32 s10, $0x1;
	s10 =	sld [smem:$0x3FAB]  }
0x3d: {  	_ =	shalt  }
0x3e: {  	_ =	shalt  }
0x3f: {  	_ =	shalt  }
0x40: {  	_ =	shalt  }
0x41: {  	_ =	shalt  }
0x42: {  	_ =	shalt  }
0x43: {  	_ =	shalt  }
0x44: {  	_ =	shalt  }
0x45: {  	_ =	shalt  }
0x46: {  	_ =	shalt  }
0x47: {  	_ =	shalt  }
0x48: {  	_ =	shalt  }
0x49: {  	_ =	shalt  }
0x4a: {  	_ =	shalt  }
0x4b: {  	_ =	shalt  }
0x4c: {  	_ =	shalt  }
0x4d: {  	_ =	shalt  }
0x4e: {  	_ =	shalt  }
0x4f: {  	_ =	shalt  }
0x50: {  	_ =	shalt  }
0x51: {  	_ =	shalt  }
0x52: {  	_ =	shalt  }
0x53: {  	_ =	shalt  }
0x54: {  	_ =	shalt  }
0x55: {  	_ =	shalt  }
0x56: {  	_ =	shalt  }
0x57: {  	_ =	shalt  }
0x58: {  	_ =	shalt  }
0x59: {  	_ =	shalt  }
0x5a: {  	_ =	shalt  }
0x5b: {  	_ =	shalt  }
0x5c: {  	_ =	shalt  }
0x5d: {  	_ =	shalt  }
0x5e: {  	_ =	shalt  }
0x5f: {  	_ =	shalt  }
0x60: {  	_ =	shalt  }
0x61: {  	_ =	shalt  }
0x62: {  	_ =	shalt  }
0x63: {  	_ =	shalt  }
0x64: {  	_ =	shalt  }
0x65: {  	_ =	shalt  }
0x66: {  	_ =	shalt  }
0x67: {  	_ =	shalt  }
0x68: {  	_ =	shalt  }
0x69: {  	_ =	shalt  }
0x6a: {  	_ =	shalt  }
0x6b: {  	_ =	shalt  }
0x6c: {  	_ =	shalt  }
0x6d: {  	_ =	shalt  }
0x6e: {  	_ =	shalt  }
0x6f: {  	_ =	shalt  }
0x70: {  	_ =	shalt  }
0x71: {  	_ =	shalt  }
0x72: {  	_ =	shalt  }
0x73: {  	_ =	shalt  }
0x74: {  	_ =	shalt  }
0x75: {  	_ =	shalt  }
0x76: {  	_ =	shalt  }
0x77: {  	_ =	shalt  }
0x78: {  	_ =	shalt  }
0x79: {  	_ =	shalt  }
0x7a: {  	_ =	shalt  }
0x7b: {  	_ =	shalt  }
0x7c: {  	_ =	shalt  }
0x7d: {  	_ =	shalt  }
0x7e: {  	_ =	shalt  }
0x7f: {  	_ =	shalt  }
0x80: {  	_ =	shalt  }
0x81: {  	_ =	shalt  }
0x82: {  	_ =	shalt  }
0x83: {  	_ =	shalt  }
0x84: {  	_ =	shalt  }
0x85: {  	_ =	shalt  }
0x86: {  	_ =	shalt  }
0x87: {  	_ =	shalt  }
.Lfunc_end0:
.L_simem_size_0:
called_computation.1_lowered:
.L_overlay_start_0:
0x88: {  	s2 =	sld [smem:$0x3FD9]  }
0x89: {  	s3 =	sld [smem:$0x3FFE];
	_ =	sdelay $0x1  }
0x8a: {  	s1 =	srdreg.scid  }
0x8b: {  	s0 =	sand.u32 $0x1, s1  }
0x8c: {  	s17 =	sshll.u32 s0, $0xA;
	s2 =	sadd.s32 s3, s2  }
0x8d: {  	s2 =	sadd.s32 s2, s17  }
0x8e: {  	[smem:$0x3FB7] =	sst s2  }
0x8f: {  	_ = 	snop  }
0x90: {  	s2 =	sld [smem:$0x3FC7]  }
0x91: {  	s18 =	sld [smem:$0x3FD0];
	(tm) =	ssettm $0x1  }
0x92: {  	s4 =	sld [smem:$0x3FFB];
	_ =	sdelay $0x3  }
0x93: {  	_ =	strace s4  }
0x94: {  	s4 =	sld [smem:$0x3FFC];
	_ =	sdelay $0x3  }
0x95: {  	_ =	strace s4  }
0x96: {  	s4 =	sld [smem:$0x3FFD];
	_ =	sdelay $0x3  }
0x97: {  	_ =	strace s4  }
0x98: {  	_ =	strace $0x8FFFFFFF  }
0x99: {  	s19 =	sld [smem:$0x3FDB];
	_ =	sdelay $0x1  }
0x9a: {  	s5 =	simm.s32 $_scs_section_size  }
0x9b: {  	s6 =	simm.s32 $_size__tile_overlayer_lowered;
	s7 =	simm.s32 $_tile_overlayer_lowered  }
0x9c: {  	s22 =	simm.s32 $0x1BFF;
	s21 =	sshll.u32 s7, $0x1;
	s4 =	sadd.s32 s5, s19  }
0x9d: {  	s8 =	simm.s32 $0x0;
	s20 =	sshll.u32 s6, $0x1;
	s6 =	sadd.s32 s21, s4  }
0x9e: {  	[timem:s8], [sflag:s22] =	dma.local [hbm:s6], s20  }
0x9f: {  	_ =	swait.ge [sflag:s22], s20  }
0xa0: {  	s5 =	ssub.s32 $0x0, s20;
	[sflag:s22] =	ssyncset.done $0x0  }
0xa1: {  	[sflag:s22] =	ssyncadd.s32 s5;
	_ =	sdelay $0x1  }
0xa2: {  	s23 =	simm.s32 $0x1B8B  }
0xa3: {  	_ =	swait.ge [sflag:s23], $0x1  }
0xa4: {  	[sflag:s23] =	ssyncset.done $0x0  }
0xa5: {  	s25 =	simm.s32 $0x1B8E;
	s24 =	sld [smem:$0x3FFE];
	[sflag:s23] =	ssyncadd.s32 $0xFFFFFFFF  }
0xa6: {  	s26 =	simm.s32 $execute0_lowered;
	[smem:$0x3FD2] =	sst s25  }
0xa7: {  	s6 =	sshll.u32 s26, $0x1;
	_ =	strace $0x80000049;
	[dreg:$0x1] =	wrdreg $0xFFFFFFFF  }
0xa8: {  	s28 =	simm.s32 $_size_execute0_lowered;
	s4 =	sadd.s32 s4, s6;
	[dreg:$0x0] =	wrdreg $0x0  }
0xa9: {  	s6 =	sshll.u32 s28, $0x1;
	[dreg:$0x2] =	wrdreg s4  }
0xaa: {  	[dreg:$0x3] =	wrdreg s6  }
0xab: {  	[dreg:$0x4] =	wrdreg $0xC0  }
0xac: {  	_ =	task [dreg:s8], $0x5FFFF  }
0xad: {  	[dreg:$0x1] =	wrdreg $0xFFFFFFFF  }
0xae: {  	[dreg:$0x0] =	wrdreg $0x60  }
0xaf: {  	[dreg:$0x2] =	wrdreg s24  }
0xb0: {  	[dreg:$0x3] =	wrdreg s2  }
0xb1: {  	[dreg:$0x4] =	wrdreg s18  }
0xb2: {  	[dreg:$0x5] =	wrdreg $0x1F4C00  }
0xb3: {  	[dreg:$0x6] =	wrdreg $0x1F5400  }
0xb4: {  	[dreg:$0x7] =	wrdreg $0x1F5C00  }
0xb5: {  	[dreg:$0x8] =	wrdreg $0x9  }
0xb6: {  	_ =	task.clear_ibuf [dreg:s8], $0x9FFFF;
	_ =	strace $0x90000049  }
0xb7: {  	s29 =	simm.s32 $0x9;
	_ =	strace $0x8000004B  }
0xb8: {  	_ =	swait.ge [sflag:s29], $0x1  }
0xb9: {  	[sflag:s29] =	ssyncadd.s32 $0xFFFFFFFF  }
0xba: {  	_ =	strace $0x9000004B  }
0xbb: {  	_ =	sfence  }
0xbc: {  	s30 =	sld [smem:$0x0];
	_ =	sdelay $0x2  }
0xbd: {  	s31 =	sshll.u32 s1, $0xD;
	s1 =	sshrl.u32 s1, $0x2  }
0xbe: {  	s3 =	sand.u32 $0x4000, s31;
	s1 =	sadd.s32 s1, s30  }
0xbf: {  	s0 =	sor.u32 s3, s0;
	s1 =	sshll.u32 s1, $0x11  }
0xc0: {  	s0 =	sor.u32 s1, s0  }
0xc1: {  	s0 =	sadd.s32 $0x8F2B, s0  }
0xc2: {  	[sflag:s0] =	ssyncadd.remote.s32 $0x1  }
0xc3: {  	_ =	sfence.sel $0xFFFF  }
0xc4: {  	[dreg:$0x0] =	wrdreg $0xFFFFFFFF;
	(pc) =	sbr.abs _section_cstart, $3  }
0xc5: {  	[dreg:$0x1] =	wrdreg $0xFFFFFFFF  }
0xc6: {  	_ =	task.clear_ibuf [dreg:s8], $0x2FFFF;
	_ =	strace $0x9FFFFFFF  }
0xc7: {  	(tm) =	ssettm $0x7FFFFFFF  }
tec
execute0_lowered:
.L_overlay_start_1:
0x0: {  	(tag) =	ssettag $0x1  }
0x1: {  	s0 =	rddreg [dreg:$0x0]  }
0x2: {  	s1 =	rddreg [dreg:$0x1]  }
0x3: {  	s23 =	rddreg [dreg:$0x2]  }
0x4: {  	s2 =	rddreg [dreg:$0x3]  }
0x5: {  	s3 =	rddreg [dreg:$0x4]  }
0x6: {  	s4 =	rddreg [dreg:$0x5]  }
0x7: {  	s24 =	simm.s32 $0x0;
	s5 =	stileid.u32;
	s7 =	srdreg.scid  }
0x8: {  	[smem:$0x7FF] =	sst s24;
	s6 =	smul.u32 $0x5000, s5;
	s8 =	sadd.s32 $0x2A600, s0  }
0x9: {  	s7 =	sand.u32 $0x1, s7;
	s9 =	sadd.s32 $0x3E600, s0;
	s20 =	sadd.s32 $0x33C00, s0  }
0xa: {  	s21 =	sadd.s32 $0x3DC00, s0;
	_ =	strace $0x8000004A;
	[dreg:$0xd] =	wrdreg s20  }
0xb: {  	s13 =	smul.u32 $0x280, s5;
	s22 =	sadd.s32 $0x47C00, s0;
	[dreg:$0xe] =	wrdreg s21  }
0xc: {  	s25 =	sadd.s32 $0x51C00, s0;
	s26 =	sadd.s32 $0x20000, s0;
	[dreg:$0xf] =	wrdreg s22  }
0xd: {  	s10 =	sshll.u32 s7, $0xA;
	s7 =	ssub.s32 $0x2, s7;
	[dreg:$0x10] =	wrdreg s25  }
0xe: {  	[dreg:$0x11] =	wrdreg s26;
	s6 =	sshrl.u32 s6, $0x3;
	s10 =	sadd.s32 s10, s0  }
0xf: {  	s12 =	sshrl.u32 s7, $0x1;
	s17 =	sshrl.u32 s13, $0x3;
	s13 =	sadd.s32 $0x4D8, s1  }
0x10: {  	s11 =	sadd.s32 s6, s0;
	s15 =	sadd.s32 s8, s6;
	[dreg:$0x17] =	wrdreg s13  }
0x11: {  	s14 =	sadd.s32 $0xA000, s6;
	s6 =	sadd.s32 s9, s6;
	[dreg:$0x7] =	wrdreg s15  }
0x12: {  	s7 =	ssub.s32 s7, s12;
	s0 =	sadd.s32 $0x29E00, s0;
	[dreg:$0x9] =	wrdreg s6  }
0x13: {  	s12 =	sadd.s32 s1, s17;
	s17 =	sadd.s32 $0x2E0C, s10;
	[dreg:$0x12] =	wrdreg s0  }
0x14: {  	s8 =	sadd.s32 s8, s14;
	[dreg:$0x1b] =	wrdreg s17  }
0x15: {  	s28 =	simm.s32 $0xA000;
	s16 =	sadd.s32 s9, s14;
	[dreg:$0x8] =	wrdreg s8  }
0x16: {  	s30 =	simm.s32 $0x1B800;
	s18 =	sadd.s32 $0x16A00, s11;
	[dreg:$0xa] =	wrdreg s16  }
0x17: {  	s31 =	simm.s32 $0x2;
	s19 =	sadd.s32 $0x20800, s11;
	[dreg:$0xb] =	wrdreg s18  }
0x18: {  	p0 =	sne.s32 s5, $0x0;
	s6 =	sadd.s32 $0x4B0, s1;
	[dreg:$0xc] =	wrdreg s19  }
0x19: {  	p1 =	seq.s32 s5, $0xF;
	s9 =	sadd.s32 $0x4C4, s1;
	[dreg:$0x13] =	wrdreg s6  }
0x1a: {  	s5 =	simm.s32 $0x1E230;
	s11 =	sadd.s32 $0x4CE, s1;
	[dreg:$0x15] =	wrdreg s9  }
0x1b: {  	s13 =	simm.s32 $0x1E280;
	s14 =	sadd.s32 $0x2E00, s10;
	[dreg:$0x16] =	wrdreg s11  }
0x1c: {  	s15 =	sadd.s32 $0x2E04, s10;
	s29 =	smax.u32 s7, $0x1;
	[dreg:$0x18] =	wrdreg s14  }
0x1d: {  	s20 =	sadd.s32 $0x1E, s12;
	s21 =	sadd.s32 $0x28, s12;
	[dreg:$0x19] =	wrdreg s15  }
0x1e: {  	s22 =	sadd.s32 $0x32, s12;
	s25 =	sadd.s32 $0x3C, s12;
	[dreg:$0x1e] =	wrdreg s20  }
0x1f: {  	s26 =	sadd.s32 $0x46, s12;
	s17 =	simm.s32 $0x1E000;
	[dreg:$0x1f] =	wrdreg s21  }
0x20: {  	s0 =	simm.s32 $0x1E190;
	s8 =	sadd.s32 $0x4BA, s1;
	[smem:$0x7FB] =	sst s22  }
0x21: {  	s16 =	sadd.s32 $0x2E08, s10;
	s18 =	sadd.s32 $0xA, s12;
	[smem:$0x7FC] =	sst s25  }
0x22: {  	s19 =	sadd.s32 $0x14, s12;
	[smem:$0x7FD] =	sst s26;
	s9 =	simm.s32 $0x3  }
0x23: {  	s25 =	simm.s32 $0x1EC80;
	s26 =	simm.s32 $0x5000;
	s15 =	simm.s32 $0x14000  }
.Ltmp0:
0x24: {  	s20 =	simm.s32 $0x1E0F0;
	[dreg:$0x14] =	wrdreg s8;
	(pc) =	sbr.rel .LBB2_1-.Ltmp0, $4  }
0x25: {  	s21 =	simm.s32 $0x1E140;
	s10 =	simm.s32 $0x1;
	[dreg:$0x1a] =	wrdreg s16  }
0x26: {  	s11 =	simm.s32 $0x50;
	s1 =	simm.s32 $0x1E1E0;
	[dreg:$0x1c] =	wrdreg s18  }
0x27: {  	s6 =	simm.s32 $0x0;
	[dreg:$0x1d] =	wrdreg s19;
	s8 =	simm.s32 $0x1ECC0  }
0x28: {  	v0 =	vimm.f32 $0.0e+00;
	v1 =	vimm.f32 $1.000000000e+00;
	s16 =	simm.s32 $0x19000;
	s18 =	simm.s32 $0x1E050;
	s19 =	simm.s32 $0x1E0A0  }
.LBB2_10:
0x29: {  	v15 =	vld [tilespmem:s22+$0x19010]  }
0x2a: {  	v16 =	vld [tilespmem:s22+$0xF000]  }
0x2b: {  	v11 =	vadd.f32 v11, v14;
	v61 =	vld [tilespmem:s22+$0xF010]  }
0x2c: {  	v10 =	vadd.f32 v10, v13  }
0x2d: {  	v9 =	vadd.f32 v9, v12;
	v7 =	vadd.f32 v7, v11  }
0x2e: {  	v6 =	vadd.f32 v6, v10;
	v8 =	vadd.f32 v8, v15  }
0x2f: {  	v5 =	vadd.f32 v7, v5;
	v62 =	vadd.f32 v16, v9  }
0x30: {  	v4 =	vadd.f32 v6, v4;
	v63 =	vadd.f32 v61, v8  }
0x31: {  	v5 =	vmax.f32 v5, $0.0e+00;
	v3 =	vadd.f32 v62, v3  }
0x32: {  	v4 =	vmax.f32 v4, $0.0e+00;
	[tilespmem:s22+$0x14000] =	vst v5;
	v2 =	vadd.f32 v63, v2  }
0x33: {  	[tilespmem:s22+$0x14010] =	vst v4;
	v3 =	vmax.f32 v3, $0.0e+00  }
0x34: {  	[tilespmem:s22+$0x19000] =	vst v3;
	v2 =	vmax.f32 v2, $0.0e+00  }
0x35: {  	[tilespmem:s22+$0x19010] =	vst v2  }
0x36: {  	[spmem:s2] =	stream.indirect.scatter.add.f32 [tilespmem:s15], [sflag:$0x2], $0x20, s17, s11, $0xb8;
	[tilespmem:$0x1F640] =	vst v63  }
0x37: {  	_ = 	snop  }
0x38: {  	[spmem:s3] =	stream.indirect.scatter.add.f32 [tilespmem:s16], [sflag:$0x2], $0x20, s17, s11, $0xb8;
	[tilespmem:$0x1F640] =	vst v63  }
0x39: {  	_ = 	snop  }
0x3a: {  	[spmem:s4] =	stream.indirect.scatter.add.f32 [tilespmem:s13], [sflag:$0x2], $0x20, s17, s11, $0xb8;
	[tilespmem:$0x1F640] =	vst v63  }
0x3b: {  	s7 =	simm.s32 $0x14A00  }
0x3c: {  	[spmem:s2] =	stream.indirect.scatter.add.f32 [tilespmem:s7], [sflag:$0x2], $0x20, s18, s11, $0xb8;
	[tilespmem:$0x1F640] =	vst v63  }
0x3d: {  	s24 =	simm.s32 $0x19A00  }
0x3e: {  	[spmem:s3] =	stream.indirect.scatter.add.f32 [tilespmem:s24], [sflag:$0x2], $0x20, s18, s11, $0xb8;
	[tilespmem:$0x1F640] =	vst v63  }
0x3f: {  	_ = 	snop  }
0x40: {  	[spmem:s4] =	stream.indirect.scatter.add.f32 [tilespmem:s13], [sflag:$0x2], $0x20, s18, s11, $0xb8;
	[tilespmem:$0x1F640] =	vst v63  }
0x41: {  	s25 =	simm.s32 $0x15400  }
0x42: {  	[spmem:s2] =	stream.indirect.scatter.add.f32 [tilespmem:s25], [sflag:$0x2], $0x20, s19, s11, $0xb8;
	[tilespmem:$0x1F640] =	vst v63  }
0x43: {  	s14 =	simm.s32 $0x1A400  }
0x44: {  	[spmem:s3] =	stream.indirect.scatter.add.f32 [tilespmem:s14], [sflag:$0x2], $0x20, s19, s11, $0xb8;
	[tilespmem:$0x1F640] =	vst v63  }
0x45: {  	_ = 	snop  }
0x46: {  	[spmem:s4] =	stream.indirect.scatter.add.f32 [tilespmem:s13], [sflag:$0x2], $0x20, s19, s11, $0xb8;
	[tilespmem:$0x1F640] =	vst v63  }
0x47: {  	s22 =	simm.s32 $0x15E00  }
0x48: {  	[spmem:s2] =	stream.indirect.scatter.add.f32 [tilespmem:s22], [sflag:$0x2], $0x20, s20, s11, $0xb8;
	[tilespmem:$0x1F640] =	vst v63  }
0x49: {  	s26 =	smov.u32 s23;
	s23 =	simm.s32 $0x1AE00  }
0x4a: {  	[spmem:s3] =	stream.indirect.scatter.add.f32 [tilespmem:s23], [sflag:$0x2], $0x20, s20, s11, $0xb8;
	[tilespmem:$0x1F640] =	vst v63  }
0x4b: {  	_ = 	snop  }
0x4c: {  	[spmem:s4] =	stream.indirect.scatter.add.f32 [tilespmem:s13], [sflag:$0x2], $0x20, s20, s11, $0xb8;
	[tilespmem:$0x1F640] =	vst v63  }
0x4d: {  	s24 =	simm.s32 $0x16800  }
0x4e: {  	[spmem:s2] =	stream.indirect.scatter.add.f32 [tilespmem:s24], [sflag:$0x2], $0x20, s21, s11, $0xb8;
	[tilespmem:$0x1F640] =	vst v63  }
0x4f: {  	_ = 	snop  }
0x50: {  	[spmem:s3] =	stream.indirect.scatter.add.f32 [tilespmem:s30], [sflag:$0x2], $0x20, s21, s11, $0xb8;
	[tilespmem:$0x1F640] =	vst v63  }
0x51: {  	_ = 	snop  }
0x52: {  	[spmem:s4] =	stream.indirect.scatter.add.f32 [tilespmem:s13], [sflag:$0x2], $0x20, s21, s11, $0xb8;
	[tilespmem:$0x1F640] =	vst v63  }
0x53: {  	s25 =	simm.s32 $0x17200  }
0x54: {  	[spmem:s2] =	stream.indirect.scatter.add.f32 [tilespmem:s25], [sflag:$0x2], $0x20, s0, s11, $0xb8;
	[tilespmem:$0x1F640] =	vst v63  }
0x55: {  	s14 =	simm.s32 $0x1C200  }
0x56: {  	[spmem:s3] =	stream.indirect.scatter.add.f32 [tilespmem:s14], [sflag:$0x2], $0x20, s0, s11, $0xb8;
	[tilespmem:$0x1F640] =	vst v63  }
0x57: {  	_ = 	snop  }
0x58: {  	[spmem:s4] =	stream.indirect.scatter.add.f32 [tilespmem:s13], [sflag:$0x2], $0x20, s0, s11, $0xb8;
	[tilespmem:$0x1F640] =	vst v63  }
0x59: {  	s22 =	simm.s32 $0x17C00  }
0x5a: {  	[spmem:s2] =	stream.indirect.scatter.add.f32 [tilespmem:s22], [sflag:$0x2], $0x20, s1, s11, $0xb8;
	[tilespmem:$0x1F640] =	vst v63  }
0x5b: {  	s23 =	simm.s32 $0x1CC00  }
0x5c: {  	[spmem:s3] =	stream.indirect.scatter.add.f32 [tilespmem:s23], [sflag:$0x2], $0x20, s1, s11, $0xb8;
	[tilespmem:$0x1F640] =	vst v63  }
0x5d: {  	_ = 	snop  }
0x5e: {  	[spmem:s4] =	stream.indirect.scatter.add.f32 [tilespmem:s13], [sflag:$0x2], $0x20, s1, s11, $0xb8;
	[tilespmem:$0x1F640] =	vst v63  }
0x5f: {  	s24 =	simm.s32 $0x18600  }
0x60: {  	[spmem:s2] =	stream.indirect.scatter.add.f32 [tilespmem:s24], [sflag:$0x2], $0x20, s5, s11, $0xb8;
	[tilespmem:$0x1F640] =	vst v63  }
0x61: {  	s25 =	simm.s32 $0x1D600  }
0x62: {  	[spmem:s3] =	stream.indirect.scatter.add.f32 [tilespmem:s25], [sflag:$0x2], $0x20, s5, s11, $0xb8;
	[tilespmem:$0x1F640] =	vst v63  }
0x63: {  	_ = 	snop  }
0x64: {  	[spmem:s4] =	stream.indirect.scatter.add.f32 [tilespmem:s13], [sflag:$0x2], $0x20, s5, s11, $0xb8;
	[tilespmem:$0x1F640] =	vst v63  }
0x65: {  	_ =	swait.ge [sflag:s31], $0xA00  }
0x66: {  	[sflag:s31] =	ssyncset.done $0x0  }
0x67: {  	[sflag:s31] =	ssyncadd.s32 $0xFFFFF600  }
0x68: {  	_ =	swait.ge [sflag:s31], $0xA00  }
0x69: {  	[sflag:s31] =	ssyncset.done $0x0  }
0x6a: {  	[sflag:s31] =	ssyncadd.s32 $0xFFFFF600  }
0x6b: {  	_ =	swait.ge [sflag:s31], $0xA00  }
0x6c: {  	[sflag:s31] =	ssyncset.done $0x0  }
0x6d: {  	[sflag:s31] =	ssyncadd.s32 $0xFFFFF600  }
0x6e: {  	_ =	swait.ge [sflag:s31], $0xA00  }
0x6f: {  	[sflag:s31] =	ssyncset.done $0x0  }
0x70: {  	[sflag:s31] =	ssyncadd.s32 $0xFFFFF600  }
0x71: {  	_ =	swait.ge [sflag:s31], $0xA00  }
0x72: {  	[sflag:s31] =	ssyncset.done $0x0  }
0x73: {  	[sflag:s31] =	ssyncadd.s32 $0xFFFFF600  }
0x74: {  	_ =	swait.ge [sflag:s31], $0xA00  }
0x75: {  	[sflag:s31] =	ssyncset.done $0x0  }
0x76: {  	[sflag:s31] =	ssyncadd.s32 $0xFFFFF600  }
0x77: {  	_ =	swait.ge [sflag:s31], $0xA00  }
0x78: {  	[sflag:s31] =	ssyncset.done $0x0  }
0x79: {  	[sflag:s31] =	ssyncadd.s32 $0xFFFFF600  }
0x7a: {  	_ =	swait.ge [sflag:s31], $0xA00  }
0x7b: {  	[sflag:s31] =	ssyncset.done $0x0  }
0x7c: {  	[sflag:s31] =	ssyncadd.s32 $0xFFFFF600  }
0x7d: {  	_ =	swait.ge [sflag:s31], $0xA00  }
0x7e: {  	[sflag:s31] =	ssyncset.done $0x0  }
0x7f: {  	[sflag:s31] =	ssyncadd.s32 $0xFFFFF600  }
0x80: {  	_ =	swait.ge [sflag:s31], $0xA00  }
0x81: {  	[sflag:s31] =	ssyncset.done $0x0  }
0x82: {  	[sflag:s31] =	ssyncadd.s32 $0xFFFFF600  }
0x83: {  	_ =	swait.ge [sflag:s31], $0xA00  }
0x84: {  	[sflag:s31] =	ssyncset.done $0x0  }
0x85: {  	[sflag:s31] =	ssyncadd.s32 $0xFFFFF600  }
0x86: {  	_ =	swait.ge [sflag:s31], $0xA00  }
0x87: {  	[sflag:s31] =	ssyncset.done $0x0  }
0x88: {  	[sflag:s31] =	ssyncadd.s32 $0xFFFFF600  }
0x89: {  	_ =	swait.ge [sflag:s31], $0xA00  }
0x8a: {  	[sflag:s31] =	ssyncset.done $0x0  }
0x8b: {  	[sflag:s31] =	ssyncadd.s32 $0xFFFFF600  }
0x8c: {  	_ =	swait.ge [sflag:s31], $0xA00  }
0x8d: {  	[sflag:s31] =	ssyncset.done $0x0  }
0x8e: {  	[sflag:s31] =	ssyncadd.s32 $0xFFFFF600  }
0x8f: {  	_ =	swait.ge [sflag:s31], $0xA00  }
0x90: {  	[sflag:s31] =	ssyncset.done $0x0  }
0x91: {  	[sflag:s31] =	ssyncadd.s32 $0xFFFFF600  }
0x92: {  	_ =	swait.ge [sflag:s31], $0xA00  }
0x93: {  	[sflag:s31] =	ssyncset.done $0x0  }
0x94: {  	[sflag:s31] =	ssyncadd.s32 $0xFFFFF600  }
0x95: {  	_ =	swait.ge [sflag:s31], $0xA00  }
0x96: {  	[sflag:s31] =	ssyncset.done $0x0  }
0x97: {  	[sflag:s31] =	ssyncadd.s32 $0xFFFFF600  }
0x98: {  	_ =	swait.ge [sflag:s31], $0xA00  }
0x99: {  	[sflag:s31] =	ssyncset.done $0x0  }
0x9a: {  	[sflag:s31] =	ssyncadd.s32 $0xFFFFF600  }
0x9b: {  	_ =	swait.ge [sflag:s31], $0xA00  }
0x9c: {  	[sflag:s31] =	ssyncset.done $0x0  }
0x9d: {  	[sflag:s31] =	ssyncadd.s32 $0xFFFFF600  }
0x9e: {  	_ =	swait.ge [sflag:s31], $0xA00  }
0x9f: {  	[sflag:s31] =	ssyncset.done $0x0  }
0xa0: {  	[sflag:s31] =	ssyncadd.s32 $0xFFFFF600  }
0xa1: {  	_ =	swait.ge [sflag:s31], $0xA00  }
0xa2: {  	[sflag:s31] =	ssyncset.done $0x0  }
0xa3: {  	[sflag:s31] =	ssyncadd.s32 $0xFFFFF600  }
0xa4: {  	_ =	swait.ge [sflag:s31], $0xA00  }
0xa5: {  	[sflag:s31] =	ssyncset.done $0x0  }
0xa6: {  	[sflag:s31] =	ssyncadd.s32 $0xFFFFF600  }
0xa7: {  	_ =	swait.ge [sflag:s31], $0xA00  }
0xa8: {  	[sflag:s31] =	ssyncset.done $0x0  }
0xa9: {  	[sflag:s31] =	ssyncadd.s32 $0xFFFFF600  }
0xaa: {  	_ =	swait.ge [sflag:s31], $0xA00  }
0xab: {  	[sflag:s31] =	ssyncset.done $0x0  }
0xac: {  	s7 =	sshrl.u32 @!p0 s2, $0x3;
	[sflag:s31] =	ssyncadd.s32 $0xFFFFF600  }
0xad: {  	s14 =	simm.s32 @!p0 $0x1;
	s22 =	simm.s32 @!p0 $0x10;
	[bflag:$0x0] =	sbarrier.arrive $0xFFFF  }
0xae: {  	s23 =	simm.s32 @!p0 $0x4;
	s24 =	simm.s32 @!p0 $0x1C03;
	s25 =	rddreg [dreg:$0x18]  }
0xaf: {  	[hbm:s25@s22], [sflag:s24] =	dma.strided @!p0 [spmem:s7@s23], $0x100, s14, $0x4   }
0xb0: {  	s7 =	simm.s32 @!p0 $0x3  }
0xb1: {  	_ =	swait.ge @!p0 [sflag:s7], $0x100  }
0xb2: {  	[sflag:s7] =	ssyncset.done @!p0 $0x0  }
0xb3: {  	s25 =	sshrl.u32 @!p0 s3, $0x3;
	s28 =	rddreg [dreg:$0x19];
	[sflag:s7] =	ssyncadd.s32 @!p0 $0xFFFFFF00  }
0xb4: {  	[hbm:s28@s22], [sflag:s24] =	dma.strided @!p0 [spmem:s25@s23], $0x100, s14, $0x4   }
0xb5: {  	_ =	swait.ge @!p0 [sflag:s7], $0x100  }
0xb6: {  	[sflag:s7] =	ssyncset.done @!p0 $0x0  }
0xb7: {  	s25 =	sshrl.u32 @!p0 s4, $0x3;
	s28 =	rddreg [dreg:$0x1a];
	[sflag:s7] =	ssyncadd.s32 @!p0 $0xFFFFFF00  }
0xb8: {  	[hbm:s28@s22], [sflag:s24] =	dma.strided @!p0 [spmem:s25@s23], $0x100, s14, $0x4   }
0xb9: {  	_ =	swait.ge @!p0 [sflag:s7], $0x100  }
0xba: {  	s14 =	simm.s32 @!p0 $0x20;
	s22 =	simm.s32 @!p0 $0x80;
	[sflag:s7] =	ssyncset.done @!p0 $0x0  }
0xbb: {  	s23 =	simm.s32 @!p0 $0x1ECC0;
	s24 =	rddreg [dreg:$0x1b];
	[sflag:s7] =	ssyncadd.s32 @!p0 $0xFFFFFF00  }
0xbc: {  	[hbm4b:s24+s14] =	stream.strided.scatter @!p0 [tilespmem:s23], [sflag:$0x3], $0x800, s22, s14, $0x38;
	[tilespmem:$0x1F640] =	vst v63  }
0xbd: {  	s25 =	simm.s32 $0x1EC80;
	_ =	swait.ge @!p0 [sflag:s7], $0x800  }
0xbe: {  	s28 =	simm.s32 $0xA000;
	s23 =	smov.u32 s26;
	[sflag:s7] =	ssyncset.done @!p0 $0x0  }
0xbf: {  	s24 =	simm.s32 $0x0;
	s26 =	simm.s32 $0x5000;
	[sflag:s7] =	ssyncadd.s32 @!p0 $0xFFFFF800  }
.LBB2_14:
0xc0: {  	s6 =	sadd.s32 $0x1, s6  }
0xc1: {  	p2 =	sne.s32 s6, s29  }
.Ltmp1:
0xc2: {  	_ = 	snop;
	(pc) =	sbr.rel @!p2 .LBB2_15-.Ltmp1, $1  }
0xc3: {  	_ =	sdelay $0x3  }
.LBB2_1:
.Ltmp2:
0xc4: {  	(pc) =	sbr.rel @p0 .LBB2_5-.Ltmp2, $1  }
0xc5: {  	_ =	sdelay $0x3  }
0xc6: {  	s7 =	simm.s32 $0x80;
	s22 =	simm.s32 $0x0  }
.LBB2_3:
0xc7: {  	p2 =	sne.s32 s7, $0x1F80;
	[tilespmem:s22+$0x1ECC0] =	vst v0;
	s14 =	smov.u32 s7;
	s7 =	sadd.s32 $0x80, s7  }
.Ltmp3:
0xc8: {  	[tilespmem:s22+$0x1ECD0] =	vst v0;
	(pc) =	sbr.rel @p2 .LBB2_3-.Ltmp3, $2  }
0xc9: {  	_ =	sdelay $0x2  }
0xca: {  	s22 =	sshra.s32 s14, $0x2  }
0xcb: {  	[tilespmem:s22+$0x1ECC0] =	vst v0  }
0xcc: {  	[tilespmem:s22+$0x1ECD0] =	vst v0  }
0xcd: {  	[spmem:s2] =	stream.linear.scatter [tilespmem:s8], [sflag:$0x3], $0x800, $0x38;
	[tilespmem:$0x1F640] =	vst v63  }
0xce: {  	_ =	swait.ge [sflag:s9], $0x800  }
0xcf: {  	[sflag:s9] =	ssyncset.done $0x0  }
0xd0: {  	[sflag:s9] =	ssyncadd.s32 $0xFFFFF800  }
0xd1: {  	[spmem:s3] =	stream.linear.scatter [tilespmem:s8], [sflag:$0x3], $0x800, $0x38;
	[tilespmem:$0x1F640] =	vst v63  }
0xd2: {  	_ =	swait.ge [sflag:s9], $0x800  }
0xd3: {  	[sflag:s9] =	ssyncset.done $0x0  }
0xd4: {  	[sflag:s9] =	ssyncadd.s32 $0xFFFFF800  }
0xd5: {  	[spmem:s4] =	stream.linear.scatter [tilespmem:s8], [sflag:$0x3], $0x800, $0x38;
	[tilespmem:$0x1F640] =	vst v63  }
0xd6: {  	_ =	swait.ge [sflag:s9], $0x800  }
0xd7: {  	[sflag:s9] =	ssyncset.done $0x0  }
0xd8: {  	[sflag:s9] =	ssyncadd.s32 $0xFFFFF800  }
.LBB2_5:
0xd9: {  	s7 =	simm.s32 $0x80;
	s22 =	simm.s32 $0x0  }
.LBB2_6:
0xda: {  	p2 =	sne.s32 s7, $0x2780;
	[tilespmem:s22+$0x1E280] =	vst v1;
	s14 =	smov.u32 s7;
	s7 =	sadd.s32 $0x80, s7  }
.Ltmp4:
0xdb: {  	[tilespmem:s22+$0x1E290] =	vst v1;
	(pc) =	sbr.rel @p2 .LBB2_6-.Ltmp4, $2  }
0xdc: {  	_ =	sdelay $0x2  }
0xdd: {  	s22 =	sshra.s32 s14, $0x2  }
0xde: {  	[tilespmem:s22+$0x1E280] =	vst v1  }
0xdf: {  	[tilespmem:s22+$0x1E290] =	vst v1  }
0xe0: {  	[tilespmem:s25], [sflag:$0x3] =	stream.linear.gather [hbm4b:s23+s24], $0x40, $0x38;
	[tilespmem:$0x1F640] =	vst v63  }
.Ltmp5:
0xe1: {  	_ =	swait.ge [sflag:s9], $0x40;
	(pc) =	sbr.rel @!p1 .LBB2_8-.Ltmp5, $4  }
0xe2: {  	[sflag:s9] =	ssyncset.done $0x0  }
0xe3: {  	[sflag:s9] =	ssyncadd.s32 $0xFFFFFFC0  }
0xe4: {  	[bflag:$0x0] =	sbarrier.arrive $0xFFFF  }
0xe5: {  	s7 =	simm.s32 $0x0  }
0xe6: {  	s14 =	rddreg [dreg:$0xd]  }
0xe7: {  	[tilespmem:s7], [sflag:$0x1] =	stream.linear.gather [hbm4b:s14+s7], $0x3200, $0x38;
	[tilespmem:$0x1F640] =	vst v63  }
0xe8: {  	s22 =	rddreg [dreg:$0xe]  }
0xe9: {  	[tilespmem:s26], [sflag:$0x1] =	stream.linear.gather [hbm4b:s22+s7], $0x3200, $0x38;
	[tilespmem:$0x1F640] =	vst v63  }
0xea: {  	s22 =	rddreg [dreg:$0xf]  }
0xeb: {  	[tilespmem:s28], [sflag:$0x1] =	stream.linear.gather [hbm4b:s22+s7], $0x3200, $0x38;
	[tilespmem:$0x1F640] =	vst v63  }
0xec: {  	s14 =	rddreg [dreg:$0x10];
	s22 =	simm.s32 $0xF000  }
0xed: {  	[tilespmem:s22], [sflag:$0x1] =	stream.linear.gather [hbm4b:s14+s7], $0x3200, $0x38;
	[tilespmem:$0x1F640] =	vst v63  }
0xee: {  	s22 =	rddreg [dreg:$0x11]  }
0xef: {  	[tilespmem:s15], [sflag:$0x1] =	stream.linear.gather [hbm4b:s22+s7], $0x3200, $0x38;
	[tilespmem:$0x1F640] =	vst v63  }
0xf0: {  	s22 =	rddreg [dreg:$0x12]  }
0xf1: {  	[tilespmem:s16], [sflag:$0x1] =	stream.linear.gather [hbm4b:s22+s7], $0x3200, $0x38;
	[tilespmem:$0x1F640] =	vst v63  }
0xf2: {  	s22 =	rddreg [dreg:$0x13]  }
0xf3: {  	[tilespmem:s17], [sflag:$0x3] =	stream.linear.gather [hbm4b:s22+s7], $0x50, $0x38;
	[tilespmem:$0x1F640] =	vst v63  }
0xf4: {  	_ =	swait.ge [sflag:s9], $0x50  }
0xf5: {  	[sflag:s9] =	ssyncset.done $0x0  }
0xf6: {  	s22 =	rddreg [dreg:$0x14];
	[sflag:s9] =	ssyncadd.s32 $0xFFFFFFB0  }
0xf7: {  	[tilespmem:s18], [sflag:$0x3] =	stream.linear.gather [hbm4b:s22+s7], $0x50, $0x38;
	[tilespmem:$0x1F640] =	vst v63  }
0xf8: {  	_ =	swait.ge [sflag:s9], $0x50  }
0xf9: {  	[sflag:s9] =	ssyncset.done $0x0  }
0xfa: {  	s22 =	rddreg [dreg:$0x15];
	[sflag:s9] =	ssyncadd.s32 $0xFFFFFFB0  }
0xfb: {  	[tilespmem:s19], [sflag:$0x3] =	stream.linear.gather [hbm4b:s22+s7], $0x50, $0x38;
	[tilespmem:$0x1F640] =	vst v63  }
0xfc: {  	_ =	swait.ge [sflag:s9], $0x50  }
0xfd: {  	[sflag:s9] =	ssyncset.done $0x0  }
0xfe: {  	s22 =	rddreg [dreg:$0x16];
	[sflag:s9] =	ssyncadd.s32 $0xFFFFFFB0  }
0xff: {  	[tilespmem:s20], [sflag:$0x3] =	stream.linear.gather [hbm4b:s22+s7], $0x50, $0x38;
	[tilespmem:$0x1F640] =	vst v63  }
0x100: {  	_ =	swait.ge [sflag:s9], $0x50  }
0x101: {  	[sflag:s9] =	ssyncset.done $0x0  }
0x102: {  	s22 =	rddreg [dreg:$0x17];
	[sflag:s9] =	ssyncadd.s32 $0xFFFFFFB0  }
0x103: {  	[tilespmem:s21], [sflag:$0x3] =	stream.linear.gather [hbm4b:s22+s7], $0x50, $0x38;
	[tilespmem:$0x1F640] =	vst v63  }
0x104: {  	_ =	swait.ge [sflag:s9], $0x50  }
0x105: {  	[sflag:s9] =	ssyncset.done $0x0  }
0x106: {  	[sflag:s9] =	ssyncadd.s32 $0xFFFFFFB0  }
0x107: {  	_ =	swait.ge [sflag:s10], $0x3200  }
0x108: {  	[sflag:s10] =	ssyncset.done $0x0  }
0x109: {  	[sflag:s10] =	ssyncadd.s32 $0xFFFFCE00  }
0x10a: {  	_ =	swait.ge [sflag:s10], $0x3200  }
0x10b: {  	[sflag:s10] =	ssyncset.done $0x0  }
0x10c: {  	[sflag:s10] =	ssyncadd.s32 $0xFFFFCE00  }
0x10d: {  	_ =	swait.ge [sflag:s10], $0x3200  }
0x10e: {  	[sflag:s10] =	ssyncset.done $0x0  }
0x10f: {  	[sflag:s10] =	ssyncadd.s32 $0xFFFFCE00  }
0x110: {  	_ =	swait.ge [sflag:s10], $0x3200  }
0x111: {  	[sflag:s10] =	ssyncset.done $0x0  }
0x112: {  	[sflag:s10] =	ssyncadd.s32 $0xFFFFCE00  }
0x113: {  	_ =	swait.ge [sflag:s10], $0x3200  }
0x114: {  	[sflag:s10] =	ssyncset.done $0x0  }
0x115: {  	[sflag:s10] =	ssyncadd.s32 $0xFFFFCE00  }
0x116: {  	_ =	swait.ge [sflag:s10], $0x3200  }
0x117: {  	[sflag:s10] =	ssyncset.done $0x0  }
0x118: {  	[sflag:s10] =	ssyncadd.s32 $0xFFFFCE00  }
0x119: {  	v5 =	vld [tilespmem:$0x1EC80]  }
0x11a: {  	v4 =	vld [tilespmem:$0x1EC90]  }
0x11b: {  	v3 =	vld [tilespmem:$0x1ECA0]  }
0x11c: {  	s22 =	simm.s32 $0x0;
	v2 =	vld [tilespmem:$0x1ECB0]  }
0x11d: {  	v7 =	vld [tilespmem:s22+$0x5000]  }
0x11e: {  	v6 =	vld [tilespmem:s22+$0x5010]  }
0x11f: {  	v11 =	vld [tilespmem:s22+$0x0]  }
0x120: {  	v10 =	vld [tilespmem:s22+$0x10]  }
0x121: {  	v9 =	vld [tilespmem:s22+$0xA000]  }
0x122: {  	v8 =	vld [tilespmem:s22+$0xA010]  }
0x123: {  	v14 =	vld [tilespmem:s22+$0x14000]  }
0x124: {  	v13 =	vld [tilespmem:s22+$0x14010]  }
0x125: {  	s7 =	simm.s32 $0x80;
	v12 =	vld [tilespmem:s22+$0x19000]  }
.LBB2_12:
0x126: {  	p2 =	sne.s32 s7, $0xC780;
	v15 =	vld [tilespmem:s22+$0x19010]  }
0x127: {  	v16 =	vld [tilespmem:s22+$0xF000]  }
0x128: {  	v11 =	vadd.f32 v11, v14;
	v14 =	vld [tilespmem:s22+$0xF010]  }
0x129: {  	s14 =	sshra.s32 s7, $0x2;
	v10 =	vadd.f32 v10, v13  }
0x12a: {  	v13 =	vadd.f32 v7, v11;
	v7 =	vld [tilespmem:s14+$0x5000];
	v9 =	vadd.f32 v9, v12  }
0x12b: {  	v12 =	vadd.f32 v6, v10;
	v6 =	vld [tilespmem:s14+$0x5010];
	v8 =	vadd.f32 v8, v15  }
0x12c: {  	v11 =	vld [tilespmem:s14+$0x0];
	v13 =	vadd.f32 v13, v5;
	v15 =	vadd.f32 v16, v9  }
0x12d: {  	v10 =	vld [tilespmem:s14+$0x10];
	v12 =	vadd.f32 v12, v4;
	v14 =	vadd.f32 v14, v8  }
.Ltmp6:
0x12e: {  	v9 =	vld [tilespmem:s14+$0xA000];
	v13 =	vmax.f32 v13, $0.0e+00;
	v15 =	vadd.f32 v15, v3;
	(pc) =	sbr.rel @p2 .LBB2_12-.Ltmp6, $4  }
0x12f: {  	v8 =	vld [tilespmem:s14+$0xA010];
	[tilespmem:s22+$0x14000] =	vst v13;
	v12 =	vmax.f32 v12, $0.0e+00;
	v16 =	vadd.f32 v14, v2  }
0x130: {  	v14 =	vld [tilespmem:s14+$0x14000];
	[tilespmem:s22+$0x14010] =	vst v12;
	v12 =	vmax.f32 v15, $0.0e+00  }
0x131: {  	v13 =	vld [tilespmem:s14+$0x14010];
	[tilespmem:s22+$0x19000] =	vst v12;
	v15 =	vmax.f32 v16, $0.0e+00  }
0x132: {  	s7 =	sadd.s32 $0x80, s7;
	v12 =	vld [tilespmem:s14+$0x19000];
	[tilespmem:s22+$0x19010] =	vst v15;
	s22 =	smov.u32 s14  }
0x133: {  	v15 =	vld [tilespmem:s22+$0x19010]  }
0x134: {  	v16 =	vld [tilespmem:s22+$0xF000]  }
0x135: {  	v61 =	vld [tilespmem:s22+$0xF010];
	v11 =	vadd.f32 v11, v14  }
0x136: {  	v10 =	vadd.f32 v10, v13  }
0x137: {  	v7 =	vadd.f32 v7, v11;
	v9 =	vadd.f32 v9, v12  }
0x138: {  	v6 =	vadd.f32 v6, v10;
	v8 =	vadd.f32 v8, v15  }
0x139: {  	v5 =	vadd.f32 v7, v5;
	v62 =	vadd.f32 v16, v9  }
0x13a: {  	v4 =	vadd.f32 v6, v4;
	v63 =	vadd.f32 v61, v8  }
0x13b: {  	v5 =	vmax.f32 v5, $0.0e+00;
	v3 =	vadd.f32 v62, v3  }
0x13c: {  	[tilespmem:s22+$0x14000] =	vst v5;
	v4 =	vmax.f32 v4, $0.0e+00;
	v2 =	vadd.f32 v63, v2  }
0x13d: {  	[tilespmem:s22+$0x14010] =	vst v4;
	v3 =	vmax.f32 v3, $0.0e+00  }
0x13e: {  	[tilespmem:s22+$0x19000] =	vst v3;
	v2 =	vmax.f32 v2, $0.0e+00  }
0x13f: {  	[tilespmem:s22+$0x19010] =	vst v2  }
0x140: {  	[spmem:s2] =	stream.indirect.scatter.add.f32 [tilespmem:s15], [sflag:$0x2], $0x20, s17, s11, $0xb8;
	[tilespmem:$0x1F640] =	vst v63  }
0x141: {  	_ = 	snop  }
0x142: {  	[spmem:s3] =	stream.indirect.scatter.add.f32 [tilespmem:s16], [sflag:$0x2], $0x20, s17, s11, $0xb8;
	[tilespmem:$0x1F640] =	vst v63  }
0x143: {  	_ = 	snop  }
0x144: {  	[spmem:s4] =	stream.indirect.scatter.add.f32 [tilespmem:s13], [sflag:$0x2], $0x20, s17, s11, $0xb8;
	[tilespmem:$0x1F640] =	vst v63  }
0x145: {  	s7 =	simm.s32 $0x14A00  }
0x146: {  	[spmem:s2] =	stream.indirect.scatter.add.f32 [tilespmem:s7], [sflag:$0x2], $0x20, s18, s11, $0xb8;
	[tilespmem:$0x1F640] =	vst v63  }
0x147: {  	s14 =	simm.s32 $0x19A00  }
0x148: {  	[spmem:s3] =	stream.indirect.scatter.add.f32 [tilespmem:s14], [sflag:$0x2], $0x20, s18, s11, $0xb8;
	[tilespmem:$0x1F640] =	vst v63  }
0x149: {  	_ = 	snop  }
0x14a: {  	[spmem:s4] =	stream.indirect.scatter.add.f32 [tilespmem:s13], [sflag:$0x2], $0x20, s18, s11, $0xb8;
	[tilespmem:$0x1F640] =	vst v63  }
0x14b: {  	s22 =	simm.s32 $0x15400  }
0x14c: {  	[spmem:s2] =	stream.indirect.scatter.add.f32 [tilespmem:s22], [sflag:$0x2], $0x20, s19, s11, $0xb8;
	[tilespmem:$0x1F640] =	vst v63  }
0x14d: {  	s14 =	simm.s32 $0x1A400  }
0x14e: {  	[spmem:s3] =	stream.indirect.scatter.add.f32 [tilespmem:s14], [sflag:$0x2], $0x20, s19, s11, $0xb8;
	[tilespmem:$0x1F640] =	vst v63  }
0x14f: {  	_ = 	snop  }
0x150: {  	[spmem:s4] =	stream.indirect.scatter.add.f32 [tilespmem:s13], [sflag:$0x2], $0x20, s19, s11, $0xb8;
	[tilespmem:$0x1F640] =	vst v63  }
0x151: {  	s22 =	simm.s32 $0x15E00  }
0x152: {  	[spmem:s2] =	stream.indirect.scatter.add.f32 [tilespmem:s22], [sflag:$0x2], $0x20, s20, s11, $0xb8;
	[tilespmem:$0x1F640] =	vst v63  }
0x153: {  	s14 =	simm.s32 $0x1AE00  }
0x154: {  	[spmem:s3] =	stream.indirect.scatter.add.f32 [tilespmem:s14], [sflag:$0x2], $0x20, s20, s11, $0xb8;
	[tilespmem:$0x1F640] =	vst v63  }
0x155: {  	_ = 	snop  }
0x156: {  	[spmem:s4] =	stream.indirect.scatter.add.f32 [tilespmem:s13], [sflag:$0x2], $0x20, s20, s11, $0xb8;
	[tilespmem:$0x1F640] =	vst v63  }
0x157: {  	s22 =	simm.s32 $0x16800  }
0x158: {  	[spmem:s2] =	stream.indirect.scatter.add.f32 [tilespmem:s22], [sflag:$0x2], $0x20, s21, s11, $0xb8;
	[tilespmem:$0x1F640] =	vst v63  }
0x159: {  	_ = 	snop  }
0x15a: {  	[spmem:s3] =	stream.indirect.scatter.add.f32 [tilespmem:s30], [sflag:$0x2], $0x20, s21, s11, $0xb8;
	[tilespmem:$0x1F640] =	vst v63  }
0x15b: {  	_ = 	snop  }
0x15c: {  	[spmem:s4] =	stream.indirect.scatter.add.f32 [tilespmem:s13], [sflag:$0x2], $0x20, s21, s11, $0xb8;
	[tilespmem:$0x1F640] =	vst v63  }
0x15d: {  	_ =	swait.ge [sflag:s31], $0xA00  }
0x15e: {  	[sflag:s31] =	ssyncset.done $0x0  }
0x15f: {  	[sflag:s31] =	ssyncadd.s32 $0xFFFFF600  }
0x160: {  	_ =	swait.ge [sflag:s31], $0xA00  }
0x161: {  	[sflag:s31] =	ssyncset.done $0x0  }
0x162: {  	[sflag:s31] =	ssyncadd.s32 $0xFFFFF600  }
0x163: {  	_ =	swait.ge [sflag:s31], $0xA00  }
0x164: {  	[sflag:s31] =	ssyncset.done $0x0  }
0x165: {  	[sflag:s31] =	ssyncadd.s32 $0xFFFFF600  }
0x166: {  	_ =	swait.ge [sflag:s31], $0xA00  }
0x167: {  	[sflag:s31] =	ssyncset.done $0x0  }
0x168: {  	[sflag:s31] =	ssyncadd.s32 $0xFFFFF600  }
0x169: {  	_ =	swait.ge [sflag:s31], $0xA00  }
0x16a: {  	[sflag:s31] =	ssyncset.done $0x0  }
0x16b: {  	[sflag:s31] =	ssyncadd.s32 $0xFFFFF600  }
0x16c: {  	_ =	swait.ge [sflag:s31], $0xA00  }
0x16d: {  	[sflag:s31] =	ssyncset.done $0x0  }
0x16e: {  	[sflag:s31] =	ssyncadd.s32 $0xFFFFF600  }
0x16f: {  	_ =	swait.ge [sflag:s31], $0xA00  }
0x170: {  	[sflag:s31] =	ssyncset.done $0x0  }
0x171: {  	[sflag:s31] =	ssyncadd.s32 $0xFFFFF600  }
0x172: {  	_ =	swait.ge [sflag:s31], $0xA00  }
0x173: {  	[sflag:s31] =	ssyncset.done $0x0  }
0x174: {  	[sflag:s31] =	ssyncadd.s32 $0xFFFFF600  }
0x175: {  	_ =	swait.ge [sflag:s31], $0xA00  }
0x176: {  	[sflag:s31] =	ssyncset.done $0x0  }
0x177: {  	[sflag:s31] =	ssyncadd.s32 $0xFFFFF600  }
0x178: {  	_ =	swait.ge [sflag:s31], $0xA00  }
0x179: {  	[sflag:s31] =	ssyncset.done $0x0  }
0x17a: {  	[sflag:s31] =	ssyncadd.s32 $0xFFFFF600  }
0x17b: {  	_ =	swait.ge [sflag:s31], $0xA00  }
0x17c: {  	[sflag:s31] =	ssyncset.done $0x0  }
0x17d: {  	[sflag:s31] =	ssyncadd.s32 $0xFFFFF600  }
0x17e: {  	_ =	swait.ge [sflag:s31], $0xA00  }
0x17f: {  	[sflag:s31] =	ssyncset.done $0x0  }
0x180: {  	[sflag:s31] =	ssyncadd.s32 $0xFFFFF600  }
0x181: {  	_ =	swait.ge [sflag:s31], $0xA00  }
0x182: {  	[sflag:s31] =	ssyncset.done $0x0  }
0x183: {  	[sflag:s31] =	ssyncadd.s32 $0xFFFFF600  }
0x184: {  	_ =	swait.ge [sflag:s31], $0xA00  }
0x185: {  	[sflag:s31] =	ssyncset.done $0x0  }
0x186: {  	[sflag:s31] =	ssyncadd.s32 $0xFFFFF600  }
.Ltmp7:
0x187: {  	_ =	swait.ge [sflag:s31], $0xA00;
	(pc) =	sbr.rel .LBB2_14-.Ltmp7, $3  }
0x188: {  	[sflag:s31] =	ssyncset.done $0x0  }
0x189: {  	[sflag:s31] =	ssyncadd.s32 $0xFFFFF600  }
0x18a: {  	[bflag:$0x0] =	sbarrier.arrive $0xFFFF;
	_ =	sdelay $0x1  }
.LBB2_8:
0x18b: {  	s14 =	rddreg [dreg:$0x7]  }
0x18c: {  	[tilespmem:s7], [sflag:$0x1] =	stream.linear.gather [hbm4b:s14+s7], $0x5000, $0x38;
	[tilespmem:$0x1F640] =	vst v63  }
0x18d: {  	s25 =	rddreg [dreg:$0x8]  }
0x18e: {  	[tilespmem:s26], [sflag:$0x1] =	stream.linear.gather [hbm4b:s25+s7], $0x5000, $0x38;
	[tilespmem:$0x1F640] =	vst v63  }
0x18f: {  	s26 =	rddreg [dreg:$0x9]  }
0x190: {  	[tilespmem:s28], [sflag:$0x1] =	stream.linear.gather [hbm4b:s26+s7], $0x5000, $0x38;
	[tilespmem:$0x1F640] =	vst v63  }
0x191: {  	s22 =	simm.s32 $0xF000;
	s28 =	rddreg [dreg:$0xa]  }
0x192: {  	[tilespmem:s22], [sflag:$0x1] =	stream.linear.gather [hbm4b:s28+s7], $0x5000, $0x38;
	[tilespmem:$0x1F640] =	vst v63  }
0x193: {  	s24 =	rddreg [dreg:$0xb]  }
0x194: {  	[tilespmem:s15], [sflag:$0x1] =	stream.linear.gather [hbm4b:s24+s7], $0x5000, $0x38;
	[tilespmem:$0x1F640] =	vst v63  }
0x195: {  	s25 =	rddreg [dreg:$0xc]  }
0x196: {  	[tilespmem:s16], [sflag:$0x1] =	stream.linear.gather [hbm4b:s25+s7], $0x5000, $0x38;
	[tilespmem:$0x1F640] =	vst v63  }
0x197: {  	_ = 	snop  }
0x198: {  	[tilespmem:s17], [sflag:$0x3] =	stream.linear.gather [hbm4b:s12+s7], $0x50, $0x38;
	[tilespmem:$0x1F640] =	vst v63  }
0x199: {  	_ =	swait.ge [sflag:s9], $0x50  }
0x19a: {  	[sflag:s9] =	ssyncset.done $0x0  }
0x19b: {  	s26 =	rddreg [dreg:$0x1c];
	[sflag:s9] =	ssyncadd.s32 $0xFFFFFFB0  }
0x19c: {  	[tilespmem:s18], [sflag:$0x3] =	stream.linear.gather [hbm4b:s26+s7], $0x50, $0x38;
	[tilespmem:$0x1F640] =	vst v63  }
0x19d: {  	_ =	swait.ge [sflag:s9], $0x50  }
0x19e: {  	[sflag:s9] =	ssyncset.done $0x0  }
0x19f: {  	s28 =	rddreg [dreg:$0x1d];
	[sflag:s9] =	ssyncadd.s32 $0xFFFFFFB0  }
0x1a0: {  	[tilespmem:s19], [sflag:$0x3] =	stream.linear.gather [hbm4b:s28+s7], $0x50, $0x38;
	[tilespmem:$0x1F640] =	vst v63  }
0x1a1: {  	_ =	swait.ge [sflag:s9], $0x50  }
0x1a2: {  	[sflag:s9] =	ssyncset.done $0x0  }
0x1a3: {  	s22 =	rddreg [dreg:$0x1e];
	[sflag:s9] =	ssyncadd.s32 $0xFFFFFFB0  }
0x1a4: {  	[tilespmem:s20], [sflag:$0x3] =	stream.linear.gather [hbm4b:s22+s7], $0x50, $0x38;
	[tilespmem:$0x1F640] =	vst v63  }
0x1a5: {  	_ =	swait.ge [sflag:s9], $0x50  }
0x1a6: {  	[sflag:s9] =	ssyncset.done $0x0  }
0x1a7: {  	s24 =	rddreg [dreg:$0x1f];
	[sflag:s9] =	ssyncadd.s32 $0xFFFFFFB0  }
0x1a8: {  	[tilespmem:s21], [sflag:$0x3] =	stream.linear.gather [hbm4b:s24+s7], $0x50, $0x38;
	[tilespmem:$0x1F640] =	vst v63  }
0x1a9: {  	_ =	swait.ge [sflag:s9], $0x50  }
0x1aa: {  	s25 =	sld [smem:$0x7FB]  }
0x1ab: {  	[sflag:s9] =	ssyncset.done $0x0  }
0x1ac: {  	[sflag:s9] =	ssyncadd.s32 $0xFFFFFFB0  }
0x1ad: {  	[tilespmem:s0], [sflag:$0x3] =	stream.linear.gather [hbm4b:s25+s7], $0x50, $0x38;
	[tilespmem:$0x1F640] =	vst v63  }
0x1ae: {  	_ =	swait.ge [sflag:s9], $0x50  }
0x1af: {  	s26 =	sld [smem:$0x7FC]  }
0x1b0: {  	[sflag:s9] =	ssyncset.done $0x0  }
0x1b1: {  	[sflag:s9] =	ssyncadd.s32 $0xFFFFFFB0  }
0x1b2: {  	[tilespmem:s1], [sflag:$0x3] =	stream.linear.gather [hbm4b:s26+s7], $0x50, $0x38;
	[tilespmem:$0x1F640] =	vst v63  }
0x1b3: {  	_ =	swait.ge [sflag:s9], $0x50  }
0x1b4: {  	s28 =	sld [smem:$0x7FD]  }
0x1b5: {  	[sflag:s9] =	ssyncset.done $0x0  }
0x1b6: {  	[sflag:s9] =	ssyncadd.s32 $0xFFFFFFB0  }
0x1b7: {  	[tilespmem:s5], [sflag:$0x3] =	stream.linear.gather [hbm4b:s28+s7], $0x50, $0x38;
	[tilespmem:$0x1F640] =	vst v63  }
0x1b8: {  	_ =	swait.ge [sflag:s9], $0x50  }
0x1b9: {  	[sflag:s9] =	ssyncset.done $0x0  }
0x1ba: {  	[sflag:s9] =	ssyncadd.s32 $0xFFFFFFB0  }
0x1bb: {  	_ =	swait.ge [sflag:s10], $0x5000  }
0x1bc: {  	[sflag:s10] =	ssyncset.done $0x0  }
0x1bd: {  	[sflag:s10] =	ssyncadd.s32 $0xFFFFB000  }
0x1be: {  	_ =	swait.ge [sflag:s10], $0x5000  }
0x1bf: {  	[sflag:s10] =	ssyncset.done $0x0  }
0x1c0: {  	[sflag:s10] =	ssyncadd.s32 $0xFFFFB000  }
0x1c1: {  	_ =	swait.ge [sflag:s10], $0x5000  }
0x1c2: {  	[sflag:s10] =	ssyncset.done $0x0  }
0x1c3: {  	[sflag:s10] =	ssyncadd.s32 $0xFFFFB000  }
0x1c4: {  	_ =	swait.ge [sflag:s10], $0x5000  }
0x1c5: {  	[sflag:s10] =	ssyncset.done $0x0  }
0x1c6: {  	[sflag:s10] =	ssyncadd.s32 $0xFFFFB000  }
0x1c7: {  	_ =	swait.ge [sflag:s10], $0x5000  }
0x1c8: {  	[sflag:s10] =	ssyncset.done $0x0  }
0x1c9: {  	[sflag:s10] =	ssyncadd.s32 $0xFFFFB000  }
0x1ca: {  	_ =	swait.ge [sflag:s10], $0x5000  }
0x1cb: {  	[sflag:s10] =	ssyncset.done $0x0  }
0x1cc: {  	[sflag:s10] =	ssyncadd.s32 $0xFFFFB000  }
0x1cd: {  	v5 =	vld [tilespmem:$0x1EC80]  }
0x1ce: {  	v4 =	vld [tilespmem:$0x1EC90]  }
0x1cf: {  	v3 =	vld [tilespmem:$0x1ECA0]  }
0x1d0: {  	s22 =	simm.s32 $0x0;
	v2 =	vld [tilespmem:$0x1ECB0]  }
0x1d1: {  	v7 =	vld [tilespmem:s22+$0x5000]  }
0x1d2: {  	v6 =	vld [tilespmem:s22+$0x5010]  }
0x1d3: {  	v11 =	vld [tilespmem:s22+$0x0]  }
0x1d4: {  	v10 =	vld [tilespmem:s22+$0x10]  }
0x1d5: {  	v9 =	vld [tilespmem:s22+$0xA000]  }
0x1d6: {  	v8 =	vld [tilespmem:s22+$0xA010]  }
0x1d7: {  	v14 =	vld [tilespmem:s22+$0x14000]  }
0x1d8: {  	v13 =	vld [tilespmem:s22+$0x14010]  }
0x1d9: {  	s7 =	simm.s32 $0x80;
	v12 =	vld [tilespmem:s22+$0x19000]  }
.LBB2_9:
0x1da: {  	p2 =	seq.s32 s7, $0x13F80;
	v15 =	vld [tilespmem:s22+$0x19010]  }
0x1db: {  	v16 =	vld [tilespmem:s22+$0xF000]  }
0x1dc: {  	v11 =	vadd.f32 v11, v14;
	v14 =	vld [tilespmem:s22+$0xF010]  }
0x1dd: {  	s14 =	sshra.s32 s7, $0x2;
	v10 =	vadd.f32 v10, v13  }
0x1de: {  	v9 =	vadd.f32 v9, v12;
	v13 =	vadd.f32 v7, v11;
	v7 =	vld [tilespmem:s14+$0x5000]  }
0x1df: {  	v12 =	vadd.f32 v6, v10;
	v6 =	vld [tilespmem:s14+$0x5010];
	v8 =	vadd.f32 v8, v15  }
0x1e0: {  	v13 =	vadd.f32 v13, v5;
	v11 =	vld [tilespmem:s14+$0x0];
	v15 =	vadd.f32 v16, v9  }
0x1e1: {  	v12 =	vadd.f32 v12, v4;
	v10 =	vld [tilespmem:s14+$0x10];
	v14 =	vadd.f32 v14, v8  }
.Ltmp8:
0x1e2: {  	v13 =	vmax.f32 v13, $0.0e+00;
	v9 =	vld [tilespmem:s14+$0xA000];
	v15 =	vadd.f32 v15, v3;
	(pc) =	sbr.rel @!p2 .LBB2_9-.Ltmp8, $4  }
0x1e3: {  	v12 =	vmax.f32 v12, $0.0e+00;
	v8 =	vld [tilespmem:s14+$0xA010];
	[tilespmem:s22+$0x14000] =	vst v13;
	v16 =	vadd.f32 v14, v2  }
0x1e4: {  	v14 =	vld [tilespmem:s14+$0x14000];
	[tilespmem:s22+$0x14010] =	vst v12;
	v12 =	vmax.f32 v15, $0.0e+00  }
0x1e5: {  	v13 =	vld [tilespmem:s14+$0x14010];
	[tilespmem:s22+$0x19000] =	vst v12;
	v15 =	vmax.f32 v16, $0.0e+00  }
0x1e6: {  	s7 =	sadd.s32 $0x80, s7;
	v12 =	vld [tilespmem:s14+$0x19000];
	[tilespmem:s22+$0x19010] =	vst v15;
	s22 =	smov.u32 s14  }
.Ltmp9:
0x1e7: {  	_ = 	snop;
	(pc) =	sbr.rel .LBB2_10-.Ltmp9, $1  }
0x1e8: {  	_ =	sdelay $0x3  }
.LBB2_15:
0x1e9: {  	_ =	sfence.sel $0x180000  }
0x1ea: {  	[bflag:$0x0] =	sbarrier.arrive $0xFFFF  }
0x1eb: {  	_ =	strace $0x9000004A  }
0x1ec: {  	[bflag:$0x2] =	sbarrier.arrive $0xFFFF  }
0x1ed: {  	s0 =	rddreg [dreg:$0x6]  }
0x1ee: {  	s0 =	sadd.s32 @!p0 $0x100000, s0  }
0x1ef: {  	[sflag:s0] =	ssyncadd.tile.s32 @!p0 $0x1;
	_ =	shalt  }
.Lfunc_end2:
_tile_overlayer_lowered:
.L_overlay_start_2:
0x1f0: {  	(tag) =	ssettag $0x2  }
0x1f1: {  	s0 =	rddreg [dreg:$0x0];
	s2 =	stileid.u32  }
0x1f2: {  	s1 =	rddreg [dreg:$0x1];
	p0 =	sne.s32 s2, $0x0  }
0x1f3: {  	s3 =	rddreg [dreg:$0x2];
	[bflag:$0x3] =	sbarrier.arrive $0xFFFF;
	s2 =	simm.s32 @!p0 $0x1C03  }
0x1f4: {  	[timem:s3], [sflag:s2] =	dma.local @!p0 [hbm:s0], s1  }
0x1f5: {  	s0 =	simm.s32 @!p0 $0x3  }
0x1f6: {  	_ =	swait.ge @!p0 [sflag:s0], s1  }
0x1f7: {  	s1 =	ssub.s32 @!p0 $0x0, s1;
	[sflag:s0] =	ssyncset.done @!p0 $0x0  }
0x1f8: {  	[sflag:s0] =	ssyncadd.s32 @!p0 s1  }
0x1f9: {  	[bflag:$0x3] =	sbarrier.arrive $0xFFFF  }
0x1fa: {  	_ =	shalt  }

</sc_bundles>
